<compile_context>
chip_gen: v7x
topology: tpu7x:2x2x1
jax: 0.10.2.dev20260603
libtpu: 0.0.44.dev20260713+nightly
codegen_flags: <defaults>
</compile_context>

<pallas_src>
import jax
import jax.numpy as jnp
from jax.experimental import pallas as pl
from jax.experimental.pallas import tpu as pltpu


def _fused_block(t_ref, x_ref, emb_ref, w_ref, b_ref, o_ref):
    ni = t_ref.shape[0]
    nf = x_ref.shape[0] // ni
    lanes = x_ref.shape[1]
    n_type, n_emb = emb_ref.shape
    hidden = w_ref.shape[1]
    a_idx = pl.program_id(1)

    emb_w = jnp.dot(
        emb_ref[...], w_ref[0:n_emb, :], preferred_element_type=jnp.float32
    )
    wc = jnp.concatenate([w_ref[n_emb:, :], emb_w], axis=0)
    wc_t = wc.T

    iota_t = jax.lax.broadcasted_iota(jnp.int32, (n_type, 1), 0)

    lt = 256
    for c in range(lanes // lt):
        sl = slice(c * lt, (c + 1) * lt)
        ta = t_ref[:, pl.ds(a_idx, 1), sl]
        acc = None
        for i in range(ni):
            xi = x_ref[i * nf:(i + 1) * nf, sl]
            ti = ta[i]
            oh = (ti == iota_t).astype(jnp.float32)
            rhs = jnp.concatenate([xi, oh], axis=0)
            hi = jnp.dot(wc_t, rhs, preferred_element_type=jnp.float32)
            acc = hi if acc is None else jnp.maximum(acc, hi)
        out = jnp.maximum(acc + b_ref[...], 0.0)
        o_ref[0, :, sl] = out


def kernel(item_type, item, emb_table, W, b):
    bs, na, ni = item_type.shape
    nf = item.shape[-1]
    hidden = W.shape[-1]

    x_t = jnp.transpose(item, (2, 3, 1, 0)).reshape(ni * nf, na * bs)
    t_t = jnp.transpose(item_type.astype(jnp.int32), (2, 1, 0))

    lane_blk = 4096
    jgrid = bs // lane_blk

    out = pl.pallas_call(
        _fused_block,
        grid=(jgrid, na),
        in_specs=[
            pl.BlockSpec((ni, na, lane_blk), lambda j, a: (0, 0, j)),
            pl.BlockSpec(
                (ni * nf, lane_blk), lambda j, a, _g=jgrid: (0, a * _g + j)
            ),
            pl.BlockSpec(emb_table.shape, lambda j, a: (0, 0)),
            pl.BlockSpec(W.shape, lambda j, a: (0, 0)),
            pl.BlockSpec((hidden, 1), lambda j, a: (0, 0)),
        ],
        out_specs=pl.BlockSpec((1, hidden, lane_blk), lambda j, a: (a, 0, j)),
        out_shape=jax.ShapeDtypeStruct((na, hidden, bs), jnp.float32),
        compiler_params=pltpu.CompilerParams(
            dimension_semantics=("parallel", "parallel"),
        ),
    )(t_t, x_t, emb_table, W, b.reshape(hidden, 1))

    return out.transpose(2, 0, 1)

# --- scband reference (transcript-rebuilt; emitter-appended) ---
"""Pipeline reference for scband-item-encoder-26439818674336 (READ-ONLY COPY).

The authoritative reference and input builder live on the scoring server;
editing this copy changes nothing except your own understanding.
"""

import jax, jax.numpy as jnp
import numpy as np

BS, NA, NI = 16384, 8, 12
N_ITEM_TYPE = 18
N_TYPE_HIDDEN = 32
N_ITEM_FEATURE = 11
N_FC_IN = N_ITEM_FEATURE + N_TYPE_HIDDEN
N_ITEM_HIDDEN = 128

def setup_inputs(seed: int = 0) -> dict:
    key = jax.random.key(seed)
    k1, k2, k3, k4 = jax.random.split(key, 4)
    item_type = jax.random.randint(k1, (BS, NA, NI), 0, N_ITEM_TYPE, dtype=jnp.int64 if jax.config.jax_enable_x64 else jnp.int32)
    item = jax.random.normal(k2, (BS, NA, NI, N_ITEM_FEATURE), dtype=jnp.float32)
    emb_table = jax.random.normal(k3, (N_ITEM_TYPE, N_TYPE_HIDDEN), dtype=jnp.float32) * 0.02
    W = jax.random.normal(k4, (N_FC_IN, N_ITEM_HIDDEN), dtype=jnp.float32) * 0.05
    b = jnp.zeros((N_ITEM_HIDDEN,), dtype=jnp.float32)
    return {"item_type": item_type, "item": item, "emb_table": emb_table, "W": W, "b": b}

def reference(item_type, item, emb_table, W, b):
    bs, na, ni = item_type.shape
    x_item_type = item_type.reshape(-1, ni)
    # embedding lookup (gather)
    h_type_embed = jnp.take(emb_table, x_item_type, axis=0).reshape(bs, na, ni, -1)
    h_item = jnp.concatenate([h_type_embed, item], axis=-1)
    # MLPEncoder: single hidden layer Linear + ReLU
    h_item = jax.nn.relu(jnp.dot(h_item, W) + b)
    # max-pool over inventory dim
    h_item = jnp.max(h_item, axis=2)
    return h_item

if __name__ == "__main__":
    import jax
    _d = setup_inputs()
    print(jax.jit(kernel)(*tuple(_d.values())))

</pallas_src>

<mosaic_0001>
module attributes {stable_mosaic.version = 14 : i64} {
  func.func @_fused_block(%arg0: i32, %arg1: i32, %arg2: memref<12x8x4096xi32, #tpu.memory_space<vmem>>, %arg3: memref<132x4096xf32, #tpu.memory_space<vmem>>, %arg4: memref<18x32xf32, #tpu.memory_space<vmem>>, %arg5: memref<43x128xf32, #tpu.memory_space<vmem>>, %arg6: memref<128x1xf32, #tpu.memory_space<vmem>>, %arg7: memref<1x128x4096xf32, #tpu.memory_space<vmem>>) attributes {dimension_semantics = [#tpu.dimension_semantics<parallel>, #tpu.dimension_semantics<parallel>], iteration_bounds = array<i64: 4, 8>, scalar_prefetch = 0 : i64, scratch_operands = 0 : i64, tpu.core_type = #tpu.core_type<tc>, window_params = [{transform_indices = @transform_0, window_bounds = array<i64: 12, 8, 4096>}, {transform_indices = @transform_1, window_bounds = array<i64: 132, 4096>}, {pipeline_mode = #tpu.pipeline_mode<synchronous>, transform_indices = @transform_2, window_bounds = array<i64: 18, 32>}, {pipeline_mode = #tpu.pipeline_mode<synchronous>, transform_indices = @transform_3, window_bounds = array<i64: 43, 128>}, {pipeline_mode = #tpu.pipeline_mode<synchronous>, transform_indices = @transform_4, window_bounds = array<i64: 128, 1>}, {transform_indices = @transform_5, window_bounds = array<i64: 1, 128, 4096>}]} {
    %get3A = arith.constant 0 : index
    %get3A_0 = arith.constant 0 : index
    %get3A_1 = vector.load %arg4[%get3A, %get3A_0] : memref<18x32xf32, #tpu.memory_space<vmem>>, vector<18x32xf32>
    %get3A_2 = arith.constant 0 : index
    %get3A_3 = arith.constant 0 : index
    %get3A_4 = vector.load %arg5[%get3A_2, %get3A_3] : memref<43x128xf32, #tpu.memory_space<vmem>>, vector<32x128xf32>
    %dot_general3A = arith.constant dense<0.000000e+00> : vector<18x128xf32>
    %dot_general3A_5 = tpu.matmul %get3A_1, %get3A_4, %dot_general3A {dimension_numbers = #tpu.dot_dimension_numbers<[1], [0], [0], [1], [0, 0, 1, 1], [], []>, transpose_lhs_hint = false} : vector<18x32xf32>, vector<32x128xf32>, vector<18x128xf32> -> vector<18x128xf32>
    %get3A_6 = arith.constant 32 : index
    %get3A_7 = arith.constant 0 : index
    %get3A_8 = vector.load %arg5[%get3A_6, %get3A_7] : memref<43x128xf32, #tpu.memory_space<vmem>>, vector<11x128xf32>
    %concatenate3A = tpu.concatenate %get3A_8, %dot_general3A_5 in 0 : vector<11x128xf32>, vector<18x128xf32> -> vector<29x128xf32>
    %transpose3A = tpu.transpose %concatenate3A, [1, 0] : vector<29x128xf32> -> vector<128x29xf32>
    %iota3A = tpu.iota {dimensions = array<i32: 0>} : vector<18x1xi32>
    %get3A_9 = arith.constant 0 : index
    %get3A_10 = arith.index_cast %arg1 : i32 to index
    %get3A_11 = arith.constant 0 : index
    %get3A_12 = vector.load %arg2[%get3A_9, %get3A_10, %get3A_11] : memref<12x8x4096xi32, #tpu.memory_space<vmem>>, vector<12x1x256xi32>
    %get3A_13 = arith.constant 0 : index
    %get3A_14 = arith.constant 0 : index
    %get3A_15 = vector.load %arg3[%get3A_13, %get3A_14] : memref<132x4096xf32, #tpu.memory_space<vmem>>, vector<11x256xf32>
    %slice3A = vector.extract_strided_slice %get3A_12 {offsets = [0, 0, 0], sizes = [1, 1, 256], strides = [1, 1, 1]} : vector<12x1x256xi32> to vector<1x1x256xi32>
    %squeeze3A = vector.shape_cast %slice3A : vector<1x1x256xi32> to vector<1x256xi32>
    %eq3A = vector.broadcast %squeeze3A : vector<1x256xi32> to vector<18x256xi32>
    %eq3A_16 = vector.broadcast %iota3A : vector<18x1xi32> to vector<18x256xi32>
    %eq3A_17 = arith.cmpi eq, %eq3A, %eq3A_16 : vector<18x256xi32>
    %convert_element_type3A = arith.extui %eq3A_17 : vector<18x256xi1> to vector<18x256xi32>
    %convert_element_type3A_18 = arith.sitofp %convert_element_type3A : vector<18x256xi32> to vector<18x256xf32>
    %concatenate3A_19 = tpu.concatenate %get3A_15, %convert_element_type3A_18 in 0 : vector<11x256xf32>, vector<18x256xf32> -> vector<29x256xf32>
    %dot_general3A_20 = arith.constant dense<0.000000e+00> : vector<128x256xf32>
    %dot_general3A_21 = tpu.matmul %transpose3A, %concatenate3A_19, %dot_general3A_20 {dimension_numbers = #tpu.dot_dimension_numbers<[1], [0], [0], [1], [0, 0, 1, 1], [], []>, transpose_lhs_hint = false} : vector<128x29xf32>, vector<29x256xf32>, vector<128x256xf32> -> vector<128x256xf32>
    %get3A_22 = arith.constant 11 : index
    %get3A_23 = arith.constant 0 : index
    %get3A_24 = vector.load %arg3[%get3A_22, %get3A_23] : memref<132x4096xf32, #tpu.memory_space<vmem>>, vector<11x256xf32>
    %slice3A_25 = vector.extract_strided_slice %get3A_12 {offsets = [1, 0, 0], sizes = [1, 1, 256], strides = [1, 1, 1]} : vector<12x1x256xi32> to vector<1x1x256xi32>
    %squeeze3A_26 = vector.shape_cast %slice3A_25 : vector<1x1x256xi32> to vector<1x256xi32>
    %eq3A_27 = vector.broadcast %squeeze3A_26 : vector<1x256xi32> to vector<18x256xi32>
    %eq3A_28 = vector.broadcast %iota3A : vector<18x1xi32> to vector<18x256xi32>
    %eq3A_29 = arith.cmpi eq, %eq3A_27, %eq3A_28 : vector<18x256xi32>
    %convert_element_type3A_30 = arith.extui %eq3A_29 : vector<18x256xi1> to vector<18x256xi32>
    %convert_element_type3A_31 = arith.sitofp %convert_element_type3A_30 : vector<18x256xi32> to vector<18x256xf32>
    %concatenate3A_32 = tpu.concatenate %get3A_24, %convert_element_type3A_31 in 0 : vector<11x256xf32>, vector<18x256xf32> -> vector<29x256xf32>
    %dot_general3A_33 = arith.constant dense<0.000000e+00> : vector<128x256xf32>
    %dot_general3A_34 = tpu.matmul %transpose3A, %concatenate3A_32, %dot_general3A_33 {dimension_numbers = #tpu.dot_dimension_numbers<[1], [0], [0], [1], [0, 0, 1, 1], [], []>, transpose_lhs_hint = false} : vector<128x29xf32>, vector<29x256xf32>, vector<128x256xf32> -> vector<128x256xf32>
    %max3A = arith.maximumf %dot_general3A_21, %dot_general3A_34 : vector<128x256xf32>
    %get3A_35 = arith.constant 22 : index
    %get3A_36 = arith.constant 0 : index
    %get3A_37 = vector.load %arg3[%get3A_35, %get3A_36] : memref<132x4096xf32, #tpu.memory_space<vmem>>, vector<11x256xf32>
    %slice3A_38 = vector.extract_strided_slice %get3A_12 {offsets = [2, 0, 0], sizes = [1, 1, 256], strides = [1, 1, 1]} : vector<12x1x256xi32> to vector<1x1x256xi32>
    %squeeze3A_39 = vector.shape_cast %slice3A_38 : vector<1x1x256xi32> to vector<1x256xi32>
    %eq3A_40 = vector.broadcast %squeeze3A_39 : vector<1x256xi32> to vector<18x256xi32>
    %eq3A_41 = vector.broadcast %iota3A : vector<18x1xi32> to vector<18x256xi32>
    %eq3A_42 = arith.cmpi eq, %eq3A_40, %eq3A_41 : vector<18x256xi32>
    %convert_element_type3A_43 = arith.extui %eq3A_42 : vector<18x256xi1> to vector<18x256xi32>
    %convert_element_type3A_44 = arith.sitofp %convert_element_type3A_43 : vector<18x256xi32> to vector<18x256xf32>
    %concatenate3A_45 = tpu.concatenate %get3A_37, %convert_element_type3A_44 in 0 : vector<11x256xf32>, vector<18x256xf32> -> vector<29x256xf32>
    %dot_general3A_46 = arith.constant dense<0.000000e+00> : vector<128x256xf32>
    %dot_general3A_47 = tpu.matmul %transpose3A, %concatenate3A_45, %dot_general3A_46 {dimension_numbers = #tpu.dot_dimension_numbers<[1], [0], [0], [1], [0, 0, 1, 1], [], []>, transpose_lhs_hint = false} : vector<128x29xf32>, vector<29x256xf32>, vector<128x256xf32> -> vector<128x256xf32>
    %max3A_48 = arith.maximumf %max3A, %dot_general3A_47 : vector<128x256xf32>
    %get3A_49 = arith.constant 33 : index
    %get3A_50 = arith.constant 0 : index
    %get3A_51 = vector.load %arg3[%get3A_49, %get3A_50] : memref<132x4096xf32, #tpu.memory_space<vmem>>, vector<11x256xf32>
    %slice3A_52 = vector.extract_strided_slice %get3A_12 {offsets = [3, 0, 0], sizes = [1, 1, 256], strides = [1, 1, 1]} : vector<12x1x256xi32> to vector<1x1x256xi32>
    %squeeze3A_53 = vector.shape_cast %slice3A_52 : vector<1x1x256xi32> to vector<1x256xi32>
    %eq3A_54 = vector.broadcast %squeeze3A_53 : vector<1x256xi32> to vector<18x256xi32>
    %eq3A_55 = vector.broadcast %iota3A : vector<18x1xi32> to vector<18x256xi32>
    %eq3A_56 = arith.cmpi eq, %eq3A_54, %eq3A_55 : vector<18x256xi32>
    %convert_element_type3A_57 = arith.extui %eq3A_56 : vector<18x256xi1> to vector<18x256xi32>
    %convert_element_type3A_58 = arith.sitofp %convert_element_type3A_57 : vector<18x256xi32> to vector<18x256xf32>
    %concatenate3A_59 = tpu.concatenate %get3A_51, %convert_element_type3A_58 in 0 : vector<11x256xf32>, vector<18x256xf32> -> vector<29x256xf32>
    %dot_general3A_60 = arith.constant dense<0.000000e+00> : vector<128x256xf32>
    %dot_general3A_61 = tpu.matmul %transpose3A, %concatenate3A_59, %dot_general3A_60 {dimension_numbers = #tpu.dot_dimension_numbers<[1], [0], [0], [1], [0, 0, 1, 1], [], []>, transpose_lhs_hint = false} : vector<128x29xf32>, vector<29x256xf32>, vector<128x256xf32> -> vector<128x256xf32>
    %max3A_62 = arith.maximumf %max3A_48, %dot_general3A_61 : vector<128x256xf32>
    %get3A_63 = arith.constant 44 : index
    %get3A_64 = arith.constant 0 : index
    %get3A_65 = vector.load %arg3[%get3A_63, %get3A_64] : memref<132x4096xf32, #tpu.memory_space<vmem>>, vector<11x256xf32>
    %slice3A_66 = vector.extract_strided_slice %get3A_12 {offsets = [4, 0, 0], sizes = [1, 1, 256], strides = [1, 1, 1]} : vector<12x1x256xi32> to vector<1x1x256xi32>
    %squeeze3A_67 = vector.shape_cast %slice3A_66 : vector<1x1x256xi32> to vector<1x256xi32>
    %eq3A_68 = vector.broadcast %squeeze3A_67 : vector<1x256xi32> to vector<18x256xi32>
    %eq3A_69 = vector.broadcast %iota3A : vector<18x1xi32> to vector<18x256xi32>
    %eq3A_70 = arith.cmpi eq, %eq3A_68, %eq3A_69 : vector<18x256xi32>
    %convert_element_type3A_71 = arith.extui %eq3A_70 : vector<18x256xi1> to vector<18x256xi32>
    %convert_element_type3A_72 = arith.sitofp %convert_element_type3A_71 : vector<18x256xi32> to vector<18x256xf32>
    %concatenate3A_73 = tpu.concatenate %get3A_65, %convert_element_type3A_72 in 0 : vector<11x256xf32>, vector<18x256xf32> -> vector<29x256xf32>
    %dot_general3A_74 = arith.constant dense<0.000000e+00> : vector<128x256xf32>
    %dot_general3A_75 = tpu.matmul %transpose3A, %concatenate3A_73, %dot_general3A_74 {dimension_numbers = #tpu.dot_dimension_numbers<[1], [0], [0], [1], [0, 0, 1, 1], [], []>, transpose_lhs_hint = false} : vector<128x29xf32>, vector<29x256xf32>, vector<128x256xf32> -> vector<128x256xf32>
    %max3A_76 = arith.maximumf %max3A_62, %dot_general3A_75 : vector<128x256xf32>
    %get3A_77 = arith.constant 55 : index
    %get3A_78 = arith.constant 0 : index
    %get3A_79 = vector.load %arg3[%get3A_77, %get3A_78] : memref<132x4096xf32, #tpu.memory_space<vmem>>, vector<11x256xf32>
    %slice3A_80 = vector.extract_strided_slice %get3A_12 {offsets = [5, 0, 0], sizes = [1, 1, 256], strides = [1, 1, 1]} : vector<12x1x256xi32> to vector<1x1x256xi32>
    %squeeze3A_81 = vector.shape_cast %slice3A_80 : vector<1x1x256xi32> to vector<1x256xi32>
    %eq3A_82 = vector.broadcast %squeeze3A_81 : vector<1x256xi32> to vector<18x256xi32>
    %eq3A_83 = vector.broadcast %iota3A : vector<18x1xi32> to vector<18x256xi32>
    %eq3A_84 = arith.cmpi eq, %eq3A_82, %eq3A_83 : vector<18x256xi32>
    %convert_element_type3A_85 = arith.extui %eq3A_84 : vector<18x256xi1> to vector<18x256xi32>
    %convert_element_type3A_86 = arith.sitofp %convert_element_type3A_85 : vector<18x256xi32> to vector<18x256xf32>
    %concatenate3A_87 = tpu.concatenate %get3A_79, %convert_element_type3A_86 in 0 : vector<11x256xf32>, vector<18x256xf32> -> vector<29x256xf32>
    %dot_general3A_88 = arith.constant dense<0.000000e+00> : vector<128x256xf32>
    %dot_general3A_89 = tpu.matmul %transpose3A, %concatenate3A_87, %dot_general3A_88 {dimension_numbers = #tpu.dot_dimension_numbers<[1], [0], [0], [1], [0, 0, 1, 1], [], []>, transpose_lhs_hint = false} : vector<128x29xf32>, vector<29x256xf32>, vector<128x256xf32> -> vector<128x256xf32>
    %max3A_90 = arith.maximumf %max3A_76, %dot_general3A_89 : vector<128x256xf32>
    %get3A_91 = arith.constant 66 : index
    %get3A_92 = arith.constant 0 : index
    %get3A_93 = vector.load %arg3[%get3A_91, %get3A_92] : memref<132x4096xf32, #tpu.memory_space<vmem>>, vector<11x256xf32>
    %slice3A_94 = vector.extract_strided_slice %get3A_12 {offsets = [6, 0, 0], sizes = [1, 1, 256], strides = [1, 1, 1]} : vector<12x1x256xi32> to vector<1x1x256xi32>
    %squeeze3A_95 = vector.shape_cast %slice3A_94 : vector<1x1x256xi32> to vector<1x256xi32>
    %eq3A_96 = vector.broadcast %squeeze3A_95 : vector<1x256xi32> to vector<18x256xi32>
    %eq3A_97 = vector.broadcast %iota3A : vector<18x1xi32> to vector<18x256xi32>
    %eq3A_98 = arith.cmpi eq, %eq3A_96, %eq3A_97 : vector<18x256xi32>
    %convert_element_type3A_99 = arith.extui %eq3A_98 : vector<18x256xi1> to vector<18x256xi32>
    %convert_element_type3A_100 = arith.sitofp %convert_element_type3A_99 : vector<18x256xi32> to vector<18x256xf32>
    %concatenate3A_101 = tpu.concatenate %get3A_93, %convert_element_type3A_100 in 0 : vector<11x256xf32>, vector<18x256xf32> -> vector<29x256xf32>
    %dot_general3A_102 = arith.constant dense<0.000000e+00> : vector<128x256xf32>
    %dot_general3A_103 = tpu.matmul %transpose3A, %concatenate3A_101, %dot_general3A_102 {dimension_numbers = #tpu.dot_dimension_numbers<[1], [0], [0], [1], [0, 0, 1, 1], [], []>, transpose_lhs_hint = false} : vector<128x29xf32>, vector<29x256xf32>, vector<128x256xf32> -> vector<128x256xf32>
    %max3A_104 = arith.maximumf %max3A_90, %dot_general3A_103 : vector<128x256xf32>
    %get3A_105 = arith.constant 77 : index
    %get3A_106 = arith.constant 0 : index
    %get3A_107 = vector.load %arg3[%get3A_105, %get3A_106] : memref<132x4096xf32, #tpu.memory_space<vmem>>, vector<11x256xf32>
    %slice3A_108 = vector.extract_strided_slice %get3A_12 {offsets = [7, 0, 0], sizes = [1, 1, 256], strides = [1, 1, 1]} : vector<12x1x256xi32> to vector<1x1x256xi32>
    %squeeze3A_109 = vector.shape_cast %slice3A_108 : vector<1x1x256xi32> to vector<1x256xi32>
    %eq3A_110 = vector.broadcast %squeeze3A_109 : vector<1x256xi32> to vector<18x256xi32>
    %eq3A_111 = vector.broadcast %iota3A : vector<18x1xi32> to vector<18x256xi32>
    %eq3A_112 = arith.cmpi eq, %eq3A_110, %eq3A_111 : vector<18x256xi32>
    %convert_element_type3A_113 = arith.extui %eq3A_112 : vector<18x256xi1> to vector<18x256xi32>
    %convert_element_type3A_114 = arith.sitofp %convert_element_type3A_113 : vector<18x256xi32> to vector<18x256xf32>
    %concatenate3A_115 = tpu.concatenate %get3A_107, %convert_element_type3A_114 in 0 : vector<11x256xf32>, vector<18x256xf32> -> vector<29x256xf32>
    %dot_general3A_116 = arith.constant dense<0.000000e+00> : vector<128x256xf32>
    %dot_general3A_117 = tpu.matmul %transpose3A, %concatenate3A_115, %dot_general3A_116 {dimension_numbers = #tpu.dot_dimension_numbers<[1], [0], [0], [1], [0, 0, 1, 1], [], []>, transpose_lhs_hint = false} : vector<128x29xf32>, vector<29x256xf32>, vector<128x256xf32> -> vector<128x256xf32>
    %max3A_118 = arith.maximumf %max3A_104, %dot_general3A_117 : vector<128x256xf32>
    %get3A_119 = arith.constant 88 : index
    %get3A_120 = arith.constant 0 : index
    %get3A_121 = vector.load %arg3[%get3A_119, %get3A_120] : memref<132x4096xf32, #tpu.memory_space<vmem>>, vector<11x256xf32>
    %slice3A_122 = vector.extract_strided_slice %get3A_12 {offsets = [8, 0, 0], sizes = [1, 1, 256], strides = [1, 1, 1]} : vector<12x1x256xi32> to vector<1x1x256xi32>
    %squeeze3A_123 = vector.shape_cast %slice3A_122 : vector<1x1x256xi32> to vector<1x256xi32>
    %eq3A_124 = vector.broadcast %squeeze3A_123 : vector<1x256xi32> to vector<18x256xi32>
    %eq3A_125 = vector.broadcast %iota3A : vector<18x1xi32> to vector<18x256xi32>
    %eq3A_126 = arith.cmpi eq, %eq3A_124, %eq3A_125 : vector<18x256xi32>
    %convert_element_type3A_127 = arith.extui %eq3A_126 : vector<18x256xi1> to vector<18x256xi32>
    %convert_element_type3A_128 = arith.sitofp %convert_element_type3A_127 : vector<18x256xi32> to vector<18x256xf32>
    %concatenate3A_129 = tpu.concatenate %get3A_121, %convert_element_type3A_128 in 0 : vector<11x256xf32>, vector<18x256xf32> -> vector<29x256xf32>
    %dot_general3A_130 = arith.constant dense<0.000000e+00> : vector<128x256xf32>
    %dot_general3A_131 = tpu.matmul %transpose3A, %concatenate3A_129, %dot_general3A_130 {dimension_numbers = #tpu.dot_dimension_numbers<[1], [0], [0], [1], [0, 0, 1, 1], [], []>, transpose_lhs_hint = false} : vector<128x29xf32>, vector<29x256xf32>, vector<128x256xf32> -> vector<128x256xf32>
    %max3A_132 = arith.maximumf %max3A_118, %dot_general3A_131 : vector<128x256xf32>
    %get3A_133 = arith.constant 99 : index
    %get3A_134 = arith.constant 0 : index
    %get3A_135 = vector.load %arg3[%get3A_133, %get3A_134] : memref<132x4096xf32, #tpu.memory_space<vmem>>, vector<11x256xf32>
    %slice3A_136 = vector.extract_strided_slice %get3A_12 {offsets = [9, 0, 0], sizes = [1, 1, 256], strides = [1, 1, 1]} : vector<12x1x256xi32> to vector<1x1x256xi32>
    %squeeze3A_137 = vector.shape_cast %slice3A_136 : vector<1x1x256xi32> to vector<1x256xi32>
    %eq3A_138 = vector.broadcast %squeeze3A_137 : vector<1x256xi32> to vector<18x256xi32>
    %eq3A_139 = vector.broadcast %iota3A : vector<18x1xi32> to vector<18x256xi32>
    %eq3A_140 = arith.cmpi eq, %eq3A_138, %eq3A_139 : vector<18x256xi32>
    %convert_element_type3A_141 = arith.extui %eq3A_140 : vector<18x256xi1> to vector<18x256xi32>
    %convert_element_type3A_142 = arith.sitofp %convert_element_type3A_141 : vector<18x256xi32> to vector<18x256xf32>
    %concatenate3A_143 = tpu.concatenate %get3A_135, %convert_element_type3A_142 in 0 : vector<11x256xf32>, vector<18x256xf32> -> vector<29x256xf32>
    %dot_general3A_144 = arith.constant dense<0.000000e+00> : vector<128x256xf32>
    %dot_general3A_145 = tpu.matmul %transpose3A, %concatenate3A_143, %dot_general3A_144 {dimension_numbers = #tpu.dot_dimension_numbers<[1], [0], [0], [1], [0, 0, 1, 1], [], []>, transpose_lhs_hint = false} : vector<128x29xf32>, vector<29x256xf32>, vector<128x256xf32> -> vector<128x256xf32>
    %max3A_146 = arith.maximumf %max3A_132, %dot_general3A_145 : vector<128x256xf32>
    %get3A_147 = arith.constant 110 : index
    %get3A_148 = arith.constant 0 : index
    %get3A_149 = vector.load %arg3[%get3A_147, %get3A_148] : memref<132x4096xf32, #tpu.memory_space<vmem>>, vector<11x256xf32>
    %slice3A_150 = vector.extract_strided_slice %get3A_12 {offsets = [10, 0, 0], sizes = [1, 1, 256], strides = [1, 1, 1]} : vector<12x1x256xi32> to vector<1x1x256xi32>
    %squeeze3A_151 = vector.shape_cast %slice3A_150 : vector<1x1x256xi32> to vector<1x256xi32>
    %eq3A_152 = vector.broadcast %squeeze3A_151 : vector<1x256xi32> to vector<18x256xi32>
    %eq3A_153 = vector.broadcast %iota3A : vector<18x1xi32> to vector<18x256xi32>
    %eq3A_154 = arith.cmpi eq, %eq3A_152, %eq3A_153 : vector<18x256xi32>
    %convert_element_type3A_155 = arith.extui %eq3A_154 : vector<18x256xi1> to vector<18x256xi32>
    %convert_element_type3A_156 = arith.sitofp %convert_element_type3A_155 : vector<18x256xi32> to vector<18x256xf32>
    %concatenate3A_157 = tpu.concatenate %get3A_149, %convert_element_type3A_156 in 0 : vector<11x256xf32>, vector<18x256xf32> -> vector<29x256xf32>
    %dot_general3A_158 = arith.constant dense<0.000000e+00> : vector<128x256xf32>
    %dot_general3A_159 = tpu.matmul %transpose3A, %concatenate3A_157, %dot_general3A_158 {dimension_numbers = #tpu.dot_dimension_numbers<[1], [0], [0], [1], [0, 0, 1, 1], [], []>, transpose_lhs_hint = false} : vector<128x29xf32>, vector<29x256xf32>, vector<128x256xf32> -> vector<128x256xf32>
    %max3A_160 = arith.maximumf %max3A_146, %dot_general3A_159 : vector<128x256xf32>
    %get3A_161 = arith.constant 121 : index
    %get3A_162 = arith.constant 0 : index
    %get3A_163 = vector.load %arg3[%get3A_161, %get3A_162] : memref<132x4096xf32, #tpu.memory_space<vmem>>, vector<11x256xf32>
    %slice3A_164 = vector.extract_strided_slice %get3A_12 {offsets = [11, 0, 0], sizes = [1, 1, 256], strides = [1, 1, 1]} : vector<12x1x256xi32> to vector<1x1x256xi32>
    %squeeze3A_165 = vector.shape_cast %slice3A_164 : vector<1x1x256xi32> to vector<1x256xi32>
    %eq3A_166 = vector.broadcast %squeeze3A_165 : vector<1x256xi32> to vector<18x256xi32>
    %eq3A_167 = vector.broadcast %iota3A : vector<18x1xi32> to vector<18x256xi32>
    %eq3A_168 = arith.cmpi eq, %eq3A_166, %eq3A_167 : vector<18x256xi32>
    %convert_element_type3A_169 = arith.extui %eq3A_168 : vector<18x256xi1> to vector<18x256xi32>
    %convert_element_type3A_170 = arith.sitofp %convert_element_type3A_169 : vector<18x256xi32> to vector<18x256xf32>
    %concatenate3A_171 = tpu.concatenate %get3A_163, %convert_element_type3A_170 in 0 : vector<11x256xf32>, vector<18x256xf32> -> vector<29x256xf32>
    %dot_general3A_172 = arith.constant dense<0.000000e+00> : vector<128x256xf32>
    %dot_general3A_173 = tpu.matmul %transpose3A, %concatenate3A_171, %dot_general3A_172 {dimension_numbers = #tpu.dot_dimension_numbers<[1], [0], [0], [1], [0, 0, 1, 1], [], []>, transpose_lhs_hint = false} : vector<128x29xf32>, vector<29x256xf32>, vector<128x256xf32> -> vector<128x256xf32>
    %max3A_174 = arith.maximumf %max3A_160, %dot_general3A_173 : vector<128x256xf32>
    %get3A_175 = arith.constant 0 : index
    %get3A_176 = arith.constant 0 : index
    %get3A_177 = vector.load %arg6[%get3A_175, %get3A_176] : memref<128x1xf32, #tpu.memory_space<vmem>>, vector<128x1xf32>
    %add3A = vector.broadcast %get3A_177 : vector<128x1xf32> to vector<128x256xf32>
    %add3A_178 = arith.addf %max3A_174, %add3A : vector<128x256xf32>
    %max3A_179 = arith.constant 0.000000e+00 : f32
    %max3A_180 = vector.broadcast %max3A_179 : f32 to vector<128x256xf32>
    %max3A_181 = arith.maximumf %add3A_178, %max3A_180 : vector<128x256xf32>
    %swap3A = arith.constant 0 : index
    %swap3A_182 = arith.constant 0 : index
    %swap3A_183 = arith.constant 0 : index
    %swap3A_184 = vector.load %arg7[%swap3A, %swap3A_182, %swap3A_183] : memref<1x128x4096xf32, #tpu.memory_space<vmem>>, vector<1x128x256xf32>
    %swap3A_185 = vector.shape_cast %swap3A_184 : vector<1x128x256xf32> to vector<128x256xf32>
    %swap3A_186 = vector.shape_cast %max3A_181 : vector<128x256xf32> to vector<1x128x256xf32>
    tpu.vector_store %arg7[%swap3A, %swap3A_182, %swap3A_183], %swap3A_186 {strides = array<i32>} : memref<1x128x4096xf32, #tpu.memory_space<vmem>>, vector<1x128x256xf32>,
    %get3A_187 = arith.constant 0 : index
    %get3A_188 = arith.index_cast %arg1 : i32 to index
    %get3A_189 = arith.constant 256 : index
    %get3A_190 = vector.load %arg2[%get3A_187, %get3A_188, %get3A_189] : memref<12x8x4096xi32, #tpu.memory_space<vmem>>, vector<12x1x256xi32>
    %get3A_191 = arith.constant 0 : index
    %get3A_192 = arith.constant 256 : index
    %get3A_193 = vector.load %arg3[%get3A_191, %get3A_192] : memref<132x4096xf32, #tpu.memory_space<vmem>>, vector<11x256xf32>
    %slice3A_194 = vector.extract_strided_slice %get3A_190 {offsets = [0, 0, 0], sizes = [1, 1, 256], strides = [1, 1, 1]} : vector<12x1x256xi32> to vector<1x1x256xi32>
    %squeeze3A_195 = vector.shape_cast %slice3A_194 : vector<1x1x256xi32> to vector<1x256xi32>
    %eq3A_196 = vector.broadcast %squeeze3A_195 : vector<1x256xi32> to vector<18x256xi32>
    %eq3A_197 = vector.broadcast %iota3A : vector<18x1xi32> to vector<18x256xi32>
    %eq3A_198 = arith.cmpi eq, %eq3A_196, %eq3A_197 : vector<18x256xi32>
    %convert_element_type3A_199 = arith.extui %eq3A_198 : vector<18x256xi1> to vector<18x256xi32>
    %convert_element_type3A_200 = arith.sitofp %convert_element_type3A_199 : vector<18x256xi32> to vector<18x256xf32>
    %concatenate3A_201 = tpu.concatenate %get3A_193, %convert_element_type3A_200 in 0 : vector<11x256xf32>, vector<18x256xf32> -> vector<29x256xf32>
    %dot_general3A_202 = arith.constant dense<0.000000e+00> : vector<128x256xf32>
    %dot_general3A_203 = tpu.matmul %transpose3A, %concatenate3A_201, %dot_general3A_202 {dimension_numbers = #tpu.dot_dimension_numbers<[1], [0], [0], [1], [0, 0, 1, 1], [], []>, transpose_lhs_hint = false} : vector<128x29xf32>, vector<29x256xf32>, vector<128x256xf32> -> vector<128x256xf32>
    %get3A_204 = arith.constant 11 : index
    %get3A_205 = arith.constant 256 : index
    %get3A_206 = vector.load %arg3[%get3A_204, %get3A_205] : memref<132x4096xf32, #tpu.memory_space<vmem>>, vector<11x256xf32>
    %slice3A_207 = vector.extract_strided_slice %get3A_190 {offsets = [1, 0, 0], sizes = [1, 1, 256], strides = [1, 1, 1]} : vector<12x1x256xi32> to vector<1x1x256xi32>
    %squeeze3A_208 = vector.shape_cast %slice3A_207 : vector<1x1x256xi32> to vector<1x256xi32>
    %eq3A_209 = vector.broadcast %squeeze3A_208 : vector<1x256xi32> to vector<18x256xi32>
    %eq3A_210 = vector.broadcast %iota3A : vector<18x1xi32> to vector<18x256xi32>
    %eq3A_211 = arith.cmpi eq, %eq3A_209, %eq3A_210 : vector<18x256xi32>
    %convert_element_type3A_212 = arith.extui %eq3A_211 : vector<18x256xi1> to vector<18x256xi32>
    %convert_element_type3A_213 = arith.sitofp %convert_element_type3A_212 : vector<18x256xi32> to vector<18x256xf32>
    %concatenate3A_214 = tpu.concatenate %get3A_206, %convert_element_type3A_213 in 0 : vector<11x256xf32>, vector<18x256xf32> -> vector<29x256xf32>
    %dot_general3A_215 = arith.constant dense<0.000000e+00> : vector<128x256xf32>
    %dot_general3A_216 = tpu.matmul %transpose3A, %concatenate3A_214, %dot_general3A_215 {dimension_numbers = #tpu.dot_dimension_numbers<[1], [0], [0], [1], [0, 0, 1, 1], [], []>, transpose_lhs_hint = false} : vector<128x29xf32>, vector<29x256xf32>, vector<128x256xf32> -> vector<128x256xf32>
    %max3A_217 = arith.maximumf %dot_general3A_203, %dot_general3A_216 : vector<128x256xf32>
    %get3A_218 = arith.constant 22 : index
    %get3A_219 = arith.constant 256 : index
    %get3A_220 = vector.load %arg3[%get3A_218, %get3A_219] : memref<132x4096xf32, #tpu.memory_space<vmem>>, vector<11x256xf32>
    %slice3A_221 = vector.extract_strided_slice %get3A_190 {offsets = [2, 0, 0], sizes = [1, 1, 256], strides = [1, 1, 1]} : vector<12x1x256xi32> to vector<1x1x256xi32>
    %squeeze3A_222 = vector.shape_cast %slice3A_221 : vector<1x1x256xi32> to vector<1x256xi32>
    %eq3A_223 = vector.broadcast %squeeze3A_222 : vector<1x256xi32> to vector<18x256xi32>
    %eq3A_224 = vector.broadcast %iota3A : vector<18x1xi32> to vector<18x256xi32>
    %eq3A_225 = arith.cmpi eq, %eq3A_223, %eq3A_224 : vector<18x256xi32>
    %convert_element_type3A_226 = arith.extui %eq3A_225 : vector<18x256xi1> to vector<18x256xi32>
    %convert_element_type3A_227 = arith.sitofp %convert_element_type3A_226 : vector<18x256xi32> to vector<18x256xf32>
    %concatenate3A_228 = tpu.concatenate %get3A_220, %convert_element_type3A_227 in 0 : vector<11x256xf32>, vector<18x256xf32> -> vector<29x256xf32>
    %dot_general3A_229 = arith.constant dense<0.000000e+00> : vector<128x256xf32>
    %dot_general3A_230 = tpu.matmul %transpose3A, %concatenate3A_228, %dot_general3A_229 {dimension_numbers = #tpu.dot_dimension_numbers<[1], [0], [0], [1], [0, 0, 1, 1], [], []>, transpose_lhs_hint = false} : vector<128x29xf32>, vector<29x256xf32>, vector<128x256xf32> -> vector<128x256xf32>
    %max3A_231 = arith.maximumf %max3A_217, %dot_general3A_230 : vector<128x256xf32>
    %get3A_232 = arith.constant 33 : index
    %get3A_233 = arith.constant 256 : index
    %get3A_234 = vector.load %arg3[%get3A_232, %get3A_233] : memref<132x4096xf32, #tpu.memory_space<vmem>>, vector<11x256xf32>
    %slice3A_235 = vector.extract_strided_slice %get3A_190 {offsets = [3, 0, 0], sizes = [1, 1, 256], strides = [1, 1, 1]} : vector<12x1x256xi32> to vector<1x1x256xi32>
    %squeeze3A_236 = vector.shape_cast %slice3A_235 : vector<1x1x256xi32> to vector<1x256xi32>
    %eq3A_237 = vector.broadcast %squeeze3A_236 : vector<1x256xi32> to vector<18x256xi32>
    %eq3A_238 = vector.broadcast %iota3A : vector<18x1xi32> to vector<18x256xi32>
    %eq3A_239 = arith.cmpi eq, %eq3A_237, %eq3A_238 : vector<18x256xi32>
    %convert_element_type3A_240 = arith.extui %eq3A_239 : vector<18x256xi1> to vector<18x256xi32>
    %convert_element_type3A_241 = arith.sitofp %convert_element_type3A_240 : vector<18x256xi32> to vector<18x256xf32>
    %concatenate3A_242 = tpu.concatenate %get3A_234, %convert_element_type3A_241 in 0 : vector<11x256xf32>, vector<18x256xf32> -> vector<29x256xf32>
    %dot_general3A_243 = arith.constant dense<0.000000e+00> : vector<128x256xf32>
    %dot_general3A_244 = tpu.matmul %transpose3A, %concatenate3A_242, %dot_general3A_243 {dimension_numbers = #tpu.dot_dimension_numbers<[1], [0], [0], [1], [0, 0, 1, 1], [], []>, transpose_lhs_hint = false} : vector<128x29xf32>, vector<29x256xf32>, vector<128x256xf32> -> vector<128x256xf32>
    %max3A_245 = arith.maximumf %max3A_231, %dot_general3A_244 : vector<128x256xf32>
    %get3A_246 = arith.constant 44 : index
    %get3A_247 = arith.constant 256 : index
    %get3A_248 = vector.load %arg3[%get3A_246, %get3A_247] : memref<132x4096xf32, #tpu.memory_space<vmem>>, vector<11x256xf32>
    %slice3A_249 = vector.extract_strided_slice %get3A_190 {offsets = [4, 0, 0], sizes = [1, 1, 256], strides = [1, 1, 1]} : vector<12x1x256xi32> to vector<1x1x256xi32>
    %squeeze3A_250 = vector.shape_cast %slice3A_249 : vector<1x1x256xi32> to vector<1x256xi32>
    %eq3A_251 = vector.broadcast %squeeze3A_250 : vector<1x256xi32> to vector<18x256xi32>
    %eq3A_252 = vector.broadcast %iota3A : vector<18x1xi32> to vector<18x256xi32>
    %eq3A_253 = arith.cmpi eq, %eq3A_251, %eq3A_252 : vector<18x256xi32>
    %convert_element_type3A_254 = arith.extui %eq3A_253 : vector<18x256xi1> to vector<18x256xi32>
    %convert_element_type3A_255 = arith.sitofp %convert_element_type3A_254 : vector<18x256xi32> to vector<18x256xf32>
    %concatenate3A_256 = tpu.concatenate %get3A_248, %convert_element_type3A_255 in 0 : vector<11x256xf32>, vector<18x256xf32> -> vector<29x256xf32>
    %dot_general3A_257 = arith.constant dense<0.000000e+00> : vector<128x256xf32>
    %dot_general3A_258 = tpu.matmul %transpose3A, %concatenate3A_256, %dot_general3A_257 {dimension_numbers = #tpu.dot_dimension_numbers<[1], [0], [0], [1], [0, 0, 1, 1], [], []>, transpose_lhs_hint = false} : vector<128x29xf32>, vector<29x256xf32>, vector<128x256xf32> -> vector<128x256xf32>
    %max3A_259 = arith.maximumf %max3A_245, %dot_general3A_258 : vector<128x256xf32>
    %get3A_260 = arith.constant 55 : index
    %get3A_261 = arith.constant 256 : index
    %get3A_262 = vector.load %arg3[%get3A_260, %get3A_261] : memref<132x4096xf32, #tpu.memory_space<vmem>>, vector<11x256xf32>
    %slice3A_263 = vector.extract_strided_slice %get3A_190 {offsets = [5, 0, 0], sizes = [1, 1, 256], strides = [1, 1, 1]} : vector<12x1x256xi32> to vector<1x1x256xi32>
    %squeeze3A_264 = vector.shape_cast %slice3A_263 : vector<1x1x256xi32> to vector<1x256xi32>
    %eq3A_265 = vector.broadcast %squeeze3A_264 : vector<1x256xi32> to vector<18x256xi32>
    %eq3A_266 = vector.broadcast %iota3A : vector<18x1xi32> to vector<18x256xi32>
    %eq3A_267 = arith.cmpi eq, %eq3A_265, %eq3A_266 : vector<18x256xi32>
    %convert_element_type3A_268 = arith.extui %eq3A_267 : vector<18x256xi1> to vector<18x256xi32>
    %convert_element_type3A_269 = arith.sitofp %convert_element_type3A_268 : vector<18x256xi32> to vector<18x256xf32>
    %concatenate3A_270 = tpu.concatenate %get3A_262, %convert_element_type3A_269 in 0 : vector<11x256xf32>, vector<18x256xf32> -> vector<29x256xf32>
    %dot_general3A_271 = arith.constant dense<0.000000e+00> : vector<128x256xf32>
    %dot_general3A_272 = tpu.matmul %transpose3A, %concatenate3A_270, %dot_general3A_271 {dimension_numbers = #tpu.dot_dimension_numbers<[1], [0], [0], [1], [0, 0, 1, 1], [], []>, transpose_lhs_hint = false} : vector<128x29xf32>, vector<29x256xf32>, vector<128x256xf32> -> vector<128x256xf32>
    %max3A_273 = arith.maximumf %max3A_259, %dot_general3A_272 : vector<128x256xf32>
    %get3A_274 = arith.constant 66 : index
    %get3A_275 = arith.constant 256 : index
    %get3A_276 = vector.load %arg3[%get3A_274, %get3A_275] : memref<132x4096xf32, #tpu.memory_space<vmem>>, vector<11x256xf32>
    %slice3A_277 = vector.extract_strided_slice %get3A_190 {offsets = [6, 0, 0], sizes = [1, 1, 256], strides = [1, 1, 1]} : vector<12x1x256xi32> to vector<1x1x256xi32>
    %squeeze3A_278 = vector.shape_cast %slice3A_277 : vector<1x1x256xi32> to vector<1x256xi32>
    %eq3A_279 = vector.broadcast %squeeze3A_278 : vector<1x256xi32> to vector<18x256xi32>
    %eq3A_280 = vector.broadcast %iota3A : vector<18x1xi32> to vector<18x256xi32>
    %eq3A_281 = arith.cmpi eq, %eq3A_279, %eq3A_280 : vector<18x256xi32>
    %convert_element_type3A_282 = arith.extui %eq3A_281 : vector<18x256xi1> to vector<18x256xi32>
    %convert_element_type3A_283 = arith.sitofp %convert_element_type3A_282 : vector<18x256xi32> to vector<18x256xf32>
    %concatenate3A_284 = tpu.concatenate %get3A_276, %convert_element_type3A_283 in 0 : vector<11x256xf32>, vector<18x256xf32> -> vector<29x256xf32>
    %dot_general3A_285 = arith.constant dense<0.000000e+00> : vector<128x256xf32>
    %dot_general3A_286 = tpu.matmul %transpose3A, %concatenate3A_284, %dot_general3A_285 {dimension_numbers = #tpu.dot_dimension_numbers<[1], [0], [0], [1], [0, 0, 1, 1], [], []>, transpose_lhs_hint = false} : vector<128x29xf32>, vector<29x256xf32>, vector<128x256xf32> -> vector<128x256xf32>
    %max3A_287 = arith.maximumf %max3A_273, %dot_general3A_286 : vector<128x256xf32>
    %get3A_288 = arith.constant 77 : index
    %get3A_289 = arith.constant 256 : index
    %get3A_290 = vector.load %arg3[%get3A_288, %get3A_289] : memref<132x4096xf32, #tpu.memory_space<vmem>>, vector<11x256xf32>
    %slice3A_291 = vector.extract_strided_slice %get3A_190 {offsets = [7, 0, 0], sizes = [1, 1, 256], strides = [1, 1, 1]} : vector<12x1x256xi32> to vector<1x1x256xi32>
    %squeeze3A_292 = vector.shape_cast %slice3A_291 : vector<1x1x256xi32> to vector<1x256xi32>
    %eq3A_293 = vector.broadcast %squeeze3A_292 : vector<1x256xi32> to vector<18x256xi32>
    %eq3A_294 = vector.broadcast %iota3A : vector<18x1xi32> to vector<18x256xi32>
    %eq3A_295 = arith.cmpi eq, %eq3A_293, %eq3A_294 : vector<18x256xi32>
    %convert_element_type3A_296 = arith.extui %eq3A_295 : vector<18x256xi1> to vector<18x256xi32>
    %convert_element_type3A_297 = arith.sitofp %convert_element_type3A_296 : vector<18x256xi32> to vector<18x256xf32>
    %concatenate3A_298 = tpu.concatenate %get3A_290, %convert_element_type3A_297 in 0 : vector<11x256xf32>, vector<18x256xf32> -> vector<29x256xf32>
    %dot_general3A_299 = arith.constant dense<0.000000e+00> : vector<128x256xf32>
    %dot_general3A_300 = tpu.matmul %transpose3A, %concatenate3A_298, %dot_general3A_299 {dimension_numbers = #tpu.dot_dimension_numbers<[1], [0], [0], [1], [0, 0, 1, 1], [], []>, transpose_lhs_hint = false} : vector<128x29xf32>, vector<29x256xf32>, vector<128x256xf32> -> vector<128x256xf32>
    %max3A_301 = arith.maximumf %max3A_287, %dot_general3A_300 : vector<128x256xf32>
    %get3A_302 = arith.constant 88 : index
    %get3A_303 = arith.constant 256 : index
    %get3A_304 = vector.load %arg3[%get3A_302, %get3A_303] : memref<132x4096xf32, #tpu.memory_space<vmem>>, vector<11x256xf32>
    %slice3A_305 = vector.extract_strided_slice %get3A_190 {offsets = [8, 0, 0], sizes = [1, 1, 256], strides = [1, 1, 1]} : vector<12x1x256xi32> to vector<1x1x256xi32>
    %squeeze3A_306 = vector.shape_cast %slice3A_305 : vector<1x1x256xi32> to vector<1x256xi32>
    %eq3A_307 = vector.broadcast %squeeze3A_306 : vector<1x256xi32> to vector<18x256xi32>
    %eq3A_308 = vector.broadcast %iota3A : vector<18x1xi32> to vector<18x256xi32>
    %eq3A_309 = arith.cmpi eq, %eq3A_307, %eq3A_308 : vector<18x256xi32>
    %convert_element_type3A_310 = arith.extui %eq3A_309 : vector<18x256xi1> to vector<18x256xi32>
    %convert_element_type3A_311 = arith.sitofp %convert_element_type3A_310 : vector<18x256xi32> to vector<18x256xf32>
    %concatenate3A_312 = tpu.concatenate %get3A_304, %convert_element_type3A_311 in 0 : vector<11x256xf32>, vector<18x256xf32> -> vector<29x256xf32>
    %dot_general3A_313 = arith.constant dense<0.000000e+00> : vector<128x256xf32>
    %dot_general3A_314 = tpu.matmul %transpose3A, %concatenate3A_312, %dot_general3A_313 {dimension_numbers = #tpu.dot_dimension_numbers<[1], [0], [0], [1], [0, 0, 1, 1], [], []>, transpose_lhs_hint = false} : vector<128x29xf32>, vector<29x256xf32>, vector<128x256xf32> -> vector<128x256xf32>
    %max3A_315 = arith.maximumf %max3A_301, %dot_general3A_314 : vector<128x256xf32>
    %get3A_316 = arith.constant 99 : index
    %get3A_317 = arith.constant 256 : index
    %get3A_318 = vector.load %arg3[%get3A_316, %get3A_317] : memref<132x4096xf32, #tpu.memory_space<vmem>>, vector<11x256xf32>
    %slice3A_319 = vector.extract_strided_slice %get3A_190 {offsets = [9, 0, 0], sizes = [1, 1, 256], strides = [1, 1, 1]} : vector<12x1x256xi32> to vector<1x1x256xi32>
    %squeeze3A_320 = vector.shape_cast %slice3A_319 : vector<1x1x256xi32> to vector<1x256xi32>
    %eq3A_321 = vector.broadcast %squeeze3A_320 : vector<1x256xi32> to vector<18x256xi32>
    %eq3A_322 = vector.broadcast %iota3A : vector<18x1xi32> to vector<18x256xi32>
    %eq3A_323 = arith.cmpi eq, %eq3A_321, %eq3A_322 : vector<18x256xi32>
    %convert_element_type3A_324 = arith.extui %eq3A_323 : vector<18x256xi1> to vector<18x256xi32>
    %convert_element_type3A_325 = arith.sitofp %convert_element_type3A_324 : vector<18x256xi32> to vector<18x256xf32>
    %concatenate3A_326 = tpu.concatenate %get3A_318, %convert_element_type3A_325 in 0 : vector<11x256xf32>, vector<18x256xf32> -> vector<29x256xf32>
    %dot_general3A_327 = arith.constant dense<0.000000e+00> : vector<128x256xf32>
    %dot_general3A_328 = tpu.matmul %transpose3A, %concatenate3A_326, %dot_general3A_327 {dimension_numbers = #tpu.dot_dimension_numbers<[1], [0], [0], [1], [0, 0, 1, 1], [], []>, transpose_lhs_hint = false} : vector<128x29xf32>, vector<29x256xf32>, vector<128x256xf32> -> vector<128x256xf32>
    %max3A_329 = arith.maximumf %max3A_315, %dot_general3A_328 : vector<128x256xf32>
    %get3A_330 = arith.constant 110 : index
    %get3A_331 = arith.constant 256 : index
    %get3A_332 = vector.load %arg3[%get3A_330, %get3A_331] : memref<132x4096xf32, #tpu.memory_space<vmem>>, vector<11x256xf32>
    %slice3A_333 = vector.extract_strided_slice %get3A_190 {offsets = [10, 0, 0], sizes = [1, 1, 256], strides = [1, 1, 1]} : vector<12x1x256xi32> to vector<1x1x256xi32>
    %squeeze3A_334 = vector.shape_cast %slice3A_333 : vector<1x1x256xi32> to vector<1x256xi32>
    %eq3A_335 = vector.broadcast %squeeze3A_334 : vector<1x256xi32> to vector<18x256xi32>
    %eq3A_336 = vector.broadcast %iota3A : vector<18x1xi32> to vector<18x256xi32>
    %eq3A_337 = arith.cmpi eq, %eq3A_335, %eq3A_336 : vector<18x256xi32>
    %convert_element_type3A_338 = arith.extui %eq3A_337 : vector<18x256xi1> to vector<18x256xi32>
    %convert_element_type3A_339 = arith.sitofp %convert_element_type3A_338 : vector<18x256xi32> to vector<18x256xf32>
    %concatenate3A_340 = tpu.concatenate %get3A_332, %convert_element_type3A_339 in 0 : vector<11x256xf32>, vector<18x256xf32> -> vector<29x256xf32>
    %dot_general3A_341 = arith.constant dense<0.000000e+00> : vector<128x256xf32>
    %dot_general3A_342 = tpu.matmul %transpose3A, %concatenate3A_340, %dot_general3A_341 {dimension_numbers = #tpu.dot_dimension_numbers<[1], [0], [0], [1], [0, 0, 1, 1], [], []>, transpose_lhs_hint = false} : vector<128x29xf32>, vector<29x256xf32>, vector<128x256xf32> -> vector<128x256xf32>
    %max3A_343 = arith.maximumf %max3A_329, %dot_general3A_342 : vector<128x256xf32>
    %get3A_344 = arith.constant 121 : index
    %get3A_345 = arith.constant 256 : index
    %get3A_346 = vector.load %arg3[%get3A_344, %get3A_345] : memref<132x4096xf32, #tpu.memory_space<vmem>>, vector<11x256xf32>
    %slice3A_347 = vector.extract_strided_slice %get3A_190 {offsets = [11, 0, 0], sizes = [1, 1, 256], strides = [1, 1, 1]} : vector<12x1x256xi32> to vector<1x1x256xi32>
    %squeeze3A_348 = vector.shape_cast %slice3A_347 : vector<1x1x256xi32> to vector<1x256xi32>
    %eq3A_349 = vector.broadcast %squeeze3A_348 : vector<1x256xi32> to vector<18x256xi32>
    %eq3A_350 = vector.broadcast %iota3A : vector<18x1xi32> to vector<18x256xi32>
    %eq3A_351 = arith.cmpi eq, %eq3A_349, %eq3A_350 : vector<18x256xi32>
    %convert_element_type3A_352 = arith.extui %eq3A_351 : vector<18x256xi1> to vector<18x256xi32>
    %convert_element_type3A_353 = arith.sitofp %convert_element_type3A_352 : vector<18x256xi32> to vector<18x256xf32>
    %concatenate3A_354 = tpu.concatenate %get3A_346, %convert_element_type3A_353 in 0 : vector<11x256xf32>, vector<18x256xf32> -> vector<29x256xf32>
    %dot_general3A_355 = arith.constant dense<0.000000e+00> : vector<128x256xf32>
    %dot_general3A_356 = tpu.matmul %transpose3A, %concatenate3A_354, %dot_general3A_355 {dimension_numbers = #tpu.dot_dimension_numbers<[1], [0], [0], [1], [0, 0, 1, 1], [], []>, transpose_lhs_hint = false} : vector<128x29xf32>, vector<29x256xf32>, vector<128x256xf32> -> vector<128x256xf32>
    %max3A_357 = arith.maximumf %max3A_343, %dot_general3A_356 : vector<128x256xf32>
    %get3A_358 = arith.constant 0 : index
    %get3A_359 = arith.constant 0 : index
    %get3A_360 = vector.load %arg6[%get3A_358, %get3A_359] : memref<128x1xf32, #tpu.memory_space<vmem>>, vector<128x1xf32>
    %add3A_361 = vector.broadcast %get3A_360 : vector<128x1xf32> to vector<128x256xf32>
    %add3A_362 = arith.addf %max3A_357, %add3A_361 : vector<128x256xf32>
    %max3A_363 = arith.constant 0.000000e+00 : f32
    %max3A_364 = vector.broadcast %max3A_363 : f32 to vector<128x256xf32>
    %max3A_365 = arith.maximumf %add3A_362, %max3A_364 : vector<128x256xf32>
    %swap3A_366 = arith.constant 0 : index
    %swap3A_367 = arith.constant 0 : index
    %swap3A_368 = arith.constant 256 : index
    %swap3A_369 = vector.load %arg7[%swap3A_366, %swap3A_367, %swap3A_368] : memref<1x128x4096xf32, #tpu.memory_space<vmem>>, vector<1x128x256xf32>
    %swap3A_370 = vector.shape_cast %swap3A_369 : vector<1x128x256xf32> to vector<128x256xf32>
    %swap3A_371 = vector.shape_cast %max3A_365 : vector<128x256xf32> to vector<1x128x256xf32>
    tpu.vector_store %arg7[%swap3A_366, %swap3A_367, %swap3A_368], %swap3A_371 {strides = array<i32>} : memref<1x128x4096xf32, #tpu.memory_space<vmem>>, vector<1x128x256xf32>,
    %get3A_372 = arith.constant 0 : index
    %get3A_373 = arith.index_cast %arg1 : i32 to index
    %get3A_374 = arith.constant 512 : index
    %get3A_375 = vector.load %arg2[%get3A_372, %get3A_373, %get3A_374] : memref<12x8x4096xi32, #tpu.memory_space<vmem>>, vector<12x1x256xi32>
    %get3A_376 = arith.constant 0 : index
    %get3A_377 = arith.constant 512 : index
    %get3A_378 = vector.load %arg3[%get3A_376, %get3A_377] : memref<132x4096xf32, #tpu.memory_space<vmem>>, vector<11x256xf32>
    %slice3A_379 = vector.extract_strided_slice %get3A_375 {offsets = [0, 0, 0], sizes = [1, 1, 256], strides = [1, 1, 1]} : vector<12x1x256xi32> to vector<1x1x256xi32>
    %squeeze3A_380 = vector.shape_cast %slice3A_379 : vector<1x1x256xi32> to vector<1x256xi32>
    %eq3A_381 = vector.broadcast %squeeze3A_380 : vector<1x256xi32> to vector<18x256xi32>
    %eq3A_382 = vector.broadcast %iota3A : vector<18x1xi32> to vector<18x256xi32>
    %eq3A_383 = arith.cmpi eq, %eq3A_381, %eq3A_382 : vector<18x256xi32>
    %convert_element_type3A_384 = arith.extui %eq3A_383 : vector<18x256xi1> to vector<18x256xi32>
    %convert_element_type3A_385 = arith.sitofp %convert_element_type3A_384 : vector<18x256xi32> to vector<18x256xf32>
    %concatenate3A_386 = tpu.concatenate %get3A_378, %convert_element_type3A_385 in 0 : vector<11x256xf32>, vector<18x256xf32> -> vector<29x256xf32>
    %dot_general3A_387 = arith.constant dense<0.000000e+00> : vector<128x256xf32>
    %dot_general3A_388 = tpu.matmul %transpose3A, %concatenate3A_386, %dot_general3A_387 {dimension_numbers = #tpu.dot_dimension_numbers<[1], [0], [0], [1], [0, 0, 1, 1], [], []>, transpose_lhs_hint = false} : vector<128x29xf32>, vector<29x256xf32>, vector<128x256xf32> -> vector<128x256xf32>
    %get3A_389 = arith.constant 11 : index
    %get3A_390 = arith.constant 512 : index
    %get3A_391 = vector.load %arg3[%get3A_389, %get3A_390] : memref<132x4096xf32, #tpu.memory_space<vmem>>, vector<11x256xf32>
    %slice3A_392 = vector.extract_strided_slice %get3A_375 {offsets = [1, 0, 0], sizes = [1, 1, 256], strides = [1, 1, 1]} : vector<12x1x256xi32> to vector<1x1x256xi32>
    %squeeze3A_393 = vector.shape_cast %slice3A_392 : vector<1x1x256xi32> to vector<1x256xi32>
    %eq3A_394 = vector.broadcast %squeeze3A_393 : vector<1x256xi32> to vector<18x256xi32>
    %eq3A_395 = vector.broadcast %iota3A : vector<18x1xi32> to vector<18x256xi32>
    %eq3A_396 = arith.cmpi eq, %eq3A_394, %eq3A_395 : vector<18x256xi32>
    %convert_element_type3A_397 = arith.extui %eq3A_396 : vector<18x256xi1> to vector<18x256xi32>
    %convert_element_type3A_398 = arith.sitofp %convert_element_type3A_397 : vector<18x256xi32> to vector<18x256xf32>
    %concatenate3A_399 = tpu.concatenate %get3A_391, %convert_element_type3A_398 in 0 : vector<11x256xf32>, vector<18x256xf32> -> vector<29x256xf32>
    %dot_general3A_400 = arith.constant dense<0.000000e+00> : vector<128x256xf32>
    %dot_general3A_401 = tpu.matmul %transpose3A, %concatenate3A_399, %dot_general3A_400 {dimension_numbers = #tpu.dot_dimension_numbers<[1], [0], [0], [1], [0, 0, 1, 1], [], []>, transpose_lhs_hint = false} : vector<128x29xf32>, vector<29x256xf32>, vector<128x256xf32> -> vector<128x256xf32>
    %max3A_402 = arith.maximumf %dot_general3A_388, %dot_general3A_401 : vector<128x256xf32>
    %get3A_403 = arith.constant 22 : index
    %get3A_404 = arith.constant 512 : index
    %get3A_405 = vector.load %arg3[%get3A_403, %get3A_404] : memref<132x4096xf32, #tpu.memory_space<vmem>>, vector<11x256xf32>
    %slice3A_406 = vector.extract_strided_slice %get3A_375 {offsets = [2, 0, 0], sizes = [1, 1, 256], strides = [1, 1, 1]} : vector<12x1x256xi32> to vector<1x1x256xi32>
    %squeeze3A_407 = vector.shape_cast %slice3A_406 : vector<1x1x256xi32> to vector<1x256xi32>
    %eq3A_408 = vector.broadcast %squeeze3A_407 : vector<1x256xi32> to vector<18x256xi32>
    %eq3A_409 = vector.broadcast %iota3A : vector<18x1xi32> to vector<18x256xi32>
    %eq3A_410 = arith.cmpi eq, %eq3A_408, %eq3A_409 : vector<18x256xi32>
    %convert_element_type3A_411 = arith.extui %eq3A_410 : vector<18x256xi1> to vector<18x256xi32>
    %convert_element_type3A_412 = arith.sitofp %convert_element_type3A_411 : vector<18x256xi32> to vector<18x256xf32>
    %concatenate3A_413 = tpu.concatenate %get3A_405, %convert_element_type3A_412 in 0 : vector<11x256xf32>, vector<18x256xf32> -> vector<29x256xf32>
    %dot_general3A_414 = arith.constant dense<0.000000e+00> : vector<128x256xf32>
    %dot_general3A_415 = tpu.matmul %transpose3A, %concatenate3A_413, %dot_general3A_414 {dimension_numbers = #tpu.dot_dimension_numbers<[1], [0], [0], [1], [0, 0, 1, 1], [], []>, transpose_lhs_hint = false} : vector<128x29xf32>, vector<29x256xf32>, vector<128x256xf32> -> vector<128x256xf32>
    %max3A_416 = arith.maximumf %max3A_402, %dot_general3A_415 : vector<128x256xf32>
    %get3A_417 = arith.constant 33 : index
    %get3A_418 = arith.constant 512 : index
    %get3A_419 = vector.load %arg3[%get3A_417, %get3A_418] : memref<132x4096xf32, #tpu.memory_space<vmem>>, vector<11x256xf32>
    %slice3A_420 = vector.extract_strided_slice %get3A_375 {offsets = [3, 0, 0], sizes = [1, 1, 256], strides = [1, 1, 1]} : vector<12x1x256xi32> to vector<1x1x256xi32>
    %squeeze3A_421 = vector.shape_cast %slice3A_420 : vector<1x1x256xi32> to vector<1x256xi32>
    %eq3A_422 = vector.broadcast %squeeze3A_421 : vector<1x256xi32> to vector<18x256xi32>
    %eq3A_423 = vector.broadcast %iota3A : vector<18x1xi32> to vector<18x256xi32>
    %eq3A_424 = arith.cmpi eq, %eq3A_422, %eq3A_423 : vector<18x256xi32>
    %convert_element_type3A_425 = arith.extui %eq3A_424 : vector<18x256xi1> to vector<18x256xi32>
    %convert_element_type3A_426 = arith.sitofp %convert_element_type3A_425 : vector<18x256xi32> to vector<18x256xf32>
    %concatenate3A_427 = tpu.concatenate %get3A_419, %convert_element_type3A_426 in 0 : vector<11x256xf32>, vector<18x256xf32> -> vector<29x256xf32>
    %dot_general3A_428 = arith.constant dense<0.000000e+00> : vector<128x256xf32>
    %dot_general3A_429 = tpu.matmul %transpose3A, %concatenate3A_427, %dot_general3A_428 {dimension_numbers = #tpu.dot_dimension_numbers<[1], [0], [0], [1], [0, 0, 1, 1], [], []>, transpose_lhs_hint = false} : vector<128x29xf32>, vector<29x256xf32>, vector<128x256xf32> -> vector<128x256xf32>
    %max3A_430 = arith.maximumf %max3A_416, %dot_general3A_429 : vector<128x256xf32>
    %get3A_431 = arith.constant 44 : index
    %get3A_432 = arith.constant 512 : index
    %get3A_433 = vector.load %arg3[%get3A_431, %get3A_432] : memref<132x4096xf32, #tpu.memory_space<vmem>>, vector<11x256xf32>
    %slice3A_434 = vector.extract_strided_slice %get3A_375 {offsets = [4, 0, 0], sizes = [1, 1, 256], strides = [1, 1, 1]} : vector<12x1x256xi32> to vector<1x1x256xi32>
    %squeeze3A_435 = vector.shape_cast %slice3A_434 : vector<1x1x256xi32> to vector<1x256xi32>
    %eq3A_436 = vector.broadcast %squeeze3A_435 : vector<1x256xi32> to vector<18x256xi32>
    %eq3A_437 = vector.broadcast %iota3A : vector<18x1xi32> to vector<18x256xi32>
    %eq3A_438 = arith.cmpi eq, %eq3A_436, %eq3A_437 : vector<18x256xi32>
    %convert_element_type3A_439 = arith.extui %eq3A_438 : vector<18x256xi1> to vector<18x256xi32>
    %convert_element_type3A_440 = arith.sitofp %convert_element_type3A_439 : vector<18x256xi32> to vector<18x256xf32>
    %concatenate3A_441 = tpu.concatenate %get3A_433, %convert_element_type3A_440 in 0 : vector<11x256xf32>, vector<18x256xf32> -> vector<29x256xf32>
    %dot_general3A_442 = arith.constant dense<0.000000e+00> : vector<128x256xf32>
    %dot_general3A_443 = tpu.matmul %transpose3A, %concatenate3A_441, %dot_general3A_442 {dimension_numbers = #tpu.dot_dimension_numbers<[1], [0], [0], [1], [0, 0, 1, 1], [], []>, transpose_lhs_hint = false} : vector<128x29xf32>, vector<29x256xf32>, vector<128x256xf32> -> vector<128x256xf32>
    %max3A_444 = arith.maximumf %max3A_430, %dot_general3A_443 : vector<128x256xf32>
    %get3A_445 = arith.constant 55 : index
    %get3A_446 = arith.constant 512 : index
    %get3A_447 = vector.load %arg3[%get3A_445, %get3A_446] : memref<132x4096xf32, #tpu.memory_space<vmem>>, vector<11x256xf32>
    %slice3A_448 = vector.extract_strided_slice %get3A_375 {offsets = [5, 0, 0], sizes = [1, 1, 256], strides = [1, 1, 1]} : vector<12x1x256xi32> to vector<1x1x256xi32>
    %squeeze3A_449 = vector.shape_cast %slice3A_448 : vector<1x1x256xi32> to vector<1x256xi32>
    %eq3A_450 = vector.broadcast %squeeze3A_449 : vector<1x256xi32> to vector<18x256xi32>
    %eq3A_451 = vector.broadcast %iota3A : vector<18x1xi32> to vector<18x256xi32>
    %eq3A_452 = arith.cmpi eq, %eq3A_450, %eq3A_451 : vector<18x256xi32>
    %convert_element_type3A_453 = arith.extui %eq3A_452 : vector<18x256xi1> to vector<18x256xi32>
    %convert_element_type3A_454 = arith.sitofp %convert_element_type3A_453 : vector<18x256xi32> to vector<18x256xf32>
    %concatenate3A_455 = tpu.concatenate %get3A_447, %convert_element_type3A_454 in 0 : vector<11x256xf32>, vector<18x256xf32> -> vector<29x256xf32>
    %dot_general3A_456 = arith.constant dense<0.000000e+00> : vector<128x256xf32>
    %dot_general3A_457 = tpu.matmul %transpose3A, %concatenate3A_455, %dot_general3A_456 {dimension_numbers = #tpu.dot_dimension_numbers<[1], [0], [0], [1], [0, 0, 1, 1], [], []>, transpose_lhs_hint = false} : vector<128x29xf32>, vector<29x256xf32>, vector<128x256xf32> -> vector<128x256xf32>
    %max3A_458 = arith.maximumf %max3A_444, %dot_general3A_457 : vector<128x256xf32>
    %get3A_459 = arith.constant 66 : index
    %get3A_460 = arith.constant 512 : index
    %get3A_461 = vector.load %arg3[%get3A_459, %get3A_460] : memref<132x4096xf32, #tpu.memory_space<vmem>>, vector<11x256xf32>
    %slice3A_462 = vector.extract_strided_slice %get3A_375 {offsets = [6, 0, 0], sizes = [1, 1, 256], strides = [1, 1, 1]} : vector<12x1x256xi32> to vector<1x1x256xi32>
    %squeeze3A_463 = vector.shape_cast %slice3A_462 : vector<1x1x256xi32> to vector<1x256xi32>
    %eq3A_464 = vector.broadcast %squeeze3A_463 : vector<1x256xi32> to vector<18x256xi32>
    %eq3A_465 = vector.broadcast %iota3A : vector<18x1xi32> to vector<18x256xi32>
    %eq3A_466 = arith.cmpi eq, %eq3A_464, %eq3A_465 : vector<18x256xi32>
    %convert_element_type3A_467 = arith.extui %eq3A_466 : vector<18x256xi1> to vector<18x256xi32>
    %convert_element_type3A_468 = arith.sitofp %convert_element_type3A_467 : vector<18x256xi32> to vector<18x256xf32>
    %concatenate3A_469 = tpu.concatenate %get3A_461, %convert_element_type3A_468 in 0 : vector<11x256xf32>, vector<18x256xf32> -> vector<29x256xf32>
    %dot_general3A_470 = arith.constant dense<0.000000e+00> : vector<128x256xf32>
    %dot_general3A_471 = tpu.matmul %transpose3A, %concatenate3A_469, %dot_general3A_470 {dimension_numbers = #tpu.dot_dimension_numbers<[1], [0], [0], [1], [0, 0, 1, 1], [], []>, transpose_lhs_hint = false} : vector<128x29xf32>, vector<29x256xf32>, vector<128x256xf32> -> vector<128x256xf32>
    %max3A_472 = arith.maximumf %max3A_458, %dot_general3A_471 : vector<128x256xf32>
    %get3A_473 = arith.constant 77 : index
    %get3A_474 = arith.constant 512 : index
    %get3A_475 = vector.load %arg3[%get3A_473, %get3A_474] : memref<132x4096xf32, #tpu.memory_space<vmem>>, vector<11x256xf32>
    %slice3A_476 = vector.extract_strided_slice %get3A_375 {offsets = [7, 0, 0], sizes = [1, 1, 256], strides = [1, 1, 1]} : vector<12x1x256xi32> to vector<1x1x256xi32>
    %squeeze3A_477 = vector.shape_cast %slice3A_476 : vector<1x1x256xi32> to vector<1x256xi32>
    %eq3A_478 = vector.broadcast %squeeze3A_477 : vector<1x256xi32> to vector<18x256xi32>
    %eq3A_479 = vector.broadcast %iota3A : vector<18x1xi32> to vector<18x256xi32>
    %eq3A_480 = arith.cmpi eq, %eq3A_478, %eq3A_479 : vector<18x256xi32>
    %convert_element_type3A_481 = arith.extui %eq3A_480 : vector<18x256xi1> to vector<18x256xi32>
    %convert_element_type3A_482 = arith.sitofp %convert_element_type3A_481 : vector<18x256xi32> to vector<18x256xf32>
    %concatenate3A_483 = tpu.concatenate %get3A_475, %convert_element_type3A_482 in 0 : vector<11x256xf32>, vector<18x256xf32> -> vector<29x256xf32>
    %dot_general3A_484 = arith.constant dense<0.000000e+00> : vector<128x256xf32>
    %dot_general3A_485 = tpu.matmul %transpose3A, %concatenate3A_483, %dot_general3A_484 {dimension_numbers = #tpu.dot_dimension_numbers<[1], [0], [0], [1], [0, 0, 1, 1], [], []>, transpose_lhs_hint = false} : vector<128x29xf32>, vector<29x256xf32>, vector<128x256xf32> -> vector<128x256xf32>
    %max3A_486 = arith.maximumf %max3A_472, %dot_general3A_485 : vector<128x256xf32>
    %get3A_487 = arith.constant 88 : index
    %get3A_488 = arith.constant 512 : index
    %get3A_489 = vector.load %arg3[%get3A_487, %get3A_488] : memref<132x4096xf32, #tpu.memory_space<vmem>>, vector<11x256xf32>
    %slice3A_490 = vector.extract_strided_slice %get3A_375 {offsets = [8, 0, 0], sizes = [1, 1, 256], strides = [1, 1, 1]} : vector<12x1x256xi32> to vector<1x1x256xi32>
    %squeeze3A_491 = vector.shape_cast %slice3A_490 : vector<1x1x256xi32> to vector<1x256xi32>
    %eq3A_492 = vector.broadcast %squeeze3A_491 : vector<1x256xi32> to vector<18x256xi32>
    %eq3A_493 = vector.broadcast %iota3A : vector<18x1xi32> to vector<18x256xi32>
    %eq3A_494 = arith.cmpi eq, %eq3A_492, %eq3A_493 : vector<18x256xi32>
    %convert_element_type3A_495 = arith.extui %eq3A_494 : vector<18x256xi1> to vector<18x256xi32>
    %convert_element_type3A_496 = arith.sitofp %convert_element_type3A_495 : vector<18x256xi32> to vector<18x256xf32>
    %concatenate3A_497 = tpu.concatenate %get3A_489, %convert_element_type3A_496 in 0 : vector<11x256xf32>, vector<18x256xf32> -> vector<29x256xf32>
    %dot_general3A_498 = arith.constant dense<0.000000e+00> : vector<128x256xf32>
    %dot_general3A_499 = tpu.matmul %transpose3A, %concatenate3A_497, %dot_general3A_498 {dimension_numbers = #tpu.dot_dimension_numbers<[1], [0], [0], [1], [0, 0, 1, 1], [], []>, transpose_lhs_hint = false} : vector<128x29xf32>, vector<29x256xf32>, vector<128x256xf32> -> vector<128x256xf32>
    %max3A_500 = arith.maximumf %max3A_486, %dot_general3A_499 : vector<128x256xf32>
    %get3A_501 = arith.constant 99 : index
    %get3A_502 = arith.constant 512 : index
    %get3A_503 = vector.load %arg3[%get3A_501, %get3A_502] : memref<132x4096xf32, #tpu.memory_space<vmem>>, vector<11x256xf32>
    %slice3A_504 = vector.extract_strided_slice %get3A_375 {offsets = [9, 0, 0], sizes = [1, 1, 256], strides = [1, 1, 1]} : vector<12x1x256xi32> to vector<1x1x256xi32>
    %squeeze3A_505 = vector.shape_cast %slice3A_504 : vector<1x1x256xi32> to vector<1x256xi32>
    %eq3A_506 = vector.broadcast %squeeze3A_505 : vector<1x256xi32> to vector<18x256xi32>
    %eq3A_507 = vector.broadcast %iota3A : vector<18x1xi32> to vector<18x256xi32>
    %eq3A_508 = arith.cmpi eq, %eq3A_506, %eq3A_507 : vector<18x256xi32>
    %convert_element_type3A_509 = arith.extui %eq3A_508 : vector<18x256xi1> to vector<18x256xi32>
    %convert_element_type3A_510 = arith.sitofp %convert_element_type3A_509 : vector<18x256xi32> to vector<18x256xf32>
    %concatenate3A_511 = tpu.concatenate %get3A_503, %convert_element_type3A_510 in 0 : vector<11x256xf32>, vector<18x256xf32> -> vector<29x256xf32>
    %dot_general3A_512 = arith.constant dense<0.000000e+00> : vector<128x256xf32>
    %dot_general3A_513 = tpu.matmul %transpose3A, %concatenate3A_511, %dot_general3A_512 {dimension_numbers = #tpu.dot_dimension_numbers<[1], [0], [0], [1], [0, 0, 1, 1], [], []>, transpose_lhs_hint = false} : vector<128x29xf32>, vector<29x256xf32>, vector<128x256xf32> -> vector<128x256xf32>
    %max3A_514 = arith.maximumf %max3A_500, %dot_general3A_513 : vector<128x256xf32>
    %get3A_515 = arith.constant 110 : index
    %get3A_516 = arith.constant 512 : index
    %get3A_517 = vector.load %arg3[%get3A_515, %get3A_516] : memref<132x4096xf32, #tpu.memory_space<vmem>>, vector<11x256xf32>
    %slice3A_518 = vector.extract_strided_slice %get3A_375 {offsets = [10, 0, 0], sizes = [1, 1, 256], strides = [1, 1, 1]} : vector<12x1x256xi32> to vector<1x1x256xi32>
    %squeeze3A_519 = vector.shape_cast %slice3A_518 : vector<1x1x256xi32> to vector<1x256xi32>
    %eq3A_520 = vector.broadcast %squeeze3A_519 : vector<1x256xi32> to vector<18x256xi32>
    %eq3A_521 = vector.broadcast %iota3A : vector<18x1xi32> to vector<18x256xi32>
    %eq3A_522 = arith.cmpi eq, %eq3A_520, %eq3A_521 : vector<18x256xi32>
    %convert_element_type3A_523 = arith.extui %eq3A_522 : vector<18x256xi1> to vector<18x256xi32>
    %convert_element_type3A_524 = arith.sitofp %convert_element_type3A_523 : vector<18x256xi32> to vector<18x256xf32>
    %concatenate3A_525 = tpu.concatenate %get3A_517, %convert_element_type3A_524 in 0 : vector<11x256xf32>, vector<18x256xf32> -> vector<29x256xf32>
    %dot_general3A_526 = arith.constant dense<0.000000e+00> : vector<128x256xf32>
    %dot_general3A_527 = tpu.matmul %transpose3A, %concatenate3A_525, %dot_general3A_526 {dimension_numbers = #tpu.dot_dimension_numbers<[1], [0], [0], [1], [0, 0, 1, 1], [], []>, transpose_lhs_hint = false} : vector<128x29xf32>, vector<29x256xf32>, vector<128x256xf32> -> vector<128x256xf32>
    %max3A_528 = arith.maximumf %max3A_514, %dot_general3A_527 : vector<128x256xf32>
    %get3A_529 = arith.constant 121 : index
    %get3A_530 = arith.constant 512 : index
    %get3A_531 = vector.load %arg3[%get3A_529, %get3A_530] : memref<132x4096xf32, #tpu.memory_space<vmem>>, vector<11x256xf32>
    %slice3A_532 = vector.extract_strided_slice %get3A_375 {offsets = [11, 0, 0], sizes = [1, 1, 256], strides = [1, 1, 1]} : vector<12x1x256xi32> to vector<1x1x256xi32>
    %squeeze3A_533 = vector.shape_cast %slice3A_532 : vector<1x1x256xi32> to vector<1x256xi32>
    %eq3A_534 = vector.broadcast %squeeze3A_533 : vector<1x256xi32> to vector<18x256xi32>
    %eq3A_535 = vector.broadcast %iota3A : vector<18x1xi32> to vector<18x256xi32>
    %eq3A_536 = arith.cmpi eq, %eq3A_534, %eq3A_535 : vector<18x256xi32>
    %convert_element_type3A_537 = arith.extui %eq3A_536 : vector<18x256xi1> to vector<18x256xi32>
    %convert_element_type3A_538 = arith.sitofp %convert_element_type3A_537 : vector<18x256xi32> to vector<18x256xf32>
    %concatenate3A_539 = tpu.concatenate %get3A_531, %convert_element_type3A_538 in 0 : vector<11x256xf32>, vector<18x256xf32> -> vector<29x256xf32>
    %dot_general3A_540 = arith.constant dense<0.000000e+00> : vector<128x256xf32>
    %dot_general3A_541 = tpu.matmul %transpose3A, %concatenate3A_539, %dot_general3A_540 {dimension_numbers = #tpu.dot_dimension_numbers<[1], [0], [0], [1], [0, 0, 1, 1], [], []>, transpose_lhs_hint = false} : vector<128x29xf32>, vector<29x256xf32>, vector<128x256xf32> -> vector<128x256xf32>
    %max3A_542 = arith.maximumf %max3A_528, %dot_general3A_541 : vector<128x256xf32>
    %get3A_543 = arith.constant 0 : index
    %get3A_544 = arith.constant 0 : index
    %get3A_545 = vector.load %arg6[%get3A_543, %get3A_544] : memref<128x1xf32, #tpu.memory_space<vmem>>, vector<128x1xf32>
    %add3A_546 = vector.broadcast %get3A_545 : vector<128x1xf32> to vector<128x256xf32>
    %add3A_547 = arith.addf %max3A_542, %add3A_546 : vector<128x256xf32>
    %max3A_548 = arith.constant 0.000000e+00 : f32
    %max3A_549 = vector.broadcast %max3A_548 : f32 to vector<128x256xf32>
    %max3A_550 = arith.maximumf %add3A_547, %max3A_549 : vector<128x256xf32>
    %swap3A_551 = arith.constant 0 : index
    %swap3A_552 = arith.constant 0 : index
    %swap3A_553 = arith.constant 512 : index
    %swap3A_554 = vector.load %arg7[%swap3A_551, %swap3A_552, %swap3A_553] : memref<1x128x4096xf32, #tpu.memory_space<vmem>>, vector<1x128x256xf32>
    %swap3A_555 = vector.shape_cast %swap3A_554 : vector<1x128x256xf32> to vector<128x256xf32>
    %swap3A_556 = vector.shape_cast %max3A_550 : vector<128x256xf32> to vector<1x128x256xf32>
    tpu.vector_store %arg7[%swap3A_551, %swap3A_552, %swap3A_553], %swap3A_556 {strides = array<i32>} : memref<1x128x4096xf32, #tpu.memory_space<vmem>>, vector<1x128x256xf32>,
    %get3A_557 = arith.constant 0 : index
    %get3A_558 = arith.index_cast %arg1 : i32 to index
    %get3A_559 = arith.constant 768 : index
    %get3A_560 = vector.load %arg2[%get3A_557, %get3A_558, %get3A_559] : memref<12x8x4096xi32, #tpu.memory_space<vmem>>, vector<12x1x256xi32>
    %get3A_561 = arith.constant 0 : index
    %get3A_562 = arith.constant 768 : index
    %get3A_563 = vector.load %arg3[%get3A_561, %get3A_562] : memref<132x4096xf32, #tpu.memory_space<vmem>>, vector<11x256xf32>
    %slice3A_564 = vector.extract_strided_slice %get3A_560 {offsets = [0, 0, 0], sizes = [1, 1, 256], strides = [1, 1, 1]} : vector<12x1x256xi32> to vector<1x1x256xi32>
    %squeeze3A_565 = vector.shape_cast %slice3A_564 : vector<1x1x256xi32> to vector<1x256xi32>
    %eq3A_566 = vector.broadcast %squeeze3A_565 : vector<1x256xi32> to vector<18x256xi32>
    %eq3A_567 = vector.broadcast %iota3A : vector<18x1xi32> to vector<18x256xi32>
    %eq3A_568 = arith.cmpi eq, %eq3A_566, %eq3A_567 : vector<18x256xi32>
    %convert_element_type3A_569 = arith.extui %eq3A_568 : vector<18x256xi1> to vector<18x256xi32>
    %convert_element_type3A_570 = arith.sitofp %convert_element_type3A_569 : vector<18x256xi32> to vector<18x256xf32>
    %concatenate3A_571 = tpu.concatenate %get3A_563, %convert_element_type3A_570 in 0 : vector<11x256xf32>, vector<18x256xf32> -> vector<29x256xf32>
    %dot_general3A_572 = arith.constant dense<0.000000e+00> : vector<128x256xf32>
    %dot_general3A_573 = tpu.matmul %transpose3A, %concatenate3A_571, %dot_general3A_572 {dimension_numbers = #tpu.dot_dimension_numbers<[1], [0], [0], [1], [0, 0, 1, 1], [], []>, transpose_lhs_hint = false} : vector<128x29xf32>, vector<29x256xf32>, vector<128x256xf32> -> vector<128x256xf32>
    %get3A_574 = arith.constant 11 : index
    %get3A_575 = arith.constant 768 : index
    %get3A_576 = vector.load %arg3[%get3A_574, %get3A_575] : memref<132x4096xf32, #tpu.memory_space<vmem>>, vector<11x256xf32>
    %slice3A_577 = vector.extract_strided_slice %get3A_560 {offsets = [1, 0, 0], sizes = [1, 1, 256], strides = [1, 1, 1]} : vector<12x1x256xi32> to vector<1x1x256xi32>
    %squeeze3A_578 = vector.shape_cast %slice3A_577 : vector<1x1x256xi32> to vector<1x256xi32>
    %eq3A_579 = vector.broadcast %squeeze3A_578 : vector<1x256xi32> to vector<18x256xi32>
    %eq3A_580 = vector.broadcast %iota3A : vector<18x1xi32> to vector<18x256xi32>
    %eq3A_581 = arith.cmpi eq, %eq3A_579, %eq3A_580 : vector<18x256xi32>
    %convert_element_type3A_582 = arith.extui %eq3A_581 : vector<18x256xi1> to vector<18x256xi32>
    %convert_element_type3A_583 = arith.sitofp %convert_element_type3A_582 : vector<18x256xi32> to vector<18x256xf32>
    %concatenate3A_584 = tpu.concatenate %get3A_576, %convert_element_type3A_583 in 0 : vector<11x256xf32>, vector<18x256xf32> -> vector<29x256xf32>
    %dot_general3A_585 = arith.constant dense<0.000000e+00> : vector<128x256xf32>
    %dot_general3A_586 = tpu.matmul %transpose3A, %concatenate3A_584, %dot_general3A_585 {dimension_numbers = #tpu.dot_dimension_numbers<[1], [0], [0], [1], [0, 0, 1, 1], [], []>, transpose_lhs_hint = false} : vector<128x29xf32>, vector<29x256xf32>, vector<128x256xf32> -> vector<128x256xf32>
    %max3A_587 = arith.maximumf %dot_general3A_573, %dot_general3A_586 : vector<128x256xf32>
    %get3A_588 = arith.constant 22 : index
    %get3A_589 = arith.constant 768 : index
    %get3A_590 = vector.load %arg3[%get3A_588, %get3A_589] : memref<132x4096xf32, #tpu.memory_space<vmem>>, vector<11x256xf32>
    %slice3A_591 = vector.extract_strided_slice %get3A_560 {offsets = [2, 0, 0], sizes = [1, 1, 256], strides = [1, 1, 1]} : vector<12x1x256xi32> to vector<1x1x256xi32>
    %squeeze3A_592 = vector.shape_cast %slice3A_591 : vector<1x1x256xi32> to vector<1x256xi32>
    %eq3A_593 = vector.broadcast %squeeze3A_592 : vector<1x256xi32> to vector<18x256xi32>
    %eq3A_594 = vector.broadcast %iota3A : vector<18x1xi32> to vector<18x256xi32>
    %eq3A_595 = arith.cmpi eq, %eq3A_593, %eq3A_594 : vector<18x256xi32>
    %convert_element_type3A_596 = arith.extui %eq3A_595 : vector<18x256xi1> to vector<18x256xi32>
    %convert_element_type3A_597 = arith.sitofp %convert_element_type3A_596 : vector<18x256xi32> to vector<18x256xf32>
    %concatenate3A_598 = tpu.concatenate %get3A_590, %convert_element_type3A_597 in 0 : vector<11x256xf32>, vector<18x256xf32> -> vector<29x256xf32>
    %dot_general3A_599 = arith.constant dense<0.000000e+00> : vector<128x256xf32>
    %dot_general3A_600 = tpu.matmul %transpose3A, %concatenate3A_598, %dot_general3A_599 {dimension_numbers = #tpu.dot_dimension_numbers<[1], [0], [0], [1], [0, 0, 1, 1], [], []>, transpose_lhs_hint = false} : vector<128x29xf32>, vector<29x256xf32>, vector<128x256xf32> -> vector<128x256xf32>
    %max3A_601 = arith.maximumf %max3A_587, %dot_general3A_600 : vector<128x256xf32>
    %get3A_602 = arith.constant 33 : index
    %get3A_603 = arith.constant 768 : index
    %get3A_604 = vector.load %arg3[%get3A_602, %get3A_603] : memref<132x4096xf32, #tpu.memory_space<vmem>>, vector<11x256xf32>
    %slice3A_605 = vector.extract_strided_slice %get3A_560 {offsets = [3, 0, 0], sizes = [1, 1, 256], strides = [1, 1, 1]} : vector<12x1x256xi32> to vector<1x1x256xi32>
    %squeeze3A_606 = vector.shape_cast %slice3A_605 : vector<1x1x256xi32> to vector<1x256xi32>
    %eq3A_607 = vector.broadcast %squeeze3A_606 : vector<1x256xi32> to vector<18x256xi32>
    %eq3A_608 = vector.broadcast %iota3A : vector<18x1xi32> to vector<18x256xi32>
    %eq3A_609 = arith.cmpi eq, %eq3A_607, %eq3A_608 : vector<18x256xi32>
    %convert_element_type3A_610 = arith.extui %eq3A_609 : vector<18x256xi1> to vector<18x256xi32>
    %convert_element_type3A_611 = arith.sitofp %convert_element_type3A_610 : vector<18x256xi32> to vector<18x256xf32>
    %concatenate3A_612 = tpu.concatenate %get3A_604, %convert_element_type3A_611 in 0 : vector<11x256xf32>, vector<18x256xf32> -> vector<29x256xf32>
    %dot_general3A_613 = arith.constant dense<0.000000e+00> : vector<128x256xf32>
    %dot_general3A_614 = tpu.matmul %transpose3A, %concatenate3A_612, %dot_general3A_613 {dimension_numbers = #tpu.dot_dimension_numbers<[1], [0], [0], [1], [0, 0, 1, 1], [], []>, transpose_lhs_hint = false} : vector<128x29xf32>, vector<29x256xf32>, vector<128x256xf32> -> vector<128x256xf32>
    %max3A_615 = arith.maximumf %max3A_601, %dot_general3A_614 : vector<128x256xf32>
    %get3A_616 = arith.constant 44 : index
    %get3A_617 = arith.constant 768 : index
    %get3A_618 = vector.load %arg3[%get3A_616, %get3A_617] : memref<132x4096xf32, #tpu.memory_space<vmem>>, vector<11x256xf32>
    %slice3A_619 = vector.extract_strided_slice %get3A_560 {offsets = [4, 0, 0], sizes = [1, 1, 256], strides = [1, 1, 1]} : vector<12x1x256xi32> to vector<1x1x256xi32>
    %squeeze3A_620 = vector.shape_cast %slice3A_619 : vector<1x1x256xi32> to vector<1x256xi32>
    %eq3A_621 = vector.broadcast %squeeze3A_620 : vector<1x256xi32> to vector<18x256xi32>
    %eq3A_622 = vector.broadcast %iota3A : vector<18x1xi32> to vector<18x256xi32>
    %eq3A_623 = arith.cmpi eq, %eq3A_621, %eq3A_622 : vector<18x256xi32>
    %convert_element_type3A_624 = arith.extui %eq3A_623 : vector<18x256xi1> to vector<18x256xi32>
    %convert_element_type3A_625 = arith.sitofp %convert_element_type3A_624 : vector<18x256xi32> to vector<18x256xf32>
    %concatenate3A_626 = tpu.concatenate %get3A_618, %convert_element_type3A_625 in 0 : vector<11x256xf32>, vector<18x256xf32> -> vector<29x256xf32>
    %dot_general3A_627 = arith.constant dense<0.000000e+00> : vector<128x256xf32>
    %dot_general3A_628 = tpu.matmul %transpose3A, %concatenate3A_626, %dot_general3A_627 {dimension_numbers = #tpu.dot_dimension_numbers<[1], [0], [0], [1], [0, 0, 1, 1], [], []>, transpose_lhs_hint = false} : vector<128x29xf32>, vector<29x256xf32>, vector<128x256xf32> -> vector<128x256xf32>
    %max3A_629 = arith.maximumf %max3A_615, %dot_general3A_628 : vector<128x256xf32>
    %get3A_630 = arith.constant 55 : index
    %get3A_631 = arith.constant 768 : index
    %get3A_632 = vector.load %arg3[%get3A_630, %get3A_631] : memref<132x4096xf32, #tpu.memory_space<vmem>>, vector<11x256xf32>
    %slice3A_633 = vector.extract_strided_slice %get3A_560 {offsets = [5, 0, 0], sizes = [1, 1, 256], strides = [1, 1, 1]} : vector<12x1x256xi32> to vector<1x1x256xi32>
    %squeeze3A_634 = vector.shape_cast %slice3A_633 : vector<1x1x256xi32> to vector<1x256xi32>
    %eq3A_635 = vector.broadcast %squeeze3A_634 : vector<1x256xi32> to vector<18x256xi32>
    %eq3A_636 = vector.broadcast %iota3A : vector<18x1xi32> to vector<18x256xi32>
    %eq3A_637 = arith.cmpi eq, %eq3A_635, %eq3A_636 : vector<18x256xi32>
    %convert_element_type3A_638 = arith.extui %eq3A_637 : vector<18x256xi1> to vector<18x256xi32>
    %convert_element_type3A_639 = arith.sitofp %convert_element_type3A_638 : vector<18x256xi32> to vector<18x256xf32>
    %concatenate3A_640 = tpu.concatenate %get3A_632, %convert_element_type3A_639 in 0 : vector<11x256xf32>, vector<18x256xf32> -> vector<29x256xf32>
    %dot_general3A_641 = arith.constant dense<0.000000e+00> : vector<128x256xf32>
    %dot_general3A_642 = tpu.matmul %transpose3A, %concatenate3A_640, %dot_general3A_641 {dimension_numbers = #tpu.dot_dimension_numbers<[1], [0], [0], [1], [0, 0, 1, 1], [], []>, transpose_lhs_hint = false} : vector<128x29xf32>, vector<29x256xf32>, vector<128x256xf32> -> vector<128x256xf32>
    %max3A_643 = arith.maximumf %max3A_629, %dot_general3A_642 : vector<128x256xf32>
    %get3A_644 = arith.constant 66 : index
    %get3A_645 = arith.constant 768 : index
    %get3A_646 = vector.load %arg3[%get3A_644, %get3A_645] : memref<132x4096xf32, #tpu.memory_space<vmem>>, vector<11x256xf32>
    %slice3A_647 = vector.extract_strided_slice %get3A_560 {offsets = [6, 0, 0], sizes = [1, 1, 256], strides = [1, 1, 1]} : vector<12x1x256xi32> to vector<1x1x256xi32>
    %squeeze3A_648 = vector.shape_cast %slice3A_647 : vector<1x1x256xi32> to vector<1x256xi32>
    %eq3A_649 = vector.broadcast %squeeze3A_648 : vector<1x256xi32> to vector<18x256xi32>
    %eq3A_650 = vector.broadcast %iota3A : vector<18x1xi32> to vector<18x256xi32>
    %eq3A_651 = arith.cmpi eq, %eq3A_649, %eq3A_650 : vector<18x256xi32>
    %convert_element_type3A_652 = arith.extui %eq3A_651 : vector<18x256xi1> to vector<18x256xi32>
    %convert_element_type3A_653 = arith.sitofp %convert_element_type3A_652 : vector<18x256xi32> to vector<18x256xf32>
    %concatenate3A_654 = tpu.concatenate %get3A_646, %convert_element_type3A_653 in 0 : vector<11x256xf32>, vector<18x256xf32> -> vector<29x256xf32>
    %dot_general3A_655 = arith.constant dense<0.000000e+00> : vector<128x256xf32>
    %dot_general3A_656 = tpu.matmul %transpose3A, %concatenate3A_654, %dot_general3A_655 {dimension_numbers = #tpu.dot_dimension_numbers<[1], [0], [0], [1], [0, 0, 1, 1], [], []>, transpose_lhs_hint = false} : vector<128x29xf32>, vector<29x256xf32>, vector<128x256xf32> -> vector<128x256xf32>
    %max3A_657 = arith.maximumf %max3A_643, %dot_general3A_656 : vector<128x256xf32>
    %get3A_658 = arith.constant 77 : index
    %get3A_659 = arith.constant 768 : index
    %get3A_660 = vector.load %arg3[%get3A_658, %get3A_659] : memref<132x4096xf32, #tpu.memory_space<vmem>>, vector<11x256xf32>
    %slice3A_661 = vector.extract_strided_slice %get3A_560 {offsets = [7, 0, 0], sizes = [1, 1, 256], strides = [1, 1, 1]} : vector<12x1x256xi32> to vector<1x1x256xi32>
    %squeeze3A_662 = vector.shape_cast %slice3A_661 : vector<1x1x256xi32> to vector<1x256xi32>
    %eq3A_663 = vector.broadcast %squeeze3A_662 : vector<1x256xi32> to vector<18x256xi32>
    %eq3A_664 = vector.broadcast %iota3A : vector<18x1xi32> to vector<18x256xi32>
    %eq3A_665 = arith.cmpi eq, %eq3A_663, %eq3A_664 : vector<18x256xi32>
    %convert_element_type3A_666 = arith.extui %eq3A_665 : vector<18x256xi1> to vector<18x256xi32>
    %convert_element_type3A_667 = arith.sitofp %convert_element_type3A_666 : vector<18x256xi32> to vector<18x256xf32>
    %concatenate3A_668 = tpu.concatenate %get3A_660, %convert_element_type3A_667 in 0 : vector<11x256xf32>, vector<18x256xf32> -> vector<29x256xf32>
    %dot_general3A_669 = arith.constant dense<0.000000e+00> : vector<128x256xf32>
    %dot_general3A_670 = tpu.matmul %transpose3A, %concatenate3A_668, %dot_general3A_669 {dimension_numbers = #tpu.dot_dimension_numbers<[1], [0], [0], [1], [0, 0, 1, 1], [], []>, transpose_lhs_hint = false} : vector<128x29xf32>, vector<29x256xf32>, vector<128x256xf32> -> vector<128x256xf32>
    %max3A_671 = arith.maximumf %max3A_657, %dot_general3A_670 : vector<128x256xf32>
    %get3A_672 = arith.constant 88 : index
    %get3A_673 = arith.constant 768 : index
    %get3A_674 = vector.load %arg3[%get3A_672, %get3A_673] : memref<132x4096xf32, #tpu.memory_space<vmem>>, vector<11x256xf32>
    %slice3A_675 = vector.extract_strided_slice %get3A_560 {offsets = [8, 0, 0], sizes = [1, 1, 256], strides = [1, 1, 1]} : vector<12x1x256xi32> to vector<1x1x256xi32>
    %squeeze3A_676 = vector.shape_cast %slice3A_675 : vector<1x1x256xi32> to vector<1x256xi32>
    %eq3A_677 = vector.broadcast %squeeze3A_676 : vector<1x256xi32> to vector<18x256xi32>
    %eq3A_678 = vector.broadcast %iota3A : vector<18x1xi32> to vector<18x256xi32>
    %eq3A_679 = arith.cmpi eq, %eq3A_677, %eq3A_678 : vector<18x256xi32>
    %convert_element_type3A_680 = arith.extui %eq3A_679 : vector<18x256xi1> to vector<18x256xi32>
    %convert_element_type3A_681 = arith.sitofp %convert_element_type3A_680 : vector<18x256xi32> to vector<18x256xf32>
    %concatenate3A_682 = tpu.concatenate %get3A_674, %convert_element_type3A_681 in 0 : vector<11x256xf32>, vector<18x256xf32> -> vector<29x256xf32>
    %dot_general3A_683 = arith.constant dense<0.000000e+00> : vector<128x256xf32>
    %dot_general3A_684 = tpu.matmul %transpose3A, %concatenate3A_682, %dot_general3A_683 {dimension_numbers = #tpu.dot_dimension_numbers<[1], [0], [0], [1], [0, 0, 1, 1], [], []>, transpose_lhs_hint = false} : vector<128x29xf32>, vector<29x256xf32>, vector<128x256xf32> -> vector<128x256xf32>
    %max3A_685 = arith.maximumf %max3A_671, %dot_general3A_684 : vector<128x256xf32>
    %get3A_686 = arith.constant 99 : index
    %get3A_687 = arith.constant 768 : index
    %get3A_688 = vector.load %arg3[%get3A_686, %get3A_687] : memref<132x4096xf32, #tpu.memory_space<vmem>>, vector<11x256xf32>
    %slice3A_689 = vector.extract_strided_slice %get3A_560 {offsets = [9, 0, 0], sizes = [1, 1, 256], strides = [1, 1, 1]} : vector<12x1x256xi32> to vector<1x1x256xi32>
    %squeeze3A_690 = vector.shape_cast %slice3A_689 : vector<1x1x256xi32> to vector<1x256xi32>
    %eq3A_691 = vector.broadcast %squeeze3A_690 : vector<1x256xi32> to vector<18x256xi32>
    %eq3A_692 = vector.broadcast %iota3A : vector<18x1xi32> to vector<18x256xi32>
    %eq3A_693 = arith.cmpi eq, %eq3A_691, %eq3A_692 : vector<18x256xi32>
    %convert_element_type3A_694 = arith.extui %eq3A_693 : vector<18x256xi1> to vector<18x256xi32>
    %convert_element_type3A_695 = arith.sitofp %convert_element_type3A_694 : vector<18x256xi32> to vector<18x256xf32>
    %concatenate3A_696 = tpu.concatenate %get3A_688, %convert_element_type3A_695 in 0 : vector<11x256xf32>, vector<18x256xf32> -> vector<29x256xf32>
    %dot_general3A_697 = arith.constant dense<0.000000e+00> : vector<128x256xf32>
    %dot_general3A_698 = tpu.matmul %transpose3A, %concatenate3A_696, %dot_general3A_697 {dimension_numbers = #tpu.dot_dimension_numbers<[1], [0], [0], [1], [0, 0, 1, 1], [], []>, transpose_lhs_hint = false} : vector<128x29xf32>, vector<29x256xf32>, vector<128x256xf32> -> vector<128x256xf32>
    %max3A_699 = arith.maximumf %max3A_685, %dot_general3A_698 : vector<128x256xf32>
    %get3A_700 = arith.constant 110 : index
    %get3A_701 = arith.constant 768 : index
    %get3A_702 = vector.load %arg3[%get3A_700, %get3A_701] : memref<132x4096xf32, #tpu.memory_space<vmem>>, vector<11x256xf32>
    %slice3A_703 = vector.extract_strided_slice %get3A_560 {offsets = [10, 0, 0], sizes = [1, 1, 256], strides = [1, 1, 1]} : vector<12x1x256xi32> to vector<1x1x256xi32>
    %squeeze3A_704 = vector.shape_cast %slice3A_703 : vector<1x1x256xi32> to vector<1x256xi32>
    %eq3A_705 = vector.broadcast %squeeze3A_704 : vector<1x256xi32> to vector<18x256xi32>
    %eq3A_706 = vector.broadcast %iota3A : vector<18x1xi32> to vector<18x256xi32>
    %eq3A_707 = arith.cmpi eq, %eq3A_705, %eq3A_706 : vector<18x256xi32>
    %convert_element_type3A_708 = arith.extui %eq3A_707 : vector<18x256xi1> to vector<18x256xi32>
    %convert_element_type3A_709 = arith.sitofp %convert_element_type3A_708 : vector<18x256xi32> to vector<18x256xf32>
    %concatenate3A_710 = tpu.concatenate %get3A_702, %convert_element_type3A_709 in 0 : vector<11x256xf32>, vector<18x256xf32> -> vector<29x256xf32>
    %dot_general3A_711 = arith.constant dense<0.000000e+00> : vector<128x256xf32>
    %dot_general3A_712 = tpu.matmul %transpose3A, %concatenate3A_710, %dot_general3A_711 {dimension_numbers = #tpu.dot_dimension_numbers<[1], [0], [0], [1], [0, 0, 1, 1], [], []>, transpose_lhs_hint = false} : vector<128x29xf32>, vector<29x256xf32>, vector<128x256xf32> -> vector<128x256xf32>
    %max3A_713 = arith.maximumf %max3A_699, %dot_general3A_712 : vector<128x256xf32>
    %get3A_714 = arith.constant 121 : index
    %get3A_715 = arith.constant 768 : index
    %get3A_716 = vector.load %arg3[%get3A_714, %get3A_715] : memref<132x4096xf32, #tpu.memory_space<vmem>>, vector<11x256xf32>
    %slice3A_717 = vector.extract_strided_slice %get3A_560 {offsets = [11, 0, 0], sizes = [1, 1, 256], strides = [1, 1, 1]} : vector<12x1x256xi32> to vector<1x1x256xi32>
    %squeeze3A_718 = vector.shape_cast %slice3A_717 : vector<1x1x256xi32> to vector<1x256xi32>
    %eq3A_719 = vector.broadcast %squeeze3A_718 : vector<1x256xi32> to vector<18x256xi32>
    %eq3A_720 = vector.broadcast %iota3A : vector<18x1xi32> to vector<18x256xi32>
    %eq3A_721 = arith.cmpi eq, %eq3A_719, %eq3A_720 : vector<18x256xi32>
    %convert_element_type3A_722 = arith.extui %eq3A_721 : vector<18x256xi1> to vector<18x256xi32>
    %convert_element_type3A_723 = arith.sitofp %convert_element_type3A_722 : vector<18x256xi32> to vector<18x256xf32>
    %concatenate3A_724 = tpu.concatenate %get3A_716, %convert_element_type3A_723 in 0 : vector<11x256xf32>, vector<18x256xf32> -> vector<29x256xf32>
    %dot_general3A_725 = arith.constant dense<0.000000e+00> : vector<128x256xf32>
    %dot_general3A_726 = tpu.matmul %transpose3A, %concatenate3A_724, %dot_general3A_725 {dimension_numbers = #tpu.dot_dimension_numbers<[1], [0], [0], [1], [0, 0, 1, 1], [], []>, transpose_lhs_hint = false} : vector<128x29xf32>, vector<29x256xf32>, vector<128x256xf32> -> vector<128x256xf32>
    %max3A_727 = arith.maximumf %max3A_713, %dot_general3A_726 : vector<128x256xf32>
    %get3A_728 = arith.constant 0 : index
    %get3A_729 = arith.constant 0 : index
    %get3A_730 = vector.load %arg6[%get3A_728, %get3A_729] : memref<128x1xf32, #tpu.memory_space<vmem>>, vector<128x1xf32>
    %add3A_731 = vector.broadcast %get3A_730 : vector<128x1xf32> to vector<128x256xf32>
    %add3A_732 = arith.addf %max3A_727, %add3A_731 : vector<128x256xf32>
    %max3A_733 = arith.constant 0.000000e+00 : f32
    %max3A_734 = vector.broadcast %max3A_733 : f32 to vector<128x256xf32>
    %max3A_735 = arith.maximumf %add3A_732, %max3A_734 : vector<128x256xf32>
    %swap3A_736 = arith.constant 0 : index
    %swap3A_737 = arith.constant 0 : index
    %swap3A_738 = arith.constant 768 : index
    %swap3A_739 = vector.load %arg7[%swap3A_736, %swap3A_737, %swap3A_738] : memref<1x128x4096xf32, #tpu.memory_space<vmem>>, vector<1x128x256xf32>
    %swap3A_740 = vector.shape_cast %swap3A_739 : vector<1x128x256xf32> to vector<128x256xf32>
    %swap3A_741 = vector.shape_cast %max3A_735 : vector<128x256xf32> to vector<1x128x256xf32>
    tpu.vector_store %arg7[%swap3A_736, %swap3A_737, %swap3A_738], %swap3A_741 {strides = array<i32>} : memref<1x128x4096xf32, #tpu.memory_space<vmem>>, vector<1x128x256xf32>,
    %get3A_742 = arith.constant 0 : index
    %get3A_743 = arith.index_cast %arg1 : i32 to index
    %get3A_744 = arith.constant 1024 : index
    %get3A_745 = vector.load %arg2[%get3A_742, %get3A_743, %get3A_744] : memref<12x8x4096xi32, #tpu.memory_space<vmem>>, vector<12x1x256xi32>
    %get3A_746 = arith.constant 0 : index
    %get3A_747 = arith.constant 1024 : index
    %get3A_748 = vector.load %arg3[%get3A_746, %get3A_747] : memref<132x4096xf32, #tpu.memory_space<vmem>>, vector<11x256xf32>
    %slice3A_749 = vector.extract_strided_slice %get3A_745 {offsets = [0, 0, 0], sizes = [1, 1, 256], strides = [1, 1, 1]} : vector<12x1x256xi32> to vector<1x1x256xi32>
    %squeeze3A_750 = vector.shape_cast %slice3A_749 : vector<1x1x256xi32> to vector<1x256xi32>
    %eq3A_751 = vector.broadcast %squeeze3A_750 : vector<1x256xi32> to vector<18x256xi32>
    %eq3A_752 = vector.broadcast %iota3A : vector<18x1xi32> to vector<18x256xi32>
    %eq3A_753 = arith.cmpi eq, %eq3A_751, %eq3A_752 : vector<18x256xi32>
    %convert_element_type3A_754 = arith.extui %eq3A_753 : vector<18x256xi1> to vector<18x256xi32>
    %convert_element_type3A_755 = arith.sitofp %convert_element_type3A_754 : vector<18x256xi32> to vector<18x256xf32>
    %concatenate3A_756 = tpu.concatenate %get3A_748, %convert_element_type3A_755 in 0 : vector<11x256xf32>, vector<18x256xf32> -> vector<29x256xf32>
    %dot_general3A_757 = arith.constant dense<0.000000e+00> : vector<128x256xf32>
    %dot_general3A_758 = tpu.matmul %transpose3A, %concatenate3A_756, %dot_general3A_757 {dimension_numbers = #tpu.dot_dimension_numbers<[1], [0], [0], [1], [0, 0, 1, 1], [], []>, transpose_lhs_hint = false} : vector<128x29xf32>, vector<29x256xf32>, vector<128x256xf32> -> vector<128x256xf32>
    %get3A_759 = arith.constant 11 : index
    %get3A_760 = arith.constant 1024 : index
    %get3A_761 = vector.load %arg3[%get3A_759, %get3A_760] : memref<132x4096xf32, #tpu.memory_space<vmem>>, vector<11x256xf32>
    %slice3A_762 = vector.extract_strided_slice %get3A_745 {offsets = [1, 0, 0], sizes = [1, 1, 256], strides = [1, 1, 1]} : vector<12x1x256xi32> to vector<1x1x256xi32>
    %squeeze3A_763 = vector.shape_cast %slice3A_762 : vector<1x1x256xi32> to vector<1x256xi32>
    %eq3A_764 = vector.broadcast %squeeze3A_763 : vector<1x256xi32> to vector<18x256xi32>
    %eq3A_765 = vector.broadcast %iota3A : vector<18x1xi32> to vector<18x256xi32>
    %eq3A_766 = arith.cmpi eq, %eq3A_764, %eq3A_765 : vector<18x256xi32>
    %convert_element_type3A_767 = arith.extui %eq3A_766 : vector<18x256xi1> to vector<18x256xi32>
    %convert_element_type3A_768 = arith.sitofp %convert_element_type3A_767 : vector<18x256xi32> to vector<18x256xf32>
    %concatenate3A_769 = tpu.concatenate %get3A_761, %convert_element_type3A_768 in 0 : vector<11x256xf32>, vector<18x256xf32> -> vector<29x256xf32>
    %dot_general3A_770 = arith.constant dense<0.000000e+00> : vector<128x256xf32>
    %dot_general3A_771 = tpu.matmul %transpose3A, %concatenate3A_769, %dot_general3A_770 {dimension_numbers = #tpu.dot_dimension_numbers<[1], [0], [0], [1], [0, 0, 1, 1], [], []>, transpose_lhs_hint = false} : vector<128x29xf32>, vector<29x256xf32>, vector<128x256xf32> -> vector<128x256xf32>
    %max3A_772 = arith.maximumf %dot_general3A_758, %dot_general3A_771 : vector<128x256xf32>
    %get3A_773 = arith.constant 22 : index
    %get3A_774 = arith.constant 1024 : index
    %get3A_775 = vector.load %arg3[%get3A_773, %get3A_774] : memref<132x4096xf32, #tpu.memory_space<vmem>>, vector<11x256xf32>
    %slice3A_776 = vector.extract_strided_slice %get3A_745 {offsets = [2, 0, 0], sizes = [1, 1, 256], strides = [1, 1, 1]} : vector<12x1x256xi32> to vector<1x1x256xi32>
    %squeeze3A_777 = vector.shape_cast %slice3A_776 : vector<1x1x256xi32> to vector<1x256xi32>
    %eq3A_778 = vector.broadcast %squeeze3A_777 : vector<1x256xi32> to vector<18x256xi32>
    %eq3A_779 = vector.broadcast %iota3A : vector<18x1xi32> to vector<18x256xi32>
    %eq3A_780 = arith.cmpi eq, %eq3A_778, %eq3A_779 : vector<18x256xi32>
    %convert_element_type3A_781 = arith.extui %eq3A_780 : vector<18x256xi1> to vector<18x256xi32>
    %convert_element_type3A_782 = arith.sitofp %convert_element_type3A_781 : vector<18x256xi32> to vector<18x256xf32>
    %concatenate3A_783 = tpu.concatenate %get3A_775, %convert_element_type3A_782 in 0 : vector<11x256xf32>, vector<18x256xf32> -> vector<29x256xf32>
    %dot_general3A_784 = arith.constant dense<0.000000e+00> : vector<128x256xf32>
    %dot_general3A_785 = tpu.matmul %transpose3A, %concatenate3A_783, %dot_general3A_784 {dimension_numbers = #tpu.dot_dimension_numbers<[1], [0], [0], [1], [0, 0, 1, 1], [], []>, transpose_lhs_hint = false} : vector<128x29xf32>, vector<29x256xf32>, vector<128x256xf32> -> vector<128x256xf32>
    %max3A_786 = arith.maximumf %max3A_772, %dot_general3A_785 : vector<128x256xf32>
    %get3A_787 = arith.constant 33 : index
    %get3A_788 = arith.constant 1024 : index
    %get3A_789 = vector.load %arg3[%get3A_787, %get3A_788] : memref<132x4096xf32, #tpu.memory_space<vmem>>, vector<11x256xf32>
    %slice3A_790 = vector.extract_strided_slice %get3A_745 {offsets = [3, 0, 0], sizes = [1, 1, 256], strides = [1, 1, 1]} : vector<12x1x256xi32> to vector<1x1x256xi32>
    %squeeze3A_791 = vector.shape_cast %slice3A_790 : vector<1x1x256xi32> to vector<1x256xi32>
    %eq3A_792 = vector.broadcast %squeeze3A_791 : vector<1x256xi32> to vector<18x256xi32>
    %eq3A_793 = vector.broadcast %iota3A : vector<18x1xi32> to vector<18x256xi32>
    %eq3A_794 = arith.cmpi eq, %eq3A_792, %eq3A_793 : vector<18x256xi32>
    %convert_element_type3A_795 = arith.extui %eq3A_794 : vector<18x256xi1> to vector<18x256xi32>
    %convert_element_type3A_796 = arith.sitofp %convert_element_type3A_795 : vector<18x256xi32> to vector<18x256xf32>
    %concatenate3A_797 = tpu.concatenate %get3A_789, %convert_element_type3A_796 in 0 : vector<11x256xf32>, vector<18x256xf32> -> vector<29x256xf32>
    %dot_general3A_798 = arith.constant dense<0.000000e+00> : vector<128x256xf32>
    %dot_general3A_799 = tpu.matmul %transpose3A, %concatenate3A_797, %dot_general3A_798 {dimension_numbers = #tpu.dot_dimension_numbers<[1], [0], [0], [1], [0, 0, 1, 1], [], []>, transpose_lhs_hint = false} : vector<128x29xf32>, vector<29x256xf32>, vector<128x256xf32> -> vector<128x256xf32>
    %max3A_800 = arith.maximumf %max3A_786, %dot_general3A_799 : vector<128x256xf32>
    %get3A_801 = arith.constant 44 : index
    %get3A_802 = arith.constant 1024 : index
    %get3A_803 = vector.load %arg3[%get3A_801, %get3A_802] : memref<132x4096xf32, #tpu.memory_space<vmem>>, vector<11x256xf32>
    %slice3A_804 = vector.extract_strided_slice %get3A_745 {offsets = [4, 0, 0], sizes = [1, 1, 256], strides = [1, 1, 1]} : vector<12x1x256xi32> to vector<1x1x256xi32>
    %squeeze3A_805 = vector.shape_cast %slice3A_804 : vector<1x1x256xi32> to vector<1x256xi32>
    %eq3A_806 = vector.broadcast %squeeze3A_805 : vector<1x256xi32> to vector<18x256xi32>
    %eq3A_807 = vector.broadcast %iota3A : vector<18x1xi32> to vector<18x256xi32>
    %eq3A_808 = arith.cmpi eq, %eq3A_806, %eq3A_807 : vector<18x256xi32>
    %convert_element_type3A_809 = arith.extui %eq3A_808 : vector<18x256xi1> to vector<18x256xi32>
    %convert_element_type3A_810 = arith.sitofp %convert_element_type3A_809 : vector<18x256xi32> to vector<18x256xf32>
    %concatenate3A_811 = tpu.concatenate %get3A_803, %convert_element_type3A_810 in 0 : vector<11x256xf32>, vector<18x256xf32> -> vector<29x256xf32>
    %dot_general3A_812 = arith.constant dense<0.000000e+00> : vector<128x256xf32>
    %dot_general3A_813 = tpu.matmul %transpose3A, %concatenate3A_811, %dot_general3A_812 {dimension_numbers = #tpu.dot_dimension_numbers<[1], [0], [0], [1], [0, 0, 1, 1], [], []>, transpose_lhs_hint = false} : vector<128x29xf32>, vector<29x256xf32>, vector<128x256xf32> -> vector<128x256xf32>
    %max3A_814 = arith.maximumf %max3A_800, %dot_general3A_813 : vector<128x256xf32>
    %get3A_815 = arith.constant 55 : index
    %get3A_816 = arith.constant 1024 : index
    %get3A_817 = vector.load %arg3[%get3A_815, %get3A_816] : memref<132x4096xf32, #tpu.memory_space<vmem>>, vector<11x256xf32>
    %slice3A_818 = vector.extract_strided_slice %get3A_745 {offsets = [5, 0, 0], sizes = [1, 1, 256], strides = [1, 1, 1]} : vector<12x1x256xi32> to vector<1x1x256xi32>
    %squeeze3A_819 = vector.shape_cast %slice3A_818 : vector<1x1x256xi32> to vector<1x256xi32>
    %eq3A_820 = vector.broadcast %squeeze3A_819 : vector<1x256xi32> to vector<18x256xi32>
    %eq3A_821 = vector.broadcast %iota3A : vector<18x1xi32> to vector<18x256xi32>
    %eq3A_822 = arith.cmpi eq, %eq3A_820, %eq3A_821 : vector<18x256xi32>
    %convert_element_type3A_823 = arith.extui %eq3A_822 : vector<18x256xi1> to vector<18x256xi32>
    %convert_element_type3A_824 = arith.sitofp %convert_element_type3A_823 : vector<18x256xi32> to vector<18x256xf32>
    %concatenate3A_825 = tpu.concatenate %get3A_817, %convert_element_type3A_824 in 0 : vector<11x256xf32>, vector<18x256xf32> -> vector<29x256xf32>
    %dot_general3A_826 = arith.constant dense<0.000000e+00> : vector<128x256xf32>
    %dot_general3A_827 = tpu.matmul %transpose3A, %concatenate3A_825, %dot_general3A_826 {dimension_numbers = #tpu.dot_dimension_numbers<[1], [0], [0], [1], [0, 0, 1, 1], [], []>, transpose_lhs_hint = false} : vector<128x29xf32>, vector<29x256xf32>, vector<128x256xf32> -> vector<128x256xf32>
    %max3A_828 = arith.maximumf %max3A_814, %dot_general3A_827 : vector<128x256xf32>
    %get3A_829 = arith.constant 66 : index
    %get3A_830 = arith.constant 1024 : index
    %get3A_831 = vector.load %arg3[%get3A_829, %get3A_830] : memref<132x4096xf32, #tpu.memory_space<vmem>>, vector<11x256xf32>
    %slice3A_832 = vector.extract_strided_slice %get3A_745 {offsets = [6, 0, 0], sizes = [1, 1, 256], strides = [1, 1, 1]} : vector<12x1x256xi32> to vector<1x1x256xi32>
    %squeeze3A_833 = vector.shape_cast %slice3A_832 : vector<1x1x256xi32> to vector<1x256xi32>
    %eq3A_834 = vector.broadcast %squeeze3A_833 : vector<1x256xi32> to vector<18x256xi32>
    %eq3A_835 = vector.broadcast %iota3A : vector<18x1xi32> to vector<18x256xi32>
    %eq3A_836 = arith.cmpi eq, %eq3A_834, %eq3A_835 : vector<18x256xi32>
    %convert_element_type3A_837 = arith.extui %eq3A_836 : vector<18x256xi1> to vector<18x256xi32>
    %convert_element_type3A_838 = arith.sitofp %convert_element_type3A_837 : vector<18x256xi32> to vector<18x256xf32>
    %concatenate3A_839 = tpu.concatenate %get3A_831, %convert_element_type3A_838 in 0 : vector<11x256xf32>, vector<18x256xf32> -> vector<29x256xf32>
    %dot_general3A_840 = arith.constant dense<0.000000e+00> : vector<128x256xf32>
    %dot_general3A_841 = tpu.matmul %transpose3A, %concatenate3A_839, %dot_general3A_840 {dimension_numbers = #tpu.dot_dimension_numbers<[1], [0], [0], [1], [0, 0, 1, 1], [], []>, transpose_lhs_hint = false} : vector<128x29xf32>, vector<29x256xf32>, vector<128x256xf32> -> vector<128x256xf32>
    %max3A_842 = arith.maximumf %max3A_828, %dot_general3A_841 : vector<128x256xf32>
    %get3A_843 = arith.constant 77 : index
    %get3A_844 = arith.constant 1024 : index
    %get3A_845 = vector.load %arg3[%get3A_843, %get3A_844] : memref<132x4096xf32, #tpu.memory_space<vmem>>, vector<11x256xf32>
    %slice3A_846 = vector.extract_strided_slice %get3A_745 {offsets = [7, 0, 0], sizes = [1, 1, 256], strides = [1, 1, 1]} : vector<12x1x256xi32> to vector<1x1x256xi32>
    %squeeze3A_847 = vector.shape_cast %slice3A_846 : vector<1x1x256xi32> to vector<1x256xi32>
    %eq3A_848 = vector.broadcast %squeeze3A_847 : vector<1x256xi32> to vector<18x256xi32>
    %eq3A_849 = vector.broadcast %iota3A : vector<18x1xi32> to vector<18x256xi32>
    %eq3A_850 = arith.cmpi eq, %eq3A_848, %eq3A_849 : vector<18x256xi32>
    %convert_element_type3A_851 = arith.extui %eq3A_850 : vector<18x256xi1> to vector<18x256xi32>
    %convert_element_type3A_852 = arith.sitofp %convert_element_type3A_851 : vector<18x256xi32> to vector<18x256xf32>
    %concatenate3A_853 = tpu.concatenate %get3A_845, %convert_element_type3A_852 in 0 : vector<11x256xf32>, vector<18x256xf32> -> vector<29x256xf32>
    %dot_general3A_854 = arith.constant dense<0.000000e+00> : vector<128x256xf32>
    %dot_general3A_855 = tpu.matmul %transpose3A, %concatenate3A_853, %dot_general3A_854 {dimension_numbers = #tpu.dot_dimension_numbers<[1], [0], [0], [1], [0, 0, 1, 1], [], []>, transpose_lhs_hint = false} : vector<128x29xf32>, vector<29x256xf32>, vector<128x256xf32> -> vector<128x256xf32>
    %max3A_856 = arith.maximumf %max3A_842, %dot_general3A_855 : vector<128x256xf32>
    %get3A_857 = arith.constant 88 : index
    %get3A_858 = arith.constant 1024 : index
    %get3A_859 = vector.load %arg3[%get3A_857, %get3A_858] : memref<132x4096xf32, #tpu.memory_space<vmem>>, vector<11x256xf32>
    %slice3A_860 = vector.extract_strided_slice %get3A_745 {offsets = [8, 0, 0], sizes = [1, 1, 256], strides = [1, 1, 1]} : vector<12x1x256xi32> to vector<1x1x256xi32>
    %squeeze3A_861 = vector.shape_cast %slice3A_860 : vector<1x1x256xi32> to vector<1x256xi32>
    %eq3A_862 = vector.broadcast %squeeze3A_861 : vector<1x256xi32> to vector<18x256xi32>
    %eq3A_863 = vector.broadcast %iota3A : vector<18x1xi32> to vector<18x256xi32>
    %eq3A_864 = arith.cmpi eq, %eq3A_862, %eq3A_863 : vector<18x256xi32>
    %convert_element_type3A_865 = arith.extui %eq3A_864 : vector<18x256xi1> to vector<18x256xi32>
    %convert_element_type3A_866 = arith.sitofp %convert_element_type3A_865 : vector<18x256xi32> to vector<18x256xf32>
    %concatenate3A_867 = tpu.concatenate %get3A_859, %convert_element_type3A_866 in 0 : vector<11x256xf32>, vector<18x256xf32> -> vector<29x256xf32>
    %dot_general3A_868 = arith.constant dense<0.000000e+00> : vector<128x256xf32>
    %dot_general3A_869 = tpu.matmul %transpose3A, %concatenate3A_867, %dot_general3A_868 {dimension_numbers = #tpu.dot_dimension_numbers<[1], [0], [0], [1], [0, 0, 1, 1], [], []>, transpose_lhs_hint = false} : vector<128x29xf32>, vector<29x256xf32>, vector<128x256xf32> -> vector<128x256xf32>
    %max3A_870 = arith.maximumf %max3A_856, %dot_general3A_869 : vector<128x256xf32>
    %get3A_871 = arith.constant 99 : index
    %get3A_872 = arith.constant 1024 : index
    %get3A_873 = vector.load %arg3[%get3A_871, %get3A_872] : memref<132x4096xf32, #tpu.memory_space<vmem>>, vector<11x256xf32>
    %slice3A_874 = vector.extract_strided_slice %get3A_745 {offsets = [9, 0, 0], sizes = [1, 1, 256], strides = [1, 1, 1]} : vector<12x1x256xi32> to vector<1x1x256xi32>
    %squeeze3A_875 = vector.shape_cast %slice3A_874 : vector<1x1x256xi32> to vector<1x256xi32>
    %eq3A_876 = vector.broadcast %squeeze3A_875 : vector<1x256xi32> to vector<18x256xi32>
    %eq3A_877 = vector.broadcast %iota3A : vector<18x1xi32> to vector<18x256xi32>
    %eq3A_878 = arith.cmpi eq, %eq3A_876, %eq3A_877 : vector<18x256xi32>
    %convert_element_type3A_879 = arith.extui %eq3A_878 : vector<18x256xi1> to vector<18x256xi32>
    %convert_element_type3A_880 = arith.sitofp %convert_element_type3A_879 : vector<18x256xi32> to vector<18x256xf32>
    %concatenate3A_881 = tpu.concatenate %get3A_873, %convert_element_type3A_880 in 0 : vector<11x256xf32>, vector<18x256xf32> -> vector<29x256xf32>
    %dot_general3A_882 = arith.constant dense<0.000000e+00> : vector<128x256xf32>
    %dot_general3A_883 = tpu.matmul %transpose3A, %concatenate3A_881, %dot_general3A_882 {dimension_numbers = #tpu.dot_dimension_numbers<[1], [0], [0], [1], [0, 0, 1, 1], [], []>, transpose_lhs_hint = false} : vector<128x29xf32>, vector<29x256xf32>, vector<128x256xf32> -> vector<128x256xf32>
    %max3A_884 = arith.maximumf %max3A_870, %dot_general3A_883 : vector<128x256xf32>
    %get3A_885 = arith.constant 110 : index
    %get3A_886 = arith.constant 1024 : index
    %get3A_887 = vector.load %arg3[%get3A_885, %get3A_886] : memref<132x4096xf32, #tpu.memory_space<vmem>>, vector<11x256xf32>
    %slice3A_888 = vector.extract_strided_slice %get3A_745 {offsets = [10, 0, 0], sizes = [1, 1, 256], strides = [1, 1, 1]} : vector<12x1x256xi32> to vector<1x1x256xi32>
    %squeeze3A_889 = vector.shape_cast %slice3A_888 : vector<1x1x256xi32> to vector<1x256xi32>
    %eq3A_890 = vector.broadcast %squeeze3A_889 : vector<1x256xi32> to vector<18x256xi32>
    %eq3A_891 = vector.broadcast %iota3A : vector<18x1xi32> to vector<18x256xi32>
    %eq3A_892 = arith.cmpi eq, %eq3A_890, %eq3A_891 : vector<18x256xi32>
    %convert_element_type3A_893 = arith.extui %eq3A_892 : vector<18x256xi1> to vector<18x256xi32>
    %convert_element_type3A_894 = arith.sitofp %convert_element_type3A_893 : vector<18x256xi32> to vector<18x256xf32>
    %concatenate3A_895 = tpu.concatenate %get3A_887, %convert_element_type3A_894 in 0 : vector<11x256xf32>, vector<18x256xf32> -> vector<29x256xf32>
    %dot_general3A_896 = arith.constant dense<0.000000e+00> : vector<128x256xf32>
    %dot_general3A_897 = tpu.matmul %transpose3A, %concatenate3A_895, %dot_general3A_896 {dimension_numbers = #tpu.dot_dimension_numbers<[1], [0], [0], [1], [0, 0, 1, 1], [], []>, transpose_lhs_hint = false} : vector<128x29xf32>, vector<29x256xf32>, vector<128x256xf32> -> vector<128x256xf32>
    %max3A_898 = arith.maximumf %max3A_884, %dot_general3A_897 : vector<128x256xf32>
    %get3A_899 = arith.constant 121 : index
    %get3A_900 = arith.constant 1024 : index
    %get3A_901 = vector.load %arg3[%get3A_899, %get3A_900] : memref<132x4096xf32, #tpu.memory_space<vmem>>, vector<11x256xf32>
    %slice3A_902 = vector.extract_strided_slice %get3A_745 {offsets = [11, 0, 0], sizes = [1, 1, 256], strides = [1, 1, 1]} : vector<12x1x256xi32> to vector<1x1x256xi32>
    %squeeze3A_903 = vector.shape_cast %slice3A_902 : vector<1x1x256xi32> to vector<1x256xi32>
    %eq3A_904 = vector.broadcast %squeeze3A_903 : vector<1x256xi32> to vector<18x256xi32>
    %eq3A_905 = vector.broadcast %iota3A : vector<18x1xi32> to vector<18x256xi32>
    %eq3A_906 = arith.cmpi eq, %eq3A_904, %eq3A_905 : vector<18x256xi32>
    %convert_element_type3A_907 = arith.extui %eq3A_906 : vector<18x256xi1> to vector<18x256xi32>
    %convert_element_type3A_908 = arith.sitofp %convert_element_type3A_907 : vector<18x256xi32> to vector<18x256xf32>
    %concatenate3A_909 = tpu.concatenate %get3A_901, %convert_element_type3A_908 in 0 : vector<11x256xf32>, vector<18x256xf32> -> vector<29x256xf32>
    %dot_general3A_910 = arith.constant dense<0.000000e+00> : vector<128x256xf32>
    %dot_general3A_911 = tpu.matmul %transpose3A, %concatenate3A_909, %dot_general3A_910 {dimension_numbers = #tpu.dot_dimension_numbers<[1], [0], [0], [1], [0, 0, 1, 1], [], []>, transpose_lhs_hint = false} : vector<128x29xf32>, vector<29x256xf32>, vector<128x256xf32> -> vector<128x256xf32>
    %max3A_912 = arith.maximumf %max3A_898, %dot_general3A_911 : vector<128x256xf32>
    %get3A_913 = arith.constant 0 : index
    %get3A_914 = arith.constant 0 : index
    %get3A_915 = vector.load %arg6[%get3A_913, %get3A_914] : memref<128x1xf32, #tpu.memory_space<vmem>>, vector<128x1xf32>
    %add3A_916 = vector.broadcast %get3A_915 : vector<128x1xf32> to vector<128x256xf32>
    %add3A_917 = arith.addf %max3A_912, %add3A_916 : vector<128x256xf32>
    %max3A_918 = arith.constant 0.000000e+00 : f32
    %max3A_919 = vector.broadcast %max3A_918 : f32 to vector<128x256xf32>
    %max3A_920 = arith.maximumf %add3A_917, %max3A_919 : vector<128x256xf32>
    %swap3A_921 = arith.constant 0 : index
    %swap3A_922 = arith.constant 0 : index
    %swap3A_923 = arith.constant 1024 : index
    %swap3A_924 = vector.load %arg7[%swap3A_921, %swap3A_922, %swap3A_923] : memref<1x128x4096xf32, #tpu.memory_space<vmem>>, vector<1x128x256xf32>
    %swap3A_925 = vector.shape_cast %swap3A_924 : vector<1x128x256xf32> to vector<128x256xf32>
    %swap3A_926 = vector.shape_cast %max3A_920 : vector<128x256xf32> to vector<1x128x256xf32>
    tpu.vector_store %arg7[%swap3A_921, %swap3A_922, %swap3A_923], %swap3A_926 {strides = array<i32>} : memref<1x128x4096xf32, #tpu.memory_space<vmem>>, vector<1x128x256xf32>,
    %get3A_927 = arith.constant 0 : index
    %get3A_928 = arith.index_cast %arg1 : i32 to index
    %get3A_929 = arith.constant 1280 : index
    %get3A_930 = vector.load %arg2[%get3A_927, %get3A_928, %get3A_929] : memref<12x8x4096xi32, #tpu.memory_space<vmem>>, vector<12x1x256xi32>
    %get3A_931 = arith.constant 0 : index
    %get3A_932 = arith.constant 1280 : index
    %get3A_933 = vector.load %arg3[%get3A_931, %get3A_932] : memref<132x4096xf32, #tpu.memory_space<vmem>>, vector<11x256xf32>
    %slice3A_934 = vector.extract_strided_slice %get3A_930 {offsets = [0, 0, 0], sizes = [1, 1, 256], strides = [1, 1, 1]} : vector<12x1x256xi32> to vector<1x1x256xi32>
    %squeeze3A_935 = vector.shape_cast %slice3A_934 : vector<1x1x256xi32> to vector<1x256xi32>
    %eq3A_936 = vector.broadcast %squeeze3A_935 : vector<1x256xi32> to vector<18x256xi32>
    %eq3A_937 = vector.broadcast %iota3A : vector<18x1xi32> to vector<18x256xi32>
    %eq3A_938 = arith.cmpi eq, %eq3A_936, %eq3A_937 : vector<18x256xi32>
    %convert_element_type3A_939 = arith.extui %eq3A_938 : vector<18x256xi1> to vector<18x256xi32>
    %convert_element_type3A_940 = arith.sitofp %convert_element_type3A_939 : vector<18x256xi32> to vector<18x256xf32>
    %concatenate3A_941 = tpu.concatenate %get3A_933, %convert_element_type3A_940 in 0 : vector<11x256xf32>, vector<18x256xf32> -> vector<29x256xf32>
    %dot_general3A_942 = arith.constant dense<0.000000e+00> : vector<128x256xf32>
    %dot_general3A_943 = tpu.matmul %transpose3A, %concatenate3A_941, %dot_general3A_942 {dimension_numbers = #tpu.dot_dimension_numbers<[1], [0], [0], [1], [0, 0, 1, 1], [], []>, transpose_lhs_hint = false} : vector<128x29xf32>, vector<29x256xf32>, vector<128x256xf32> -> vector<128x256xf32>
    %get3A_944 = arith.constant 11 : index
    %get3A_945 = arith.constant 1280 : index
    %get3A_946 = vector.load %arg3[%get3A_944, %get3A_945] : memref<132x4096xf32, #tpu.memory_space<vmem>>, vector<11x256xf32>
    %slice3A_947 = vector.extract_strided_slice %get3A_930 {offsets = [1, 0, 0], sizes = [1, 1, 256], strides = [1, 1, 1]} : vector<12x1x256xi32> to vector<1x1x256xi32>
    %squeeze3A_948 = vector.shape_cast %slice3A_947 : vector<1x1x256xi32> to vector<1x256xi32>
    %eq3A_949 = vector.broadcast %squeeze3A_948 : vector<1x256xi32> to vector<18x256xi32>
    %eq3A_950 = vector.broadcast %iota3A : vector<18x1xi32> to vector<18x256xi32>
    %eq3A_951 = arith.cmpi eq, %eq3A_949, %eq3A_950 : vector<18x256xi32>
    %convert_element_type3A_952 = arith.extui %eq3A_951 : vector<18x256xi1> to vector<18x256xi32>
    %convert_element_type3A_953 = arith.sitofp %convert_element_type3A_952 : vector<18x256xi32> to vector<18x256xf32>
    %concatenate3A_954 = tpu.concatenate %get3A_946, %convert_element_type3A_953 in 0 : vector<11x256xf32>, vector<18x256xf32> -> vector<29x256xf32>
    %dot_general3A_955 = arith.constant dense<0.000000e+00> : vector<128x256xf32>
    %dot_general3A_956 = tpu.matmul %transpose3A, %concatenate3A_954, %dot_general3A_955 {dimension_numbers = #tpu.dot_dimension_numbers<[1], [0], [0], [1], [0, 0, 1, 1], [], []>, transpose_lhs_hint = false} : vector<128x29xf32>, vector<29x256xf32>, vector<128x256xf32> -> vector<128x256xf32>
    %max3A_957 = arith.maximumf %dot_general3A_943, %dot_general3A_956 : vector<128x256xf32>
    %get3A_958 = arith.constant 22 : index
    %get3A_959 = arith.constant 1280 : index
    %get3A_960 = vector.load %arg3[%get3A_958, %get3A_959] : memref<132x4096xf32, #tpu.memory_space<vmem>>, vector<11x256xf32>
    %slice3A_961 = vector.extract_strided_slice %get3A_930 {offsets = [2, 0, 0], sizes = [1, 1, 256], strides = [1, 1, 1]} : vector<12x1x256xi32> to vector<1x1x256xi32>
    %squeeze3A_962 = vector.shape_cast %slice3A_961 : vector<1x1x256xi32> to vector<1x256xi32>
    %eq3A_963 = vector.broadcast %squeeze3A_962 : vector<1x256xi32> to vector<18x256xi32>
    %eq3A_964 = vector.broadcast %iota3A : vector<18x1xi32> to vector<18x256xi32>
    %eq3A_965 = arith.cmpi eq, %eq3A_963, %eq3A_964 : vector<18x256xi32>
    %convert_element_type3A_966 = arith.extui %eq3A_965 : vector<18x256xi1> to vector<18x256xi32>
    %convert_element_type3A_967 = arith.sitofp %convert_element_type3A_966 : vector<18x256xi32> to vector<18x256xf32>
    %concatenate3A_968 = tpu.concatenate %get3A_960, %convert_element_type3A_967 in 0 : vector<11x256xf32>, vector<18x256xf32> -> vector<29x256xf32>
    %dot_general3A_969 = arith.constant dense<0.000000e+00> : vector<128x256xf32>
    %dot_general3A_970 = tpu.matmul %transpose3A, %concatenate3A_968, %dot_general3A_969 {dimension_numbers = #tpu.dot_dimension_numbers<[1], [0], [0], [1], [0, 0, 1, 1], [], []>, transpose_lhs_hint = false} : vector<128x29xf32>, vector<29x256xf32>, vector<128x256xf32> -> vector<128x256xf32>
    %max3A_971 = arith.maximumf %max3A_957, %dot_general3A_970 : vector<128x256xf32>
    %get3A_972 = arith.constant 33 : index
    %get3A_973 = arith.constant 1280 : index
    %get3A_974 = vector.load %arg3[%get3A_972, %get3A_973] : memref<132x4096xf32, #tpu.memory_space<vmem>>, vector<11x256xf32>
    %slice3A_975 = vector.extract_strided_slice %get3A_930 {offsets = [3, 0, 0], sizes = [1, 1, 256], strides = [1, 1, 1]} : vector<12x1x256xi32> to vector<1x1x256xi32>
    %squeeze3A_976 = vector.shape_cast %slice3A_975 : vector<1x1x256xi32> to vector<1x256xi32>
    %eq3A_977 = vector.broadcast %squeeze3A_976 : vector<1x256xi32> to vector<18x256xi32>
    %eq3A_978 = vector.broadcast %iota3A : vector<18x1xi32> to vector<18x256xi32>
    %eq3A_979 = arith.cmpi eq, %eq3A_977, %eq3A_978 : vector<18x256xi32>
    %convert_element_type3A_980 = arith.extui %eq3A_979 : vector<18x256xi1> to vector<18x256xi32>
    %convert_element_type3A_981 = arith.sitofp %convert_element_type3A_980 : vector<18x256xi32> to vector<18x256xf32>
    %concatenate3A_982 = tpu.concatenate %get3A_974, %convert_element_type3A_981 in 0 : vector<11x256xf32>, vector<18x256xf32> -> vector<29x256xf32>
    %dot_general3A_983 = arith.constant dense<0.000000e+00> : vector<128x256xf32>
    %dot_general3A_984 = tpu.matmul %transpose3A, %concatenate3A_982, %dot_general3A_983 {dimension_numbers = #tpu.dot_dimension_numbers<[1], [0], [0], [1], [0, 0, 1, 1], [], []>, transpose_lhs_hint = false} : vector<128x29xf32>, vector<29x256xf32>, vector<128x256xf32> -> vector<128x256xf32>
    %max3A_985 = arith.maximumf %max3A_971, %dot_general3A_984 : vector<128x256xf32>
    %get3A_986 = arith.constant 44 : index
    %get3A_987 = arith.constant 1280 : index
    %get3A_988 = vector.load %arg3[%get3A_986, %get3A_987] : memref<132x4096xf32, #tpu.memory_space<vmem>>, vector<11x256xf32>
    %slice3A_989 = vector.extract_strided_slice %get3A_930 {offsets = [4, 0, 0], sizes = [1, 1, 256], strides = [1, 1, 1]} : vector<12x1x256xi32> to vector<1x1x256xi32>
    %squeeze3A_990 = vector.shape_cast %slice3A_989 : vector<1x1x256xi32> to vector<1x256xi32>
    %eq3A_991 = vector.broadcast %squeeze3A_990 : vector<1x256xi32> to vector<18x256xi32>
    %eq3A_992 = vector.broadcast %iota3A : vector<18x1xi32> to vector<18x256xi32>
    %eq3A_993 = arith.cmpi eq, %eq3A_991, %eq3A_992 : vector<18x256xi32>
    %convert_element_type3A_994 = arith.extui %eq3A_993 : vector<18x256xi1> to vector<18x256xi32>
    %convert_element_type3A_995 = arith.sitofp %convert_element_type3A_994 : vector<18x256xi32> to vector<18x256xf32>
    %concatenate3A_996 = tpu.concatenate %get3A_988, %convert_element_type3A_995 in 0 : vector<11x256xf32>, vector<18x256xf32> -> vector<29x256xf32>
    %dot_general3A_997 = arith.constant dense<0.000000e+00> : vector<128x256xf32>
    %dot_general3A_998 = tpu.matmul %transpose3A, %concatenate3A_996, %dot_general3A_997 {dimension_numbers = #tpu.dot_dimension_numbers<[1], [0], [0], [1], [0, 0, 1, 1], [], []>, transpose_lhs_hint = false} : vector<128x29xf32>, vector<29x256xf32>, vector<128x256xf32> -> vector<128x256xf32>
    %max3A_999 = arith.maximumf %max3A_985, %dot_general3A_998 : vector<128x256xf32>
    %get3A_1000 = arith.constant 55 : index
    %get3A_1001 = arith.constant 1280 : index
    %get3A_1002 = vector.load %arg3[%get3A_1000, %get3A_1001] : memref<132x4096xf32, #tpu.memory_space<vmem>>, vector<11x256xf32>
    %slice3A_1003 = vector.extract_strided_slice %get3A_930 {offsets = [5, 0, 0], sizes = [1, 1, 256], strides = [1, 1, 1]} : vector<12x1x256xi32> to vector<1x1x256xi32>
    %squeeze3A_1004 = vector.shape_cast %slice3A_1003 : vector<1x1x256xi32> to vector<1x256xi32>
    %eq3A_1005 = vector.broadcast %squeeze3A_1004 : vector<1x256xi32> to vector<18x256xi32>
    %eq3A_1006 = vector.broadcast %iota3A : vector<18x1xi32> to vector<18x256xi32>
    %eq3A_1007 = arith.cmpi eq, %eq3A_1005, %eq3A_1006 : vector<18x256xi32>
    %convert_element_type3A_1008 = arith.extui %eq3A_1007 : vector<18x256xi1> to vector<18x256xi32>
    %convert_element_type3A_1009 = arith.sitofp %convert_element_type3A_1008 : vector<18x256xi32> to vector<18x256xf32>
    %concatenate3A_1010 = tpu.concatenate %get3A_1002, %convert_element_type3A_1009 in 0 : vector<11x256xf32>, vector<18x256xf32> -> vector<29x256xf32>
    %dot_general3A_1011 = arith.constant dense<0.000000e+00> : vector<128x256xf32>
    %dot_general3A_1012 = tpu.matmul %transpose3A, %concatenate3A_1010, %dot_general3A_1011 {dimension_numbers = #tpu.dot_dimension_numbers<[1], [0], [0], [1], [0, 0, 1, 1], [], []>, transpose_lhs_hint = false} : vector<128x29xf32>, vector<29x256xf32>, vector<128x256xf32> -> vector<128x256xf32>
    %max3A_1013 = arith.maximumf %max3A_999, %dot_general3A_1012 : vector<128x256xf32>
    %get3A_1014 = arith.constant 66 : index
    %get3A_1015 = arith.constant 1280 : index
    %get3A_1016 = vector.load %arg3[%get3A_1014, %get3A_1015] : memref<132x4096xf32, #tpu.memory_space<vmem>>, vector<11x256xf32>
    %slice3A_1017 = vector.extract_strided_slice %get3A_930 {offsets = [6, 0, 0], sizes = [1, 1, 256], strides = [1, 1, 1]} : vector<12x1x256xi32> to vector<1x1x256xi32>
    %squeeze3A_1018 = vector.shape_cast %slice3A_1017 : vector<1x1x256xi32> to vector<1x256xi32>
    %eq3A_1019 = vector.broadcast %squeeze3A_1018 : vector<1x256xi32> to vector<18x256xi32>
    %eq3A_1020 = vector.broadcast %iota3A : vector<18x1xi32> to vector<18x256xi32>
    %eq3A_1021 = arith.cmpi eq, %eq3A_1019, %eq3A_1020 : vector<18x256xi32>
    %convert_element_type3A_1022 = arith.extui %eq3A_1021 : vector<18x256xi1> to vector<18x256xi32>
    %convert_element_type3A_1023 = arith.sitofp %convert_element_type3A_1022 : vector<18x256xi32> to vector<18x256xf32>
    %concatenate3A_1024 = tpu.concatenate %get3A_1016, %convert_element_type3A_1023 in 0 : vector<11x256xf32>, vector<18x256xf32> -> vector<29x256xf32>
    %dot_general3A_1025 = arith.constant dense<0.000000e+00> : vector<128x256xf32>
    %dot_general3A_1026 = tpu.matmul %transpose3A, %concatenate3A_1024, %dot_general3A_1025 {dimension_numbers = #tpu.dot_dimension_numbers<[1], [0], [0], [1], [0, 0, 1, 1], [], []>, transpose_lhs_hint = false} : vector<128x29xf32>, vector<29x256xf32>, vector<128x256xf32> -> vector<128x256xf32>
    %max3A_1027 = arith.maximumf %max3A_1013, %dot_general3A_1026 : vector<128x256xf32>
    %get3A_1028 = arith.constant 77 : index
    %get3A_1029 = arith.constant 1280 : index
    %get3A_1030 = vector.load %arg3[%get3A_1028, %get3A_1029] : memref<132x4096xf32, #tpu.memory_space<vmem>>, vector<11x256xf32>
    %slice3A_1031 = vector.extract_strided_slice %get3A_930 {offsets = [7, 0, 0], sizes = [1, 1, 256], strides = [1, 1, 1]} : vector<12x1x256xi32> to vector<1x1x256xi32>
    %squeeze3A_1032 = vector.shape_cast %slice3A_1031 : vector<1x1x256xi32> to vector<1x256xi32>
    %eq3A_1033 = vector.broadcast %squeeze3A_1032 : vector<1x256xi32> to vector<18x256xi32>
    %eq3A_1034 = vector.broadcast %iota3A : vector<18x1xi32> to vector<18x256xi32>
    %eq3A_1035 = arith.cmpi eq, %eq3A_1033, %eq3A_1034 : vector<18x256xi32>
    %convert_element_type3A_1036 = arith.extui %eq3A_1035 : vector<18x256xi1> to vector<18x256xi32>
    %convert_element_type3A_1037 = arith.sitofp %convert_element_type3A_1036 : vector<18x256xi32> to vector<18x256xf32>
    %concatenate3A_1038 = tpu.concatenate %get3A_1030, %convert_element_type3A_1037 in 0 : vector<11x256xf32>, vector<18x256xf32> -> vector<29x256xf32>
    %dot_general3A_1039 = arith.constant dense<0.000000e+00> : vector<128x256xf32>
    %dot_general3A_1040 = tpu.matmul %transpose3A, %concatenate3A_1038, %dot_general3A_1039 {dimension_numbers = #tpu.dot_dimension_numbers<[1], [0], [0], [1], [0, 0, 1, 1], [], []>, transpose_lhs_hint = false} : vector<128x29xf32>, vector<29x256xf32>, vector<128x256xf32> -> vector<128x256xf32>
    %max3A_1041 = arith.maximumf %max3A_1027, %dot_general3A_1040 : vector<128x256xf32>
    %get3A_1042 = arith.constant 88 : index
    %get3A_1043 = arith.constant 1280 : index
    %get3A_1044 = vector.load %arg3[%get3A_1042, %get3A_1043] : memref<132x4096xf32, #tpu.memory_space<vmem>>, vector<11x256xf32>
    %slice3A_1045 = vector.extract_strided_slice %get3A_930 {offsets = [8, 0, 0], sizes = [1, 1, 256], strides = [1, 1, 1]} : vector<12x1x256xi32> to vector<1x1x256xi32>
    %squeeze3A_1046 = vector.shape_cast %slice3A_1045 : vector<1x1x256xi32> to vector<1x256xi32>
    %eq3A_1047 = vector.broadcast %squeeze3A_1046 : vector<1x256xi32> to vector<18x256xi32>
    %eq3A_1048 = vector.broadcast %iota3A : vector<18x1xi32> to vector<18x256xi32>
    %eq3A_1049 = arith.cmpi eq, %eq3A_1047, %eq3A_1048 : vector<18x256xi32>
    %convert_element_type3A_1050 = arith.extui %eq3A_1049 : vector<18x256xi1> to vector<18x256xi32>
    %convert_element_type3A_1051 = arith.sitofp %convert_element_type3A_1050 : vector<18x256xi32> to vector<18x256xf32>
    %concatenate3A_1052 = tpu.concatenate %get3A_1044, %convert_element_type3A_1051 in 0 : vector<11x256xf32>, vector<18x256xf32> -> vector<29x256xf32>
    %dot_general3A_1053 = arith.constant dense<0.000000e+00> : vector<128x256xf32>
    %dot_general3A_1054 = tpu.matmul %transpose3A, %concatenate3A_1052, %dot_general3A_1053 {dimension_numbers = #tpu.dot_dimension_numbers<[1], [0], [0], [1], [0, 0, 1, 1], [], []>, transpose_lhs_hint = false} : vector<128x29xf32>, vector<29x256xf32>, vector<128x256xf32> -> vector<128x256xf32>
    %max3A_1055 = arith.maximumf %max3A_1041, %dot_general3A_1054 : vector<128x256xf32>
    %get3A_1056 = arith.constant 99 : index
    %get3A_1057 = arith.constant 1280 : index
    %get3A_1058 = vector.load %arg3[%get3A_1056, %get3A_1057] : memref<132x4096xf32, #tpu.memory_space<vmem>>, vector<11x256xf32>
    %slice3A_1059 = vector.extract_strided_slice %get3A_930 {offsets = [9, 0, 0], sizes = [1, 1, 256], strides = [1, 1, 1]} : vector<12x1x256xi32> to vector<1x1x256xi32>
    %squeeze3A_1060 = vector.shape_cast %slice3A_1059 : vector<1x1x256xi32> to vector<1x256xi32>
    %eq3A_1061 = vector.broadcast %squeeze3A_1060 : vector<1x256xi32> to vector<18x256xi32>
    %eq3A_1062 = vector.broadcast %iota3A : vector<18x1xi32> to vector<18x256xi32>
    %eq3A_1063 = arith.cmpi eq, %eq3A_1061, %eq3A_1062 : vector<18x256xi32>
    %convert_element_type3A_1064 = arith.extui %eq3A_1063 : vector<18x256xi1> to vector<18x256xi32>
    %convert_element_type3A_1065 = arith.sitofp %convert_element_type3A_1064 : vector<18x256xi32> to vector<18x256xf32>
    %concatenate3A_1066 = tpu.concatenate %get3A_1058, %convert_element_type3A_1065 in 0 : vector<11x256xf32>, vector<18x256xf32> -> vector<29x256xf32>
    %dot_general3A_1067 = arith.constant dense<0.000000e+00> : vector<128x256xf32>
    %dot_general3A_1068 = tpu.matmul %transpose3A, %concatenate3A_1066, %dot_general3A_1067 {dimension_numbers = #tpu.dot_dimension_numbers<[1], [0], [0], [1], [0, 0, 1, 1], [], []>, transpose_lhs_hint = false} : vector<128x29xf32>, vector<29x256xf32>, vector<128x256xf32> -> vector<128x256xf32>
    %max3A_1069 = arith.maximumf %max3A_1055, %dot_general3A_1068 : vector<128x256xf32>
    %get3A_1070 = arith.constant 110 : index
    %get3A_1071 = arith.constant 1280 : index
    %get3A_1072 = vector.load %arg3[%get3A_1070, %get3A_1071] : memref<132x4096xf32, #tpu.memory_space<vmem>>, vector<11x256xf32>
    %slice3A_1073 = vector.extract_strided_slice %get3A_930 {offsets = [10, 0, 0], sizes = [1, 1, 256], strides = [1, 1, 1]} : vector<12x1x256xi32> to vector<1x1x256xi32>
    %squeeze3A_1074 = vector.shape_cast %slice3A_1073 : vector<1x1x256xi32> to vector<1x256xi32>
    %eq3A_1075 = vector.broadcast %squeeze3A_1074 : vector<1x256xi32> to vector<18x256xi32>
    %eq3A_1076 = vector.broadcast %iota3A : vector<18x1xi32> to vector<18x256xi32>
    %eq3A_1077 = arith.cmpi eq, %eq3A_1075, %eq3A_1076 : vector<18x256xi32>
    %convert_element_type3A_1078 = arith.extui %eq3A_1077 : vector<18x256xi1> to vector<18x256xi32>
    %convert_element_type3A_1079 = arith.sitofp %convert_element_type3A_1078 : vector<18x256xi32> to vector<18x256xf32>
    %concatenate3A_1080 = tpu.concatenate %get3A_1072, %convert_element_type3A_1079 in 0 : vector<11x256xf32>, vector<18x256xf32> -> vector<29x256xf32>
    %dot_general3A_1081 = arith.constant dense<0.000000e+00> : vector<128x256xf32>
    %dot_general3A_1082 = tpu.matmul %transpose3A, %concatenate3A_1080, %dot_general3A_1081 {dimension_numbers = #tpu.dot_dimension_numbers<[1], [0], [0], [1], [0, 0, 1, 1], [], []>, transpose_lhs_hint = false} : vector<128x29xf32>, vector<29x256xf32>, vector<128x256xf32> -> vector<128x256xf32>
    %max3A_1083 = arith.maximumf %max3A_1069, %dot_general3A_1082 : vector<128x256xf32>
    %get3A_1084 = arith.constant 121 : index
    %get3A_1085 = arith.constant 1280 : index
    %get3A_1086 = vector.load %arg3[%get3A_1084, %get3A_1085] : memref<132x4096xf32, #tpu.memory_space<vmem>>, vector<11x256xf32>
    %slice3A_1087 = vector.extract_strided_slice %get3A_930 {offsets = [11, 0, 0], sizes = [1, 1, 256], strides = [1, 1, 1]} : vector<12x1x256xi32> to vector<1x1x256xi32>
    %squeeze3A_1088 = vector.shape_cast %slice3A_1087 : vector<1x1x256xi32> to vector<1x256xi32>
    %eq3A_1089 = vector.broadcast %squeeze3A_1088 : vector<1x256xi32> to vector<18x256xi32>
    %eq3A_1090 = vector.broadcast %iota3A : vector<18x1xi32> to vector<18x256xi32>
    %eq3A_1091 = arith.cmpi eq, %eq3A_1089, %eq3A_1090 : vector<18x256xi32>
    %convert_element_type3A_1092 = arith.extui %eq3A_1091 : vector<18x256xi1> to vector<18x256xi32>
    %convert_element_type3A_1093 = arith.sitofp %convert_element_type3A_1092 : vector<18x256xi32> to vector<18x256xf32>
    %concatenate3A_1094 = tpu.concatenate %get3A_1086, %convert_element_type3A_1093 in 0 : vector<11x256xf32>, vector<18x256xf32> -> vector<29x256xf32>
    %dot_general3A_1095 = arith.constant dense<0.000000e+00> : vector<128x256xf32>
    %dot_general3A_1096 = tpu.matmul %transpose3A, %concatenate3A_1094, %dot_general3A_1095 {dimension_numbers = #tpu.dot_dimension_numbers<[1], [0], [0], [1], [0, 0, 1, 1], [], []>, transpose_lhs_hint = false} : vector<128x29xf32>, vector<29x256xf32>, vector<128x256xf32> -> vector<128x256xf32>
    %max3A_1097 = arith.maximumf %max3A_1083, %dot_general3A_1096 : vector<128x256xf32>
    %get3A_1098 = arith.constant 0 : index
    %get3A_1099 = arith.constant 0 : index
    %get3A_1100 = vector.load %arg6[%get3A_1098, %get3A_1099] : memref<128x1xf32, #tpu.memory_space<vmem>>, vector<128x1xf32>
    %add3A_1101 = vector.broadcast %get3A_1100 : vector<128x1xf32> to vector<128x256xf32>
    %add3A_1102 = arith.addf %max3A_1097, %add3A_1101 : vector<128x256xf32>
    %max3A_1103 = arith.constant 0.000000e+00 : f32
    %max3A_1104 = vector.broadcast %max3A_1103 : f32 to vector<128x256xf32>
    %max3A_1105 = arith.maximumf %add3A_1102, %max3A_1104 : vector<128x256xf32>
    %swap3A_1106 = arith.constant 0 : index
    %swap3A_1107 = arith.constant 0 : index
    %swap3A_1108 = arith.constant 1280 : index
    %swap3A_1109 = vector.load %arg7[%swap3A_1106, %swap3A_1107, %swap3A_1108] : memref<1x128x4096xf32, #tpu.memory_space<vmem>>, vector<1x128x256xf32>
    %swap3A_1110 = vector.shape_cast %swap3A_1109 : vector<1x128x256xf32> to vector<128x256xf32>
    %swap3A_1111 = vector.shape_cast %max3A_1105 : vector<128x256xf32> to vector<1x128x256xf32>
    tpu.vector_store %arg7[%swap3A_1106, %swap3A_1107, %swap3A_1108], %swap3A_1111 {strides = array<i32>} : memref<1x128x4096xf32, #tpu.memory_space<vmem>>, vector<1x128x256xf32>,
    %get3A_1112 = arith.constant 0 : index
    %get3A_1113 = arith.index_cast %arg1 : i32 to index
    %get3A_1114 = arith.constant 1536 : index
    %get3A_1115 = vector.load %arg2[%get3A_1112, %get3A_1113, %get3A_1114] : memref<12x8x4096xi32, #tpu.memory_space<vmem>>, vector<12x1x256xi32>
    %get3A_1116 = arith.constant 0 : index
    %get3A_1117 = arith.constant 1536 : index
    %get3A_1118 = vector.load %arg3[%get3A_1116, %get3A_1117] : memref<132x4096xf32, #tpu.memory_space<vmem>>, vector<11x256xf32>
    %slice3A_1119 = vector.extract_strided_slice %get3A_1115 {offsets = [0, 0, 0], sizes = [1, 1, 256], strides = [1, 1, 1]} : vector<12x1x256xi32> to vector<1x1x256xi32>
    %squeeze3A_1120 = vector.shape_cast %slice3A_1119 : vector<1x1x256xi32> to vector<1x256xi32>
    %eq3A_1121 = vector.broadcast %squeeze3A_1120 : vector<1x256xi32> to vector<18x256xi32>
    %eq3A_1122 = vector.broadcast %iota3A : vector<18x1xi32> to vector<18x256xi32>
    %eq3A_1123 = arith.cmpi eq, %eq3A_1121, %eq3A_1122 : vector<18x256xi32>
    %convert_element_type3A_1124 = arith.extui %eq3A_1123 : vector<18x256xi1> to vector<18x256xi32>
    %convert_element_type3A_1125 = arith.sitofp %convert_element_type3A_1124 : vector<18x256xi32> to vector<18x256xf32>
    %concatenate3A_1126 = tpu.concatenate %get3A_1118, %convert_element_type3A_1125 in 0 : vector<11x256xf32>, vector<18x256xf32> -> vector<29x256xf32>
    %dot_general3A_1127 = arith.constant dense<0.000000e+00> : vector<128x256xf32>
    %dot_general3A_1128 = tpu.matmul %transpose3A, %concatenate3A_1126, %dot_general3A_1127 {dimension_numbers = #tpu.dot_dimension_numbers<[1], [0], [0], [1], [0, 0, 1, 1], [], []>, transpose_lhs_hint = false} : vector<128x29xf32>, vector<29x256xf32>, vector<128x256xf32> -> vector<128x256xf32>
    %get3A_1129 = arith.constant 11 : index
    %get3A_1130 = arith.constant 1536 : index
    %get3A_1131 = vector.load %arg3[%get3A_1129, %get3A_1130] : memref<132x4096xf32, #tpu.memory_space<vmem>>, vector<11x256xf32>
    %slice3A_1132 = vector.extract_strided_slice %get3A_1115 {offsets = [1, 0, 0], sizes = [1, 1, 256], strides = [1, 1, 1]} : vector<12x1x256xi32> to vector<1x1x256xi32>
    %squeeze3A_1133 = vector.shape_cast %slice3A_1132 : vector<1x1x256xi32> to vector<1x256xi32>
    %eq3A_1134 = vector.broadcast %squeeze3A_1133 : vector<1x256xi32> to vector<18x256xi32>
    %eq3A_1135 = vector.broadcast %iota3A : vector<18x1xi32> to vector<18x256xi32>
    %eq3A_1136 = arith.cmpi eq, %eq3A_1134, %eq3A_1135 : vector<18x256xi32>
    %convert_element_type3A_1137 = arith.extui %eq3A_1136 : vector<18x256xi1> to vector<18x256xi32>
    %convert_element_type3A_1138 = arith.sitofp %convert_element_type3A_1137 : vector<18x256xi32> to vector<18x256xf32>
    %concatenate3A_1139 = tpu.concatenate %get3A_1131, %convert_element_type3A_1138 in 0 : vector<11x256xf32>, vector<18x256xf32> -> vector<29x256xf32>
    %dot_general3A_1140 = arith.constant dense<0.000000e+00> : vector<128x256xf32>
    %dot_general3A_1141 = tpu.matmul %transpose3A, %concatenate3A_1139, %dot_general3A_1140 {dimension_numbers = #tpu.dot_dimension_numbers<[1], [0], [0], [1], [0, 0, 1, 1], [], []>, transpose_lhs_hint = false} : vector<128x29xf32>, vector<29x256xf32>, vector<128x256xf32> -> vector<128x256xf32>
    %max3A_1142 = arith.maximumf %dot_general3A_1128, %dot_general3A_1141 : vector<128x256xf32>
    %get3A_1143 = arith.constant 22 : index
    %get3A_1144 = arith.constant 1536 : index
    %get3A_1145 = vector.load %arg3[%get3A_1143, %get3A_1144] : memref<132x4096xf32, #tpu.memory_space<vmem>>, vector<11x256xf32>
    %slice3A_1146 = vector.extract_strided_slice %get3A_1115 {offsets = [2, 0, 0], sizes = [1, 1, 256], strides = [1, 1, 1]} : vector<12x1x256xi32> to vector<1x1x256xi32>
    %squeeze3A_1147 = vector.shape_cast %slice3A_1146 : vector<1x1x256xi32> to vector<1x256xi32>
    %eq3A_1148 = vector.broadcast %squeeze3A_1147 : vector<1x256xi32> to vector<18x256xi32>
    %eq3A_1149 = vector.broadcast %iota3A : vector<18x1xi32> to vector<18x256xi32>
    %eq3A_1150 = arith.cmpi eq, %eq3A_1148, %eq3A_1149 : vector<18x256xi32>
    %convert_element_type3A_1151 = arith.extui %eq3A_1150 : vector<18x256xi1> to vector<18x256xi32>
    %convert_element_type3A_1152 = arith.sitofp %convert_element_type3A_1151 : vector<18x256xi32> to vector<18x256xf32>
    %concatenate3A_1153 = tpu.concatenate %get3A_1145, %convert_element_type3A_1152 in 0 : vector<11x256xf32>, vector<18x256xf32> -> vector<29x256xf32>
    %dot_general3A_1154 = arith.constant dense<0.000000e+00> : vector<128x256xf32>
    %dot_general3A_1155 = tpu.matmul %transpose3A, %concatenate3A_1153, %dot_general3A_1154 {dimension_numbers = #tpu.dot_dimension_numbers<[1], [0], [0], [1], [0, 0, 1, 1], [], []>, transpose_lhs_hint = false} : vector<128x29xf32>, vector<29x256xf32>, vector<128x256xf32> -> vector<128x256xf32>
    %max3A_1156 = arith.maximumf %max3A_1142, %dot_general3A_1155 : vector<128x256xf32>
    %get3A_1157 = arith.constant 33 : index
    %get3A_1158 = arith.constant 1536 : index
    %get3A_1159 = vector.load %arg3[%get3A_1157, %get3A_1158] : memref<132x4096xf32, #tpu.memory_space<vmem>>, vector<11x256xf32>
    %slice3A_1160 = vector.extract_strided_slice %get3A_1115 {offsets = [3, 0, 0], sizes = [1, 1, 256], strides = [1, 1, 1]} : vector<12x1x256xi32> to vector<1x1x256xi32>
    %squeeze3A_1161 = vector.shape_cast %slice3A_1160 : vector<1x1x256xi32> to vector<1x256xi32>
    %eq3A_1162 = vector.broadcast %squeeze3A_1161 : vector<1x256xi32> to vector<18x256xi32>
    %eq3A_1163 = vector.broadcast %iota3A : vector<18x1xi32> to vector<18x256xi32>
    %eq3A_1164 = arith.cmpi eq, %eq3A_1162, %eq3A_1163 : vector<18x256xi32>
    %convert_element_type3A_1165 = arith.extui %eq3A_1164 : vector<18x256xi1> to vector<18x256xi32>
    %convert_element_type3A_1166 = arith.sitofp %convert_element_type3A_1165 : vector<18x256xi32> to vector<18x256xf32>
    %concatenate3A_1167 = tpu.concatenate %get3A_1159, %convert_element_type3A_1166 in 0 : vector<11x256xf32>, vector<18x256xf32> -> vector<29x256xf32>
    %dot_general3A_1168 = arith.constant dense<0.000000e+00> : vector<128x256xf32>
    %dot_general3A_1169 = tpu.matmul %transpose3A, %concatenate3A_1167, %dot_general3A_1168 {dimension_numbers = #tpu.dot_dimension_numbers<[1], [0], [0], [1], [0, 0, 1, 1], [], []>, transpose_lhs_hint = false} : vector<128x29xf32>, vector<29x256xf32>, vector<128x256xf32> -> vector<128x256xf32>
    %max3A_1170 = arith.maximumf %max3A_1156, %dot_general3A_1169 : vector<128x256xf32>
    %get3A_1171 = arith.constant 44 : index
    %get3A_1172 = arith.constant 1536 : index
    %get3A_1173 = vector.load %arg3[%get3A_1171, %get3A_1172] : memref<132x4096xf32, #tpu.memory_space<vmem>>, vector<11x256xf32>
    %slice3A_1174 = vector.extract_strided_slice %get3A_1115 {offsets = [4, 0, 0], sizes = [1, 1, 256], strides = [1, 1, 1]} : vector<12x1x256xi32> to vector<1x1x256xi32>
    %squeeze3A_1175 = vector.shape_cast %slice3A_1174 : vector<1x1x256xi32> to vector<1x256xi32>
    %eq3A_1176 = vector.broadcast %squeeze3A_1175 : vector<1x256xi32> to vector<18x256xi32>
    %eq3A_1177 = vector.broadcast %iota3A : vector<18x1xi32> to vector<18x256xi32>
    %eq3A_1178 = arith.cmpi eq, %eq3A_1176, %eq3A_1177 : vector<18x256xi32>
    %convert_element_type3A_1179 = arith.extui %eq3A_1178 : vector<18x256xi1> to vector<18x256xi32>
    %convert_element_type3A_1180 = arith.sitofp %convert_element_type3A_1179 : vector<18x256xi32> to vector<18x256xf32>
    %concatenate3A_1181 = tpu.concatenate %get3A_1173, %convert_element_type3A_1180 in 0 : vector<11x256xf32>, vector<18x256xf32> -> vector<29x256xf32>
    %dot_general3A_1182 = arith.constant dense<0.000000e+00> : vector<128x256xf32>
    %dot_general3A_1183 = tpu.matmul %transpose3A, %concatenate3A_1181, %dot_general3A_1182 {dimension_numbers = #tpu.dot_dimension_numbers<[1], [0], [0], [1], [0, 0, 1, 1], [], []>, transpose_lhs_hint = false} : vector<128x29xf32>, vector<29x256xf32>, vector<128x256xf32> -> vector<128x256xf32>
    %max3A_1184 = arith.maximumf %max3A_1170, %dot_general3A_1183 : vector<128x256xf32>
    %get3A_1185 = arith.constant 55 : index
    %get3A_1186 = arith.constant 1536 : index
    %get3A_1187 = vector.load %arg3[%get3A_1185, %get3A_1186] : memref<132x4096xf32, #tpu.memory_space<vmem>>, vector<11x256xf32>
    %slice3A_1188 = vector.extract_strided_slice %get3A_1115 {offsets = [5, 0, 0], sizes = [1, 1, 256], strides = [1, 1, 1]} : vector<12x1x256xi32> to vector<1x1x256xi32>
    %squeeze3A_1189 = vector.shape_cast %slice3A_1188 : vector<1x1x256xi32> to vector<1x256xi32>
    %eq3A_1190 = vector.broadcast %squeeze3A_1189 : vector<1x256xi32> to vector<18x256xi32>
    %eq3A_1191 = vector.broadcast %iota3A : vector<18x1xi32> to vector<18x256xi32>
    %eq3A_1192 = arith.cmpi eq, %eq3A_1190, %eq3A_1191 : vector<18x256xi32>
    %convert_element_type3A_1193 = arith.extui %eq3A_1192 : vector<18x256xi1> to vector<18x256xi32>
    %convert_element_type3A_1194 = arith.sitofp %convert_element_type3A_1193 : vector<18x256xi32> to vector<18x256xf32>
    %concatenate3A_1195 = tpu.concatenate %get3A_1187, %convert_element_type3A_1194 in 0 : vector<11x256xf32>, vector<18x256xf32> -> vector<29x256xf32>
    %dot_general3A_1196 = arith.constant dense<0.000000e+00> : vector<128x256xf32>
    %dot_general3A_1197 = tpu.matmul %transpose3A, %concatenate3A_1195, %dot_general3A_1196 {dimension_numbers = #tpu.dot_dimension_numbers<[1], [0], [0], [1], [0, 0, 1, 1], [], []>, transpose_lhs_hint = false} : vector<128x29xf32>, vector<29x256xf32>, vector<128x256xf32> -> vector<128x256xf32>
    %max3A_1198 = arith.maximumf %max3A_1184, %dot_general3A_1197 : vector<128x256xf32>
    %get3A_1199 = arith.constant 66 : index
    %get3A_1200 = arith.constant 1536 : index
    %get3A_1201 = vector.load %arg3[%get3A_1199, %get3A_1200] : memref<132x4096xf32, #tpu.memory_space<vmem>>, vector<11x256xf32>
    %slice3A_1202 = vector.extract_strided_slice %get3A_1115 {offsets = [6, 0, 0], sizes = [1, 1, 256], strides = [1, 1, 1]} : vector<12x1x256xi32> to vector<1x1x256xi32>
    %squeeze3A_1203 = vector.shape_cast %slice3A_1202 : vector<1x1x256xi32> to vector<1x256xi32>
    %eq3A_1204 = vector.broadcast %squeeze3A_1203 : vector<1x256xi32> to vector<18x256xi32>
    %eq3A_1205 = vector.broadcast %iota3A : vector<18x1xi32> to vector<18x256xi32>
    %eq3A_1206 = arith.cmpi eq, %eq3A_1204, %eq3A_1205 : vector<18x256xi32>
    %convert_element_type3A_1207 = arith.extui %eq3A_1206 : vector<18x256xi1> to vector<18x256xi32>
    %convert_element_type3A_1208 = arith.sitofp %convert_element_type3A_1207 : vector<18x256xi32> to vector<18x256xf32>
    %concatenate3A_1209 = tpu.concatenate %get3A_1201, %convert_element_type3A_1208 in 0 : vector<11x256xf32>, vector<18x256xf32> -> vector<29x256xf32>
    %dot_general3A_1210 = arith.constant dense<0.000000e+00> : vector<128x256xf32>
    %dot_general3A_1211 = tpu.matmul %transpose3A, %concatenate3A_1209, %dot_general3A_1210 {dimension_numbers = #tpu.dot_dimension_numbers<[1], [0], [0], [1], [0, 0, 1, 1], [], []>, transpose_lhs_hint = false} : vector<128x29xf32>, vector<29x256xf32>, vector<128x256xf32> -> vector<128x256xf32>
    %max3A_1212 = arith.maximumf %max3A_1198, %dot_general3A_1211 : vector<128x256xf32>
    %get3A_1213 = arith.constant 77 : index
    %get3A_1214 = arith.constant 1536 : index
    %get3A_1215 = vector.load %arg3[%get3A_1213, %get3A_1214] : memref<132x4096xf32, #tpu.memory_space<vmem>>, vector<11x256xf32>
    %slice3A_1216 = vector.extract_strided_slice %get3A_1115 {offsets = [7, 0, 0], sizes = [1, 1, 256], strides = [1, 1, 1]} : vector<12x1x256xi32> to vector<1x1x256xi32>
    %squeeze3A_1217 = vector.shape_cast %slice3A_1216 : vector<1x1x256xi32> to vector<1x256xi32>
    %eq3A_1218 = vector.broadcast %squeeze3A_1217 : vector<1x256xi32> to vector<18x256xi32>
    %eq3A_1219 = vector.broadcast %iota3A : vector<18x1xi32> to vector<18x256xi32>
    %eq3A_1220 = arith.cmpi eq, %eq3A_1218, %eq3A_1219 : vector<18x256xi32>
    %convert_element_type3A_1221 = arith.extui %eq3A_1220 : vector<18x256xi1> to vector<18x256xi32>
    %convert_element_type3A_1222 = arith.sitofp %convert_element_type3A_1221 : vector<18x256xi32> to vector<18x256xf32>
    %concatenate3A_1223 = tpu.concatenate %get3A_1215, %convert_element_type3A_1222 in 0 : vector<11x256xf32>, vector<18x256xf32> -> vector<29x256xf32>
    %dot_general3A_1224 = arith.constant dense<0.000000e+00> : vector<128x256xf32>
    %dot_general3A_1225 = tpu.matmul %transpose3A, %concatenate3A_1223, %dot_general3A_1224 {dimension_numbers = #tpu.dot_dimension_numbers<[1], [0], [0], [1], [0, 0, 1, 1], [], []>, transpose_lhs_hint = false} : vector<128x29xf32>, vector<29x256xf32>, vector<128x256xf32> -> vector<128x256xf32>
    %max3A_1226 = arith.maximumf %max3A_1212, %dot_general3A_1225 : vector<128x256xf32>
    %get3A_1227 = arith.constant 88 : index
    %get3A_1228 = arith.constant 1536 : index
    %get3A_1229 = vector.load %arg3[%get3A_1227, %get3A_1228] : memref<132x4096xf32, #tpu.memory_space<vmem>>, vector<11x256xf32>
    %slice3A_1230 = vector.extract_strided_slice %get3A_1115 {offsets = [8, 0, 0], sizes = [1, 1, 256], strides = [1, 1, 1]} : vector<12x1x256xi32> to vector<1x1x256xi32>
    %squeeze3A_1231 = vector.shape_cast %slice3A_1230 : vector<1x1x256xi32> to vector<1x256xi32>
    %eq3A_1232 = vector.broadcast %squeeze3A_1231 : vector<1x256xi32> to vector<18x256xi32>
    %eq3A_1233 = vector.broadcast %iota3A : vector<18x1xi32> to vector<18x256xi32>
    %eq3A_1234 = arith.cmpi eq, %eq3A_1232, %eq3A_1233 : vector<18x256xi32>
    %convert_element_type3A_1235 = arith.extui %eq3A_1234 : vector<18x256xi1> to vector<18x256xi32>
    %convert_element_type3A_1236 = arith.sitofp %convert_element_type3A_1235 : vector<18x256xi32> to vector<18x256xf32>
    %concatenate3A_1237 = tpu.concatenate %get3A_1229, %convert_element_type3A_1236 in 0 : vector<11x256xf32>, vector<18x256xf32> -> vector<29x256xf32>
    %dot_general3A_1238 = arith.constant dense<0.000000e+00> : vector<128x256xf32>
    %dot_general3A_1239 = tpu.matmul %transpose3A, %concatenate3A_1237, %dot_general3A_1238 {dimension_numbers = #tpu.dot_dimension_numbers<[1], [0], [0], [1], [0, 0, 1, 1], [], []>, transpose_lhs_hint = false} : vector<128x29xf32>, vector<29x256xf32>, vector<128x256xf32> -> vector<128x256xf32>
    %max3A_1240 = arith.maximumf %max3A_1226, %dot_general3A_1239 : vector<128x256xf32>
    %get3A_1241 = arith.constant 99 : index
    %get3A_1242 = arith.constant 1536 : index
    %get3A_1243 = vector.load %arg3[%get3A_1241, %get3A_1242] : memref<132x4096xf32, #tpu.memory_space<vmem>>, vector<11x256xf32>
    %slice3A_1244 = vector.extract_strided_slice %get3A_1115 {offsets = [9, 0, 0], sizes = [1, 1, 256], strides = [1, 1, 1]} : vector<12x1x256xi32> to vector<1x1x256xi32>
    %squeeze3A_1245 = vector.shape_cast %slice3A_1244 : vector<1x1x256xi32> to vector<1x256xi32>
    %eq3A_1246 = vector.broadcast %squeeze3A_1245 : vector<1x256xi32> to vector<18x256xi32>
    %eq3A_1247 = vector.broadcast %iota3A : vector<18x1xi32> to vector<18x256xi32>
    %eq3A_1248 = arith.cmpi eq, %eq3A_1246, %eq3A_1247 : vector<18x256xi32>
    %convert_element_type3A_1249 = arith.extui %eq3A_1248 : vector<18x256xi1> to vector<18x256xi32>
    %convert_element_type3A_1250 = arith.sitofp %convert_element_type3A_1249 : vector<18x256xi32> to vector<18x256xf32>
    %concatenate3A_1251 = tpu.concatenate %get3A_1243, %convert_element_type3A_1250 in 0 : vector<11x256xf32>, vector<18x256xf32> -> vector<29x256xf32>
    %dot_general3A_1252 = arith.constant dense<0.000000e+00> : vector<128x256xf32>
    %dot_general3A_1253 = tpu.matmul %transpose3A, %concatenate3A_1251, %dot_general3A_1252 {dimension_numbers = #tpu.dot_dimension_numbers<[1], [0], [0], [1], [0, 0, 1, 1], [], []>, transpose_lhs_hint = false} : vector<128x29xf32>, vector<29x256xf32>, vector<128x256xf32> -> vector<128x256xf32>
    %max3A_1254 = arith.maximumf %max3A_1240, %dot_general3A_1253 : vector<128x256xf32>
    %get3A_1255 = arith.constant 110 : index
    %get3A_1256 = arith.constant 1536 : index
    %get3A_1257 = vector.load %arg3[%get3A_1255, %get3A_1256] : memref<132x4096xf32, #tpu.memory_space<vmem>>, vector<11x256xf32>
    %slice3A_1258 = vector.extract_strided_slice %get3A_1115 {offsets = [10, 0, 0], sizes = [1, 1, 256], strides = [1, 1, 1]} : vector<12x1x256xi32> to vector<1x1x256xi32>
    %squeeze3A_1259 = vector.shape_cast %slice3A_1258 : vector<1x1x256xi32> to vector<1x256xi32>
    %eq3A_1260 = vector.broadcast %squeeze3A_1259 : vector<1x256xi32> to vector<18x256xi32>
    %eq3A_1261 = vector.broadcast %iota3A : vector<18x1xi32> to vector<18x256xi32>
    %eq3A_1262 = arith.cmpi eq, %eq3A_1260, %eq3A_1261 : vector<18x256xi32>
    %convert_element_type3A_1263 = arith.extui %eq3A_1262 : vector<18x256xi1> to vector<18x256xi32>
    %convert_element_type3A_1264 = arith.sitofp %convert_element_type3A_1263 : vector<18x256xi32> to vector<18x256xf32>
    %concatenate3A_1265 = tpu.concatenate %get3A_1257, %convert_element_type3A_1264 in 0 : vector<11x256xf32>, vector<18x256xf32> -> vector<29x256xf32>
    %dot_general3A_1266 = arith.constant dense<0.000000e+00> : vector<128x256xf32>
    %dot_general3A_1267 = tpu.matmul %transpose3A, %concatenate3A_1265, %dot_general3A_1266 {dimension_numbers = #tpu.dot_dimension_numbers<[1], [0], [0], [1], [0, 0, 1, 1], [], []>, transpose_lhs_hint = false} : vector<128x29xf32>, vector<29x256xf32>, vector<128x256xf32> -> vector<128x256xf32>
    %max3A_1268 = arith.maximumf %max3A_1254, %dot_general3A_1267 : vector<128x256xf32>
    %get3A_1269 = arith.constant 121 : index
    %get3A_1270 = arith.constant 1536 : index
    %get3A_1271 = vector.load %arg3[%get3A_1269, %get3A_1270] : memref<132x4096xf32, #tpu.memory_space<vmem>>, vector<11x256xf32>
    %slice3A_1272 = vector.extract_strided_slice %get3A_1115 {offsets = [11, 0, 0], sizes = [1, 1, 256], strides = [1, 1, 1]} : vector<12x1x256xi32> to vector<1x1x256xi32>
    %squeeze3A_1273 = vector.shape_cast %slice3A_1272 : vector<1x1x256xi32> to vector<1x256xi32>
    %eq3A_1274 = vector.broadcast %squeeze3A_1273 : vector<1x256xi32> to vector<18x256xi32>
    %eq3A_1275 = vector.broadcast %iota3A : vector<18x1xi32> to vector<18x256xi32>
    %eq3A_1276 = arith.cmpi eq, %eq3A_1274, %eq3A_1275 : vector<18x256xi32>
    %convert_element_type3A_1277 = arith.extui %eq3A_1276 : vector<18x256xi1> to vector<18x256xi32>
    %convert_element_type3A_1278 = arith.sitofp %convert_element_type3A_1277 : vector<18x256xi32> to vector<18x256xf32>
    %concatenate3A_1279 = tpu.concatenate %get3A_1271, %convert_element_type3A_1278 in 0 : vector<11x256xf32>, vector<18x256xf32> -> vector<29x256xf32>
    %dot_general3A_1280 = arith.constant dense<0.000000e+00> : vector<128x256xf32>
    %dot_general3A_1281 = tpu.matmul %transpose3A, %concatenate3A_1279, %dot_general3A_1280 {dimension_numbers = #tpu.dot_dimension_numbers<[1], [0], [0], [1], [0, 0, 1, 1], [], []>, transpose_lhs_hint = false} : vector<128x29xf32>, vector<29x256xf32>, vector<128x256xf32> -> vector<128x256xf32>
    %max3A_1282 = arith.maximumf %max3A_1268, %dot_general3A_1281 : vector<128x256xf32>
    %get3A_1283 = arith.constant 0 : index
    %get3A_1284 = arith.constant 0 : index
    %get3A_1285 = vector.load %arg6[%get3A_1283, %get3A_1284] : memref<128x1xf32, #tpu.memory_space<vmem>>, vector<128x1xf32>
    %add3A_1286 = vector.broadcast %get3A_1285 : vector<128x1xf32> to vector<128x256xf32>
    %add3A_1287 = arith.addf %max3A_1282, %add3A_1286 : vector<128x256xf32>
    %max3A_1288 = arith.constant 0.000000e+00 : f32
    %max3A_1289 = vector.broadcast %max3A_1288 : f32 to vector<128x256xf32>
    %max3A_1290 = arith.maximumf %add3A_1287, %max3A_1289 : vector<128x256xf32>
    %swap3A_1291 = arith.constant 0 : index
    %swap3A_1292 = arith.constant 0 : index
    %swap3A_1293 = arith.constant 1536 : index
    %swap3A_1294 = vector.load %arg7[%swap3A_1291, %swap3A_1292, %swap3A_1293] : memref<1x128x4096xf32, #tpu.memory_space<vmem>>, vector<1x128x256xf32>
    %swap3A_1295 = vector.shape_cast %swap3A_1294 : vector<1x128x256xf32> to vector<128x256xf32>
    %swap3A_1296 = vector.shape_cast %max3A_1290 : vector<128x256xf32> to vector<1x128x256xf32>
    tpu.vector_store %arg7[%swap3A_1291, %swap3A_1292, %swap3A_1293], %swap3A_1296 {strides = array<i32>} : memref<1x128x4096xf32, #tpu.memory_space<vmem>>, vector<1x128x256xf32>,
    %get3A_1297 = arith.constant 0 : index
    %get3A_1298 = arith.index_cast %arg1 : i32 to index
    %get3A_1299 = arith.constant 1792 : index
    %get3A_1300 = vector.load %arg2[%get3A_1297, %get3A_1298, %get3A_1299] : memref<12x8x4096xi32, #tpu.memory_space<vmem>>, vector<12x1x256xi32>
    %get3A_1301 = arith.constant 0 : index
    %get3A_1302 = arith.constant 1792 : index
    %get3A_1303 = vector.load %arg3[%get3A_1301, %get3A_1302] : memref<132x4096xf32, #tpu.memory_space<vmem>>, vector<11x256xf32>
    %slice3A_1304 = vector.extract_strided_slice %get3A_1300 {offsets = [0, 0, 0], sizes = [1, 1, 256], strides = [1, 1, 1]} : vector<12x1x256xi32> to vector<1x1x256xi32>
    %squeeze3A_1305 = vector.shape_cast %slice3A_1304 : vector<1x1x256xi32> to vector<1x256xi32>
    %eq3A_1306 = vector.broadcast %squeeze3A_1305 : vector<1x256xi32> to vector<18x256xi32>
    %eq3A_1307 = vector.broadcast %iota3A : vector<18x1xi32> to vector<18x256xi32>
    %eq3A_1308 = arith.cmpi eq, %eq3A_1306, %eq3A_1307 : vector<18x256xi32>
    %convert_element_type3A_1309 = arith.extui %eq3A_1308 : vector<18x256xi1> to vector<18x256xi32>
    %convert_element_type3A_1310 = arith.sitofp %convert_element_type3A_1309 : vector<18x256xi32> to vector<18x256xf32>
    %concatenate3A_1311 = tpu.concatenate %get3A_1303, %convert_element_type3A_1310 in 0 : vector<11x256xf32>, vector<18x256xf32> -> vector<29x256xf32>
    %dot_general3A_1312 = arith.constant dense<0.000000e+00> : vector<128x256xf32>
    %dot_general3A_1313 = tpu.matmul %transpose3A, %concatenate3A_1311, %dot_general3A_1312 {dimension_numbers = #tpu.dot_dimension_numbers<[1], [0], [0], [1], [0, 0, 1, 1], [], []>, transpose_lhs_hint = false} : vector<128x29xf32>, vector<29x256xf32>, vector<128x256xf32> -> vector<128x256xf32>
    %get3A_1314 = arith.constant 11 : index
    %get3A_1315 = arith.constant 1792 : index
    %get3A_1316 = vector.load %arg3[%get3A_1314, %get3A_1315] : memref<132x4096xf32, #tpu.memory_space<vmem>>, vector<11x256xf32>
    %slice3A_1317 = vector.extract_strided_slice %get3A_1300 {offsets = [1, 0, 0], sizes = [1, 1, 256], strides = [1, 1, 1]} : vector<12x1x256xi32> to vector<1x1x256xi32>
    %squeeze3A_1318 = vector.shape_cast %slice3A_1317 : vector<1x1x256xi32> to vector<1x256xi32>
    %eq3A_1319 = vector.broadcast %squeeze3A_1318 : vector<1x256xi32> to vector<18x256xi32>
    %eq3A_1320 = vector.broadcast %iota3A : vector<18x1xi32> to vector<18x256xi32>
    %eq3A_1321 = arith.cmpi eq, %eq3A_1319, %eq3A_1320 : vector<18x256xi32>
    %convert_element_type3A_1322 = arith.extui %eq3A_1321 : vector<18x256xi1> to vector<18x256xi32>
    %convert_element_type3A_1323 = arith.sitofp %convert_element_type3A_1322 : vector<18x256xi32> to vector<18x256xf32>
    %concatenate3A_1324 = tpu.concatenate %get3A_1316, %convert_element_type3A_1323 in 0 : vector<11x256xf32>, vector<18x256xf32> -> vector<29x256xf32>
    %dot_general3A_1325 = arith.constant dense<0.000000e+00> : vector<128x256xf32>
    %dot_general3A_1326 = tpu.matmul %transpose3A, %concatenate3A_1324, %dot_general3A_1325 {dimension_numbers = #tpu.dot_dimension_numbers<[1], [0], [0], [1], [0, 0, 1, 1], [], []>, transpose_lhs_hint = false} : vector<128x29xf32>, vector<29x256xf32>, vector<128x256xf32> -> vector<128x256xf32>
    %max3A_1327 = arith.maximumf %dot_general3A_1313, %dot_general3A_1326 : vector<128x256xf32>
    %get3A_1328 = arith.constant 22 : index
    %get3A_1329 = arith.constant 1792 : index
    %get3A_1330 = vector.load %arg3[%get3A_1328, %get3A_1329] : memref<132x4096xf32, #tpu.memory_space<vmem>>, vector<11x256xf32>
    %slice3A_1331 = vector.extract_strided_slice %get3A_1300 {offsets = [2, 0, 0], sizes = [1, 1, 256], strides = [1, 1, 1]} : vector<12x1x256xi32> to vector<1x1x256xi32>
    %squeeze3A_1332 = vector.shape_cast %slice3A_1331 : vector<1x1x256xi32> to vector<1x256xi32>
    %eq3A_1333 = vector.broadcast %squeeze3A_1332 : vector<1x256xi32> to vector<18x256xi32>
    %eq3A_1334 = vector.broadcast %iota3A : vector<18x1xi32> to vector<18x256xi32>
    %eq3A_1335 = arith.cmpi eq, %eq3A_1333, %eq3A_1334 : vector<18x256xi32>
    %convert_element_type3A_1336 = arith.extui %eq3A_1335 : vector<18x256xi1> to vector<18x256xi32>
    %convert_element_type3A_1337 = arith.sitofp %convert_element_type3A_1336 : vector<18x256xi32> to vector<18x256xf32>
    %concatenate3A_1338 = tpu.concatenate %get3A_1330, %convert_element_type3A_1337 in 0 : vector<11x256xf32>, vector<18x256xf32> -> vector<29x256xf32>
    %dot_general3A_1339 = arith.constant dense<0.000000e+00> : vector<128x256xf32>
    %dot_general3A_1340 = tpu.matmul %transpose3A, %concatenate3A_1338, %dot_general3A_1339 {dimension_numbers = #tpu.dot_dimension_numbers<[1], [0], [0], [1], [0, 0, 1, 1], [], []>, transpose_lhs_hint = false} : vector<128x29xf32>, vector<29x256xf32>, vector<128x256xf32> -> vector<128x256xf32>
    %max3A_1341 = arith.maximumf %max3A_1327, %dot_general3A_1340 : vector<128x256xf32>
    %get3A_1342 = arith.constant 33 : index
    %get3A_1343 = arith.constant 1792 : index
    %get3A_1344 = vector.load %arg3[%get3A_1342, %get3A_1343] : memref<132x4096xf32, #tpu.memory_space<vmem>>, vector<11x256xf32>
    %slice3A_1345 = vector.extract_strided_slice %get3A_1300 {offsets = [3, 0, 0], sizes = [1, 1, 256], strides = [1, 1, 1]} : vector<12x1x256xi32> to vector<1x1x256xi32>
    %squeeze3A_1346 = vector.shape_cast %slice3A_1345 : vector<1x1x256xi32> to vector<1x256xi32>
    %eq3A_1347 = vector.broadcast %squeeze3A_1346 : vector<1x256xi32> to vector<18x256xi32>
    %eq3A_1348 = vector.broadcast %iota3A : vector<18x1xi32> to vector<18x256xi32>
    %eq3A_1349 = arith.cmpi eq, %eq3A_1347, %eq3A_1348 : vector<18x256xi32>
    %convert_element_type3A_1350 = arith.extui %eq3A_1349 : vector<18x256xi1> to vector<18x256xi32>
    %convert_element_type3A_1351 = arith.sitofp %convert_element_type3A_1350 : vector<18x256xi32> to vector<18x256xf32>
    %concatenate3A_1352 = tpu.concatenate %get3A_1344, %convert_element_type3A_1351 in 0 : vector<11x256xf32>, vector<18x256xf32> -> vector<29x256xf32>
    %dot_general3A_1353 = arith.constant dense<0.000000e+00> : vector<128x256xf32>
    %dot_general3A_1354 = tpu.matmul %transpose3A, %concatenate3A_1352, %dot_general3A_1353 {dimension_numbers = #tpu.dot_dimension_numbers<[1], [0], [0], [1], [0, 0, 1, 1], [], []>, transpose_lhs_hint = false} : vector<128x29xf32>, vector<29x256xf32>, vector<128x256xf32> -> vector<128x256xf32>
    %max3A_1355 = arith.maximumf %max3A_1341, %dot_general3A_1354 : vector<128x256xf32>
    %get3A_1356 = arith.constant 44 : index
    %get3A_1357 = arith.constant 1792 : index
    %get3A_1358 = vector.load %arg3[%get3A_1356, %get3A_1357] : memref<132x4096xf32, #tpu.memory_space<vmem>>, vector<11x256xf32>
    %slice3A_1359 = vector.extract_strided_slice %get3A_1300 {offsets = [4, 0, 0], sizes = [1, 1, 256], strides = [1, 1, 1]} : vector<12x1x256xi32> to vector<1x1x256xi32>
    %squeeze3A_1360 = vector.shape_cast %slice3A_1359 : vector<1x1x256xi32> to vector<1x256xi32>
    %eq3A_1361 = vector.broadcast %squeeze3A_1360 : vector<1x256xi32> to vector<18x256xi32>
    %eq3A_1362 = vector.broadcast %iota3A : vector<18x1xi32> to vector<18x256xi32>
    %eq3A_1363 = arith.cmpi eq, %eq3A_1361, %eq3A_1362 : vector<18x256xi32>
    %convert_element_type3A_1364 = arith.extui %eq3A_1363 : vector<18x256xi1> to vector<18x256xi32>
    %convert_element_type3A_1365 = arith.sitofp %convert_element_type3A_1364 : vector<18x256xi32> to vector<18x256xf32>
    %concatenate3A_1366 = tpu.concatenate %get3A_1358, %convert_element_type3A_1365 in 0 : vector<11x256xf32>, vector<18x256xf32> -> vector<29x256xf32>
    %dot_general3A_1367 = arith.constant dense<0.000000e+00> : vector<128x256xf32>
    %dot_general3A_1368 = tpu.matmul %transpose3A, %concatenate3A_1366, %dot_general3A_1367 {dimension_numbers = #tpu.dot_dimension_numbers<[1], [0], [0], [1], [0, 0, 1, 1], [], []>, transpose_lhs_hint = false} : vector<128x29xf32>, vector<29x256xf32>, vector<128x256xf32> -> vector<128x256xf32>
    %max3A_1369 = arith.maximumf %max3A_1355, %dot_general3A_1368 : vector<128x256xf32>
    %get3A_1370 = arith.constant 55 : index
    %get3A_1371 = arith.constant 1792 : index
    %get3A_1372 = vector.load %arg3[%get3A_1370, %get3A_1371] : memref<132x4096xf32, #tpu.memory_space<vmem>>, vector<11x256xf32>
    %slice3A_1373 = vector.extract_strided_slice %get3A_1300 {offsets = [5, 0, 0], sizes = [1, 1, 256], strides = [1, 1, 1]} : vector<12x1x256xi32> to vector<1x1x256xi32>
    %squeeze3A_1374 = vector.shape_cast %slice3A_1373 : vector<1x1x256xi32> to vector<1x256xi32>
    %eq3A_1375 = vector.broadcast %squeeze3A_1374 : vector<1x256xi32> to vector<18x256xi32>
    %eq3A_1376 = vector.broadcast %iota3A : vector<18x1xi32> to vector<18x256xi32>
    %eq3A_1377 = arith.cmpi eq, %eq3A_1375, %eq3A_1376 : vector<18x256xi32>
    %convert_element_type3A_1378 = arith.extui %eq3A_1377 : vector<18x256xi1> to vector<18x256xi32>
    %convert_element_type3A_1379 = arith.sitofp %convert_element_type3A_1378 : vector<18x256xi32> to vector<18x256xf32>
    %concatenate3A_1380 = tpu.concatenate %get3A_1372, %convert_element_type3A_1379 in 0 : vector<11x256xf32>, vector<18x256xf32> -> vector<29x256xf32>
    %dot_general3A_1381 = arith.constant dense<0.000000e+00> : vector<128x256xf32>
    %dot_general3A_1382 = tpu.matmul %transpose3A, %concatenate3A_1380, %dot_general3A_1381 {dimension_numbers = #tpu.dot_dimension_numbers<[1], [0], [0], [1], [0, 0, 1, 1], [], []>, transpose_lhs_hint = false} : vector<128x29xf32>, vector<29x256xf32>, vector<128x256xf32> -> vector<128x256xf32>
    %max3A_1383 = arith.maximumf %max3A_1369, %dot_general3A_1382 : vector<128x256xf32>
    %get3A_1384 = arith.constant 66 : index
    %get3A_1385 = arith.constant 1792 : index
    %get3A_1386 = vector.load %arg3[%get3A_1384, %get3A_1385] : memref<132x4096xf32, #tpu.memory_space<vmem>>, vector<11x256xf32>
    %slice3A_1387 = vector.extract_strided_slice %get3A_1300 {offsets = [6, 0, 0], sizes = [1, 1, 256], strides = [1, 1, 1]} : vector<12x1x256xi32> to vector<1x1x256xi32>
    %squeeze3A_1388 = vector.shape_cast %slice3A_1387 : vector<1x1x256xi32> to vector<1x256xi32>
    %eq3A_1389 = vector.broadcast %squeeze3A_1388 : vector<1x256xi32> to vector<18x256xi32>
    %eq3A_1390 = vector.broadcast %iota3A : vector<18x1xi32> to vector<18x256xi32>
    %eq3A_1391 = arith.cmpi eq, %eq3A_1389, %eq3A_1390 : vector<18x256xi32>
    %convert_element_type3A_1392 = arith.extui %eq3A_1391 : vector<18x256xi1> to vector<18x256xi32>
    %convert_element_type3A_1393 = arith.sitofp %convert_element_type3A_1392 : vector<18x256xi32> to vector<18x256xf32>
    %concatenate3A_1394 = tpu.concatenate %get3A_1386, %convert_element_type3A_1393 in 0 : vector<11x256xf32>, vector<18x256xf32> -> vector<29x256xf32>
    %dot_general3A_1395 = arith.constant dense<0.000000e+00> : vector<128x256xf32>
    %dot_general3A_1396 = tpu.matmul %transpose3A, %concatenate3A_1394, %dot_general3A_1395 {dimension_numbers = #tpu.dot_dimension_numbers<[1], [0], [0], [1], [0, 0, 1, 1], [], []>, transpose_lhs_hint = false} : vector<128x29xf32>, vector<29x256xf32>, vector<128x256xf32> -> vector<128x256xf32>
    %max3A_1397 = arith.maximumf %max3A_1383, %dot_general3A_1396 : vector<128x256xf32>
    %get3A_1398 = arith.constant 77 : index
    %get3A_1399 = arith.constant 1792 : index
    %get3A_1400 = vector.load %arg3[%get3A_1398, %get3A_1399] : memref<132x4096xf32, #tpu.memory_space<vmem>>, vector<11x256xf32>
    %slice3A_1401 = vector.extract_strided_slice %get3A_1300 {offsets = [7, 0, 0], sizes = [1, 1, 256], strides = [1, 1, 1]} : vector<12x1x256xi32> to vector<1x1x256xi32>
    %squeeze3A_1402 = vector.shape_cast %slice3A_1401 : vector<1x1x256xi32> to vector<1x256xi32>
    %eq3A_1403 = vector.broadcast %squeeze3A_1402 : vector<1x256xi32> to vector<18x256xi32>
    %eq3A_1404 = vector.broadcast %iota3A : vector<18x1xi32> to vector<18x256xi32>
    %eq3A_1405 = arith.cmpi eq, %eq3A_1403, %eq3A_1404 : vector<18x256xi32>
    %convert_element_type3A_1406 = arith.extui %eq3A_1405 : vector<18x256xi1> to vector<18x256xi32>
    %convert_element_type3A_1407 = arith.sitofp %convert_element_type3A_1406 : vector<18x256xi32> to vector<18x256xf32>
    %concatenate3A_1408 = tpu.concatenate %get3A_1400, %convert_element_type3A_1407 in 0 : vector<11x256xf32>, vector<18x256xf32> -> vector<29x256xf32>
    %dot_general3A_1409 = arith.constant dense<0.000000e+00> : vector<128x256xf32>
    %dot_general3A_1410 = tpu.matmul %transpose3A, %concatenate3A_1408, %dot_general3A_1409 {dimension_numbers = #tpu.dot_dimension_numbers<[1], [0], [0], [1], [0, 0, 1, 1], [], []>, transpose_lhs_hint = false} : vector<128x29xf32>, vector<29x256xf32>, vector<128x256xf32> -> vector<128x256xf32>
    %max3A_1411 = arith.maximumf %max3A_1397, %dot_general3A_1410 : vector<128x256xf32>
    %get3A_1412 = arith.constant 88 : index
    %get3A_1413 = arith.constant 1792 : index
    %get3A_1414 = vector.load %arg3[%get3A_1412, %get3A_1413] : memref<132x4096xf32, #tpu.memory_space<vmem>>, vector<11x256xf32>
    %slice3A_1415 = vector.extract_strided_slice %get3A_1300 {offsets = [8, 0, 0], sizes = [1, 1, 256], strides = [1, 1, 1]} : vector<12x1x256xi32> to vector<1x1x256xi32>
    %squeeze3A_1416 = vector.shape_cast %slice3A_1415 : vector<1x1x256xi32> to vector<1x256xi32>
    %eq3A_1417 = vector.broadcast %squeeze3A_1416 : vector<1x256xi32> to vector<18x256xi32>
    %eq3A_1418 = vector.broadcast %iota3A : vector<18x1xi32> to vector<18x256xi32>
    %eq3A_1419 = arith.cmpi eq, %eq3A_1417, %eq3A_1418 : vector<18x256xi32>
    %convert_element_type3A_1420 = arith.extui %eq3A_1419 : vector<18x256xi1> to vector<18x256xi32>
    %convert_element_type3A_1421 = arith.sitofp %convert_element_type3A_1420 : vector<18x256xi32> to vector<18x256xf32>
    %concatenate3A_1422 = tpu.concatenate %get3A_1414, %convert_element_type3A_1421 in 0 : vector<11x256xf32>, vector<18x256xf32> -> vector<29x256xf32>
    %dot_general3A_1423 = arith.constant dense<0.000000e+00> : vector<128x256xf32>
    %dot_general3A_1424 = tpu.matmul %transpose3A, %concatenate3A_1422, %dot_general3A_1423 {dimension_numbers = #tpu.dot_dimension_numbers<[1], [0], [0], [1], [0, 0, 1, 1], [], []>, transpose_lhs_hint = false} : vector<128x29xf32>, vector<29x256xf32>, vector<128x256xf32> -> vector<128x256xf32>
    %max3A_1425 = arith.maximumf %max3A_1411, %dot_general3A_1424 : vector<128x256xf32>
    %get3A_1426 = arith.constant 99 : index
    %get3A_1427 = arith.constant 1792 : index
    %get3A_1428 = vector.load %arg3[%get3A_1426, %get3A_1427] : memref<132x4096xf32, #tpu.memory_space<vmem>>, vector<11x256xf32>
    %slice3A_1429 = vector.extract_strided_slice %get3A_1300 {offsets = [9, 0, 0], sizes = [1, 1, 256], strides = [1, 1, 1]} : vector<12x1x256xi32> to vector<1x1x256xi32>
    %squeeze3A_1430 = vector.shape_cast %slice3A_1429 : vector<1x1x256xi32> to vector<1x256xi32>
    %eq3A_1431 = vector.broadcast %squeeze3A_1430 : vector<1x256xi32> to vector<18x256xi32>
    %eq3A_1432 = vector.broadcast %iota3A : vector<18x1xi32> to vector<18x256xi32>
    %eq3A_1433 = arith.cmpi eq, %eq3A_1431, %eq3A_1432 : vector<18x256xi32>
    %convert_element_type3A_1434 = arith.extui %eq3A_1433 : vector<18x256xi1> to vector<18x256xi32>
    %convert_element_type3A_1435 = arith.sitofp %convert_element_type3A_1434 : vector<18x256xi32> to vector<18x256xf32>
    %concatenate3A_1436 = tpu.concatenate %get3A_1428, %convert_element_type3A_1435 in 0 : vector<11x256xf32>, vector<18x256xf32> -> vector<29x256xf32>
    %dot_general3A_1437 = arith.constant dense<0.000000e+00> : vector<128x256xf32>
    %dot_general3A_1438 = tpu.matmul %transpose3A, %concatenate3A_1436, %dot_general3A_1437 {dimension_numbers = #tpu.dot_dimension_numbers<[1], [0], [0], [1], [0, 0, 1, 1], [], []>, transpose_lhs_hint = false} : vector<128x29xf32>, vector<29x256xf32>, vector<128x256xf32> -> vector<128x256xf32>
    %max3A_1439 = arith.maximumf %max3A_1425, %dot_general3A_1438 : vector<128x256xf32>
    %get3A_1440 = arith.constant 110 : index
    %get3A_1441 = arith.constant 1792 : index
    %get3A_1442 = vector.load %arg3[%get3A_1440, %get3A_1441] : memref<132x4096xf32, #tpu.memory_space<vmem>>, vector<11x256xf32>
    %slice3A_1443 = vector.extract_strided_slice %get3A_1300 {offsets = [10, 0, 0], sizes = [1, 1, 256], strides = [1, 1, 1]} : vector<12x1x256xi32> to vector<1x1x256xi32>
    %squeeze3A_1444 = vector.shape_cast %slice3A_1443 : vector<1x1x256xi32> to vector<1x256xi32>
    %eq3A_1445 = vector.broadcast %squeeze3A_1444 : vector<1x256xi32> to vector<18x256xi32>
    %eq3A_1446 = vector.broadcast %iota3A : vector<18x1xi32> to vector<18x256xi32>
    %eq3A_1447 = arith.cmpi eq, %eq3A_1445, %eq3A_1446 : vector<18x256xi32>
    %convert_element_type3A_1448 = arith.extui %eq3A_1447 : vector<18x256xi1> to vector<18x256xi32>
    %convert_element_type3A_1449 = arith.sitofp %convert_element_type3A_1448 : vector<18x256xi32> to vector<18x256xf32>
    %concatenate3A_1450 = tpu.concatenate %get3A_1442, %convert_element_type3A_1449 in 0 : vector<11x256xf32>, vector<18x256xf32> -> vector<29x256xf32>
    %dot_general3A_1451 = arith.constant dense<0.000000e+00> : vector<128x256xf32>
    %dot_general3A_1452 = tpu.matmul %transpose3A, %concatenate3A_1450, %dot_general3A_1451 {dimension_numbers = #tpu.dot_dimension_numbers<[1], [0], [0], [1], [0, 0, 1, 1], [], []>, transpose_lhs_hint = false} : vector<128x29xf32>, vector<29x256xf32>, vector<128x256xf32> -> vector<128x256xf32>
    %max3A_1453 = arith.maximumf %max3A_1439, %dot_general3A_1452 : vector<128x256xf32>
    %get3A_1454 = arith.constant 121 : index
    %get3A_1455 = arith.constant 1792 : index
    %get3A_1456 = vector.load %arg3[%get3A_1454, %get3A_1455] : memref<132x4096xf32, #tpu.memory_space<vmem>>, vector<11x256xf32>
    %slice3A_1457 = vector.extract_strided_slice %get3A_1300 {offsets = [11, 0, 0], sizes = [1, 1, 256], strides = [1, 1, 1]} : vector<12x1x256xi32> to vector<1x1x256xi32>
    %squeeze3A_1458 = vector.shape_cast %slice3A_1457 : vector<1x1x256xi32> to vector<1x256xi32>
    %eq3A_1459 = vector.broadcast %squeeze3A_1458 : vector<1x256xi32> to vector<18x256xi32>
    %eq3A_1460 = vector.broadcast %iota3A : vector<18x1xi32> to vector<18x256xi32>
    %eq3A_1461 = arith.cmpi eq, %eq3A_1459, %eq3A_1460 : vector<18x256xi32>
    %convert_element_type3A_1462 = arith.extui %eq3A_1461 : vector<18x256xi1> to vector<18x256xi32>
    %convert_element_type3A_1463 = arith.sitofp %convert_element_type3A_1462 : vector<18x256xi32> to vector<18x256xf32>
    %concatenate3A_1464 = tpu.concatenate %get3A_1456, %convert_element_type3A_1463 in 0 : vector<11x256xf32>, vector<18x256xf32> -> vector<29x256xf32>
    %dot_general3A_1465 = arith.constant dense<0.000000e+00> : vector<128x256xf32>
    %dot_general3A_1466 = tpu.matmul %transpose3A, %concatenate3A_1464, %dot_general3A_1465 {dimension_numbers = #tpu.dot_dimension_numbers<[1], [0], [0], [1], [0, 0, 1, 1], [], []>, transpose_lhs_hint = false} : vector<128x29xf32>, vector<29x256xf32>, vector<128x256xf32> -> vector<128x256xf32>
    %max3A_1467 = arith.maximumf %max3A_1453, %dot_general3A_1466 : vector<128x256xf32>
    %get3A_1468 = arith.constant 0 : index
    %get3A_1469 = arith.constant 0 : index
    %get3A_1470 = vector.load %arg6[%get3A_1468, %get3A_1469] : memref<128x1xf32, #tpu.memory_space<vmem>>, vector<128x1xf32>
    %add3A_1471 = vector.broadcast %get3A_1470 : vector<128x1xf32> to vector<128x256xf32>
    %add3A_1472 = arith.addf %max3A_1467, %add3A_1471 : vector<128x256xf32>
    %max3A_1473 = arith.constant 0.000000e+00 : f32
    %max3A_1474 = vector.broadcast %max3A_1473 : f32 to vector<128x256xf32>
    %max3A_1475 = arith.maximumf %add3A_1472, %max3A_1474 : vector<128x256xf32>
    %swap3A_1476 = arith.constant 0 : index
    %swap3A_1477 = arith.constant 0 : index
    %swap3A_1478 = arith.constant 1792 : index
    %swap3A_1479 = vector.load %arg7[%swap3A_1476, %swap3A_1477, %swap3A_1478] : memref<1x128x4096xf32, #tpu.memory_space<vmem>>, vector<1x128x256xf32>
    %swap3A_1480 = vector.shape_cast %swap3A_1479 : vector<1x128x256xf32> to vector<128x256xf32>
    %swap3A_1481 = vector.shape_cast %max3A_1475 : vector<128x256xf32> to vector<1x128x256xf32>
    tpu.vector_store %arg7[%swap3A_1476, %swap3A_1477, %swap3A_1478], %swap3A_1481 {strides = array<i32>} : memref<1x128x4096xf32, #tpu.memory_space<vmem>>, vector<1x128x256xf32>,
    %get3A_1482 = arith.constant 0 : index
    %get3A_1483 = arith.index_cast %arg1 : i32 to index
    %get3A_1484 = arith.constant 2048 : index
    %get3A_1485 = vector.load %arg2[%get3A_1482, %get3A_1483, %get3A_1484] : memref<12x8x4096xi32, #tpu.memory_space<vmem>>, vector<12x1x256xi32>
    %get3A_1486 = arith.constant 0 : index
    %get3A_1487 = arith.constant 2048 : index
    %get3A_1488 = vector.load %arg3[%get3A_1486, %get3A_1487] : memref<132x4096xf32, #tpu.memory_space<vmem>>, vector<11x256xf32>
    %slice3A_1489 = vector.extract_strided_slice %get3A_1485 {offsets = [0, 0, 0], sizes = [1, 1, 256], strides = [1, 1, 1]} : vector<12x1x256xi32> to vector<1x1x256xi32>
    %squeeze3A_1490 = vector.shape_cast %slice3A_1489 : vector<1x1x256xi32> to vector<1x256xi32>
    %eq3A_1491 = vector.broadcast %squeeze3A_1490 : vector<1x256xi32> to vector<18x256xi32>
    %eq3A_1492 = vector.broadcast %iota3A : vector<18x1xi32> to vector<18x256xi32>
    %eq3A_1493 = arith.cmpi eq, %eq3A_1491, %eq3A_1492 : vector<18x256xi32>
    %convert_element_type3A_1494 = arith.extui %eq3A_1493 : vector<18x256xi1> to vector<18x256xi32>
    %convert_element_type3A_1495 = arith.sitofp %convert_element_type3A_1494 : vector<18x256xi32> to vector<18x256xf32>
    %concatenate3A_1496 = tpu.concatenate %get3A_1488, %convert_element_type3A_1495 in 0 : vector<11x256xf32>, vector<18x256xf32> -> vector<29x256xf32>
    %dot_general3A_1497 = arith.constant dense<0.000000e+00> : vector<128x256xf32>
    %dot_general3A_1498 = tpu.matmul %transpose3A, %concatenate3A_1496, %dot_general3A_1497 {dimension_numbers = #tpu.dot_dimension_numbers<[1], [0], [0], [1], [0, 0, 1, 1], [], []>, transpose_lhs_hint = false} : vector<128x29xf32>, vector<29x256xf32>, vector<128x256xf32> -> vector<128x256xf32>
    %get3A_1499 = arith.constant 11 : index
    %get3A_1500 = arith.constant 2048 : index
    %get3A_1501 = vector.load %arg3[%get3A_1499, %get3A_1500] : memref<132x4096xf32, #tpu.memory_space<vmem>>, vector<11x256xf32>
    %slice3A_1502 = vector.extract_strided_slice %get3A_1485 {offsets = [1, 0, 0], sizes = [1, 1, 256], strides = [1, 1, 1]} : vector<12x1x256xi32> to vector<1x1x256xi32>
    %squeeze3A_1503 = vector.shape_cast %slice3A_1502 : vector<1x1x256xi32> to vector<1x256xi32>
    %eq3A_1504 = vector.broadcast %squeeze3A_1503 : vector<1x256xi32> to vector<18x256xi32>
    %eq3A_1505 = vector.broadcast %iota3A : vector<18x1xi32> to vector<18x256xi32>
    %eq3A_1506 = arith.cmpi eq, %eq3A_1504, %eq3A_1505 : vector<18x256xi32>
    %convert_element_type3A_1507 = arith.extui %eq3A_1506 : vector<18x256xi1> to vector<18x256xi32>
    %convert_element_type3A_1508 = arith.sitofp %convert_element_type3A_1507 : vector<18x256xi32> to vector<18x256xf32>
    %concatenate3A_1509 = tpu.concatenate %get3A_1501, %convert_element_type3A_1508 in 0 : vector<11x256xf32>, vector<18x256xf32> -> vector<29x256xf32>
    %dot_general3A_1510 = arith.constant dense<0.000000e+00> : vector<128x256xf32>
    %dot_general3A_1511 = tpu.matmul %transpose3A, %concatenate3A_1509, %dot_general3A_1510 {dimension_numbers = #tpu.dot_dimension_numbers<[1], [0], [0], [1], [0, 0, 1, 1], [], []>, transpose_lhs_hint = false} : vector<128x29xf32>, vector<29x256xf32>, vector<128x256xf32> -> vector<128x256xf32>
    %max3A_1512 = arith.maximumf %dot_general3A_1498, %dot_general3A_1511 : vector<128x256xf32>
    %get3A_1513 = arith.constant 22 : index
    %get3A_1514 = arith.constant 2048 : index
    %get3A_1515 = vector.load %arg3[%get3A_1513, %get3A_1514] : memref<132x4096xf32, #tpu.memory_space<vmem>>, vector<11x256xf32>
    %slice3A_1516 = vector.extract_strided_slice %get3A_1485 {offsets = [2, 0, 0], sizes = [1, 1, 256], strides = [1, 1, 1]} : vector<12x1x256xi32> to vector<1x1x256xi32>
    %squeeze3A_1517 = vector.shape_cast %slice3A_1516 : vector<1x1x256xi32> to vector<1x256xi32>
    %eq3A_1518 = vector.broadcast %squeeze3A_1517 : vector<1x256xi32> to vector<18x256xi32>
    %eq3A_1519 = vector.broadcast %iota3A : vector<18x1xi32> to vector<18x256xi32>
    %eq3A_1520 = arith.cmpi eq, %eq3A_1518, %eq3A_1519 : vector<18x256xi32>
    %convert_element_type3A_1521 = arith.extui %eq3A_1520 : vector<18x256xi1> to vector<18x256xi32>
    %convert_element_type3A_1522 = arith.sitofp %convert_element_type3A_1521 : vector<18x256xi32> to vector<18x256xf32>
    %concatenate3A_1523 = tpu.concatenate %get3A_1515, %convert_element_type3A_1522 in 0 : vector<11x256xf32>, vector<18x256xf32> -> vector<29x256xf32>
    %dot_general3A_1524 = arith.constant dense<0.000000e+00> : vector<128x256xf32>
    %dot_general3A_1525 = tpu.matmul %transpose3A, %concatenate3A_1523, %dot_general3A_1524 {dimension_numbers = #tpu.dot_dimension_numbers<[1], [0], [0], [1], [0, 0, 1, 1], [], []>, transpose_lhs_hint = false} : vector<128x29xf32>, vector<29x256xf32>, vector<128x256xf32> -> vector<128x256xf32>
    %max3A_1526 = arith.maximumf %max3A_1512, %dot_general3A_1525 : vector<128x256xf32>
    %get3A_1527 = arith.constant 33 : index
    %get3A_1528 = arith.constant 2048 : index
    %get3A_1529 = vector.load %arg3[%get3A_1527, %get3A_1528] : memref<132x4096xf32, #tpu.memory_space<vmem>>, vector<11x256xf32>
    %slice3A_1530 = vector.extract_strided_slice %get3A_1485 {offsets = [3, 0, 0], sizes = [1, 1, 256], strides = [1, 1, 1]} : vector<12x1x256xi32> to vector<1x1x256xi32>
    %squeeze3A_1531 = vector.shape_cast %slice3A_1530 : vector<1x1x256xi32> to vector<1x256xi32>
    %eq3A_1532 = vector.broadcast %squeeze3A_1531 : vector<1x256xi32> to vector<18x256xi32>
    %eq3A_1533 = vector.broadcast %iota3A : vector<18x1xi32> to vector<18x256xi32>
    %eq3A_1534 = arith.cmpi eq, %eq3A_1532, %eq3A_1533 : vector<18x256xi32>
    %convert_element_type3A_1535 = arith.extui %eq3A_1534 : vector<18x256xi1> to vector<18x256xi32>
    %convert_element_type3A_1536 = arith.sitofp %convert_element_type3A_1535 : vector<18x256xi32> to vector<18x256xf32>
    %concatenate3A_1537 = tpu.concatenate %get3A_1529, %convert_element_type3A_1536 in 0 : vector<11x256xf32>, vector<18x256xf32> -> vector<29x256xf32>
    %dot_general3A_1538 = arith.constant dense<0.000000e+00> : vector<128x256xf32>
    %dot_general3A_1539 = tpu.matmul %transpose3A, %concatenate3A_1537, %dot_general3A_1538 {dimension_numbers = #tpu.dot_dimension_numbers<[1], [0], [0], [1], [0, 0, 1, 1], [], []>, transpose_lhs_hint = false} : vector<128x29xf32>, vector<29x256xf32>, vector<128x256xf32> -> vector<128x256xf32>
    %max3A_1540 = arith.maximumf %max3A_1526, %dot_general3A_1539 : vector<128x256xf32>
    %get3A_1541 = arith.constant 44 : index
    %get3A_1542 = arith.constant 2048 : index
    %get3A_1543 = vector.load %arg3[%get3A_1541, %get3A_1542] : memref<132x4096xf32, #tpu.memory_space<vmem>>, vector<11x256xf32>
    %slice3A_1544 = vector.extract_strided_slice %get3A_1485 {offsets = [4, 0, 0], sizes = [1, 1, 256], strides = [1, 1, 1]} : vector<12x1x256xi32> to vector<1x1x256xi32>
    %squeeze3A_1545 = vector.shape_cast %slice3A_1544 : vector<1x1x256xi32> to vector<1x256xi32>
    %eq3A_1546 = vector.broadcast %squeeze3A_1545 : vector<1x256xi32> to vector<18x256xi32>
    %eq3A_1547 = vector.broadcast %iota3A : vector<18x1xi32> to vector<18x256xi32>
    %eq3A_1548 = arith.cmpi eq, %eq3A_1546, %eq3A_1547 : vector<18x256xi32>
    %convert_element_type3A_1549 = arith.extui %eq3A_1548 : vector<18x256xi1> to vector<18x256xi32>
    %convert_element_type3A_1550 = arith.sitofp %convert_element_type3A_1549 : vector<18x256xi32> to vector<18x256xf32>
    %concatenate3A_1551 = tpu.concatenate %get3A_1543, %convert_element_type3A_1550 in 0 : vector<11x256xf32>, vector<18x256xf32> -> vector<29x256xf32>
    %dot_general3A_1552 = arith.constant dense<0.000000e+00> : vector<128x256xf32>
    %dot_general3A_1553 = tpu.matmul %transpose3A, %concatenate3A_1551, %dot_general3A_1552 {dimension_numbers = #tpu.dot_dimension_numbers<[1], [0], [0], [1], [0, 0, 1, 1], [], []>, transpose_lhs_hint = false} : vector<128x29xf32>, vector<29x256xf32>, vector<128x256xf32> -> vector<128x256xf32>
    %max3A_1554 = arith.maximumf %max3A_1540, %dot_general3A_1553 : vector<128x256xf32>
    %get3A_1555 = arith.constant 55 : index
    %get3A_1556 = arith.constant 2048 : index
    %get3A_1557 = vector.load %arg3[%get3A_1555, %get3A_1556] : memref<132x4096xf32, #tpu.memory_space<vmem>>, vector<11x256xf32>
    %slice3A_1558 = vector.extract_strided_slice %get3A_1485 {offsets = [5, 0, 0], sizes = [1, 1, 256], strides = [1, 1, 1]} : vector<12x1x256xi32> to vector<1x1x256xi32>
    %squeeze3A_1559 = vector.shape_cast %slice3A_1558 : vector<1x1x256xi32> to vector<1x256xi32>
    %eq3A_1560 = vector.broadcast %squeeze3A_1559 : vector<1x256xi32> to vector<18x256xi32>
    %eq3A_1561 = vector.broadcast %iota3A : vector<18x1xi32> to vector<18x256xi32>
    %eq3A_1562 = arith.cmpi eq, %eq3A_1560, %eq3A_1561 : vector<18x256xi32>
    %convert_element_type3A_1563 = arith.extui %eq3A_1562 : vector<18x256xi1> to vector<18x256xi32>
    %convert_element_type3A_1564 = arith.sitofp %convert_element_type3A_1563 : vector<18x256xi32> to vector<18x256xf32>
    %concatenate3A_1565 = tpu.concatenate %get3A_1557, %convert_element_type3A_1564 in 0 : vector<11x256xf32>, vector<18x256xf32> -> vector<29x256xf32>
    %dot_general3A_1566 = arith.constant dense<0.000000e+00> : vector<128x256xf32>
    %dot_general3A_1567 = tpu.matmul %transpose3A, %concatenate3A_1565, %dot_general3A_1566 {dimension_numbers = #tpu.dot_dimension_numbers<[1], [0], [0], [1], [0, 0, 1, 1], [], []>, transpose_lhs_hint = false} : vector<128x29xf32>, vector<29x256xf32>, vector<128x256xf32> -> vector<128x256xf32>
    %max3A_1568 = arith.maximumf %max3A_1554, %dot_general3A_1567 : vector<128x256xf32>
    %get3A_1569 = arith.constant 66 : index
    %get3A_1570 = arith.constant 2048 : index
    %get3A_1571 = vector.load %arg3[%get3A_1569, %get3A_1570] : memref<132x4096xf32, #tpu.memory_space<vmem>>, vector<11x256xf32>
    %slice3A_1572 = vector.extract_strided_slice %get3A_1485 {offsets = [6, 0, 0], sizes = [1, 1, 256], strides = [1, 1, 1]} : vector<12x1x256xi32> to vector<1x1x256xi32>
    %squeeze3A_1573 = vector.shape_cast %slice3A_1572 : vector<1x1x256xi32> to vector<1x256xi32>
    %eq3A_1574 = vector.broadcast %squeeze3A_1573 : vector<1x256xi32> to vector<18x256xi32>
    %eq3A_1575 = vector.broadcast %iota3A : vector<18x1xi32> to vector<18x256xi32>
    %eq3A_1576 = arith.cmpi eq, %eq3A_1574, %eq3A_1575 : vector<18x256xi32>
    %convert_element_type3A_1577 = arith.extui %eq3A_1576 : vector<18x256xi1> to vector<18x256xi32>
    %convert_element_type3A_1578 = arith.sitofp %convert_element_type3A_1577 : vector<18x256xi32> to vector<18x256xf32>
    %concatenate3A_1579 = tpu.concatenate %get3A_1571, %convert_element_type3A_1578 in 0 : vector<11x256xf32>, vector<18x256xf32> -> vector<29x256xf32>
    %dot_general3A_1580 = arith.constant dense<0.000000e+00> : vector<128x256xf32>
    %dot_general3A_1581 = tpu.matmul %transpose3A, %concatenate3A_1579, %dot_general3A_1580 {dimension_numbers = #tpu.dot_dimension_numbers<[1], [0], [0], [1], [0, 0, 1, 1], [], []>, transpose_lhs_hint = false} : vector<128x29xf32>, vector<29x256xf32>, vector<128x256xf32> -> vector<128x256xf32>
    %max3A_1582 = arith.maximumf %max3A_1568, %dot_general3A_1581 : vector<128x256xf32>
    %get3A_1583 = arith.constant 77 : index
    %get3A_1584 = arith.constant 2048 : index
    %get3A_1585 = vector.load %arg3[%get3A_1583, %get3A_1584] : memref<132x4096xf32, #tpu.memory_space<vmem>>, vector<11x256xf32>
    %slice3A_1586 = vector.extract_strided_slice %get3A_1485 {offsets = [7, 0, 0], sizes = [1, 1, 256], strides = [1, 1, 1]} : vector<12x1x256xi32> to vector<1x1x256xi32>
    %squeeze3A_1587 = vector.shape_cast %slice3A_1586 : vector<1x1x256xi32> to vector<1x256xi32>
    %eq3A_1588 = vector.broadcast %squeeze3A_1587 : vector<1x256xi32> to vector<18x256xi32>
    %eq3A_1589 = vector.broadcast %iota3A : vector<18x1xi32> to vector<18x256xi32>
    %eq3A_1590 = arith.cmpi eq, %eq3A_1588, %eq3A_1589 : vector<18x256xi32>
    %convert_element_type3A_1591 = arith.extui %eq3A_1590 : vector<18x256xi1> to vector<18x256xi32>
    %convert_element_type3A_1592 = arith.sitofp %convert_element_type3A_1591 : vector<18x256xi32> to vector<18x256xf32>
    %concatenate3A_1593 = tpu.concatenate %get3A_1585, %convert_element_type3A_1592 in 0 : vector<11x256xf32>, vector<18x256xf32> -> vector<29x256xf32>
    %dot_general3A_1594 = arith.constant dense<0.000000e+00> : vector<128x256xf32>
    %dot_general3A_1595 = tpu.matmul %transpose3A, %concatenate3A_1593, %dot_general3A_1594 {dimension_numbers = #tpu.dot_dimension_numbers<[1], [0], [0], [1], [0, 0, 1, 1], [], []>, transpose_lhs_hint = false} : vector<128x29xf32>, vector<29x256xf32>, vector<128x256xf32> -> vector<128x256xf32>
    %max3A_1596 = arith.maximumf %max3A_1582, %dot_general3A_1595 : vector<128x256xf32>
    %get3A_1597 = arith.constant 88 : index
    %get3A_1598 = arith.constant 2048 : index
    %get3A_1599 = vector.load %arg3[%get3A_1597, %get3A_1598] : memref<132x4096xf32, #tpu.memory_space<vmem>>, vector<11x256xf32>
    %slice3A_1600 = vector.extract_strided_slice %get3A_1485 {offsets = [8, 0, 0], sizes = [1, 1, 256], strides = [1, 1, 1]} : vector<12x1x256xi32> to vector<1x1x256xi32>
    %squeeze3A_1601 = vector.shape_cast %slice3A_1600 : vector<1x1x256xi32> to vector<1x256xi32>
    %eq3A_1602 = vector.broadcast %squeeze3A_1601 : vector<1x256xi32> to vector<18x256xi32>
    %eq3A_1603 = vector.broadcast %iota3A : vector<18x1xi32> to vector<18x256xi32>
    %eq3A_1604 = arith.cmpi eq, %eq3A_1602, %eq3A_1603 : vector<18x256xi32>
    %convert_element_type3A_1605 = arith.extui %eq3A_1604 : vector<18x256xi1> to vector<18x256xi32>
    %convert_element_type3A_1606 = arith.sitofp %convert_element_type3A_1605 : vector<18x256xi32> to vector<18x256xf32>
    %concatenate3A_1607 = tpu.concatenate %get3A_1599, %convert_element_type3A_1606 in 0 : vector<11x256xf32>, vector<18x256xf32> -> vector<29x256xf32>
    %dot_general3A_1608 = arith.constant dense<0.000000e+00> : vector<128x256xf32>
    %dot_general3A_1609 = tpu.matmul %transpose3A, %concatenate3A_1607, %dot_general3A_1608 {dimension_numbers = #tpu.dot_dimension_numbers<[1], [0], [0], [1], [0, 0, 1, 1], [], []>, transpose_lhs_hint = false} : vector<128x29xf32>, vector<29x256xf32>, vector<128x256xf32> -> vector<128x256xf32>
    %max3A_1610 = arith.maximumf %max3A_1596, %dot_general3A_1609 : vector<128x256xf32>
    %get3A_1611 = arith.constant 99 : index
    %get3A_1612 = arith.constant 2048 : index
    %get3A_1613 = vector.load %arg3[%get3A_1611, %get3A_1612] : memref<132x4096xf32, #tpu.memory_space<vmem>>, vector<11x256xf32>
    %slice3A_1614 = vector.extract_strided_slice %get3A_1485 {offsets = [9, 0, 0], sizes = [1, 1, 256], strides = [1, 1, 1]} : vector<12x1x256xi32> to vector<1x1x256xi32>
    %squeeze3A_1615 = vector.shape_cast %slice3A_1614 : vector<1x1x256xi32> to vector<1x256xi32>
    %eq3A_1616 = vector.broadcast %squeeze3A_1615 : vector<1x256xi32> to vector<18x256xi32>
    %eq3A_1617 = vector.broadcast %iota3A : vector<18x1xi32> to vector<18x256xi32>
    %eq3A_1618 = arith.cmpi eq, %eq3A_1616, %eq3A_1617 : vector<18x256xi32>
    %convert_element_type3A_1619 = arith.extui %eq3A_1618 : vector<18x256xi1> to vector<18x256xi32>
    %convert_element_type3A_1620 = arith.sitofp %convert_element_type3A_1619 : vector<18x256xi32> to vector<18x256xf32>
    %concatenate3A_1621 = tpu.concatenate %get3A_1613, %convert_element_type3A_1620 in 0 : vector<11x256xf32>, vector<18x256xf32> -> vector<29x256xf32>
    %dot_general3A_1622 = arith.constant dense<0.000000e+00> : vector<128x256xf32>
    %dot_general3A_1623 = tpu.matmul %transpose3A, %concatenate3A_1621, %dot_general3A_1622 {dimension_numbers = #tpu.dot_dimension_numbers<[1], [0], [0], [1], [0, 0, 1, 1], [], []>, transpose_lhs_hint = false} : vector<128x29xf32>, vector<29x256xf32>, vector<128x256xf32> -> vector<128x256xf32>
    %max3A_1624 = arith.maximumf %max3A_1610, %dot_general3A_1623 : vector<128x256xf32>
    %get3A_1625 = arith.constant 110 : index
    %get3A_1626 = arith.constant 2048 : index
    %get3A_1627 = vector.load %arg3[%get3A_1625, %get3A_1626] : memref<132x4096xf32, #tpu.memory_space<vmem>>, vector<11x256xf32>
    %slice3A_1628 = vector.extract_strided_slice %get3A_1485 {offsets = [10, 0, 0], sizes = [1, 1, 256], strides = [1, 1, 1]} : vector<12x1x256xi32> to vector<1x1x256xi32>
    %squeeze3A_1629 = vector.shape_cast %slice3A_1628 : vector<1x1x256xi32> to vector<1x256xi32>
    %eq3A_1630 = vector.broadcast %squeeze3A_1629 : vector<1x256xi32> to vector<18x256xi32>
    %eq3A_1631 = vector.broadcast %iota3A : vector<18x1xi32> to vector<18x256xi32>
    %eq3A_1632 = arith.cmpi eq, %eq3A_1630, %eq3A_1631 : vector<18x256xi32>
    %convert_element_type3A_1633 = arith.extui %eq3A_1632 : vector<18x256xi1> to vector<18x256xi32>
    %convert_element_type3A_1634 = arith.sitofp %convert_element_type3A_1633 : vector<18x256xi32> to vector<18x256xf32>
    %concatenate3A_1635 = tpu.concatenate %get3A_1627, %convert_element_type3A_1634 in 0 : vector<11x256xf32>, vector<18x256xf32> -> vector<29x256xf32>
    %dot_general3A_1636 = arith.constant dense<0.000000e+00> : vector<128x256xf32>
    %dot_general3A_1637 = tpu.matmul %transpose3A, %concatenate3A_1635, %dot_general3A_1636 {dimension_numbers = #tpu.dot_dimension_numbers<[1], [0], [0], [1], [0, 0, 1, 1], [], []>, transpose_lhs_hint = false} : vector<128x29xf32>, vector<29x256xf32>, vector<128x256xf32> -> vector<128x256xf32>
    %max3A_1638 = arith.maximumf %max3A_1624, %dot_general3A_1637 : vector<128x256xf32>
    %get3A_1639 = arith.constant 121 : index
    %get3A_1640 = arith.constant 2048 : index
    %get3A_1641 = vector.load %arg3[%get3A_1639, %get3A_1640] : memref<132x4096xf32, #tpu.memory_space<vmem>>, vector<11x256xf32>
    %slice3A_1642 = vector.extract_strided_slice %get3A_1485 {offsets = [11, 0, 0], sizes = [1, 1, 256], strides = [1, 1, 1]} : vector<12x1x256xi32> to vector<1x1x256xi32>
    %squeeze3A_1643 = vector.shape_cast %slice3A_1642 : vector<1x1x256xi32> to vector<1x256xi32>
    %eq3A_1644 = vector.broadcast %squeeze3A_1643 : vector<1x256xi32> to vector<18x256xi32>
    %eq3A_1645 = vector.broadcast %iota3A : vector<18x1xi32> to vector<18x256xi32>
    %eq3A_1646 = arith.cmpi eq, %eq3A_1644, %eq3A_1645 : vector<18x256xi32>
    %convert_element_type3A_1647 = arith.extui %eq3A_1646 : vector<18x256xi1> to vector<18x256xi32>
    %convert_element_type3A_1648 = arith.sitofp %convert_element_type3A_1647 : vector<18x256xi32> to vector<18x256xf32>
    %concatenate3A_1649 = tpu.concatenate %get3A_1641, %convert_element_type3A_1648 in 0 : vector<11x256xf32>, vector<18x256xf32> -> vector<29x256xf32>
    %dot_general3A_1650 = arith.constant dense<0.000000e+00> : vector<128x256xf32>
    %dot_general3A_1651 = tpu.matmul %transpose3A, %concatenate3A_1649, %dot_general3A_1650 {dimension_numbers = #tpu.dot_dimension_numbers<[1], [0], [0], [1], [0, 0, 1, 1], [], []>, transpose_lhs_hint = false} : vector<128x29xf32>, vector<29x256xf32>, vector<128x256xf32> -> vector<128x256xf32>
    %max3A_1652 = arith.maximumf %max3A_1638, %dot_general3A_1651 : vector<128x256xf32>
    %get3A_1653 = arith.constant 0 : index
    %get3A_1654 = arith.constant 0 : index
    %get3A_1655 = vector.load %arg6[%get3A_1653, %get3A_1654] : memref<128x1xf32, #tpu.memory_space<vmem>>, vector<128x1xf32>
    %add3A_1656 = vector.broadcast %get3A_1655 : vector<128x1xf32> to vector<128x256xf32>
    %add3A_1657 = arith.addf %max3A_1652, %add3A_1656 : vector<128x256xf32>
    %max3A_1658 = arith.constant 0.000000e+00 : f32
    %max3A_1659 = vector.broadcast %max3A_1658 : f32 to vector<128x256xf32>
    %max3A_1660 = arith.maximumf %add3A_1657, %max3A_1659 : vector<128x256xf32>
    %swap3A_1661 = arith.constant 0 : index
    %swap3A_1662 = arith.constant 0 : index
    %swap3A_1663 = arith.constant 2048 : index
    %swap3A_1664 = vector.load %arg7[%swap3A_1661, %swap3A_1662, %swap3A_1663] : memref<1x128x4096xf32, #tpu.memory_space<vmem>>, vector<1x128x256xf32>
    %swap3A_1665 = vector.shape_cast %swap3A_1664 : vector<1x128x256xf32> to vector<128x256xf32>
    %swap3A_1666 = vector.shape_cast %max3A_1660 : vector<128x256xf32> to vector<1x128x256xf32>
    tpu.vector_store %arg7[%swap3A_1661, %swap3A_1662, %swap3A_1663], %swap3A_1666 {strides = array<i32>} : memref<1x128x4096xf32, #tpu.memory_space<vmem>>, vector<1x128x256xf32>,
    %get3A_1667 = arith.constant 0 : index
    %get3A_1668 = arith.index_cast %arg1 : i32 to index
    %get3A_1669 = arith.constant 2304 : index
    %get3A_1670 = vector.load %arg2[%get3A_1667, %get3A_1668, %get3A_1669] : memref<12x8x4096xi32, #tpu.memory_space<vmem>>, vector<12x1x256xi32>
    %get3A_1671 = arith.constant 0 : index
    %get3A_1672 = arith.constant 2304 : index
    %get3A_1673 = vector.load %arg3[%get3A_1671, %get3A_1672] : memref<132x4096xf32, #tpu.memory_space<vmem>>, vector<11x256xf32>
    %slice3A_1674 = vector.extract_strided_slice %get3A_1670 {offsets = [0, 0, 0], sizes = [1, 1, 256], strides = [1, 1, 1]} : vector<12x1x256xi32> to vector<1x1x256xi32>
    %squeeze3A_1675 = vector.shape_cast %slice3A_1674 : vector<1x1x256xi32> to vector<1x256xi32>
    %eq3A_1676 = vector.broadcast %squeeze3A_1675 : vector<1x256xi32> to vector<18x256xi32>
    %eq3A_1677 = vector.broadcast %iota3A : vector<18x1xi32> to vector<18x256xi32>
    %eq3A_1678 = arith.cmpi eq, %eq3A_1676, %eq3A_1677 : vector<18x256xi32>
    %convert_element_type3A_1679 = arith.extui %eq3A_1678 : vector<18x256xi1> to vector<18x256xi32>
    %convert_element_type3A_1680 = arith.sitofp %convert_element_type3A_1679 : vector<18x256xi32> to vector<18x256xf32>
    %concatenate3A_1681 = tpu.concatenate %get3A_1673, %convert_element_type3A_1680 in 0 : vector<11x256xf32>, vector<18x256xf32> -> vector<29x256xf32>
    %dot_general3A_1682 = arith.constant dense<0.000000e+00> : vector<128x256xf32>
    %dot_general3A_1683 = tpu.matmul %transpose3A, %concatenate3A_1681, %dot_general3A_1682 {dimension_numbers = #tpu.dot_dimension_numbers<[1], [0], [0], [1], [0, 0, 1, 1], [], []>, transpose_lhs_hint = false} : vector<128x29xf32>, vector<29x256xf32>, vector<128x256xf32> -> vector<128x256xf32>
    %get3A_1684 = arith.constant 11 : index
    %get3A_1685 = arith.constant 2304 : index
    %get3A_1686 = vector.load %arg3[%get3A_1684, %get3A_1685] : memref<132x4096xf32, #tpu.memory_space<vmem>>, vector<11x256xf32>
    %slice3A_1687 = vector.extract_strided_slice %get3A_1670 {offsets = [1, 0, 0], sizes = [1, 1, 256], strides = [1, 1, 1]} : vector<12x1x256xi32> to vector<1x1x256xi32>
    %squeeze3A_1688 = vector.shape_cast %slice3A_1687 : vector<1x1x256xi32> to vector<1x256xi32>
    %eq3A_1689 = vector.broadcast %squeeze3A_1688 : vector<1x256xi32> to vector<18x256xi32>
    %eq3A_1690 = vector.broadcast %iota3A : vector<18x1xi32> to vector<18x256xi32>
    %eq3A_1691 = arith.cmpi eq, %eq3A_1689, %eq3A_1690 : vector<18x256xi32>
    %convert_element_type3A_1692 = arith.extui %eq3A_1691 : vector<18x256xi1> to vector<18x256xi32>
    %convert_element_type3A_1693 = arith.sitofp %convert_element_type3A_1692 : vector<18x256xi32> to vector<18x256xf32>
    %concatenate3A_1694 = tpu.concatenate %get3A_1686, %convert_element_type3A_1693 in 0 : vector<11x256xf32>, vector<18x256xf32> -> vector<29x256xf32>
    %dot_general3A_1695 = arith.constant dense<0.000000e+00> : vector<128x256xf32>
    %dot_general3A_1696 = tpu.matmul %transpose3A, %concatenate3A_1694, %dot_general3A_1695 {dimension_numbers = #tpu.dot_dimension_numbers<[1], [0], [0], [1], [0, 0, 1, 1], [], []>, transpose_lhs_hint = false} : vector<128x29xf32>, vector<29x256xf32>, vector<128x256xf32> -> vector<128x256xf32>
    %max3A_1697 = arith.maximumf %dot_general3A_1683, %dot_general3A_1696 : vector<128x256xf32>
    %get3A_1698 = arith.constant 22 : index
    %get3A_1699 = arith.constant 2304 : index
    %get3A_1700 = vector.load %arg3[%get3A_1698, %get3A_1699] : memref<132x4096xf32, #tpu.memory_space<vmem>>, vector<11x256xf32>
    %slice3A_1701 = vector.extract_strided_slice %get3A_1670 {offsets = [2, 0, 0], sizes = [1, 1, 256], strides = [1, 1, 1]} : vector<12x1x256xi32> to vector<1x1x256xi32>
    %squeeze3A_1702 = vector.shape_cast %slice3A_1701 : vector<1x1x256xi32> to vector<1x256xi32>
    %eq3A_1703 = vector.broadcast %squeeze3A_1702 : vector<1x256xi32> to vector<18x256xi32>
    %eq3A_1704 = vector.broadcast %iota3A : vector<18x1xi32> to vector<18x256xi32>
    %eq3A_1705 = arith.cmpi eq, %eq3A_1703, %eq3A_1704 : vector<18x256xi32>
    %convert_element_type3A_1706 = arith.extui %eq3A_1705 : vector<18x256xi1> to vector<18x256xi32>
    %convert_element_type3A_1707 = arith.sitofp %convert_element_type3A_1706 : vector<18x256xi32> to vector<18x256xf32>
    %concatenate3A_1708 = tpu.concatenate %get3A_1700, %convert_element_type3A_1707 in 0 : vector<11x256xf32>, vector<18x256xf32> -> vector<29x256xf32>
    %dot_general3A_1709 = arith.constant dense<0.000000e+00> : vector<128x256xf32>
    %dot_general3A_1710 = tpu.matmul %transpose3A, %concatenate3A_1708, %dot_general3A_1709 {dimension_numbers = #tpu.dot_dimension_numbers<[1], [0], [0], [1], [0, 0, 1, 1], [], []>, transpose_lhs_hint = false} : vector<128x29xf32>, vector<29x256xf32>, vector<128x256xf32> -> vector<128x256xf32>
    %max3A_1711 = arith.maximumf %max3A_1697, %dot_general3A_1710 : vector<128x256xf32>
    %get3A_1712 = arith.constant 33 : index
    %get3A_1713 = arith.constant 2304 : index
    %get3A_1714 = vector.load %arg3[%get3A_1712, %get3A_1713] : memref<132x4096xf32, #tpu.memory_space<vmem>>, vector<11x256xf32>
    %slice3A_1715 = vector.extract_strided_slice %get3A_1670 {offsets = [3, 0, 0], sizes = [1, 1, 256], strides = [1, 1, 1]} : vector<12x1x256xi32> to vector<1x1x256xi32>
    %squeeze3A_1716 = vector.shape_cast %slice3A_1715 : vector<1x1x256xi32> to vector<1x256xi32>
    %eq3A_1717 = vector.broadcast %squeeze3A_1716 : vector<1x256xi32> to vector<18x256xi32>
    %eq3A_1718 = vector.broadcast %iota3A : vector<18x1xi32> to vector<18x256xi32>
    %eq3A_1719 = arith.cmpi eq, %eq3A_1717, %eq3A_1718 : vector<18x256xi32>
    %convert_element_type3A_1720 = arith.extui %eq3A_1719 : vector<18x256xi1> to vector<18x256xi32>
    %convert_element_type3A_1721 = arith.sitofp %convert_element_type3A_1720 : vector<18x256xi32> to vector<18x256xf32>
    %concatenate3A_1722 = tpu.concatenate %get3A_1714, %convert_element_type3A_1721 in 0 : vector<11x256xf32>, vector<18x256xf32> -> vector<29x256xf32>
    %dot_general3A_1723 = arith.constant dense<0.000000e+00> : vector<128x256xf32>
    %dot_general3A_1724 = tpu.matmul %transpose3A, %concatenate3A_1722, %dot_general3A_1723 {dimension_numbers = #tpu.dot_dimension_numbers<[1], [0], [0], [1], [0, 0, 1, 1], [], []>, transpose_lhs_hint = false} : vector<128x29xf32>, vector<29x256xf32>, vector<128x256xf32> -> vector<128x256xf32>
    %max3A_1725 = arith.maximumf %max3A_1711, %dot_general3A_1724 : vector<128x256xf32>
    %get3A_1726 = arith.constant 44 : index
    %get3A_1727 = arith.constant 2304 : index
    %get3A_1728 = vector.load %arg3[%get3A_1726, %get3A_1727] : memref<132x4096xf32, #tpu.memory_space<vmem>>, vector<11x256xf32>
    %slice3A_1729 = vector.extract_strided_slice %get3A_1670 {offsets = [4, 0, 0], sizes = [1, 1, 256], strides = [1, 1, 1]} : vector<12x1x256xi32> to vector<1x1x256xi32>
    %squeeze3A_1730 = vector.shape_cast %slice3A_1729 : vector<1x1x256xi32> to vector<1x256xi32>
    %eq3A_1731 = vector.broadcast %squeeze3A_1730 : vector<1x256xi32> to vector<18x256xi32>
    %eq3A_1732 = vector.broadcast %iota3A : vector<18x1xi32> to vector<18x256xi32>
    %eq3A_1733 = arith.cmpi eq, %eq3A_1731, %eq3A_1732 : vector<18x256xi32>
    %convert_element_type3A_1734 = arith.extui %eq3A_1733 : vector<18x256xi1> to vector<18x256xi32>
    %convert_element_type3A_1735 = arith.sitofp %convert_element_type3A_1734 : vector<18x256xi32> to vector<18x256xf32>
    %concatenate3A_1736 = tpu.concatenate %get3A_1728, %convert_element_type3A_1735 in 0 : vector<11x256xf32>, vector<18x256xf32> -> vector<29x256xf32>
    %dot_general3A_1737 = arith.constant dense<0.000000e+00> : vector<128x256xf32>
    %dot_general3A_1738 = tpu.matmul %transpose3A, %concatenate3A_1736, %dot_general3A_1737 {dimension_numbers = #tpu.dot_dimension_numbers<[1], [0], [0], [1], [0, 0, 1, 1], [], []>, transpose_lhs_hint = false} : vector<128x29xf32>, vector<29x256xf32>, vector<128x256xf32> -> vector<128x256xf32>
    %max3A_1739 = arith.maximumf %max3A_1725, %dot_general3A_1738 : vector<128x256xf32>
    %get3A_1740 = arith.constant 55 : index
    %get3A_1741 = arith.constant 2304 : index
    %get3A_1742 = vector.load %arg3[%get3A_1740, %get3A_1741] : memref<132x4096xf32, #tpu.memory_space<vmem>>, vector<11x256xf32>
    %slice3A_1743 = vector.extract_strided_slice %get3A_1670 {offsets = [5, 0, 0], sizes = [1, 1, 256], strides = [1, 1, 1]} : vector<12x1x256xi32> to vector<1x1x256xi32>
    %squeeze3A_1744 = vector.shape_cast %slice3A_1743 : vector<1x1x256xi32> to vector<1x256xi32>
    %eq3A_1745 = vector.broadcast %squeeze3A_1744 : vector<1x256xi32> to vector<18x256xi32>
    %eq3A_1746 = vector.broadcast %iota3A : vector<18x1xi32> to vector<18x256xi32>
    %eq3A_1747 = arith.cmpi eq, %eq3A_1745, %eq3A_1746 : vector<18x256xi32>
    %convert_element_type3A_1748 = arith.extui %eq3A_1747 : vector<18x256xi1> to vector<18x256xi32>
    %convert_element_type3A_1749 = arith.sitofp %convert_element_type3A_1748 : vector<18x256xi32> to vector<18x256xf32>
    %concatenate3A_1750 = tpu.concatenate %get3A_1742, %convert_element_type3A_1749 in 0 : vector<11x256xf32>, vector<18x256xf32> -> vector<29x256xf32>
    %dot_general3A_1751 = arith.constant dense<0.000000e+00> : vector<128x256xf32>
    %dot_general3A_1752 = tpu.matmul %transpose3A, %concatenate3A_1750, %dot_general3A_1751 {dimension_numbers = #tpu.dot_dimension_numbers<[1], [0], [0], [1], [0, 0, 1, 1], [], []>, transpose_lhs_hint = false} : vector<128x29xf32>, vector<29x256xf32>, vector<128x256xf32> -> vector<128x256xf32>
    %max3A_1753 = arith.maximumf %max3A_1739, %dot_general3A_1752 : vector<128x256xf32>
    %get3A_1754 = arith.constant 66 : index
    %get3A_1755 = arith.constant 2304 : index
    %get3A_1756 = vector.load %arg3[%get3A_1754, %get3A_1755] : memref<132x4096xf32, #tpu.memory_space<vmem>>, vector<11x256xf32>
    %slice3A_1757 = vector.extract_strided_slice %get3A_1670 {offsets = [6, 0, 0], sizes = [1, 1, 256], strides = [1, 1, 1]} : vector<12x1x256xi32> to vector<1x1x256xi32>
    %squeeze3A_1758 = vector.shape_cast %slice3A_1757 : vector<1x1x256xi32> to vector<1x256xi32>
    %eq3A_1759 = vector.broadcast %squeeze3A_1758 : vector<1x256xi32> to vector<18x256xi32>
    %eq3A_1760 = vector.broadcast %iota3A : vector<18x1xi32> to vector<18x256xi32>
    %eq3A_1761 = arith.cmpi eq, %eq3A_1759, %eq3A_1760 : vector<18x256xi32>
    %convert_element_type3A_1762 = arith.extui %eq3A_1761 : vector<18x256xi1> to vector<18x256xi32>
    %convert_element_type3A_1763 = arith.sitofp %convert_element_type3A_1762 : vector<18x256xi32> to vector<18x256xf32>
    %concatenate3A_1764 = tpu.concatenate %get3A_1756, %convert_element_type3A_1763 in 0 : vector<11x256xf32>, vector<18x256xf32> -> vector<29x256xf32>
    %dot_general3A_1765 = arith.constant dense<0.000000e+00> : vector<128x256xf32>
    %dot_general3A_1766 = tpu.matmul %transpose3A, %concatenate3A_1764, %dot_general3A_1765 {dimension_numbers = #tpu.dot_dimension_numbers<[1], [0], [0], [1], [0, 0, 1, 1], [], []>, transpose_lhs_hint = false} : vector<128x29xf32>, vector<29x256xf32>, vector<128x256xf32> -> vector<128x256xf32>
    %max3A_1767 = arith.maximumf %max3A_1753, %dot_general3A_1766 : vector<128x256xf32>
    %get3A_1768 = arith.constant 77 : index
    %get3A_1769 = arith.constant 2304 : index
    %get3A_1770 = vector.load %arg3[%get3A_1768, %get3A_1769] : memref<132x4096xf32, #tpu.memory_space<vmem>>, vector<11x256xf32>
    %slice3A_1771 = vector.extract_strided_slice %get3A_1670 {offsets = [7, 0, 0], sizes = [1, 1, 256], strides = [1, 1, 1]} : vector<12x1x256xi32> to vector<1x1x256xi32>
    %squeeze3A_1772 = vector.shape_cast %slice3A_1771 : vector<1x1x256xi32> to vector<1x256xi32>
    %eq3A_1773 = vector.broadcast %squeeze3A_1772 : vector<1x256xi32> to vector<18x256xi32>
    %eq3A_1774 = vector.broadcast %iota3A : vector<18x1xi32> to vector<18x256xi32>
    %eq3A_1775 = arith.cmpi eq, %eq3A_1773, %eq3A_1774 : vector<18x256xi32>
    %convert_element_type3A_1776 = arith.extui %eq3A_1775 : vector<18x256xi1> to vector<18x256xi32>
    %convert_element_type3A_1777 = arith.sitofp %convert_element_type3A_1776 : vector<18x256xi32> to vector<18x256xf32>
    %concatenate3A_1778 = tpu.concatenate %get3A_1770, %convert_element_type3A_1777 in 0 : vector<11x256xf32>, vector<18x256xf32> -> vector<29x256xf32>
    %dot_general3A_1779 = arith.constant dense<0.000000e+00> : vector<128x256xf32>
    %dot_general3A_1780 = tpu.matmul %transpose3A, %concatenate3A_1778, %dot_general3A_1779 {dimension_numbers = #tpu.dot_dimension_numbers<[1], [0], [0], [1], [0, 0, 1, 1], [], []>, transpose_lhs_hint = false} : vector<128x29xf32>, vector<29x256xf32>, vector<128x256xf32> -> vector<128x256xf32>
    %max3A_1781 = arith.maximumf %max3A_1767, %dot_general3A_1780 : vector<128x256xf32>
    %get3A_1782 = arith.constant 88 : index
    %get3A_1783 = arith.constant 2304 : index
    %get3A_1784 = vector.load %arg3[%get3A_1782, %get3A_1783] : memref<132x4096xf32, #tpu.memory_space<vmem>>, vector<11x256xf32>
    %slice3A_1785 = vector.extract_strided_slice %get3A_1670 {offsets = [8, 0, 0], sizes = [1, 1, 256], strides = [1, 1, 1]} : vector<12x1x256xi32> to vector<1x1x256xi32>
    %squeeze3A_1786 = vector.shape_cast %slice3A_1785 : vector<1x1x256xi32> to vector<1x256xi32>
    %eq3A_1787 = vector.broadcast %squeeze3A_1786 : vector<1x256xi32> to vector<18x256xi32>
    %eq3A_1788 = vector.broadcast %iota3A : vector<18x1xi32> to vector<18x256xi32>
    %eq3A_1789 = arith.cmpi eq, %eq3A_1787, %eq3A_1788 : vector<18x256xi32>
    %convert_element_type3A_1790 = arith.extui %eq3A_1789 : vector<18x256xi1> to vector<18x256xi32>
    %convert_element_type3A_1791 = arith.sitofp %convert_element_type3A_1790 : vector<18x256xi32> to vector<18x256xf32>
    %concatenate3A_1792 = tpu.concatenate %get3A_1784, %convert_element_type3A_1791 in 0 : vector<11x256xf32>, vector<18x256xf32> -> vector<29x256xf32>
    %dot_general3A_1793 = arith.constant dense<0.000000e+00> : vector<128x256xf32>
    %dot_general3A_1794 = tpu.matmul %transpose3A, %concatenate3A_1792, %dot_general3A_1793 {dimension_numbers = #tpu.dot_dimension_numbers<[1], [0], [0], [1], [0, 0, 1, 1], [], []>, transpose_lhs_hint = false} : vector<128x29xf32>, vector<29x256xf32>, vector<128x256xf32> -> vector<128x256xf32>
    %max3A_1795 = arith.maximumf %max3A_1781, %dot_general3A_1794 : vector<128x256xf32>
    %get3A_1796 = arith.constant 99 : index
    %get3A_1797 = arith.constant 2304 : index
    %get3A_1798 = vector.load %arg3[%get3A_1796, %get3A_1797] : memref<132x4096xf32, #tpu.memory_space<vmem>>, vector<11x256xf32>
    %slice3A_1799 = vector.extract_strided_slice %get3A_1670 {offsets = [9, 0, 0], sizes = [1, 1, 256], strides = [1, 1, 1]} : vector<12x1x256xi32> to vector<1x1x256xi32>
    %squeeze3A_1800 = vector.shape_cast %slice3A_1799 : vector<1x1x256xi32> to vector<1x256xi32>
    %eq3A_1801 = vector.broadcast %squeeze3A_1800 : vector<1x256xi32> to vector<18x256xi32>
    %eq3A_1802 = vector.broadcast %iota3A : vector<18x1xi32> to vector<18x256xi32>
    %eq3A_1803 = arith.cmpi eq, %eq3A_1801, %eq3A_1802 : vector<18x256xi32>
    %convert_element_type3A_1804 = arith.extui %eq3A_1803 : vector<18x256xi1> to vector<18x256xi32>
    %convert_element_type3A_1805 = arith.sitofp %convert_element_type3A_1804 : vector<18x256xi32> to vector<18x256xf32>
    %concatenate3A_1806 = tpu.concatenate %get3A_1798, %convert_element_type3A_1805 in 0 : vector<11x256xf32>, vector<18x256xf32> -> vector<29x256xf32>
    %dot_general3A_1807 = arith.constant dense<0.000000e+00> : vector<128x256xf32>
    %dot_general3A_1808 = tpu.matmul %transpose3A, %concatenate3A_1806, %dot_general3A_1807 {dimension_numbers = #tpu.dot_dimension_numbers<[1], [0], [0], [1], [0, 0, 1, 1], [], []>, transpose_lhs_hint = false} : vector<128x29xf32>, vector<29x256xf32>, vector<128x256xf32> -> vector<128x256xf32>
    %max3A_1809 = arith.maximumf %max3A_1795, %dot_general3A_1808 : vector<128x256xf32>
    %get3A_1810 = arith.constant 110 : index
    %get3A_1811 = arith.constant 2304 : index
    %get3A_1812 = vector.load %arg3[%get3A_1810, %get3A_1811] : memref<132x4096xf32, #tpu.memory_space<vmem>>, vector<11x256xf32>
    %slice3A_1813 = vector.extract_strided_slice %get3A_1670 {offsets = [10, 0, 0], sizes = [1, 1, 256], strides = [1, 1, 1]} : vector<12x1x256xi32> to vector<1x1x256xi32>
    %squeeze3A_1814 = vector.shape_cast %slice3A_1813 : vector<1x1x256xi32> to vector<1x256xi32>
    %eq3A_1815 = vector.broadcast %squeeze3A_1814 : vector<1x256xi32> to vector<18x256xi32>
    %eq3A_1816 = vector.broadcast %iota3A : vector<18x1xi32> to vector<18x256xi32>
    %eq3A_1817 = arith.cmpi eq, %eq3A_1815, %eq3A_1816 : vector<18x256xi32>
    %convert_element_type3A_1818 = arith.extui %eq3A_1817 : vector<18x256xi1> to vector<18x256xi32>
    %convert_element_type3A_1819 = arith.sitofp %convert_element_type3A_1818 : vector<18x256xi32> to vector<18x256xf32>
    %concatenate3A_1820 = tpu.concatenate %get3A_1812, %convert_element_type3A_1819 in 0 : vector<11x256xf32>, vector<18x256xf32> -> vector<29x256xf32>
    %dot_general3A_1821 = arith.constant dense<0.000000e+00> : vector<128x256xf32>
    %dot_general3A_1822 = tpu.matmul %transpose3A, %concatenate3A_1820, %dot_general3A_1821 {dimension_numbers = #tpu.dot_dimension_numbers<[1], [0], [0], [1], [0, 0, 1, 1], [], []>, transpose_lhs_hint = false} : vector<128x29xf32>, vector<29x256xf32>, vector<128x256xf32> -> vector<128x256xf32>
    %max3A_1823 = arith.maximumf %max3A_1809, %dot_general3A_1822 : vector<128x256xf32>
    %get3A_1824 = arith.constant 121 : index
    %get3A_1825 = arith.constant 2304 : index
    %get3A_1826 = vector.load %arg3[%get3A_1824, %get3A_1825] : memref<132x4096xf32, #tpu.memory_space<vmem>>, vector<11x256xf32>
    %slice3A_1827 = vector.extract_strided_slice %get3A_1670 {offsets = [11, 0, 0], sizes = [1, 1, 256], strides = [1, 1, 1]} : vector<12x1x256xi32> to vector<1x1x256xi32>
    %squeeze3A_1828 = vector.shape_cast %slice3A_1827 : vector<1x1x256xi32> to vector<1x256xi32>
    %eq3A_1829 = vector.broadcast %squeeze3A_1828 : vector<1x256xi32> to vector<18x256xi32>
    %eq3A_1830 = vector.broadcast %iota3A : vector<18x1xi32> to vector<18x256xi32>
    %eq3A_1831 = arith.cmpi eq, %eq3A_1829, %eq3A_1830 : vector<18x256xi32>
    %convert_element_type3A_1832 = arith.extui %eq3A_1831 : vector<18x256xi1> to vector<18x256xi32>
    %convert_element_type3A_1833 = arith.sitofp %convert_element_type3A_1832 : vector<18x256xi32> to vector<18x256xf32>
    %concatenate3A_1834 = tpu.concatenate %get3A_1826, %convert_element_type3A_1833 in 0 : vector<11x256xf32>, vector<18x256xf32> -> vector<29x256xf32>
    %dot_general3A_1835 = arith.constant dense<0.000000e+00> : vector<128x256xf32>
    %dot_general3A_1836 = tpu.matmul %transpose3A, %concatenate3A_1834, %dot_general3A_1835 {dimension_numbers = #tpu.dot_dimension_numbers<[1], [0], [0], [1], [0, 0, 1, 1], [], []>, transpose_lhs_hint = false} : vector<128x29xf32>, vector<29x256xf32>, vector<128x256xf32> -> vector<128x256xf32>
    %max3A_1837 = arith.maximumf %max3A_1823, %dot_general3A_1836 : vector<128x256xf32>
    %get3A_1838 = arith.constant 0 : index
    %get3A_1839 = arith.constant 0 : index
    %get3A_1840 = vector.load %arg6[%get3A_1838, %get3A_1839] : memref<128x1xf32, #tpu.memory_space<vmem>>, vector<128x1xf32>
    %add3A_1841 = vector.broadcast %get3A_1840 : vector<128x1xf32> to vector<128x256xf32>
    %add3A_1842 = arith.addf %max3A_1837, %add3A_1841 : vector<128x256xf32>
    %max3A_1843 = arith.constant 0.000000e+00 : f32
    %max3A_1844 = vector.broadcast %max3A_1843 : f32 to vector<128x256xf32>
    %max3A_1845 = arith.maximumf %add3A_1842, %max3A_1844 : vector<128x256xf32>
    %swap3A_1846 = arith.constant 0 : index
    %swap3A_1847 = arith.constant 0 : index
    %swap3A_1848 = arith.constant 2304 : index
    %swap3A_1849 = vector.load %arg7[%swap3A_1846, %swap3A_1847, %swap3A_1848] : memref<1x128x4096xf32, #tpu.memory_space<vmem>>, vector<1x128x256xf32>
    %swap3A_1850 = vector.shape_cast %swap3A_1849 : vector<1x128x256xf32> to vector<128x256xf32>
    %swap3A_1851 = vector.shape_cast %max3A_1845 : vector<128x256xf32> to vector<1x128x256xf32>
    tpu.vector_store %arg7[%swap3A_1846, %swap3A_1847, %swap3A_1848], %swap3A_1851 {strides = array<i32>} : memref<1x128x4096xf32, #tpu.memory_space<vmem>>, vector<1x128x256xf32>,
    %get3A_1852 = arith.constant 0 : index
    %get3A_1853 = arith.index_cast %arg1 : i32 to index
    %get3A_1854 = arith.constant 2560 : index
    %get3A_1855 = vector.load %arg2[%get3A_1852, %get3A_1853, %get3A_1854] : memref<12x8x4096xi32, #tpu.memory_space<vmem>>, vector<12x1x256xi32>
    %get3A_1856 = arith.constant 0 : index
    %get3A_1857 = arith.constant 2560 : index
    %get3A_1858 = vector.load %arg3[%get3A_1856, %get3A_1857] : memref<132x4096xf32, #tpu.memory_space<vmem>>, vector<11x256xf32>
    %slice3A_1859 = vector.extract_strided_slice %get3A_1855 {offsets = [0, 0, 0], sizes = [1, 1, 256], strides = [1, 1, 1]} : vector<12x1x256xi32> to vector<1x1x256xi32>
    %squeeze3A_1860 = vector.shape_cast %slice3A_1859 : vector<1x1x256xi32> to vector<1x256xi32>
    %eq3A_1861 = vector.broadcast %squeeze3A_1860 : vector<1x256xi32> to vector<18x256xi32>
    %eq3A_1862 = vector.broadcast %iota3A : vector<18x1xi32> to vector<18x256xi32>
    %eq3A_1863 = arith.cmpi eq, %eq3A_1861, %eq3A_1862 : vector<18x256xi32>
    %convert_element_type3A_1864 = arith.extui %eq3A_1863 : vector<18x256xi1> to vector<18x256xi32>
    %convert_element_type3A_1865 = arith.sitofp %convert_element_type3A_1864 : vector<18x256xi32> to vector<18x256xf32>
    %concatenate3A_1866 = tpu.concatenate %get3A_1858, %convert_element_type3A_1865 in 0 : vector<11x256xf32>, vector<18x256xf32> -> vector<29x256xf32>
    %dot_general3A_1867 = arith.constant dense<0.000000e+00> : vector<128x256xf32>
    %dot_general3A_1868 = tpu.matmul %transpose3A, %concatenate3A_1866, %dot_general3A_1867 {dimension_numbers = #tpu.dot_dimension_numbers<[1], [0], [0], [1], [0, 0, 1, 1], [], []>, transpose_lhs_hint = false} : vector<128x29xf32>, vector<29x256xf32>, vector<128x256xf32> -> vector<128x256xf32>
    %get3A_1869 = arith.constant 11 : index
    %get3A_1870 = arith.constant 2560 : index
    %get3A_1871 = vector.load %arg3[%get3A_1869, %get3A_1870] : memref<132x4096xf32, #tpu.memory_space<vmem>>, vector<11x256xf32>
    %slice3A_1872 = vector.extract_strided_slice %get3A_1855 {offsets = [1, 0, 0], sizes = [1, 1, 256], strides = [1, 1, 1]} : vector<12x1x256xi32> to vector<1x1x256xi32>
    %squeeze3A_1873 = vector.shape_cast %slice3A_1872 : vector<1x1x256xi32> to vector<1x256xi32>
    %eq3A_1874 = vector.broadcast %squeeze3A_1873 : vector<1x256xi32> to vector<18x256xi32>
    %eq3A_1875 = vector.broadcast %iota3A : vector<18x1xi32> to vector<18x256xi32>
    %eq3A_1876 = arith.cmpi eq, %eq3A_1874, %eq3A_1875 : vector<18x256xi32>
    %convert_element_type3A_1877 = arith.extui %eq3A_1876 : vector<18x256xi1> to vector<18x256xi32>
    %convert_element_type3A_1878 = arith.sitofp %convert_element_type3A_1877 : vector<18x256xi32> to vector<18x256xf32>
    %concatenate3A_1879 = tpu.concatenate %get3A_1871, %convert_element_type3A_1878 in 0 : vector<11x256xf32>, vector<18x256xf32> -> vector<29x256xf32>
    %dot_general3A_1880 = arith.constant dense<0.000000e+00> : vector<128x256xf32>
    %dot_general3A_1881 = tpu.matmul %transpose3A, %concatenate3A_1879, %dot_general3A_1880 {dimension_numbers = #tpu.dot_dimension_numbers<[1], [0], [0], [1], [0, 0, 1, 1], [], []>, transpose_lhs_hint = false} : vector<128x29xf32>, vector<29x256xf32>, vector<128x256xf32> -> vector<128x256xf32>
    %max3A_1882 = arith.maximumf %dot_general3A_1868, %dot_general3A_1881 : vector<128x256xf32>
    %get3A_1883 = arith.constant 22 : index
    %get3A_1884 = arith.constant 2560 : index
    %get3A_1885 = vector.load %arg3[%get3A_1883, %get3A_1884] : memref<132x4096xf32, #tpu.memory_space<vmem>>, vector<11x256xf32>
    %slice3A_1886 = vector.extract_strided_slice %get3A_1855 {offsets = [2, 0, 0], sizes = [1, 1, 256], strides = [1, 1, 1]} : vector<12x1x256xi32> to vector<1x1x256xi32>
    %squeeze3A_1887 = vector.shape_cast %slice3A_1886 : vector<1x1x256xi32> to vector<1x256xi32>
    %eq3A_1888 = vector.broadcast %squeeze3A_1887 : vector<1x256xi32> to vector<18x256xi32>
    %eq3A_1889 = vector.broadcast %iota3A : vector<18x1xi32> to vector<18x256xi32>
    %eq3A_1890 = arith.cmpi eq, %eq3A_1888, %eq3A_1889 : vector<18x256xi32>
    %convert_element_type3A_1891 = arith.extui %eq3A_1890 : vector<18x256xi1> to vector<18x256xi32>
    %convert_element_type3A_1892 = arith.sitofp %convert_element_type3A_1891 : vector<18x256xi32> to vector<18x256xf32>
    %concatenate3A_1893 = tpu.concatenate %get3A_1885, %convert_element_type3A_1892 in 0 : vector<11x256xf32>, vector<18x256xf32> -> vector<29x256xf32>
    %dot_general3A_1894 = arith.constant dense<0.000000e+00> : vector<128x256xf32>
    %dot_general3A_1895 = tpu.matmul %transpose3A, %concatenate3A_1893, %dot_general3A_1894 {dimension_numbers = #tpu.dot_dimension_numbers<[1], [0], [0], [1], [0, 0, 1, 1], [], []>, transpose_lhs_hint = false} : vector<128x29xf32>, vector<29x256xf32>, vector<128x256xf32> -> vector<128x256xf32>
    %max3A_1896 = arith.maximumf %max3A_1882, %dot_general3A_1895 : vector<128x256xf32>
    %get3A_1897 = arith.constant 33 : index
    %get3A_1898 = arith.constant 2560 : index
    %get3A_1899 = vector.load %arg3[%get3A_1897, %get3A_1898] : memref<132x4096xf32, #tpu.memory_space<vmem>>, vector<11x256xf32>
    %slice3A_1900 = vector.extract_strided_slice %get3A_1855 {offsets = [3, 0, 0], sizes = [1, 1, 256], strides = [1, 1, 1]} : vector<12x1x256xi32> to vector<1x1x256xi32>
    %squeeze3A_1901 = vector.shape_cast %slice3A_1900 : vector<1x1x256xi32> to vector<1x256xi32>
    %eq3A_1902 = vector.broadcast %squeeze3A_1901 : vector<1x256xi32> to vector<18x256xi32>
    %eq3A_1903 = vector.broadcast %iota3A : vector<18x1xi32> to vector<18x256xi32>
    %eq3A_1904 = arith.cmpi eq, %eq3A_1902, %eq3A_1903 : vector<18x256xi32>
    %convert_element_type3A_1905 = arith.extui %eq3A_1904 : vector<18x256xi1> to vector<18x256xi32>
    %convert_element_type3A_1906 = arith.sitofp %convert_element_type3A_1905 : vector<18x256xi32> to vector<18x256xf32>
    %concatenate3A_1907 = tpu.concatenate %get3A_1899, %convert_element_type3A_1906 in 0 : vector<11x256xf32>, vector<18x256xf32> -> vector<29x256xf32>
    %dot_general3A_1908 = arith.constant dense<0.000000e+00> : vector<128x256xf32>
    %dot_general3A_1909 = tpu.matmul %transpose3A, %concatenate3A_1907, %dot_general3A_1908 {dimension_numbers = #tpu.dot_dimension_numbers<[1], [0], [0], [1], [0, 0, 1, 1], [], []>, transpose_lhs_hint = false} : vector<128x29xf32>, vector<29x256xf32>, vector<128x256xf32> -> vector<128x256xf32>
    %max3A_1910 = arith.maximumf %max3A_1896, %dot_general3A_1909 : vector<128x256xf32>
    %get3A_1911 = arith.constant 44 : index
    %get3A_1912 = arith.constant 2560 : index
    %get3A_1913 = vector.load %arg3[%get3A_1911, %get3A_1912] : memref<132x4096xf32, #tpu.memory_space<vmem>>, vector<11x256xf32>
    %slice3A_1914 = vector.extract_strided_slice %get3A_1855 {offsets = [4, 0, 0], sizes = [1, 1, 256], strides = [1, 1, 1]} : vector<12x1x256xi32> to vector<1x1x256xi32>
    %squeeze3A_1915 = vector.shape_cast %slice3A_1914 : vector<1x1x256xi32> to vector<1x256xi32>
    %eq3A_1916 = vector.broadcast %squeeze3A_1915 : vector<1x256xi32> to vector<18x256xi32>
    %eq3A_1917 = vector.broadcast %iota3A : vector<18x1xi32> to vector<18x256xi32>
    %eq3A_1918 = arith.cmpi eq, %eq3A_1916, %eq3A_1917 : vector<18x256xi32>
    %convert_element_type3A_1919 = arith.extui %eq3A_1918 : vector<18x256xi1> to vector<18x256xi32>
    %convert_element_type3A_1920 = arith.sitofp %convert_element_type3A_1919 : vector<18x256xi32> to vector<18x256xf32>
    %concatenate3A_1921 = tpu.concatenate %get3A_1913, %convert_element_type3A_1920 in 0 : vector<11x256xf32>, vector<18x256xf32> -> vector<29x256xf32>
    %dot_general3A_1922 = arith.constant dense<0.000000e+00> : vector<128x256xf32>
    %dot_general3A_1923 = tpu.matmul %transpose3A, %concatenate3A_1921, %dot_general3A_1922 {dimension_numbers = #tpu.dot_dimension_numbers<[1], [0], [0], [1], [0, 0, 1, 1], [], []>, transpose_lhs_hint = false} : vector<128x29xf32>, vector<29x256xf32>, vector<128x256xf32> -> vector<128x256xf32>
    %max3A_1924 = arith.maximumf %max3A_1910, %dot_general3A_1923 : vector<128x256xf32>
    %get3A_1925 = arith.constant 55 : index
    %get3A_1926 = arith.constant 2560 : index
    %get3A_1927 = vector.load %arg3[%get3A_1925, %get3A_1926] : memref<132x4096xf32, #tpu.memory_space<vmem>>, vector<11x256xf32>
    %slice3A_1928 = vector.extract_strided_slice %get3A_1855 {offsets = [5, 0, 0], sizes = [1, 1, 256], strides = [1, 1, 1]} : vector<12x1x256xi32> to vector<1x1x256xi32>
    %squeeze3A_1929 = vector.shape_cast %slice3A_1928 : vector<1x1x256xi32> to vector<1x256xi32>
    %eq3A_1930 = vector.broadcast %squeeze3A_1929 : vector<1x256xi32> to vector<18x256xi32>
    %eq3A_1931 = vector.broadcast %iota3A : vector<18x1xi32> to vector<18x256xi32>
    %eq3A_1932 = arith.cmpi eq, %eq3A_1930, %eq3A_1931 : vector<18x256xi32>
    %convert_element_type3A_1933 = arith.extui %eq3A_1932 : vector<18x256xi1> to vector<18x256xi32>
    %convert_element_type3A_1934 = arith.sitofp %convert_element_type3A_1933 : vector<18x256xi32> to vector<18x256xf32>
    %concatenate3A_1935 = tpu.concatenate %get3A_1927, %convert_element_type3A_1934 in 0 : vector<11x256xf32>, vector<18x256xf32> -> vector<29x256xf32>
    %dot_general3A_1936 = arith.constant dense<0.000000e+00> : vector<128x256xf32>
    %dot_general3A_1937 = tpu.matmul %transpose3A, %concatenate3A_1935, %dot_general3A_1936 {dimension_numbers = #tpu.dot_dimension_numbers<[1], [0], [0], [1], [0, 0, 1, 1], [], []>, transpose_lhs_hint = false} : vector<128x29xf32>, vector<29x256xf32>, vector<128x256xf32> -> vector<128x256xf32>
    %max3A_1938 = arith.maximumf %max3A_1924, %dot_general3A_1937 : vector<128x256xf32>
    %get3A_1939 = arith.constant 66 : index
    %get3A_1940 = arith.constant 2560 : index
    %get3A_1941 = vector.load %arg3[%get3A_1939, %get3A_1940] : memref<132x4096xf32, #tpu.memory_space<vmem>>, vector<11x256xf32>
    %slice3A_1942 = vector.extract_strided_slice %get3A_1855 {offsets = [6, 0, 0], sizes = [1, 1, 256], strides = [1, 1, 1]} : vector<12x1x256xi32> to vector<1x1x256xi32>
    %squeeze3A_1943 = vector.shape_cast %slice3A_1942 : vector<1x1x256xi32> to vector<1x256xi32>
    %eq3A_1944 = vector.broadcast %squeeze3A_1943 : vector<1x256xi32> to vector<18x256xi32>
    %eq3A_1945 = vector.broadcast %iota3A : vector<18x1xi32> to vector<18x256xi32>
    %eq3A_1946 = arith.cmpi eq, %eq3A_1944, %eq3A_1945 : vector<18x256xi32>
    %convert_element_type3A_1947 = arith.extui %eq3A_1946 : vector<18x256xi1> to vector<18x256xi32>
    %convert_element_type3A_1948 = arith.sitofp %convert_element_type3A_1947 : vector<18x256xi32> to vector<18x256xf32>
    %concatenate3A_1949 = tpu.concatenate %get3A_1941, %convert_element_type3A_1948 in 0 : vector<11x256xf32>, vector<18x256xf32> -> vector<29x256xf32>
    %dot_general3A_1950 = arith.constant dense<0.000000e+00> : vector<128x256xf32>
    %dot_general3A_1951 = tpu.matmul %transpose3A, %concatenate3A_1949, %dot_general3A_1950 {dimension_numbers = #tpu.dot_dimension_numbers<[1], [0], [0], [1], [0, 0, 1, 1], [], []>, transpose_lhs_hint = false} : vector<128x29xf32>, vector<29x256xf32>, vector<128x256xf32> -> vector<128x256xf32>
    %max3A_1952 = arith.maximumf %max3A_1938, %dot_general3A_1951 : vector<128x256xf32>
    %get3A_1953 = arith.constant 77 : index
    %get3A_1954 = arith.constant 2560 : index
    %get3A_1955 = vector.load %arg3[%get3A_1953, %get3A_1954] : memref<132x4096xf32, #tpu.memory_space<vmem>>, vector<11x256xf32>
    %slice3A_1956 = vector.extract_strided_slice %get3A_1855 {offsets = [7, 0, 0], sizes = [1, 1, 256], strides = [1, 1, 1]} : vector<12x1x256xi32> to vector<1x1x256xi32>
    %squeeze3A_1957 = vector.shape_cast %slice3A_1956 : vector<1x1x256xi32> to vector<1x256xi32>
    %eq3A_1958 = vector.broadcast %squeeze3A_1957 : vector<1x256xi32> to vector<18x256xi32>
    %eq3A_1959 = vector.broadcast %iota3A : vector<18x1xi32> to vector<18x256xi32>
    %eq3A_1960 = arith.cmpi eq, %eq3A_1958, %eq3A_1959 : vector<18x256xi32>
    %convert_element_type3A_1961 = arith.extui %eq3A_1960 : vector<18x256xi1> to vector<18x256xi32>
    %convert_element_type3A_1962 = arith.sitofp %convert_element_type3A_1961 : vector<18x256xi32> to vector<18x256xf32>
    %concatenate3A_1963 = tpu.concatenate %get3A_1955, %convert_element_type3A_1962 in 0 : vector<11x256xf32>, vector<18x256xf32> -> vector<29x256xf32>
    %dot_general3A_1964 = arith.constant dense<0.000000e+00> : vector<128x256xf32>
    %dot_general3A_1965 = tpu.matmul %transpose3A, %concatenate3A_1963, %dot_general3A_1964 {dimension_numbers = #tpu.dot_dimension_numbers<[1], [0], [0], [1], [0, 0, 1, 1], [], []>, transpose_lhs_hint = false} : vector<128x29xf32>, vector<29x256xf32>, vector<128x256xf32> -> vector<128x256xf32>
    %max3A_1966 = arith.maximumf %max3A_1952, %dot_general3A_1965 : vector<128x256xf32>
    %get3A_1967 = arith.constant 88 : index
    %get3A_1968 = arith.constant 2560 : index
    %get3A_1969 = vector.load %arg3[%get3A_1967, %get3A_1968] : memref<132x4096xf32, #tpu.memory_space<vmem>>, vector<11x256xf32>
    %slice3A_1970 = vector.extract_strided_slice %get3A_1855 {offsets = [8, 0, 0], sizes = [1, 1, 256], strides = [1, 1, 1]} : vector<12x1x256xi32> to vector<1x1x256xi32>
    %squeeze3A_1971 = vector.shape_cast %slice3A_1970 : vector<1x1x256xi32> to vector<1x256xi32>
    %eq3A_1972 = vector.broadcast %squeeze3A_1971 : vector<1x256xi32> to vector<18x256xi32>
    %eq3A_1973 = vector.broadcast %iota3A : vector<18x1xi32> to vector<18x256xi32>
    %eq3A_1974 = arith.cmpi eq, %eq3A_1972, %eq3A_1973 : vector<18x256xi32>
    %convert_element_type3A_1975 = arith.extui %eq3A_1974 : vector<18x256xi1> to vector<18x256xi32>
    %convert_element_type3A_1976 = arith.sitofp %convert_element_type3A_1975 : vector<18x256xi32> to vector<18x256xf32>
    %concatenate3A_1977 = tpu.concatenate %get3A_1969, %convert_element_type3A_1976 in 0 : vector<11x256xf32>, vector<18x256xf32> -> vector<29x256xf32>
    %dot_general3A_1978 = arith.constant dense<0.000000e+00> : vector<128x256xf32>
    %dot_general3A_1979 = tpu.matmul %transpose3A, %concatenate3A_1977, %dot_general3A_1978 {dimension_numbers = #tpu.dot_dimension_numbers<[1], [0], [0], [1], [0, 0, 1, 1], [], []>, transpose_lhs_hint = false} : vector<128x29xf32>, vector<29x256xf32>, vector<128x256xf32> -> vector<128x256xf32>
    %max3A_1980 = arith.maximumf %max3A_1966, %dot_general3A_1979 : vector<128x256xf32>
    %get3A_1981 = arith.constant 99 : index
    %get3A_1982 = arith.constant 2560 : index
    %get3A_1983 = vector.load %arg3[%get3A_1981, %get3A_1982] : memref<132x4096xf32, #tpu.memory_space<vmem>>, vector<11x256xf32>
    %slice3A_1984 = vector.extract_strided_slice %get3A_1855 {offsets = [9, 0, 0], sizes = [1, 1, 256], strides = [1, 1, 1]} : vector<12x1x256xi32> to vector<1x1x256xi32>
    %squeeze3A_1985 = vector.shape_cast %slice3A_1984 : vector<1x1x256xi32> to vector<1x256xi32>
    %eq3A_1986 = vector.broadcast %squeeze3A_1985 : vector<1x256xi32> to vector<18x256xi32>
    %eq3A_1987 = vector.broadcast %iota3A : vector<18x1xi32> to vector<18x256xi32>
    %eq3A_1988 = arith.cmpi eq, %eq3A_1986, %eq3A_1987 : vector<18x256xi32>
    %convert_element_type3A_1989 = arith.extui %eq3A_1988 : vector<18x256xi1> to vector<18x256xi32>
    %convert_element_type3A_1990 = arith.sitofp %convert_element_type3A_1989 : vector<18x256xi32> to vector<18x256xf32>
    %concatenate3A_1991 = tpu.concatenate %get3A_1983, %convert_element_type3A_1990 in 0 : vector<11x256xf32>, vector<18x256xf32> -> vector<29x256xf32>
    %dot_general3A_1992 = arith.constant dense<0.000000e+00> : vector<128x256xf32>
    %dot_general3A_1993 = tpu.matmul %transpose3A, %concatenate3A_1991, %dot_general3A_1992 {dimension_numbers = #tpu.dot_dimension_numbers<[1], [0], [0], [1], [0, 0, 1, 1], [], []>, transpose_lhs_hint = false} : vector<128x29xf32>, vector<29x256xf32>, vector<128x256xf32> -> vector<128x256xf32>
    %max3A_1994 = arith.maximumf %max3A_1980, %dot_general3A_1993 : vector<128x256xf32>
    %get3A_1995 = arith.constant 110 : index
    %get3A_1996 = arith.constant 2560 : index
    %get3A_1997 = vector.load %arg3[%get3A_1995, %get3A_1996] : memref<132x4096xf32, #tpu.memory_space<vmem>>, vector<11x256xf32>
    %slice3A_1998 = vector.extract_strided_slice %get3A_1855 {offsets = [10, 0, 0], sizes = [1, 1, 256], strides = [1, 1, 1]} : vector<12x1x256xi32> to vector<1x1x256xi32>
    %squeeze3A_1999 = vector.shape_cast %slice3A_1998 : vector<1x1x256xi32> to vector<1x256xi32>
    %eq3A_2000 = vector.broadcast %squeeze3A_1999 : vector<1x256xi32> to vector<18x256xi32>
    %eq3A_2001 = vector.broadcast %iota3A : vector<18x1xi32> to vector<18x256xi32>
    %eq3A_2002 = arith.cmpi eq, %eq3A_2000, %eq3A_2001 : vector<18x256xi32>
    %convert_element_type3A_2003 = arith.extui %eq3A_2002 : vector<18x256xi1> to vector<18x256xi32>
    %convert_element_type3A_2004 = arith.sitofp %convert_element_type3A_2003 : vector<18x256xi32> to vector<18x256xf32>
    %concatenate3A_2005 = tpu.concatenate %get3A_1997, %convert_element_type3A_2004 in 0 : vector<11x256xf32>, vector<18x256xf32> -> vector<29x256xf32>
    %dot_general3A_2006 = arith.constant dense<0.000000e+00> : vector<128x256xf32>
    %dot_general3A_2007 = tpu.matmul %transpose3A, %concatenate3A_2005, %dot_general3A_2006 {dimension_numbers = #tpu.dot_dimension_numbers<[1], [0], [0], [1], [0, 0, 1, 1], [], []>, transpose_lhs_hint = false} : vector<128x29xf32>, vector<29x256xf32>, vector<128x256xf32> -> vector<128x256xf32>
    %max3A_2008 = arith.maximumf %max3A_1994, %dot_general3A_2007 : vector<128x256xf32>
    %get3A_2009 = arith.constant 121 : index
    %get3A_2010 = arith.constant 2560 : index
    %get3A_2011 = vector.load %arg3[%get3A_2009, %get3A_2010] : memref<132x4096xf32, #tpu.memory_space<vmem>>, vector<11x256xf32>
    %slice3A_2012 = vector.extract_strided_slice %get3A_1855 {offsets = [11, 0, 0], sizes = [1, 1, 256], strides = [1, 1, 1]} : vector<12x1x256xi32> to vector<1x1x256xi32>
    %squeeze3A_2013 = vector.shape_cast %slice3A_2012 : vector<1x1x256xi32> to vector<1x256xi32>
    %eq3A_2014 = vector.broadcast %squeeze3A_2013 : vector<1x256xi32> to vector<18x256xi32>
    %eq3A_2015 = vector.broadcast %iota3A : vector<18x1xi32> to vector<18x256xi32>
    %eq3A_2016 = arith.cmpi eq, %eq3A_2014, %eq3A_2015 : vector<18x256xi32>
    %convert_element_type3A_2017 = arith.extui %eq3A_2016 : vector<18x256xi1> to vector<18x256xi32>
    %convert_element_type3A_2018 = arith.sitofp %convert_element_type3A_2017 : vector<18x256xi32> to vector<18x256xf32>
    %concatenate3A_2019 = tpu.concatenate %get3A_2011, %convert_element_type3A_2018 in 0 : vector<11x256xf32>, vector<18x256xf32> -> vector<29x256xf32>
    %dot_general3A_2020 = arith.constant dense<0.000000e+00> : vector<128x256xf32>
    %dot_general3A_2021 = tpu.matmul %transpose3A, %concatenate3A_2019, %dot_general3A_2020 {dimension_numbers = #tpu.dot_dimension_numbers<[1], [0], [0], [1], [0, 0, 1, 1], [], []>, transpose_lhs_hint = false} : vector<128x29xf32>, vector<29x256xf32>, vector<128x256xf32> -> vector<128x256xf32>
    %max3A_2022 = arith.maximumf %max3A_2008, %dot_general3A_2021 : vector<128x256xf32>
    %get3A_2023 = arith.constant 0 : index
    %get3A_2024 = arith.constant 0 : index
    %get3A_2025 = vector.load %arg6[%get3A_2023, %get3A_2024] : memref<128x1xf32, #tpu.memory_space<vmem>>, vector<128x1xf32>
    %add3A_2026 = vector.broadcast %get3A_2025 : vector<128x1xf32> to vector<128x256xf32>
    %add3A_2027 = arith.addf %max3A_2022, %add3A_2026 : vector<128x256xf32>
    %max3A_2028 = arith.constant 0.000000e+00 : f32
    %max3A_2029 = vector.broadcast %max3A_2028 : f32 to vector<128x256xf32>
    %max3A_2030 = arith.maximumf %add3A_2027, %max3A_2029 : vector<128x256xf32>
    %swap3A_2031 = arith.constant 0 : index
    %swap3A_2032 = arith.constant 0 : index
    %swap3A_2033 = arith.constant 2560 : index
    %swap3A_2034 = vector.load %arg7[%swap3A_2031, %swap3A_2032, %swap3A_2033] : memref<1x128x4096xf32, #tpu.memory_space<vmem>>, vector<1x128x256xf32>
    %swap3A_2035 = vector.shape_cast %swap3A_2034 : vector<1x128x256xf32> to vector<128x256xf32>
    %swap3A_2036 = vector.shape_cast %max3A_2030 : vector<128x256xf32> to vector<1x128x256xf32>
    tpu.vector_store %arg7[%swap3A_2031, %swap3A_2032, %swap3A_2033], %swap3A_2036 {strides = array<i32>} : memref<1x128x4096xf32, #tpu.memory_space<vmem>>, vector<1x128x256xf32>,
    %get3A_2037 = arith.constant 0 : index
    %get3A_2038 = arith.index_cast %arg1 : i32 to index
    %get3A_2039 = arith.constant 2816 : index
    %get3A_2040 = vector.load %arg2[%get3A_2037, %get3A_2038, %get3A_2039] : memref<12x8x4096xi32, #tpu.memory_space<vmem>>, vector<12x1x256xi32>
    %get3A_2041 = arith.constant 0 : index
    %get3A_2042 = arith.constant 2816 : index
    %get3A_2043 = vector.load %arg3[%get3A_2041, %get3A_2042] : memref<132x4096xf32, #tpu.memory_space<vmem>>, vector<11x256xf32>
    %slice3A_2044 = vector.extract_strided_slice %get3A_2040 {offsets = [0, 0, 0], sizes = [1, 1, 256], strides = [1, 1, 1]} : vector<12x1x256xi32> to vector<1x1x256xi32>
    %squeeze3A_2045 = vector.shape_cast %slice3A_2044 : vector<1x1x256xi32> to vector<1x256xi32>
    %eq3A_2046 = vector.broadcast %squeeze3A_2045 : vector<1x256xi32> to vector<18x256xi32>
    %eq3A_2047 = vector.broadcast %iota3A : vector<18x1xi32> to vector<18x256xi32>
    %eq3A_2048 = arith.cmpi eq, %eq3A_2046, %eq3A_2047 : vector<18x256xi32>
    %convert_element_type3A_2049 = arith.extui %eq3A_2048 : vector<18x256xi1> to vector<18x256xi32>
    %convert_element_type3A_2050 = arith.sitofp %convert_element_type3A_2049 : vector<18x256xi32> to vector<18x256xf32>
    %concatenate3A_2051 = tpu.concatenate %get3A_2043, %convert_element_type3A_2050 in 0 : vector<11x256xf32>, vector<18x256xf32> -> vector<29x256xf32>
    %dot_general3A_2052 = arith.constant dense<0.000000e+00> : vector<128x256xf32>
    %dot_general3A_2053 = tpu.matmul %transpose3A, %concatenate3A_2051, %dot_general3A_2052 {dimension_numbers = #tpu.dot_dimension_numbers<[1], [0], [0], [1], [0, 0, 1, 1], [], []>, transpose_lhs_hint = false} : vector<128x29xf32>, vector<29x256xf32>, vector<128x256xf32> -> vector<128x256xf32>
    %get3A_2054 = arith.constant 11 : index
    %get3A_2055 = arith.constant 2816 : index
    %get3A_2056 = vector.load %arg3[%get3A_2054, %get3A_2055] : memref<132x4096xf32, #tpu.memory_space<vmem>>, vector<11x256xf32>
    %slice3A_2057 = vector.extract_strided_slice %get3A_2040 {offsets = [1, 0, 0], sizes = [1, 1, 256], strides = [1, 1, 1]} : vector<12x1x256xi32> to vector<1x1x256xi32>
    %squeeze3A_2058 = vector.shape_cast %slice3A_2057 : vector<1x1x256xi32> to vector<1x256xi32>
    %eq3A_2059 = vector.broadcast %squeeze3A_2058 : vector<1x256xi32> to vector<18x256xi32>
    %eq3A_2060 = vector.broadcast %iota3A : vector<18x1xi32> to vector<18x256xi32>
    %eq3A_2061 = arith.cmpi eq, %eq3A_2059, %eq3A_2060 : vector<18x256xi32>
    %convert_element_type3A_2062 = arith.extui %eq3A_2061 : vector<18x256xi1> to vector<18x256xi32>
    %convert_element_type3A_2063 = arith.sitofp %convert_element_type3A_2062 : vector<18x256xi32> to vector<18x256xf32>
    %concatenate3A_2064 = tpu.concatenate %get3A_2056, %convert_element_type3A_2063 in 0 : vector<11x256xf32>, vector<18x256xf32> -> vector<29x256xf32>
    %dot_general3A_2065 = arith.constant dense<0.000000e+00> : vector<128x256xf32>
    %dot_general3A_2066 = tpu.matmul %transpose3A, %concatenate3A_2064, %dot_general3A_2065 {dimension_numbers = #tpu.dot_dimension_numbers<[1], [0], [0], [1], [0, 0, 1, 1], [], []>, transpose_lhs_hint = false} : vector<128x29xf32>, vector<29x256xf32>, vector<128x256xf32> -> vector<128x256xf32>
    %max3A_2067 = arith.maximumf %dot_general3A_2053, %dot_general3A_2066 : vector<128x256xf32>
    %get3A_2068 = arith.constant 22 : index
    %get3A_2069 = arith.constant 2816 : index
    %get3A_2070 = vector.load %arg3[%get3A_2068, %get3A_2069] : memref<132x4096xf32, #tpu.memory_space<vmem>>, vector<11x256xf32>
    %slice3A_2071 = vector.extract_strided_slice %get3A_2040 {offsets = [2, 0, 0], sizes = [1, 1, 256], strides = [1, 1, 1]} : vector<12x1x256xi32> to vector<1x1x256xi32>
    %squeeze3A_2072 = vector.shape_cast %slice3A_2071 : vector<1x1x256xi32> to vector<1x256xi32>
    %eq3A_2073 = vector.broadcast %squeeze3A_2072 : vector<1x256xi32> to vector<18x256xi32>
    %eq3A_2074 = vector.broadcast %iota3A : vector<18x1xi32> to vector<18x256xi32>
    %eq3A_2075 = arith.cmpi eq, %eq3A_2073, %eq3A_2074 : vector<18x256xi32>
    %convert_element_type3A_2076 = arith.extui %eq3A_2075 : vector<18x256xi1> to vector<18x256xi32>
    %convert_element_type3A_2077 = arith.sitofp %convert_element_type3A_2076 : vector<18x256xi32> to vector<18x256xf32>
    %concatenate3A_2078 = tpu.concatenate %get3A_2070, %convert_element_type3A_2077 in 0 : vector<11x256xf32>, vector<18x256xf32> -> vector<29x256xf32>
    %dot_general3A_2079 = arith.constant dense<0.000000e+00> : vector<128x256xf32>
    %dot_general3A_2080 = tpu.matmul %transpose3A, %concatenate3A_2078, %dot_general3A_2079 {dimension_numbers = #tpu.dot_dimension_numbers<[1], [0], [0], [1], [0, 0, 1, 1], [], []>, transpose_lhs_hint = false} : vector<128x29xf32>, vector<29x256xf32>, vector<128x256xf32> -> vector<128x256xf32>
    %max3A_2081 = arith.maximumf %max3A_2067, %dot_general3A_2080 : vector<128x256xf32>
    %get3A_2082 = arith.constant 33 : index
    %get3A_2083 = arith.constant 2816 : index
    %get3A_2084 = vector.load %arg3[%get3A_2082, %get3A_2083] : memref<132x4096xf32, #tpu.memory_space<vmem>>, vector<11x256xf32>
    %slice3A_2085 = vector.extract_strided_slice %get3A_2040 {offsets = [3, 0, 0], sizes = [1, 1, 256], strides = [1, 1, 1]} : vector<12x1x256xi32> to vector<1x1x256xi32>
    %squeeze3A_2086 = vector.shape_cast %slice3A_2085 : vector<1x1x256xi32> to vector<1x256xi32>
    %eq3A_2087 = vector.broadcast %squeeze3A_2086 : vector<1x256xi32> to vector<18x256xi32>
    %eq3A_2088 = vector.broadcast %iota3A : vector<18x1xi32> to vector<18x256xi32>
    %eq3A_2089 = arith.cmpi eq, %eq3A_2087, %eq3A_2088 : vector<18x256xi32>
    %convert_element_type3A_2090 = arith.extui %eq3A_2089 : vector<18x256xi1> to vector<18x256xi32>
    %convert_element_type3A_2091 = arith.sitofp %convert_element_type3A_2090 : vector<18x256xi32> to vector<18x256xf32>
    %concatenate3A_2092 = tpu.concatenate %get3A_2084, %convert_element_type3A_2091 in 0 : vector<11x256xf32>, vector<18x256xf32> -> vector<29x256xf32>
    %dot_general3A_2093 = arith.constant dense<0.000000e+00> : vector<128x256xf32>
    %dot_general3A_2094 = tpu.matmul %transpose3A, %concatenate3A_2092, %dot_general3A_2093 {dimension_numbers = #tpu.dot_dimension_numbers<[1], [0], [0], [1], [0, 0, 1, 1], [], []>, transpose_lhs_hint = false} : vector<128x29xf32>, vector<29x256xf32>, vector<128x256xf32> -> vector<128x256xf32>
    %max3A_2095 = arith.maximumf %max3A_2081, %dot_general3A_2094 : vector<128x256xf32>
    %get3A_2096 = arith.constant 44 : index
    %get3A_2097 = arith.constant 2816 : index
    %get3A_2098 = vector.load %arg3[%get3A_2096, %get3A_2097] : memref<132x4096xf32, #tpu.memory_space<vmem>>, vector<11x256xf32>
    %slice3A_2099 = vector.extract_strided_slice %get3A_2040 {offsets = [4, 0, 0], sizes = [1, 1, 256], strides = [1, 1, 1]} : vector<12x1x256xi32> to vector<1x1x256xi32>
    %squeeze3A_2100 = vector.shape_cast %slice3A_2099 : vector<1x1x256xi32> to vector<1x256xi32>
    %eq3A_2101 = vector.broadcast %squeeze3A_2100 : vector<1x256xi32> to vector<18x256xi32>
    %eq3A_2102 = vector.broadcast %iota3A : vector<18x1xi32> to vector<18x256xi32>
    %eq3A_2103 = arith.cmpi eq, %eq3A_2101, %eq3A_2102 : vector<18x256xi32>
    %convert_element_type3A_2104 = arith.extui %eq3A_2103 : vector<18x256xi1> to vector<18x256xi32>
    %convert_element_type3A_2105 = arith.sitofp %convert_element_type3A_2104 : vector<18x256xi32> to vector<18x256xf32>
    %concatenate3A_2106 = tpu.concatenate %get3A_2098, %convert_element_type3A_2105 in 0 : vector<11x256xf32>, vector<18x256xf32> -> vector<29x256xf32>
    %dot_general3A_2107 = arith.constant dense<0.000000e+00> : vector<128x256xf32>
    %dot_general3A_2108 = tpu.matmul %transpose3A, %concatenate3A_2106, %dot_general3A_2107 {dimension_numbers = #tpu.dot_dimension_numbers<[1], [0], [0], [1], [0, 0, 1, 1], [], []>, transpose_lhs_hint = false} : vector<128x29xf32>, vector<29x256xf32>, vector<128x256xf32> -> vector<128x256xf32>
    %max3A_2109 = arith.maximumf %max3A_2095, %dot_general3A_2108 : vector<128x256xf32>
    %get3A_2110 = arith.constant 55 : index
    %get3A_2111 = arith.constant 2816 : index
    %get3A_2112 = vector.load %arg3[%get3A_2110, %get3A_2111] : memref<132x4096xf32, #tpu.memory_space<vmem>>, vector<11x256xf32>
    %slice3A_2113 = vector.extract_strided_slice %get3A_2040 {offsets = [5, 0, 0], sizes = [1, 1, 256], strides = [1, 1, 1]} : vector<12x1x256xi32> to vector<1x1x256xi32>
    %squeeze3A_2114 = vector.shape_cast %slice3A_2113 : vector<1x1x256xi32> to vector<1x256xi32>
    %eq3A_2115 = vector.broadcast %squeeze3A_2114 : vector<1x256xi32> to vector<18x256xi32>
    %eq3A_2116 = vector.broadcast %iota3A : vector<18x1xi32> to vector<18x256xi32>
    %eq3A_2117 = arith.cmpi eq, %eq3A_2115, %eq3A_2116 : vector<18x256xi32>
    %convert_element_type3A_2118 = arith.extui %eq3A_2117 : vector<18x256xi1> to vector<18x256xi32>
    %convert_element_type3A_2119 = arith.sitofp %convert_element_type3A_2118 : vector<18x256xi32> to vector<18x256xf32>
    %concatenate3A_2120 = tpu.concatenate %get3A_2112, %convert_element_type3A_2119 in 0 : vector<11x256xf32>, vector<18x256xf32> -> vector<29x256xf32>
    %dot_general3A_2121 = arith.constant dense<0.000000e+00> : vector<128x256xf32>
    %dot_general3A_2122 = tpu.matmul %transpose3A, %concatenate3A_2120, %dot_general3A_2121 {dimension_numbers = #tpu.dot_dimension_numbers<[1], [0], [0], [1], [0, 0, 1, 1], [], []>, transpose_lhs_hint = false} : vector<128x29xf32>, vector<29x256xf32>, vector<128x256xf32> -> vector<128x256xf32>
    %max3A_2123 = arith.maximumf %max3A_2109, %dot_general3A_2122 : vector<128x256xf32>
    %get3A_2124 = arith.constant 66 : index
    %get3A_2125 = arith.constant 2816 : index
    %get3A_2126 = vector.load %arg3[%get3A_2124, %get3A_2125] : memref<132x4096xf32, #tpu.memory_space<vmem>>, vector<11x256xf32>
    %slice3A_2127 = vector.extract_strided_slice %get3A_2040 {offsets = [6, 0, 0], sizes = [1, 1, 256], strides = [1, 1, 1]} : vector<12x1x256xi32> to vector<1x1x256xi32>
    %squeeze3A_2128 = vector.shape_cast %slice3A_2127 : vector<1x1x256xi32> to vector<1x256xi32>
    %eq3A_2129 = vector.broadcast %squeeze3A_2128 : vector<1x256xi32> to vector<18x256xi32>
    %eq3A_2130 = vector.broadcast %iota3A : vector<18x1xi32> to vector<18x256xi32>
    %eq3A_2131 = arith.cmpi eq, %eq3A_2129, %eq3A_2130 : vector<18x256xi32>
    %convert_element_type3A_2132 = arith.extui %eq3A_2131 : vector<18x256xi1> to vector<18x256xi32>
    %convert_element_type3A_2133 = arith.sitofp %convert_element_type3A_2132 : vector<18x256xi32> to vector<18x256xf32>
    %concatenate3A_2134 = tpu.concatenate %get3A_2126, %convert_element_type3A_2133 in 0 : vector<11x256xf32>, vector<18x256xf32> -> vector<29x256xf32>
    %dot_general3A_2135 = arith.constant dense<0.000000e+00> : vector<128x256xf32>
    %dot_general3A_2136 = tpu.matmul %transpose3A, %concatenate3A_2134, %dot_general3A_2135 {dimension_numbers = #tpu.dot_dimension_numbers<[1], [0], [0], [1], [0, 0, 1, 1], [], []>, transpose_lhs_hint = false} : vector<128x29xf32>, vector<29x256xf32>, vector<128x256xf32> -> vector<128x256xf32>
    %max3A_2137 = arith.maximumf %max3A_2123, %dot_general3A_2136 : vector<128x256xf32>
    %get3A_2138 = arith.constant 77 : index
    %get3A_2139 = arith.constant 2816 : index
    %get3A_2140 = vector.load %arg3[%get3A_2138, %get3A_2139] : memref<132x4096xf32, #tpu.memory_space<vmem>>, vector<11x256xf32>
    %slice3A_2141 = vector.extract_strided_slice %get3A_2040 {offsets = [7, 0, 0], sizes = [1, 1, 256], strides = [1, 1, 1]} : vector<12x1x256xi32> to vector<1x1x256xi32>
    %squeeze3A_2142 = vector.shape_cast %slice3A_2141 : vector<1x1x256xi32> to vector<1x256xi32>
    %eq3A_2143 = vector.broadcast %squeeze3A_2142 : vector<1x256xi32> to vector<18x256xi32>
    %eq3A_2144 = vector.broadcast %iota3A : vector<18x1xi32> to vector<18x256xi32>
    %eq3A_2145 = arith.cmpi eq, %eq3A_2143, %eq3A_2144 : vector<18x256xi32>
    %convert_element_type3A_2146 = arith.extui %eq3A_2145 : vector<18x256xi1> to vector<18x256xi32>
    %convert_element_type3A_2147 = arith.sitofp %convert_element_type3A_2146 : vector<18x256xi32> to vector<18x256xf32>
    %concatenate3A_2148 = tpu.concatenate %get3A_2140, %convert_element_type3A_2147 in 0 : vector<11x256xf32>, vector<18x256xf32> -> vector<29x256xf32>
    %dot_general3A_2149 = arith.constant dense<0.000000e+00> : vector<128x256xf32>
    %dot_general3A_2150 = tpu.matmul %transpose3A, %concatenate3A_2148, %dot_general3A_2149 {dimension_numbers = #tpu.dot_dimension_numbers<[1], [0], [0], [1], [0, 0, 1, 1], [], []>, transpose_lhs_hint = false} : vector<128x29xf32>, vector<29x256xf32>, vector<128x256xf32> -> vector<128x256xf32>
    %max3A_2151 = arith.maximumf %max3A_2137, %dot_general3A_2150 : vector<128x256xf32>
    %get3A_2152 = arith.constant 88 : index
    %get3A_2153 = arith.constant 2816 : index
    %get3A_2154 = vector.load %arg3[%get3A_2152, %get3A_2153] : memref<132x4096xf32, #tpu.memory_space<vmem>>, vector<11x256xf32>
    %slice3A_2155 = vector.extract_strided_slice %get3A_2040 {offsets = [8, 0, 0], sizes = [1, 1, 256], strides = [1, 1, 1]} : vector<12x1x256xi32> to vector<1x1x256xi32>
    %squeeze3A_2156 = vector.shape_cast %slice3A_2155 : vector<1x1x256xi32> to vector<1x256xi32>
    %eq3A_2157 = vector.broadcast %squeeze3A_2156 : vector<1x256xi32> to vector<18x256xi32>
    %eq3A_2158 = vector.broadcast %iota3A : vector<18x1xi32> to vector<18x256xi32>
    %eq3A_2159 = arith.cmpi eq, %eq3A_2157, %eq3A_2158 : vector<18x256xi32>
    %convert_element_type3A_2160 = arith.extui %eq3A_2159 : vector<18x256xi1> to vector<18x256xi32>
    %convert_element_type3A_2161 = arith.sitofp %convert_element_type3A_2160 : vector<18x256xi32> to vector<18x256xf32>
    %concatenate3A_2162 = tpu.concatenate %get3A_2154, %convert_element_type3A_2161 in 0 : vector<11x256xf32>, vector<18x256xf32> -> vector<29x256xf32>
    %dot_general3A_2163 = arith.constant dense<0.000000e+00> : vector<128x256xf32>
    %dot_general3A_2164 = tpu.matmul %transpose3A, %concatenate3A_2162, %dot_general3A_2163 {dimension_numbers = #tpu.dot_dimension_numbers<[1], [0], [0], [1], [0, 0, 1, 1], [], []>, transpose_lhs_hint = false} : vector<128x29xf32>, vector<29x256xf32>, vector<128x256xf32> -> vector<128x256xf32>
    %max3A_2165 = arith.maximumf %max3A_2151, %dot_general3A_2164 : vector<128x256xf32>
    %get3A_2166 = arith.constant 99 : index
    %get3A_2167 = arith.constant 2816 : index
    %get3A_2168 = vector.load %arg3[%get3A_2166, %get3A_2167] : memref<132x4096xf32, #tpu.memory_space<vmem>>, vector<11x256xf32>
    %slice3A_2169 = vector.extract_strided_slice %get3A_2040 {offsets = [9, 0, 0], sizes = [1, 1, 256], strides = [1, 1, 1]} : vector<12x1x256xi32> to vector<1x1x256xi32>
    %squeeze3A_2170 = vector.shape_cast %slice3A_2169 : vector<1x1x256xi32> to vector<1x256xi32>
    %eq3A_2171 = vector.broadcast %squeeze3A_2170 : vector<1x256xi32> to vector<18x256xi32>
    %eq3A_2172 = vector.broadcast %iota3A : vector<18x1xi32> to vector<18x256xi32>
    %eq3A_2173 = arith.cmpi eq, %eq3A_2171, %eq3A_2172 : vector<18x256xi32>
    %convert_element_type3A_2174 = arith.extui %eq3A_2173 : vector<18x256xi1> to vector<18x256xi32>
    %convert_element_type3A_2175 = arith.sitofp %convert_element_type3A_2174 : vector<18x256xi32> to vector<18x256xf32>
    %concatenate3A_2176 = tpu.concatenate %get3A_2168, %convert_element_type3A_2175 in 0 : vector<11x256xf32>, vector<18x256xf32> -> vector<29x256xf32>
    %dot_general3A_2177 = arith.constant dense<0.000000e+00> : vector<128x256xf32>
    %dot_general3A_2178 = tpu.matmul %transpose3A, %concatenate3A_2176, %dot_general3A_2177 {dimension_numbers = #tpu.dot_dimension_numbers<[1], [0], [0], [1], [0, 0, 1, 1], [], []>, transpose_lhs_hint = false} : vector<128x29xf32>, vector<29x256xf32>, vector<128x256xf32> -> vector<128x256xf32>
    %max3A_2179 = arith.maximumf %max3A_2165, %dot_general3A_2178 : vector<128x256xf32>
    %get3A_2180 = arith.constant 110 : index
    %get3A_2181 = arith.constant 2816 : index
    %get3A_2182 = vector.load %arg3[%get3A_2180, %get3A_2181] : memref<132x4096xf32, #tpu.memory_space<vmem>>, vector<11x256xf32>
    %slice3A_2183 = vector.extract_strided_slice %get3A_2040 {offsets = [10, 0, 0], sizes = [1, 1, 256], strides = [1, 1, 1]} : vector<12x1x256xi32> to vector<1x1x256xi32>
    %squeeze3A_2184 = vector.shape_cast %slice3A_2183 : vector<1x1x256xi32> to vector<1x256xi32>
    %eq3A_2185 = vector.broadcast %squeeze3A_2184 : vector<1x256xi32> to vector<18x256xi32>
    %eq3A_2186 = vector.broadcast %iota3A : vector<18x1xi32> to vector<18x256xi32>
    %eq3A_2187 = arith.cmpi eq, %eq3A_2185, %eq3A_2186 : vector<18x256xi32>
    %convert_element_type3A_2188 = arith.extui %eq3A_2187 : vector<18x256xi1> to vector<18x256xi32>
    %convert_element_type3A_2189 = arith.sitofp %convert_element_type3A_2188 : vector<18x256xi32> to vector<18x256xf32>
    %concatenate3A_2190 = tpu.concatenate %get3A_2182, %convert_element_type3A_2189 in 0 : vector<11x256xf32>, vector<18x256xf32> -> vector<29x256xf32>
    %dot_general3A_2191 = arith.constant dense<0.000000e+00> : vector<128x256xf32>
    %dot_general3A_2192 = tpu.matmul %transpose3A, %concatenate3A_2190, %dot_general3A_2191 {dimension_numbers = #tpu.dot_dimension_numbers<[1], [0], [0], [1], [0, 0, 1, 1], [], []>, transpose_lhs_hint = false} : vector<128x29xf32>, vector<29x256xf32>, vector<128x256xf32> -> vector<128x256xf32>
    %max3A_2193 = arith.maximumf %max3A_2179, %dot_general3A_2192 : vector<128x256xf32>
    %get3A_2194 = arith.constant 121 : index
    %get3A_2195 = arith.constant 2816 : index
    %get3A_2196 = vector.load %arg3[%get3A_2194, %get3A_2195] : memref<132x4096xf32, #tpu.memory_space<vmem>>, vector<11x256xf32>
    %slice3A_2197 = vector.extract_strided_slice %get3A_2040 {offsets = [11, 0, 0], sizes = [1, 1, 256], strides = [1, 1, 1]} : vector<12x1x256xi32> to vector<1x1x256xi32>
    %squeeze3A_2198 = vector.shape_cast %slice3A_2197 : vector<1x1x256xi32> to vector<1x256xi32>
    %eq3A_2199 = vector.broadcast %squeeze3A_2198 : vector<1x256xi32> to vector<18x256xi32>
    %eq3A_2200 = vector.broadcast %iota3A : vector<18x1xi32> to vector<18x256xi32>
    %eq3A_2201 = arith.cmpi eq, %eq3A_2199, %eq3A_2200 : vector<18x256xi32>
    %convert_element_type3A_2202 = arith.extui %eq3A_2201 : vector<18x256xi1> to vector<18x256xi32>
    %convert_element_type3A_2203 = arith.sitofp %convert_element_type3A_2202 : vector<18x256xi32> to vector<18x256xf32>
    %concatenate3A_2204 = tpu.concatenate %get3A_2196, %convert_element_type3A_2203 in 0 : vector<11x256xf32>, vector<18x256xf32> -> vector<29x256xf32>
    %dot_general3A_2205 = arith.constant dense<0.000000e+00> : vector<128x256xf32>
    %dot_general3A_2206 = tpu.matmul %transpose3A, %concatenate3A_2204, %dot_general3A_2205 {dimension_numbers = #tpu.dot_dimension_numbers<[1], [0], [0], [1], [0, 0, 1, 1], [], []>, transpose_lhs_hint = false} : vector<128x29xf32>, vector<29x256xf32>, vector<128x256xf32> -> vector<128x256xf32>
    %max3A_2207 = arith.maximumf %max3A_2193, %dot_general3A_2206 : vector<128x256xf32>
    %get3A_2208 = arith.constant 0 : index
    %get3A_2209 = arith.constant 0 : index
    %get3A_2210 = vector.load %arg6[%get3A_2208, %get3A_2209] : memref<128x1xf32, #tpu.memory_space<vmem>>, vector<128x1xf32>
    %add3A_2211 = vector.broadcast %get3A_2210 : vector<128x1xf32> to vector<128x256xf32>
    %add3A_2212 = arith.addf %max3A_2207, %add3A_2211 : vector<128x256xf32>
    %max3A_2213 = arith.constant 0.000000e+00 : f32
    %max3A_2214 = vector.broadcast %max3A_2213 : f32 to vector<128x256xf32>
    %max3A_2215 = arith.maximumf %add3A_2212, %max3A_2214 : vector<128x256xf32>
    %swap3A_2216 = arith.constant 0 : index
    %swap3A_2217 = arith.constant 0 : index
    %swap3A_2218 = arith.constant 2816 : index
    %swap3A_2219 = vector.load %arg7[%swap3A_2216, %swap3A_2217, %swap3A_2218] : memref<1x128x4096xf32, #tpu.memory_space<vmem>>, vector<1x128x256xf32>
    %swap3A_2220 = vector.shape_cast %swap3A_2219 : vector<1x128x256xf32> to vector<128x256xf32>
    %swap3A_2221 = vector.shape_cast %max3A_2215 : vector<128x256xf32> to vector<1x128x256xf32>
    tpu.vector_store %arg7[%swap3A_2216, %swap3A_2217, %swap3A_2218], %swap3A_2221 {strides = array<i32>} : memref<1x128x4096xf32, #tpu.memory_space<vmem>>, vector<1x128x256xf32>,
    %get3A_2222 = arith.constant 0 : index
    %get3A_2223 = arith.index_cast %arg1 : i32 to index
    %get3A_2224 = arith.constant 3072 : index
    %get3A_2225 = vector.load %arg2[%get3A_2222, %get3A_2223, %get3A_2224] : memref<12x8x4096xi32, #tpu.memory_space<vmem>>, vector<12x1x256xi32>
    %get3A_2226 = arith.constant 0 : index
    %get3A_2227 = arith.constant 3072 : index
    %get3A_2228 = vector.load %arg3[%get3A_2226, %get3A_2227] : memref<132x4096xf32, #tpu.memory_space<vmem>>, vector<11x256xf32>
    %slice3A_2229 = vector.extract_strided_slice %get3A_2225 {offsets = [0, 0, 0], sizes = [1, 1, 256], strides = [1, 1, 1]} : vector<12x1x256xi32> to vector<1x1x256xi32>
    %squeeze3A_2230 = vector.shape_cast %slice3A_2229 : vector<1x1x256xi32> to vector<1x256xi32>
    %eq3A_2231 = vector.broadcast %squeeze3A_2230 : vector<1x256xi32> to vector<18x256xi32>
    %eq3A_2232 = vector.broadcast %iota3A : vector<18x1xi32> to vector<18x256xi32>
    %eq3A_2233 = arith.cmpi eq, %eq3A_2231, %eq3A_2232 : vector<18x256xi32>
    %convert_element_type3A_2234 = arith.extui %eq3A_2233 : vector<18x256xi1> to vector<18x256xi32>
    %convert_element_type3A_2235 = arith.sitofp %convert_element_type3A_2234 : vector<18x256xi32> to vector<18x256xf32>
    %concatenate3A_2236 = tpu.concatenate %get3A_2228, %convert_element_type3A_2235 in 0 : vector<11x256xf32>, vector<18x256xf32> -> vector<29x256xf32>
    %dot_general3A_2237 = arith.constant dense<0.000000e+00> : vector<128x256xf32>
    %dot_general3A_2238 = tpu.matmul %transpose3A, %concatenate3A_2236, %dot_general3A_2237 {dimension_numbers = #tpu.dot_dimension_numbers<[1], [0], [0], [1], [0, 0, 1, 1], [], []>, transpose_lhs_hint = false} : vector<128x29xf32>, vector<29x256xf32>, vector<128x256xf32> -> vector<128x256xf32>
    %get3A_2239 = arith.constant 11 : index
    %get3A_2240 = arith.constant 3072 : index
    %get3A_2241 = vector.load %arg3[%get3A_2239, %get3A_2240] : memref<132x4096xf32, #tpu.memory_space<vmem>>, vector<11x256xf32>
    %slice3A_2242 = vector.extract_strided_slice %get3A_2225 {offsets = [1, 0, 0], sizes = [1, 1, 256], strides = [1, 1, 1]} : vector<12x1x256xi32> to vector<1x1x256xi32>
    %squeeze3A_2243 = vector.shape_cast %slice3A_2242 : vector<1x1x256xi32> to vector<1x256xi32>
    %eq3A_2244 = vector.broadcast %squeeze3A_2243 : vector<1x256xi32> to vector<18x256xi32>
    %eq3A_2245 = vector.broadcast %iota3A : vector<18x1xi32> to vector<18x256xi32>
    %eq3A_2246 = arith.cmpi eq, %eq3A_2244, %eq3A_2245 : vector<18x256xi32>
    %convert_element_type3A_2247 = arith.extui %eq3A_2246 : vector<18x256xi1> to vector<18x256xi32>
    %convert_element_type3A_2248 = arith.sitofp %convert_element_type3A_2247 : vector<18x256xi32> to vector<18x256xf32>
    %concatenate3A_2249 = tpu.concatenate %get3A_2241, %convert_element_type3A_2248 in 0 : vector<11x256xf32>, vector<18x256xf32> -> vector<29x256xf32>
    %dot_general3A_2250 = arith.constant dense<0.000000e+00> : vector<128x256xf32>
    %dot_general3A_2251 = tpu.matmul %transpose3A, %concatenate3A_2249, %dot_general3A_2250 {dimension_numbers = #tpu.dot_dimension_numbers<[1], [0], [0], [1], [0, 0, 1, 1], [], []>, transpose_lhs_hint = false} : vector<128x29xf32>, vector<29x256xf32>, vector<128x256xf32> -> vector<128x256xf32>
    %max3A_2252 = arith.maximumf %dot_general3A_2238, %dot_general3A_2251 : vector<128x256xf32>
    %get3A_2253 = arith.constant 22 : index
    %get3A_2254 = arith.constant 3072 : index
    %get3A_2255 = vector.load %arg3[%get3A_2253, %get3A_2254] : memref<132x4096xf32, #tpu.memory_space<vmem>>, vector<11x256xf32>
    %slice3A_2256 = vector.extract_strided_slice %get3A_2225 {offsets = [2, 0, 0], sizes = [1, 1, 256], strides = [1, 1, 1]} : vector<12x1x256xi32> to vector<1x1x256xi32>
    %squeeze3A_2257 = vector.shape_cast %slice3A_2256 : vector<1x1x256xi32> to vector<1x256xi32>
    %eq3A_2258 = vector.broadcast %squeeze3A_2257 : vector<1x256xi32> to vector<18x256xi32>
    %eq3A_2259 = vector.broadcast %iota3A : vector<18x1xi32> to vector<18x256xi32>
    %eq3A_2260 = arith.cmpi eq, %eq3A_2258, %eq3A_2259 : vector<18x256xi32>
    %convert_element_type3A_2261 = arith.extui %eq3A_2260 : vector<18x256xi1> to vector<18x256xi32>
    %convert_element_type3A_2262 = arith.sitofp %convert_element_type3A_2261 : vector<18x256xi32> to vector<18x256xf32>
    %concatenate3A_2263 = tpu.concatenate %get3A_2255, %convert_element_type3A_2262 in 0 : vector<11x256xf32>, vector<18x256xf32> -> vector<29x256xf32>
    %dot_general3A_2264 = arith.constant dense<0.000000e+00> : vector<128x256xf32>
    %dot_general3A_2265 = tpu.matmul %transpose3A, %concatenate3A_2263, %dot_general3A_2264 {dimension_numbers = #tpu.dot_dimension_numbers<[1], [0], [0], [1], [0, 0, 1, 1], [], []>, transpose_lhs_hint = false} : vector<128x29xf32>, vector<29x256xf32>, vector<128x256xf32> -> vector<128x256xf32>
    %max3A_2266 = arith.maximumf %max3A_2252, %dot_general3A_2265 : vector<128x256xf32>
    %get3A_2267 = arith.constant 33 : index
    %get3A_2268 = arith.constant 3072 : index
    %get3A_2269 = vector.load %arg3[%get3A_2267, %get3A_2268] : memref<132x4096xf32, #tpu.memory_space<vmem>>, vector<11x256xf32>
    %slice3A_2270 = vector.extract_strided_slice %get3A_2225 {offsets = [3, 0, 0], sizes = [1, 1, 256], strides = [1, 1, 1]} : vector<12x1x256xi32> to vector<1x1x256xi32>
    %squeeze3A_2271 = vector.shape_cast %slice3A_2270 : vector<1x1x256xi32> to vector<1x256xi32>
    %eq3A_2272 = vector.broadcast %squeeze3A_2271 : vector<1x256xi32> to vector<18x256xi32>
    %eq3A_2273 = vector.broadcast %iota3A : vector<18x1xi32> to vector<18x256xi32>
    %eq3A_2274 = arith.cmpi eq, %eq3A_2272, %eq3A_2273 : vector<18x256xi32>
    %convert_element_type3A_2275 = arith.extui %eq3A_2274 : vector<18x256xi1> to vector<18x256xi32>
    %convert_element_type3A_2276 = arith.sitofp %convert_element_type3A_2275 : vector<18x256xi32> to vector<18x256xf32>
    %concatenate3A_2277 = tpu.concatenate %get3A_2269, %convert_element_type3A_2276 in 0 : vector<11x256xf32>, vector<18x256xf32> -> vector<29x256xf32>
    %dot_general3A_2278 = arith.constant dense<0.000000e+00> : vector<128x256xf32>
    %dot_general3A_2279 = tpu.matmul %transpose3A, %concatenate3A_2277, %dot_general3A_2278 {dimension_numbers = #tpu.dot_dimension_numbers<[1], [0], [0], [1], [0, 0, 1, 1], [], []>, transpose_lhs_hint = false} : vector<128x29xf32>, vector<29x256xf32>, vector<128x256xf32> -> vector<128x256xf32>
    %max3A_2280 = arith.maximumf %max3A_2266, %dot_general3A_2279 : vector<128x256xf32>
    %get3A_2281 = arith.constant 44 : index
    %get3A_2282 = arith.constant 3072 : index
    %get3A_2283 = vector.load %arg3[%get3A_2281, %get3A_2282] : memref<132x4096xf32, #tpu.memory_space<vmem>>, vector<11x256xf32>
    %slice3A_2284 = vector.extract_strided_slice %get3A_2225 {offsets = [4, 0, 0], sizes = [1, 1, 256], strides = [1, 1, 1]} : vector<12x1x256xi32> to vector<1x1x256xi32>
    %squeeze3A_2285 = vector.shape_cast %slice3A_2284 : vector<1x1x256xi32> to vector<1x256xi32>
    %eq3A_2286 = vector.broadcast %squeeze3A_2285 : vector<1x256xi32> to vector<18x256xi32>
    %eq3A_2287 = vector.broadcast %iota3A : vector<18x1xi32> to vector<18x256xi32>
    %eq3A_2288 = arith.cmpi eq, %eq3A_2286, %eq3A_2287 : vector<18x256xi32>
    %convert_element_type3A_2289 = arith.extui %eq3A_2288 : vector<18x256xi1> to vector<18x256xi32>
    %convert_element_type3A_2290 = arith.sitofp %convert_element_type3A_2289 : vector<18x256xi32> to vector<18x256xf32>
    %concatenate3A_2291 = tpu.concatenate %get3A_2283, %convert_element_type3A_2290 in 0 : vector<11x256xf32>, vector<18x256xf32> -> vector<29x256xf32>
    %dot_general3A_2292 = arith.constant dense<0.000000e+00> : vector<128x256xf32>
    %dot_general3A_2293 = tpu.matmul %transpose3A, %concatenate3A_2291, %dot_general3A_2292 {dimension_numbers = #tpu.dot_dimension_numbers<[1], [0], [0], [1], [0, 0, 1, 1], [], []>, transpose_lhs_hint = false} : vector<128x29xf32>, vector<29x256xf32>, vector<128x256xf32> -> vector<128x256xf32>
    %max3A_2294 = arith.maximumf %max3A_2280, %dot_general3A_2293 : vector<128x256xf32>
    %get3A_2295 = arith.constant 55 : index
    %get3A_2296 = arith.constant 3072 : index
    %get3A_2297 = vector.load %arg3[%get3A_2295, %get3A_2296] : memref<132x4096xf32, #tpu.memory_space<vmem>>, vector<11x256xf32>
    %slice3A_2298 = vector.extract_strided_slice %get3A_2225 {offsets = [5, 0, 0], sizes = [1, 1, 256], strides = [1, 1, 1]} : vector<12x1x256xi32> to vector<1x1x256xi32>
    %squeeze3A_2299 = vector.shape_cast %slice3A_2298 : vector<1x1x256xi32> to vector<1x256xi32>
    %eq3A_2300 = vector.broadcast %squeeze3A_2299 : vector<1x256xi32> to vector<18x256xi32>
    %eq3A_2301 = vector.broadcast %iota3A : vector<18x1xi32> to vector<18x256xi32>
    %eq3A_2302 = arith.cmpi eq, %eq3A_2300, %eq3A_2301 : vector<18x256xi32>
    %convert_element_type3A_2303 = arith.extui %eq3A_2302 : vector<18x256xi1> to vector<18x256xi32>
    %convert_element_type3A_2304 = arith.sitofp %convert_element_type3A_2303 : vector<18x256xi32> to vector<18x256xf32>
    %concatenate3A_2305 = tpu.concatenate %get3A_2297, %convert_element_type3A_2304 in 0 : vector<11x256xf32>, vector<18x256xf32> -> vector<29x256xf32>
    %dot_general3A_2306 = arith.constant dense<0.000000e+00> : vector<128x256xf32>
    %dot_general3A_2307 = tpu.matmul %transpose3A, %concatenate3A_2305, %dot_general3A_2306 {dimension_numbers = #tpu.dot_dimension_numbers<[1], [0], [0], [1], [0, 0, 1, 1], [], []>, transpose_lhs_hint = false} : vector<128x29xf32>, vector<29x256xf32>, vector<128x256xf32> -> vector<128x256xf32>
    %max3A_2308 = arith.maximumf %max3A_2294, %dot_general3A_2307 : vector<128x256xf32>
    %get3A_2309 = arith.constant 66 : index
    %get3A_2310 = arith.constant 3072 : index
    %get3A_2311 = vector.load %arg3[%get3A_2309, %get3A_2310] : memref<132x4096xf32, #tpu.memory_space<vmem>>, vector<11x256xf32>
    %slice3A_2312 = vector.extract_strided_slice %get3A_2225 {offsets = [6, 0, 0], sizes = [1, 1, 256], strides = [1, 1, 1]} : vector<12x1x256xi32> to vector<1x1x256xi32>
    %squeeze3A_2313 = vector.shape_cast %slice3A_2312 : vector<1x1x256xi32> to vector<1x256xi32>
    %eq3A_2314 = vector.broadcast %squeeze3A_2313 : vector<1x256xi32> to vector<18x256xi32>
    %eq3A_2315 = vector.broadcast %iota3A : vector<18x1xi32> to vector<18x256xi32>
    %eq3A_2316 = arith.cmpi eq, %eq3A_2314, %eq3A_2315 : vector<18x256xi32>
    %convert_element_type3A_2317 = arith.extui %eq3A_2316 : vector<18x256xi1> to vector<18x256xi32>
    %convert_element_type3A_2318 = arith.sitofp %convert_element_type3A_2317 : vector<18x256xi32> to vector<18x256xf32>
    %concatenate3A_2319 = tpu.concatenate %get3A_2311, %convert_element_type3A_2318 in 0 : vector<11x256xf32>, vector<18x256xf32> -> vector<29x256xf32>
    %dot_general3A_2320 = arith.constant dense<0.000000e+00> : vector<128x256xf32>
    %dot_general3A_2321 = tpu.matmul %transpose3A, %concatenate3A_2319, %dot_general3A_2320 {dimension_numbers = #tpu.dot_dimension_numbers<[1], [0], [0], [1], [0, 0, 1, 1], [], []>, transpose_lhs_hint = false} : vector<128x29xf32>, vector<29x256xf32>, vector<128x256xf32> -> vector<128x256xf32>
    %max3A_2322 = arith.maximumf %max3A_2308, %dot_general3A_2321 : vector<128x256xf32>
    %get3A_2323 = arith.constant 77 : index
    %get3A_2324 = arith.constant 3072 : index
    %get3A_2325 = vector.load %arg3[%get3A_2323, %get3A_2324] : memref<132x4096xf32, #tpu.memory_space<vmem>>, vector<11x256xf32>
    %slice3A_2326 = vector.extract_strided_slice %get3A_2225 {offsets = [7, 0, 0], sizes = [1, 1, 256], strides = [1, 1, 1]} : vector<12x1x256xi32> to vector<1x1x256xi32>
    %squeeze3A_2327 = vector.shape_cast %slice3A_2326 : vector<1x1x256xi32> to vector<1x256xi32>
    %eq3A_2328 = vector.broadcast %squeeze3A_2327 : vector<1x256xi32> to vector<18x256xi32>
    %eq3A_2329 = vector.broadcast %iota3A : vector<18x1xi32> to vector<18x256xi32>
    %eq3A_2330 = arith.cmpi eq, %eq3A_2328, %eq3A_2329 : vector<18x256xi32>
    %convert_element_type3A_2331 = arith.extui %eq3A_2330 : vector<18x256xi1> to vector<18x256xi32>
    %convert_element_type3A_2332 = arith.sitofp %convert_element_type3A_2331 : vector<18x256xi32> to vector<18x256xf32>
    %concatenate3A_2333 = tpu.concatenate %get3A_2325, %convert_element_type3A_2332 in 0 : vector<11x256xf32>, vector<18x256xf32> -> vector<29x256xf32>
    %dot_general3A_2334 = arith.constant dense<0.000000e+00> : vector<128x256xf32>
    %dot_general3A_2335 = tpu.matmul %transpose3A, %concatenate3A_2333, %dot_general3A_2334 {dimension_numbers = #tpu.dot_dimension_numbers<[1], [0], [0], [1], [0, 0, 1, 1], [], []>, transpose_lhs_hint = false} : vector<128x29xf32>, vector<29x256xf32>, vector<128x256xf32> -> vector<128x256xf32>
    %max3A_2336 = arith.maximumf %max3A_2322, %dot_general3A_2335 : vector<128x256xf32>
    %get3A_2337 = arith.constant 88 : index
    %get3A_2338 = arith.constant 3072 : index
    %get3A_2339 = vector.load %arg3[%get3A_2337, %get3A_2338] : memref<132x4096xf32, #tpu.memory_space<vmem>>, vector<11x256xf32>
    %slice3A_2340 = vector.extract_strided_slice %get3A_2225 {offsets = [8, 0, 0], sizes = [1, 1, 256], strides = [1, 1, 1]} : vector<12x1x256xi32> to vector<1x1x256xi32>
    %squeeze3A_2341 = vector.shape_cast %slice3A_2340 : vector<1x1x256xi32> to vector<1x256xi32>
    %eq3A_2342 = vector.broadcast %squeeze3A_2341 : vector<1x256xi32> to vector<18x256xi32>
    %eq3A_2343 = vector.broadcast %iota3A : vector<18x1xi32> to vector<18x256xi32>
    %eq3A_2344 = arith.cmpi eq, %eq3A_2342, %eq3A_2343 : vector<18x256xi32>
    %convert_element_type3A_2345 = arith.extui %eq3A_2344 : vector<18x256xi1> to vector<18x256xi32>
    %convert_element_type3A_2346 = arith.sitofp %convert_element_type3A_2345 : vector<18x256xi32> to vector<18x256xf32>
    %concatenate3A_2347 = tpu.concatenate %get3A_2339, %convert_element_type3A_2346 in 0 : vector<11x256xf32>, vector<18x256xf32> -> vector<29x256xf32>
    %dot_general3A_2348 = arith.constant dense<0.000000e+00> : vector<128x256xf32>
    %dot_general3A_2349 = tpu.matmul %transpose3A, %concatenate3A_2347, %dot_general3A_2348 {dimension_numbers = #tpu.dot_dimension_numbers<[1], [0], [0], [1], [0, 0, 1, 1], [], []>, transpose_lhs_hint = false} : vector<128x29xf32>, vector<29x256xf32>, vector<128x256xf32> -> vector<128x256xf32>
    %max3A_2350 = arith.maximumf %max3A_2336, %dot_general3A_2349 : vector<128x256xf32>
    %get3A_2351 = arith.constant 99 : index
    %get3A_2352 = arith.constant 3072 : index
    %get3A_2353 = vector.load %arg3[%get3A_2351, %get3A_2352] : memref<132x4096xf32, #tpu.memory_space<vmem>>, vector<11x256xf32>
    %slice3A_2354 = vector.extract_strided_slice %get3A_2225 {offsets = [9, 0, 0], sizes = [1, 1, 256], strides = [1, 1, 1]} : vector<12x1x256xi32> to vector<1x1x256xi32>
    %squeeze3A_2355 = vector.shape_cast %slice3A_2354 : vector<1x1x256xi32> to vector<1x256xi32>
    %eq3A_2356 = vector.broadcast %squeeze3A_2355 : vector<1x256xi32> to vector<18x256xi32>
    %eq3A_2357 = vector.broadcast %iota3A : vector<18x1xi32> to vector<18x256xi32>
    %eq3A_2358 = arith.cmpi eq, %eq3A_2356, %eq3A_2357 : vector<18x256xi32>
    %convert_element_type3A_2359 = arith.extui %eq3A_2358 : vector<18x256xi1> to vector<18x256xi32>
    %convert_element_type3A_2360 = arith.sitofp %convert_element_type3A_2359 : vector<18x256xi32> to vector<18x256xf32>
    %concatenate3A_2361 = tpu.concatenate %get3A_2353, %convert_element_type3A_2360 in 0 : vector<11x256xf32>, vector<18x256xf32> -> vector<29x256xf32>
    %dot_general3A_2362 = arith.constant dense<0.000000e+00> : vector<128x256xf32>
    %dot_general3A_2363 = tpu.matmul %transpose3A, %concatenate3A_2361, %dot_general3A_2362 {dimension_numbers = #tpu.dot_dimension_numbers<[1], [0], [0], [1], [0, 0, 1, 1], [], []>, transpose_lhs_hint = false} : vector<128x29xf32>, vector<29x256xf32>, vector<128x256xf32> -> vector<128x256xf32>
    %max3A_2364 = arith.maximumf %max3A_2350, %dot_general3A_2363 : vector<128x256xf32>
    %get3A_2365 = arith.constant 110 : index
    %get3A_2366 = arith.constant 3072 : index
    %get3A_2367 = vector.load %arg3[%get3A_2365, %get3A_2366] : memref<132x4096xf32, #tpu.memory_space<vmem>>, vector<11x256xf32>
    %slice3A_2368 = vector.extract_strided_slice %get3A_2225 {offsets = [10, 0, 0], sizes = [1, 1, 256], strides = [1, 1, 1]} : vector<12x1x256xi32> to vector<1x1x256xi32>
    %squeeze3A_2369 = vector.shape_cast %slice3A_2368 : vector<1x1x256xi32> to vector<1x256xi32>
    %eq3A_2370 = vector.broadcast %squeeze3A_2369 : vector<1x256xi32> to vector<18x256xi32>
    %eq3A_2371 = vector.broadcast %iota3A : vector<18x1xi32> to vector<18x256xi32>
    %eq3A_2372 = arith.cmpi eq, %eq3A_2370, %eq3A_2371 : vector<18x256xi32>
    %convert_element_type3A_2373 = arith.extui %eq3A_2372 : vector<18x256xi1> to vector<18x256xi32>
    %convert_element_type3A_2374 = arith.sitofp %convert_element_type3A_2373 : vector<18x256xi32> to vector<18x256xf32>
    %concatenate3A_2375 = tpu.concatenate %get3A_2367, %convert_element_type3A_2374 in 0 : vector<11x256xf32>, vector<18x256xf32> -> vector<29x256xf32>
    %dot_general3A_2376 = arith.constant dense<0.000000e+00> : vector<128x256xf32>
    %dot_general3A_2377 = tpu.matmul %transpose3A, %concatenate3A_2375, %dot_general3A_2376 {dimension_numbers = #tpu.dot_dimension_numbers<[1], [0], [0], [1], [0, 0, 1, 1], [], []>, transpose_lhs_hint = false} : vector<128x29xf32>, vector<29x256xf32>, vector<128x256xf32> -> vector<128x256xf32>
    %max3A_2378 = arith.maximumf %max3A_2364, %dot_general3A_2377 : vector<128x256xf32>
    %get3A_2379 = arith.constant 121 : index
    %get3A_2380 = arith.constant 3072 : index
    %get3A_2381 = vector.load %arg3[%get3A_2379, %get3A_2380] : memref<132x4096xf32, #tpu.memory_space<vmem>>, vector<11x256xf32>
    %slice3A_2382 = vector.extract_strided_slice %get3A_2225 {offsets = [11, 0, 0], sizes = [1, 1, 256], strides = [1, 1, 1]} : vector<12x1x256xi32> to vector<1x1x256xi32>
    %squeeze3A_2383 = vector.shape_cast %slice3A_2382 : vector<1x1x256xi32> to vector<1x256xi32>
    %eq3A_2384 = vector.broadcast %squeeze3A_2383 : vector<1x256xi32> to vector<18x256xi32>
    %eq3A_2385 = vector.broadcast %iota3A : vector<18x1xi32> to vector<18x256xi32>
    %eq3A_2386 = arith.cmpi eq, %eq3A_2384, %eq3A_2385 : vector<18x256xi32>
    %convert_element_type3A_2387 = arith.extui %eq3A_2386 : vector<18x256xi1> to vector<18x256xi32>
    %convert_element_type3A_2388 = arith.sitofp %convert_element_type3A_2387 : vector<18x256xi32> to vector<18x256xf32>
    %concatenate3A_2389 = tpu.concatenate %get3A_2381, %convert_element_type3A_2388 in 0 : vector<11x256xf32>, vector<18x256xf32> -> vector<29x256xf32>
    %dot_general3A_2390 = arith.constant dense<0.000000e+00> : vector<128x256xf32>
    %dot_general3A_2391 = tpu.matmul %transpose3A, %concatenate3A_2389, %dot_general3A_2390 {dimension_numbers = #tpu.dot_dimension_numbers<[1], [0], [0], [1], [0, 0, 1, 1], [], []>, transpose_lhs_hint = false} : vector<128x29xf32>, vector<29x256xf32>, vector<128x256xf32> -> vector<128x256xf32>
    %max3A_2392 = arith.maximumf %max3A_2378, %dot_general3A_2391 : vector<128x256xf32>
    %get3A_2393 = arith.constant 0 : index
    %get3A_2394 = arith.constant 0 : index
    %get3A_2395 = vector.load %arg6[%get3A_2393, %get3A_2394] : memref<128x1xf32, #tpu.memory_space<vmem>>, vector<128x1xf32>
    %add3A_2396 = vector.broadcast %get3A_2395 : vector<128x1xf32> to vector<128x256xf32>
    %add3A_2397 = arith.addf %max3A_2392, %add3A_2396 : vector<128x256xf32>
    %max3A_2398 = arith.constant 0.000000e+00 : f32
    %max3A_2399 = vector.broadcast %max3A_2398 : f32 to vector<128x256xf32>
    %max3A_2400 = arith.maximumf %add3A_2397, %max3A_2399 : vector<128x256xf32>
    %swap3A_2401 = arith.constant 0 : index
    %swap3A_2402 = arith.constant 0 : index
    %swap3A_2403 = arith.constant 3072 : index
    %swap3A_2404 = vector.load %arg7[%swap3A_2401, %swap3A_2402, %swap3A_2403] : memref<1x128x4096xf32, #tpu.memory_space<vmem>>, vector<1x128x256xf32>
    %swap3A_2405 = vector.shape_cast %swap3A_2404 : vector<1x128x256xf32> to vector<128x256xf32>
    %swap3A_2406 = vector.shape_cast %max3A_2400 : vector<128x256xf32> to vector<1x128x256xf32>
    tpu.vector_store %arg7[%swap3A_2401, %swap3A_2402, %swap3A_2403], %swap3A_2406 {strides = array<i32>} : memref<1x128x4096xf32, #tpu.memory_space<vmem>>, vector<1x128x256xf32>,
    %get3A_2407 = arith.constant 0 : index
    %get3A_2408 = arith.index_cast %arg1 : i32 to index
    %get3A_2409 = arith.constant 3328 : index
    %get3A_2410 = vector.load %arg2[%get3A_2407, %get3A_2408, %get3A_2409] : memref<12x8x4096xi32, #tpu.memory_space<vmem>>, vector<12x1x256xi32>
    %get3A_2411 = arith.constant 0 : index
    %get3A_2412 = arith.constant 3328 : index
    %get3A_2413 = vector.load %arg3[%get3A_2411, %get3A_2412] : memref<132x4096xf32, #tpu.memory_space<vmem>>, vector<11x256xf32>
    %slice3A_2414 = vector.extract_strided_slice %get3A_2410 {offsets = [0, 0, 0], sizes = [1, 1, 256], strides = [1, 1, 1]} : vector<12x1x256xi32> to vector<1x1x256xi32>
    %squeeze3A_2415 = vector.shape_cast %slice3A_2414 : vector<1x1x256xi32> to vector<1x256xi32>
    %eq3A_2416 = vector.broadcast %squeeze3A_2415 : vector<1x256xi32> to vector<18x256xi32>
    %eq3A_2417 = vector.broadcast %iota3A : vector<18x1xi32> to vector<18x256xi32>
    %eq3A_2418 = arith.cmpi eq, %eq3A_2416, %eq3A_2417 : vector<18x256xi32>
    %convert_element_type3A_2419 = arith.extui %eq3A_2418 : vector<18x256xi1> to vector<18x256xi32>
    %convert_element_type3A_2420 = arith.sitofp %convert_element_type3A_2419 : vector<18x256xi32> to vector<18x256xf32>
    %concatenate3A_2421 = tpu.concatenate %get3A_2413, %convert_element_type3A_2420 in 0 : vector<11x256xf32>, vector<18x256xf32> -> vector<29x256xf32>
    %dot_general3A_2422 = arith.constant dense<0.000000e+00> : vector<128x256xf32>
    %dot_general3A_2423 = tpu.matmul %transpose3A, %concatenate3A_2421, %dot_general3A_2422 {dimension_numbers = #tpu.dot_dimension_numbers<[1], [0], [0], [1], [0, 0, 1, 1], [], []>, transpose_lhs_hint = false} : vector<128x29xf32>, vector<29x256xf32>, vector<128x256xf32> -> vector<128x256xf32>
    %get3A_2424 = arith.constant 11 : index
    %get3A_2425 = arith.constant 3328 : index
    %get3A_2426 = vector.load %arg3[%get3A_2424, %get3A_2425] : memref<132x4096xf32, #tpu.memory_space<vmem>>, vector<11x256xf32>
    %slice3A_2427 = vector.extract_strided_slice %get3A_2410 {offsets = [1, 0, 0], sizes = [1, 1, 256], strides = [1, 1, 1]} : vector<12x1x256xi32> to vector<1x1x256xi32>
    %squeeze3A_2428 = vector.shape_cast %slice3A_2427 : vector<1x1x256xi32> to vector<1x256xi32>
    %eq3A_2429 = vector.broadcast %squeeze3A_2428 : vector<1x256xi32> to vector<18x256xi32>
    %eq3A_2430 = vector.broadcast %iota3A : vector<18x1xi32> to vector<18x256xi32>
    %eq3A_2431 = arith.cmpi eq, %eq3A_2429, %eq3A_2430 : vector<18x256xi32>
    %convert_element_type3A_2432 = arith.extui %eq3A_2431 : vector<18x256xi1> to vector<18x256xi32>
    %convert_element_type3A_2433 = arith.sitofp %convert_element_type3A_2432 : vector<18x256xi32> to vector<18x256xf32>
    %concatenate3A_2434 = tpu.concatenate %get3A_2426, %convert_element_type3A_2433 in 0 : vector<11x256xf32>, vector<18x256xf32> -> vector<29x256xf32>
    %dot_general3A_2435 = arith.constant dense<0.000000e+00> : vector<128x256xf32>
    %dot_general3A_2436 = tpu.matmul %transpose3A, %concatenate3A_2434, %dot_general3A_2435 {dimension_numbers = #tpu.dot_dimension_numbers<[1], [0], [0], [1], [0, 0, 1, 1], [], []>, transpose_lhs_hint = false} : vector<128x29xf32>, vector<29x256xf32>, vector<128x256xf32> -> vector<128x256xf32>
    %max3A_2437 = arith.maximumf %dot_general3A_2423, %dot_general3A_2436 : vector<128x256xf32>
    %get3A_2438 = arith.constant 22 : index
    %get3A_2439 = arith.constant 3328 : index
    %get3A_2440 = vector.load %arg3[%get3A_2438, %get3A_2439] : memref<132x4096xf32, #tpu.memory_space<vmem>>, vector<11x256xf32>
    %slice3A_2441 = vector.extract_strided_slice %get3A_2410 {offsets = [2, 0, 0], sizes = [1, 1, 256], strides = [1, 1, 1]} : vector<12x1x256xi32> to vector<1x1x256xi32>
    %squeeze3A_2442 = vector.shape_cast %slice3A_2441 : vector<1x1x256xi32> to vector<1x256xi32>
    %eq3A_2443 = vector.broadcast %squeeze3A_2442 : vector<1x256xi32> to vector<18x256xi32>
    %eq3A_2444 = vector.broadcast %iota3A : vector<18x1xi32> to vector<18x256xi32>
    %eq3A_2445 = arith.cmpi eq, %eq3A_2443, %eq3A_2444 : vector<18x256xi32>
    %convert_element_type3A_2446 = arith.extui %eq3A_2445 : vector<18x256xi1> to vector<18x256xi32>
    %convert_element_type3A_2447 = arith.sitofp %convert_element_type3A_2446 : vector<18x256xi32> to vector<18x256xf32>
    %concatenate3A_2448 = tpu.concatenate %get3A_2440, %convert_element_type3A_2447 in 0 : vector<11x256xf32>, vector<18x256xf32> -> vector<29x256xf32>
    %dot_general3A_2449 = arith.constant dense<0.000000e+00> : vector<128x256xf32>
    %dot_general3A_2450 = tpu.matmul %transpose3A, %concatenate3A_2448, %dot_general3A_2449 {dimension_numbers = #tpu.dot_dimension_numbers<[1], [0], [0], [1], [0, 0, 1, 1], [], []>, transpose_lhs_hint = false} : vector<128x29xf32>, vector<29x256xf32>, vector<128x256xf32> -> vector<128x256xf32>
    %max3A_2451 = arith.maximumf %max3A_2437, %dot_general3A_2450 : vector<128x256xf32>
    %get3A_2452 = arith.constant 33 : index
    %get3A_2453 = arith.constant 3328 : index
    %get3A_2454 = vector.load %arg3[%get3A_2452, %get3A_2453] : memref<132x4096xf32, #tpu.memory_space<vmem>>, vector<11x256xf32>
    %slice3A_2455 = vector.extract_strided_slice %get3A_2410 {offsets = [3, 0, 0], sizes = [1, 1, 256], strides = [1, 1, 1]} : vector<12x1x256xi32> to vector<1x1x256xi32>
    %squeeze3A_2456 = vector.shape_cast %slice3A_2455 : vector<1x1x256xi32> to vector<1x256xi32>
    %eq3A_2457 = vector.broadcast %squeeze3A_2456 : vector<1x256xi32> to vector<18x256xi32>
    %eq3A_2458 = vector.broadcast %iota3A : vector<18x1xi32> to vector<18x256xi32>
    %eq3A_2459 = arith.cmpi eq, %eq3A_2457, %eq3A_2458 : vector<18x256xi32>
    %convert_element_type3A_2460 = arith.extui %eq3A_2459 : vector<18x256xi1> to vector<18x256xi32>
    %convert_element_type3A_2461 = arith.sitofp %convert_element_type3A_2460 : vector<18x256xi32> to vector<18x256xf32>
    %concatenate3A_2462 = tpu.concatenate %get3A_2454, %convert_element_type3A_2461 in 0 : vector<11x256xf32>, vector<18x256xf32> -> vector<29x256xf32>
    %dot_general3A_2463 = arith.constant dense<0.000000e+00> : vector<128x256xf32>
    %dot_general3A_2464 = tpu.matmul %transpose3A, %concatenate3A_2462, %dot_general3A_2463 {dimension_numbers = #tpu.dot_dimension_numbers<[1], [0], [0], [1], [0, 0, 1, 1], [], []>, transpose_lhs_hint = false} : vector<128x29xf32>, vector<29x256xf32>, vector<128x256xf32> -> vector<128x256xf32>
    %max3A_2465 = arith.maximumf %max3A_2451, %dot_general3A_2464 : vector<128x256xf32>
    %get3A_2466 = arith.constant 44 : index
    %get3A_2467 = arith.constant 3328 : index
    %get3A_2468 = vector.load %arg3[%get3A_2466, %get3A_2467] : memref<132x4096xf32, #tpu.memory_space<vmem>>, vector<11x256xf32>
    %slice3A_2469 = vector.extract_strided_slice %get3A_2410 {offsets = [4, 0, 0], sizes = [1, 1, 256], strides = [1, 1, 1]} : vector<12x1x256xi32> to vector<1x1x256xi32>
    %squeeze3A_2470 = vector.shape_cast %slice3A_2469 : vector<1x1x256xi32> to vector<1x256xi32>
    %eq3A_2471 = vector.broadcast %squeeze3A_2470 : vector<1x256xi32> to vector<18x256xi32>
    %eq3A_2472 = vector.broadcast %iota3A : vector<18x1xi32> to vector<18x256xi32>
    %eq3A_2473 = arith.cmpi eq, %eq3A_2471, %eq3A_2472 : vector<18x256xi32>
    %convert_element_type3A_2474 = arith.extui %eq3A_2473 : vector<18x256xi1> to vector<18x256xi32>
    %convert_element_type3A_2475 = arith.sitofp %convert_element_type3A_2474 : vector<18x256xi32> to vector<18x256xf32>
    %concatenate3A_2476 = tpu.concatenate %get3A_2468, %convert_element_type3A_2475 in 0 : vector<11x256xf32>, vector<18x256xf32> -> vector<29x256xf32>
    %dot_general3A_2477 = arith.constant dense<0.000000e+00> : vector<128x256xf32>
    %dot_general3A_2478 = tpu.matmul %transpose3A, %concatenate3A_2476, %dot_general3A_2477 {dimension_numbers = #tpu.dot_dimension_numbers<[1], [0], [0], [1], [0, 0, 1, 1], [], []>, transpose_lhs_hint = false} : vector<128x29xf32>, vector<29x256xf32>, vector<128x256xf32> -> vector<128x256xf32>
    %max3A_2479 = arith.maximumf %max3A_2465, %dot_general3A_2478 : vector<128x256xf32>
    %get3A_2480 = arith.constant 55 : index
    %get3A_2481 = arith.constant 3328 : index
    %get3A_2482 = vector.load %arg3[%get3A_2480, %get3A_2481] : memref<132x4096xf32, #tpu.memory_space<vmem>>, vector<11x256xf32>
    %slice3A_2483 = vector.extract_strided_slice %get3A_2410 {offsets = [5, 0, 0], sizes = [1, 1, 256], strides = [1, 1, 1]} : vector<12x1x256xi32> to vector<1x1x256xi32>
    %squeeze3A_2484 = vector.shape_cast %slice3A_2483 : vector<1x1x256xi32> to vector<1x256xi32>
    %eq3A_2485 = vector.broadcast %squeeze3A_2484 : vector<1x256xi32> to vector<18x256xi32>
    %eq3A_2486 = vector.broadcast %iota3A : vector<18x1xi32> to vector<18x256xi32>
    %eq3A_2487 = arith.cmpi eq, %eq3A_2485, %eq3A_2486 : vector<18x256xi32>
    %convert_element_type3A_2488 = arith.extui %eq3A_2487 : vector<18x256xi1> to vector<18x256xi32>
    %convert_element_type3A_2489 = arith.sitofp %convert_element_type3A_2488 : vector<18x256xi32> to vector<18x256xf32>
    %concatenate3A_2490 = tpu.concatenate %get3A_2482, %convert_element_type3A_2489 in 0 : vector<11x256xf32>, vector<18x256xf32> -> vector<29x256xf32>
    %dot_general3A_2491 = arith.constant dense<0.000000e+00> : vector<128x256xf32>
    %dot_general3A_2492 = tpu.matmul %transpose3A, %concatenate3A_2490, %dot_general3A_2491 {dimension_numbers = #tpu.dot_dimension_numbers<[1], [0], [0], [1], [0, 0, 1, 1], [], []>, transpose_lhs_hint = false} : vector<128x29xf32>, vector<29x256xf32>, vector<128x256xf32> -> vector<128x256xf32>
    %max3A_2493 = arith.maximumf %max3A_2479, %dot_general3A_2492 : vector<128x256xf32>
    %get3A_2494 = arith.constant 66 : index
    %get3A_2495 = arith.constant 3328 : index
    %get3A_2496 = vector.load %arg3[%get3A_2494, %get3A_2495] : memref<132x4096xf32, #tpu.memory_space<vmem>>, vector<11x256xf32>
    %slice3A_2497 = vector.extract_strided_slice %get3A_2410 {offsets = [6, 0, 0], sizes = [1, 1, 256], strides = [1, 1, 1]} : vector<12x1x256xi32> to vector<1x1x256xi32>
    %squeeze3A_2498 = vector.shape_cast %slice3A_2497 : vector<1x1x256xi32> to vector<1x256xi32>
    %eq3A_2499 = vector.broadcast %squeeze3A_2498 : vector<1x256xi32> to vector<18x256xi32>
    %eq3A_2500 = vector.broadcast %iota3A : vector<18x1xi32> to vector<18x256xi32>
    %eq3A_2501 = arith.cmpi eq, %eq3A_2499, %eq3A_2500 : vector<18x256xi32>
    %convert_element_type3A_2502 = arith.extui %eq3A_2501 : vector<18x256xi1> to vector<18x256xi32>
    %convert_element_type3A_2503 = arith.sitofp %convert_element_type3A_2502 : vector<18x256xi32> to vector<18x256xf32>
    %concatenate3A_2504 = tpu.concatenate %get3A_2496, %convert_element_type3A_2503 in 0 : vector<11x256xf32>, vector<18x256xf32> -> vector<29x256xf32>
    %dot_general3A_2505 = arith.constant dense<0.000000e+00> : vector<128x256xf32>
    %dot_general3A_2506 = tpu.matmul %transpose3A, %concatenate3A_2504, %dot_general3A_2505 {dimension_numbers = #tpu.dot_dimension_numbers<[1], [0], [0], [1], [0, 0, 1, 1], [], []>, transpose_lhs_hint = false} : vector<128x29xf32>, vector<29x256xf32>, vector<128x256xf32> -> vector<128x256xf32>
    %max3A_2507 = arith.maximumf %max3A_2493, %dot_general3A_2506 : vector<128x256xf32>
    %get3A_2508 = arith.constant 77 : index
    %get3A_2509 = arith.constant 3328 : index
    %get3A_2510 = vector.load %arg3[%get3A_2508, %get3A_2509] : memref<132x4096xf32, #tpu.memory_space<vmem>>, vector<11x256xf32>
    %slice3A_2511 = vector.extract_strided_slice %get3A_2410 {offsets = [7, 0, 0], sizes = [1, 1, 256], strides = [1, 1, 1]} : vector<12x1x256xi32> to vector<1x1x256xi32>
    %squeeze3A_2512 = vector.shape_cast %slice3A_2511 : vector<1x1x256xi32> to vector<1x256xi32>
    %eq3A_2513 = vector.broadcast %squeeze3A_2512 : vector<1x256xi32> to vector<18x256xi32>
    %eq3A_2514 = vector.broadcast %iota3A : vector<18x1xi32> to vector<18x256xi32>
    %eq3A_2515 = arith.cmpi eq, %eq3A_2513, %eq3A_2514 : vector<18x256xi32>
    %convert_element_type3A_2516 = arith.extui %eq3A_2515 : vector<18x256xi1> to vector<18x256xi32>
    %convert_element_type3A_2517 = arith.sitofp %convert_element_type3A_2516 : vector<18x256xi32> to vector<18x256xf32>
    %concatenate3A_2518 = tpu.concatenate %get3A_2510, %convert_element_type3A_2517 in 0 : vector<11x256xf32>, vector<18x256xf32> -> vector<29x256xf32>
    %dot_general3A_2519 = arith.constant dense<0.000000e+00> : vector<128x256xf32>
    %dot_general3A_2520 = tpu.matmul %transpose3A, %concatenate3A_2518, %dot_general3A_2519 {dimension_numbers = #tpu.dot_dimension_numbers<[1], [0], [0], [1], [0, 0, 1, 1], [], []>, transpose_lhs_hint = false} : vector<128x29xf32>, vector<29x256xf32>, vector<128x256xf32> -> vector<128x256xf32>
    %max3A_2521 = arith.maximumf %max3A_2507, %dot_general3A_2520 : vector<128x256xf32>
    %get3A_2522 = arith.constant 88 : index
    %get3A_2523 = arith.constant 3328 : index
    %get3A_2524 = vector.load %arg3[%get3A_2522, %get3A_2523] : memref<132x4096xf32, #tpu.memory_space<vmem>>, vector<11x256xf32>
    %slice3A_2525 = vector.extract_strided_slice %get3A_2410 {offsets = [8, 0, 0], sizes = [1, 1, 256], strides = [1, 1, 1]} : vector<12x1x256xi32> to vector<1x1x256xi32>
    %squeeze3A_2526 = vector.shape_cast %slice3A_2525 : vector<1x1x256xi32> to vector<1x256xi32>
    %eq3A_2527 = vector.broadcast %squeeze3A_2526 : vector<1x256xi32> to vector<18x256xi32>
    %eq3A_2528 = vector.broadcast %iota3A : vector<18x1xi32> to vector<18x256xi32>
    %eq3A_2529 = arith.cmpi eq, %eq3A_2527, %eq3A_2528 : vector<18x256xi32>
    %convert_element_type3A_2530 = arith.extui %eq3A_2529 : vector<18x256xi1> to vector<18x256xi32>
    %convert_element_type3A_2531 = arith.sitofp %convert_element_type3A_2530 : vector<18x256xi32> to vector<18x256xf32>
    %concatenate3A_2532 = tpu.concatenate %get3A_2524, %convert_element_type3A_2531 in 0 : vector<11x256xf32>, vector<18x256xf32> -> vector<29x256xf32>
    %dot_general3A_2533 = arith.constant dense<0.000000e+00> : vector<128x256xf32>
    %dot_general3A_2534 = tpu.matmul %transpose3A, %concatenate3A_2532, %dot_general3A_2533 {dimension_numbers = #tpu.dot_dimension_numbers<[1], [0], [0], [1], [0, 0, 1, 1], [], []>, transpose_lhs_hint = false} : vector<128x29xf32>, vector<29x256xf32>, vector<128x256xf32> -> vector<128x256xf32>
    %max3A_2535 = arith.maximumf %max3A_2521, %dot_general3A_2534 : vector<128x256xf32>
    %get3A_2536 = arith.constant 99 : index
    %get3A_2537 = arith.constant 3328 : index
    %get3A_2538 = vector.load %arg3[%get3A_2536, %get3A_2537] : memref<132x4096xf32, #tpu.memory_space<vmem>>, vector<11x256xf32>
    %slice3A_2539 = vector.extract_strided_slice %get3A_2410 {offsets = [9, 0, 0], sizes = [1, 1, 256], strides = [1, 1, 1]} : vector<12x1x256xi32> to vector<1x1x256xi32>
    %squeeze3A_2540 = vector.shape_cast %slice3A_2539 : vector<1x1x256xi32> to vector<1x256xi32>
    %eq3A_2541 = vector.broadcast %squeeze3A_2540 : vector<1x256xi32> to vector<18x256xi32>
    %eq3A_2542 = vector.broadcast %iota3A : vector<18x1xi32> to vector<18x256xi32>
    %eq3A_2543 = arith.cmpi eq, %eq3A_2541, %eq3A_2542 : vector<18x256xi32>
    %convert_element_type3A_2544 = arith.extui %eq3A_2543 : vector<18x256xi1> to vector<18x256xi32>
    %convert_element_type3A_2545 = arith.sitofp %convert_element_type3A_2544 : vector<18x256xi32> to vector<18x256xf32>
    %concatenate3A_2546 = tpu.concatenate %get3A_2538, %convert_element_type3A_2545 in 0 : vector<11x256xf32>, vector<18x256xf32> -> vector<29x256xf32>
    %dot_general3A_2547 = arith.constant dense<0.000000e+00> : vector<128x256xf32>
    %dot_general3A_2548 = tpu.matmul %transpose3A, %concatenate3A_2546, %dot_general3A_2547 {dimension_numbers = #tpu.dot_dimension_numbers<[1], [0], [0], [1], [0, 0, 1, 1], [], []>, transpose_lhs_hint = false} : vector<128x29xf32>, vector<29x256xf32>, vector<128x256xf32> -> vector<128x256xf32>
    %max3A_2549 = arith.maximumf %max3A_2535, %dot_general3A_2548 : vector<128x256xf32>
    %get3A_2550 = arith.constant 110 : index
    %get3A_2551 = arith.constant 3328 : index
    %get3A_2552 = vector.load %arg3[%get3A_2550, %get3A_2551] : memref<132x4096xf32, #tpu.memory_space<vmem>>, vector<11x256xf32>
    %slice3A_2553 = vector.extract_strided_slice %get3A_2410 {offsets = [10, 0, 0], sizes = [1, 1, 256], strides = [1, 1, 1]} : vector<12x1x256xi32> to vector<1x1x256xi32>
    %squeeze3A_2554 = vector.shape_cast %slice3A_2553 : vector<1x1x256xi32> to vector<1x256xi32>
    %eq3A_2555 = vector.broadcast %squeeze3A_2554 : vector<1x256xi32> to vector<18x256xi32>
    %eq3A_2556 = vector.broadcast %iota3A : vector<18x1xi32> to vector<18x256xi32>
    %eq3A_2557 = arith.cmpi eq, %eq3A_2555, %eq3A_2556 : vector<18x256xi32>
    %convert_element_type3A_2558 = arith.extui %eq3A_2557 : vector<18x256xi1> to vector<18x256xi32>
    %convert_element_type3A_2559 = arith.sitofp %convert_element_type3A_2558 : vector<18x256xi32> to vector<18x256xf32>
    %concatenate3A_2560 = tpu.concatenate %get3A_2552, %convert_element_type3A_2559 in 0 : vector<11x256xf32>, vector<18x256xf32> -> vector<29x256xf32>
    %dot_general3A_2561 = arith.constant dense<0.000000e+00> : vector<128x256xf32>
    %dot_general3A_2562 = tpu.matmul %transpose3A, %concatenate3A_2560, %dot_general3A_2561 {dimension_numbers = #tpu.dot_dimension_numbers<[1], [0], [0], [1], [0, 0, 1, 1], [], []>, transpose_lhs_hint = false} : vector<128x29xf32>, vector<29x256xf32>, vector<128x256xf32> -> vector<128x256xf32>
    %max3A_2563 = arith.maximumf %max3A_2549, %dot_general3A_2562 : vector<128x256xf32>
    %get3A_2564 = arith.constant 121 : index
    %get3A_2565 = arith.constant 3328 : index
    %get3A_2566 = vector.load %arg3[%get3A_2564, %get3A_2565] : memref<132x4096xf32, #tpu.memory_space<vmem>>, vector<11x256xf32>
    %slice3A_2567 = vector.extract_strided_slice %get3A_2410 {offsets = [11, 0, 0], sizes = [1, 1, 256], strides = [1, 1, 1]} : vector<12x1x256xi32> to vector<1x1x256xi32>
    %squeeze3A_2568 = vector.shape_cast %slice3A_2567 : vector<1x1x256xi32> to vector<1x256xi32>
    %eq3A_2569 = vector.broadcast %squeeze3A_2568 : vector<1x256xi32> to vector<18x256xi32>
    %eq3A_2570 = vector.broadcast %iota3A : vector<18x1xi32> to vector<18x256xi32>
    %eq3A_2571 = arith.cmpi eq, %eq3A_2569, %eq3A_2570 : vector<18x256xi32>
    %convert_element_type3A_2572 = arith.extui %eq3A_2571 : vector<18x256xi1> to vector<18x256xi32>
    %convert_element_type3A_2573 = arith.sitofp %convert_element_type3A_2572 : vector<18x256xi32> to vector<18x256xf32>
    %concatenate3A_2574 = tpu.concatenate %get3A_2566, %convert_element_type3A_2573 in 0 : vector<11x256xf32>, vector<18x256xf32> -> vector<29x256xf32>
    %dot_general3A_2575 = arith.constant dense<0.000000e+00> : vector<128x256xf32>
    %dot_general3A_2576 = tpu.matmul %transpose3A, %concatenate3A_2574, %dot_general3A_2575 {dimension_numbers = #tpu.dot_dimension_numbers<[1], [0], [0], [1], [0, 0, 1, 1], [], []>, transpose_lhs_hint = false} : vector<128x29xf32>, vector<29x256xf32>, vector<128x256xf32> -> vector<128x256xf32>
    %max3A_2577 = arith.maximumf %max3A_2563, %dot_general3A_2576 : vector<128x256xf32>
    %get3A_2578 = arith.constant 0 : index
    %get3A_2579 = arith.constant 0 : index
    %get3A_2580 = vector.load %arg6[%get3A_2578, %get3A_2579] : memref<128x1xf32, #tpu.memory_space<vmem>>, vector<128x1xf32>
    %add3A_2581 = vector.broadcast %get3A_2580 : vector<128x1xf32> to vector<128x256xf32>
    %add3A_2582 = arith.addf %max3A_2577, %add3A_2581 : vector<128x256xf32>
    %max3A_2583 = arith.constant 0.000000e+00 : f32
    %max3A_2584 = vector.broadcast %max3A_2583 : f32 to vector<128x256xf32>
    %max3A_2585 = arith.maximumf %add3A_2582, %max3A_2584 : vector<128x256xf32>
    %swap3A_2586 = arith.constant 0 : index
    %swap3A_2587 = arith.constant 0 : index
    %swap3A_2588 = arith.constant 3328 : index
    %swap3A_2589 = vector.load %arg7[%swap3A_2586, %swap3A_2587, %swap3A_2588] : memref<1x128x4096xf32, #tpu.memory_space<vmem>>, vector<1x128x256xf32>
    %swap3A_2590 = vector.shape_cast %swap3A_2589 : vector<1x128x256xf32> to vector<128x256xf32>
    %swap3A_2591 = vector.shape_cast %max3A_2585 : vector<128x256xf32> to vector<1x128x256xf32>
    tpu.vector_store %arg7[%swap3A_2586, %swap3A_2587, %swap3A_2588], %swap3A_2591 {strides = array<i32>} : memref<1x128x4096xf32, #tpu.memory_space<vmem>>, vector<1x128x256xf32>,
    %get3A_2592 = arith.constant 0 : index
    %get3A_2593 = arith.index_cast %arg1 : i32 to index
    %get3A_2594 = arith.constant 3584 : index
    %get3A_2595 = vector.load %arg2[%get3A_2592, %get3A_2593, %get3A_2594] : memref<12x8x4096xi32, #tpu.memory_space<vmem>>, vector<12x1x256xi32>
    %get3A_2596 = arith.constant 0 : index
    %get3A_2597 = arith.constant 3584 : index
    %get3A_2598 = vector.load %arg3[%get3A_2596, %get3A_2597] : memref<132x4096xf32, #tpu.memory_space<vmem>>, vector<11x256xf32>
    %slice3A_2599 = vector.extract_strided_slice %get3A_2595 {offsets = [0, 0, 0], sizes = [1, 1, 256], strides = [1, 1, 1]} : vector<12x1x256xi32> to vector<1x1x256xi32>
    %squeeze3A_2600 = vector.shape_cast %slice3A_2599 : vector<1x1x256xi32> to vector<1x256xi32>
    %eq3A_2601 = vector.broadcast %squeeze3A_2600 : vector<1x256xi32> to vector<18x256xi32>
    %eq3A_2602 = vector.broadcast %iota3A : vector<18x1xi32> to vector<18x256xi32>
    %eq3A_2603 = arith.cmpi eq, %eq3A_2601, %eq3A_2602 : vector<18x256xi32>
    %convert_element_type3A_2604 = arith.extui %eq3A_2603 : vector<18x256xi1> to vector<18x256xi32>
    %convert_element_type3A_2605 = arith.sitofp %convert_element_type3A_2604 : vector<18x256xi32> to vector<18x256xf32>
    %concatenate3A_2606 = tpu.concatenate %get3A_2598, %convert_element_type3A_2605 in 0 : vector<11x256xf32>, vector<18x256xf32> -> vector<29x256xf32>
    %dot_general3A_2607 = arith.constant dense<0.000000e+00> : vector<128x256xf32>
    %dot_general3A_2608 = tpu.matmul %transpose3A, %concatenate3A_2606, %dot_general3A_2607 {dimension_numbers = #tpu.dot_dimension_numbers<[1], [0], [0], [1], [0, 0, 1, 1], [], []>, transpose_lhs_hint = false} : vector<128x29xf32>, vector<29x256xf32>, vector<128x256xf32> -> vector<128x256xf32>
    %get3A_2609 = arith.constant 11 : index
    %get3A_2610 = arith.constant 3584 : index
    %get3A_2611 = vector.load %arg3[%get3A_2609, %get3A_2610] : memref<132x4096xf32, #tpu.memory_space<vmem>>, vector<11x256xf32>
    %slice3A_2612 = vector.extract_strided_slice %get3A_2595 {offsets = [1, 0, 0], sizes = [1, 1, 256], strides = [1, 1, 1]} : vector<12x1x256xi32> to vector<1x1x256xi32>
    %squeeze3A_2613 = vector.shape_cast %slice3A_2612 : vector<1x1x256xi32> to vector<1x256xi32>
    %eq3A_2614 = vector.broadcast %squeeze3A_2613 : vector<1x256xi32> to vector<18x256xi32>
    %eq3A_2615 = vector.broadcast %iota3A : vector<18x1xi32> to vector<18x256xi32>
    %eq3A_2616 = arith.cmpi eq, %eq3A_2614, %eq3A_2615 : vector<18x256xi32>
    %convert_element_type3A_2617 = arith.extui %eq3A_2616 : vector<18x256xi1> to vector<18x256xi32>
    %convert_element_type3A_2618 = arith.sitofp %convert_element_type3A_2617 : vector<18x256xi32> to vector<18x256xf32>
    %concatenate3A_2619 = tpu.concatenate %get3A_2611, %convert_element_type3A_2618 in 0 : vector<11x256xf32>, vector<18x256xf32> -> vector<29x256xf32>
    %dot_general3A_2620 = arith.constant dense<0.000000e+00> : vector<128x256xf32>
    %dot_general3A_2621 = tpu.matmul %transpose3A, %concatenate3A_2619, %dot_general3A_2620 {dimension_numbers = #tpu.dot_dimension_numbers<[1], [0], [0], [1], [0, 0, 1, 1], [], []>, transpose_lhs_hint = false} : vector<128x29xf32>, vector<29x256xf32>, vector<128x256xf32> -> vector<128x256xf32>
    %max3A_2622 = arith.maximumf %dot_general3A_2608, %dot_general3A_2621 : vector<128x256xf32>
    %get3A_2623 = arith.constant 22 : index
    %get3A_2624 = arith.constant 3584 : index
    %get3A_2625 = vector.load %arg3[%get3A_2623, %get3A_2624] : memref<132x4096xf32, #tpu.memory_space<vmem>>, vector<11x256xf32>
    %slice3A_2626 = vector.extract_strided_slice %get3A_2595 {offsets = [2, 0, 0], sizes = [1, 1, 256], strides = [1, 1, 1]} : vector<12x1x256xi32> to vector<1x1x256xi32>
    %squeeze3A_2627 = vector.shape_cast %slice3A_2626 : vector<1x1x256xi32> to vector<1x256xi32>
    %eq3A_2628 = vector.broadcast %squeeze3A_2627 : vector<1x256xi32> to vector<18x256xi32>
    %eq3A_2629 = vector.broadcast %iota3A : vector<18x1xi32> to vector<18x256xi32>
    %eq3A_2630 = arith.cmpi eq, %eq3A_2628, %eq3A_2629 : vector<18x256xi32>
    %convert_element_type3A_2631 = arith.extui %eq3A_2630 : vector<18x256xi1> to vector<18x256xi32>
    %convert_element_type3A_2632 = arith.sitofp %convert_element_type3A_2631 : vector<18x256xi32> to vector<18x256xf32>
    %concatenate3A_2633 = tpu.concatenate %get3A_2625, %convert_element_type3A_2632 in 0 : vector<11x256xf32>, vector<18x256xf32> -> vector<29x256xf32>
    %dot_general3A_2634 = arith.constant dense<0.000000e+00> : vector<128x256xf32>
    %dot_general3A_2635 = tpu.matmul %transpose3A, %concatenate3A_2633, %dot_general3A_2634 {dimension_numbers = #tpu.dot_dimension_numbers<[1], [0], [0], [1], [0, 0, 1, 1], [], []>, transpose_lhs_hint = false} : vector<128x29xf32>, vector<29x256xf32>, vector<128x256xf32> -> vector<128x256xf32>
    %max3A_2636 = arith.maximumf %max3A_2622, %dot_general3A_2635 : vector<128x256xf32>
    %get3A_2637 = arith.constant 33 : index
    %get3A_2638 = arith.constant 3584 : index
    %get3A_2639 = vector.load %arg3[%get3A_2637, %get3A_2638] : memref<132x4096xf32, #tpu.memory_space<vmem>>, vector<11x256xf32>
    %slice3A_2640 = vector.extract_strided_slice %get3A_2595 {offsets = [3, 0, 0], sizes = [1, 1, 256], strides = [1, 1, 1]} : vector<12x1x256xi32> to vector<1x1x256xi32>
    %squeeze3A_2641 = vector.shape_cast %slice3A_2640 : vector<1x1x256xi32> to vector<1x256xi32>
    %eq3A_2642 = vector.broadcast %squeeze3A_2641 : vector<1x256xi32> to vector<18x256xi32>
    %eq3A_2643 = vector.broadcast %iota3A : vector<18x1xi32> to vector<18x256xi32>
    %eq3A_2644 = arith.cmpi eq, %eq3A_2642, %eq3A_2643 : vector<18x256xi32>
    %convert_element_type3A_2645 = arith.extui %eq3A_2644 : vector<18x256xi1> to vector<18x256xi32>
    %convert_element_type3A_2646 = arith.sitofp %convert_element_type3A_2645 : vector<18x256xi32> to vector<18x256xf32>
    %concatenate3A_2647 = tpu.concatenate %get3A_2639, %convert_element_type3A_2646 in 0 : vector<11x256xf32>, vector<18x256xf32> -> vector<29x256xf32>
    %dot_general3A_2648 = arith.constant dense<0.000000e+00> : vector<128x256xf32>
    %dot_general3A_2649 = tpu.matmul %transpose3A, %concatenate3A_2647, %dot_general3A_2648 {dimension_numbers = #tpu.dot_dimension_numbers<[1], [0], [0], [1], [0, 0, 1, 1], [], []>, transpose_lhs_hint = false} : vector<128x29xf32>, vector<29x256xf32>, vector<128x256xf32> -> vector<128x256xf32>
    %max3A_2650 = arith.maximumf %max3A_2636, %dot_general3A_2649 : vector<128x256xf32>
    %get3A_2651 = arith.constant 44 : index
    %get3A_2652 = arith.constant 3584 : index
    %get3A_2653 = vector.load %arg3[%get3A_2651, %get3A_2652] : memref<132x4096xf32, #tpu.memory_space<vmem>>, vector<11x256xf32>
    %slice3A_2654 = vector.extract_strided_slice %get3A_2595 {offsets = [4, 0, 0], sizes = [1, 1, 256], strides = [1, 1, 1]} : vector<12x1x256xi32> to vector<1x1x256xi32>
    %squeeze3A_2655 = vector.shape_cast %slice3A_2654 : vector<1x1x256xi32> to vector<1x256xi32>
    %eq3A_2656 = vector.broadcast %squeeze3A_2655 : vector<1x256xi32> to vector<18x256xi32>
    %eq3A_2657 = vector.broadcast %iota3A : vector<18x1xi32> to vector<18x256xi32>
    %eq3A_2658 = arith.cmpi eq, %eq3A_2656, %eq3A_2657 : vector<18x256xi32>
    %convert_element_type3A_2659 = arith.extui %eq3A_2658 : vector<18x256xi1> to vector<18x256xi32>
    %convert_element_type3A_2660 = arith.sitofp %convert_element_type3A_2659 : vector<18x256xi32> to vector<18x256xf32>
    %concatenate3A_2661 = tpu.concatenate %get3A_2653, %convert_element_type3A_2660 in 0 : vector<11x256xf32>, vector<18x256xf32> -> vector<29x256xf32>
    %dot_general3A_2662 = arith.constant dense<0.000000e+00> : vector<128x256xf32>
    %dot_general3A_2663 = tpu.matmul %transpose3A, %concatenate3A_2661, %dot_general3A_2662 {dimension_numbers = #tpu.dot_dimension_numbers<[1], [0], [0], [1], [0, 0, 1, 1], [], []>, transpose_lhs_hint = false} : vector<128x29xf32>, vector<29x256xf32>, vector<128x256xf32> -> vector<128x256xf32>
    %max3A_2664 = arith.maximumf %max3A_2650, %dot_general3A_2663 : vector<128x256xf32>
    %get3A_2665 = arith.constant 55 : index
    %get3A_2666 = arith.constant 3584 : index
    %get3A_2667 = vector.load %arg3[%get3A_2665, %get3A_2666] : memref<132x4096xf32, #tpu.memory_space<vmem>>, vector<11x256xf32>
    %slice3A_2668 = vector.extract_strided_slice %get3A_2595 {offsets = [5, 0, 0], sizes = [1, 1, 256], strides = [1, 1, 1]} : vector<12x1x256xi32> to vector<1x1x256xi32>
    %squeeze3A_2669 = vector.shape_cast %slice3A_2668 : vector<1x1x256xi32> to vector<1x256xi32>
    %eq3A_2670 = vector.broadcast %squeeze3A_2669 : vector<1x256xi32> to vector<18x256xi32>
    %eq3A_2671 = vector.broadcast %iota3A : vector<18x1xi32> to vector<18x256xi32>
    %eq3A_2672 = arith.cmpi eq, %eq3A_2670, %eq3A_2671 : vector<18x256xi32>
    %convert_element_type3A_2673 = arith.extui %eq3A_2672 : vector<18x256xi1> to vector<18x256xi32>
    %convert_element_type3A_2674 = arith.sitofp %convert_element_type3A_2673 : vector<18x256xi32> to vector<18x256xf32>
    %concatenate3A_2675 = tpu.concatenate %get3A_2667, %convert_element_type3A_2674 in 0 : vector<11x256xf32>, vector<18x256xf32> -> vector<29x256xf32>
    %dot_general3A_2676 = arith.constant dense<0.000000e+00> : vector<128x256xf32>
    %dot_general3A_2677 = tpu.matmul %transpose3A, %concatenate3A_2675, %dot_general3A_2676 {dimension_numbers = #tpu.dot_dimension_numbers<[1], [0], [0], [1], [0, 0, 1, 1], [], []>, transpose_lhs_hint = false} : vector<128x29xf32>, vector<29x256xf32>, vector<128x256xf32> -> vector<128x256xf32>
    %max3A_2678 = arith.maximumf %max3A_2664, %dot_general3A_2677 : vector<128x256xf32>
    %get3A_2679 = arith.constant 66 : index
    %get3A_2680 = arith.constant 3584 : index
    %get3A_2681 = vector.load %arg3[%get3A_2679, %get3A_2680] : memref<132x4096xf32, #tpu.memory_space<vmem>>, vector<11x256xf32>
    %slice3A_2682 = vector.extract_strided_slice %get3A_2595 {offsets = [6, 0, 0], sizes = [1, 1, 256], strides = [1, 1, 1]} : vector<12x1x256xi32> to vector<1x1x256xi32>
    %squeeze3A_2683 = vector.shape_cast %slice3A_2682 : vector<1x1x256xi32> to vector<1x256xi32>
    %eq3A_2684 = vector.broadcast %squeeze3A_2683 : vector<1x256xi32> to vector<18x256xi32>
    %eq3A_2685 = vector.broadcast %iota3A : vector<18x1xi32> to vector<18x256xi32>
    %eq3A_2686 = arith.cmpi eq, %eq3A_2684, %eq3A_2685 : vector<18x256xi32>
    %convert_element_type3A_2687 = arith.extui %eq3A_2686 : vector<18x256xi1> to vector<18x256xi32>
    %convert_element_type3A_2688 = arith.sitofp %convert_element_type3A_2687 : vector<18x256xi32> to vector<18x256xf32>
    %concatenate3A_2689 = tpu.concatenate %get3A_2681, %convert_element_type3A_2688 in 0 : vector<11x256xf32>, vector<18x256xf32> -> vector<29x256xf32>
    %dot_general3A_2690 = arith.constant dense<0.000000e+00> : vector<128x256xf32>
    %dot_general3A_2691 = tpu.matmul %transpose3A, %concatenate3A_2689, %dot_general3A_2690 {dimension_numbers = #tpu.dot_dimension_numbers<[1], [0], [0], [1], [0, 0, 1, 1], [], []>, transpose_lhs_hint = false} : vector<128x29xf32>, vector<29x256xf32>, vector<128x256xf32> -> vector<128x256xf32>
    %max3A_2692 = arith.maximumf %max3A_2678, %dot_general3A_2691 : vector<128x256xf32>
    %get3A_2693 = arith.constant 77 : index
    %get3A_2694 = arith.constant 3584 : index
    %get3A_2695 = vector.load %arg3[%get3A_2693, %get3A_2694] : memref<132x4096xf32, #tpu.memory_space<vmem>>, vector<11x256xf32>
    %slice3A_2696 = vector.extract_strided_slice %get3A_2595 {offsets = [7, 0, 0], sizes = [1, 1, 256], strides = [1, 1, 1]} : vector<12x1x256xi32> to vector<1x1x256xi32>
    %squeeze3A_2697 = vector.shape_cast %slice3A_2696 : vector<1x1x256xi32> to vector<1x256xi32>
    %eq3A_2698 = vector.broadcast %squeeze3A_2697 : vector<1x256xi32> to vector<18x256xi32>
    %eq3A_2699 = vector.broadcast %iota3A : vector<18x1xi32> to vector<18x256xi32>
    %eq3A_2700 = arith.cmpi eq, %eq3A_2698, %eq3A_2699 : vector<18x256xi32>
    %convert_element_type3A_2701 = arith.extui %eq3A_2700 : vector<18x256xi1> to vector<18x256xi32>
    %convert_element_type3A_2702 = arith.sitofp %convert_element_type3A_2701 : vector<18x256xi32> to vector<18x256xf32>
    %concatenate3A_2703 = tpu.concatenate %get3A_2695, %convert_element_type3A_2702 in 0 : vector<11x256xf32>, vector<18x256xf32> -> vector<29x256xf32>
    %dot_general3A_2704 = arith.constant dense<0.000000e+00> : vector<128x256xf32>
    %dot_general3A_2705 = tpu.matmul %transpose3A, %concatenate3A_2703, %dot_general3A_2704 {dimension_numbers = #tpu.dot_dimension_numbers<[1], [0], [0], [1], [0, 0, 1, 1], [], []>, transpose_lhs_hint = false} : vector<128x29xf32>, vector<29x256xf32>, vector<128x256xf32> -> vector<128x256xf32>
    %max3A_2706 = arith.maximumf %max3A_2692, %dot_general3A_2705 : vector<128x256xf32>
    %get3A_2707 = arith.constant 88 : index
    %get3A_2708 = arith.constant 3584 : index
    %get3A_2709 = vector.load %arg3[%get3A_2707, %get3A_2708] : memref<132x4096xf32, #tpu.memory_space<vmem>>, vector<11x256xf32>
    %slice3A_2710 = vector.extract_strided_slice %get3A_2595 {offsets = [8, 0, 0], sizes = [1, 1, 256], strides = [1, 1, 1]} : vector<12x1x256xi32> to vector<1x1x256xi32>
    %squeeze3A_2711 = vector.shape_cast %slice3A_2710 : vector<1x1x256xi32> to vector<1x256xi32>
    %eq3A_2712 = vector.broadcast %squeeze3A_2711 : vector<1x256xi32> to vector<18x256xi32>
    %eq3A_2713 = vector.broadcast %iota3A : vector<18x1xi32> to vector<18x256xi32>
    %eq3A_2714 = arith.cmpi eq, %eq3A_2712, %eq3A_2713 : vector<18x256xi32>
    %convert_element_type3A_2715 = arith.extui %eq3A_2714 : vector<18x256xi1> to vector<18x256xi32>
    %convert_element_type3A_2716 = arith.sitofp %convert_element_type3A_2715 : vector<18x256xi32> to vector<18x256xf32>
    %concatenate3A_2717 = tpu.concatenate %get3A_2709, %convert_element_type3A_2716 in 0 : vector<11x256xf32>, vector<18x256xf32> -> vector<29x256xf32>
    %dot_general3A_2718 = arith.constant dense<0.000000e+00> : vector<128x256xf32>
    %dot_general3A_2719 = tpu.matmul %transpose3A, %concatenate3A_2717, %dot_general3A_2718 {dimension_numbers = #tpu.dot_dimension_numbers<[1], [0], [0], [1], [0, 0, 1, 1], [], []>, transpose_lhs_hint = false} : vector<128x29xf32>, vector<29x256xf32>, vector<128x256xf32> -> vector<128x256xf32>
    %max3A_2720 = arith.maximumf %max3A_2706, %dot_general3A_2719 : vector<128x256xf32>
    %get3A_2721 = arith.constant 99 : index
    %get3A_2722 = arith.constant 3584 : index
    %get3A_2723 = vector.load %arg3[%get3A_2721, %get3A_2722] : memref<132x4096xf32, #tpu.memory_space<vmem>>, vector<11x256xf32>
    %slice3A_2724 = vector.extract_strided_slice %get3A_2595 {offsets = [9, 0, 0], sizes = [1, 1, 256], strides = [1, 1, 1]} : vector<12x1x256xi32> to vector<1x1x256xi32>
    %squeeze3A_2725 = vector.shape_cast %slice3A_2724 : vector<1x1x256xi32> to vector<1x256xi32>
    %eq3A_2726 = vector.broadcast %squeeze3A_2725 : vector<1x256xi32> to vector<18x256xi32>
    %eq3A_2727 = vector.broadcast %iota3A : vector<18x1xi32> to vector<18x256xi32>
    %eq3A_2728 = arith.cmpi eq, %eq3A_2726, %eq3A_2727 : vector<18x256xi32>
    %convert_element_type3A_2729 = arith.extui %eq3A_2728 : vector<18x256xi1> to vector<18x256xi32>
    %convert_element_type3A_2730 = arith.sitofp %convert_element_type3A_2729 : vector<18x256xi32> to vector<18x256xf32>
    %concatenate3A_2731 = tpu.concatenate %get3A_2723, %convert_element_type3A_2730 in 0 : vector<11x256xf32>, vector<18x256xf32> -> vector<29x256xf32>
    %dot_general3A_2732 = arith.constant dense<0.000000e+00> : vector<128x256xf32>
    %dot_general3A_2733 = tpu.matmul %transpose3A, %concatenate3A_2731, %dot_general3A_2732 {dimension_numbers = #tpu.dot_dimension_numbers<[1], [0], [0], [1], [0, 0, 1, 1], [], []>, transpose_lhs_hint = false} : vector<128x29xf32>, vector<29x256xf32>, vector<128x256xf32> -> vector<128x256xf32>
    %max3A_2734 = arith.maximumf %max3A_2720, %dot_general3A_2733 : vector<128x256xf32>
    %get3A_2735 = arith.constant 110 : index
    %get3A_2736 = arith.constant 3584 : index
    %get3A_2737 = vector.load %arg3[%get3A_2735, %get3A_2736] : memref<132x4096xf32, #tpu.memory_space<vmem>>, vector<11x256xf32>
    %slice3A_2738 = vector.extract_strided_slice %get3A_2595 {offsets = [10, 0, 0], sizes = [1, 1, 256], strides = [1, 1, 1]} : vector<12x1x256xi32> to vector<1x1x256xi32>
    %squeeze3A_2739 = vector.shape_cast %slice3A_2738 : vector<1x1x256xi32> to vector<1x256xi32>
    %eq3A_2740 = vector.broadcast %squeeze3A_2739 : vector<1x256xi32> to vector<18x256xi32>
    %eq3A_2741 = vector.broadcast %iota3A : vector<18x1xi32> to vector<18x256xi32>
    %eq3A_2742 = arith.cmpi eq, %eq3A_2740, %eq3A_2741 : vector<18x256xi32>
    %convert_element_type3A_2743 = arith.extui %eq3A_2742 : vector<18x256xi1> to vector<18x256xi32>
    %convert_element_type3A_2744 = arith.sitofp %convert_element_type3A_2743 : vector<18x256xi32> to vector<18x256xf32>
    %concatenate3A_2745 = tpu.concatenate %get3A_2737, %convert_element_type3A_2744 in 0 : vector<11x256xf32>, vector<18x256xf32> -> vector<29x256xf32>
    %dot_general3A_2746 = arith.constant dense<0.000000e+00> : vector<128x256xf32>
    %dot_general3A_2747 = tpu.matmul %transpose3A, %concatenate3A_2745, %dot_general3A_2746 {dimension_numbers = #tpu.dot_dimension_numbers<[1], [0], [0], [1], [0, 0, 1, 1], [], []>, transpose_lhs_hint = false} : vector<128x29xf32>, vector<29x256xf32>, vector<128x256xf32> -> vector<128x256xf32>
    %max3A_2748 = arith.maximumf %max3A_2734, %dot_general3A_2747 : vector<128x256xf32>
    %get3A_2749 = arith.constant 121 : index
    %get3A_2750 = arith.constant 3584 : index
    %get3A_2751 = vector.load %arg3[%get3A_2749, %get3A_2750] : memref<132x4096xf32, #tpu.memory_space<vmem>>, vector<11x256xf32>
    %slice3A_2752 = vector.extract_strided_slice %get3A_2595 {offsets = [11, 0, 0], sizes = [1, 1, 256], strides = [1, 1, 1]} : vector<12x1x256xi32> to vector<1x1x256xi32>
    %squeeze3A_2753 = vector.shape_cast %slice3A_2752 : vector<1x1x256xi32> to vector<1x256xi32>
    %eq3A_2754 = vector.broadcast %squeeze3A_2753 : vector<1x256xi32> to vector<18x256xi32>
    %eq3A_2755 = vector.broadcast %iota3A : vector<18x1xi32> to vector<18x256xi32>
    %eq3A_2756 = arith.cmpi eq, %eq3A_2754, %eq3A_2755 : vector<18x256xi32>
    %convert_element_type3A_2757 = arith.extui %eq3A_2756 : vector<18x256xi1> to vector<18x256xi32>
    %convert_element_type3A_2758 = arith.sitofp %convert_element_type3A_2757 : vector<18x256xi32> to vector<18x256xf32>
    %concatenate3A_2759 = tpu.concatenate %get3A_2751, %convert_element_type3A_2758 in 0 : vector<11x256xf32>, vector<18x256xf32> -> vector<29x256xf32>
    %dot_general3A_2760 = arith.constant dense<0.000000e+00> : vector<128x256xf32>
    %dot_general3A_2761 = tpu.matmul %transpose3A, %concatenate3A_2759, %dot_general3A_2760 {dimension_numbers = #tpu.dot_dimension_numbers<[1], [0], [0], [1], [0, 0, 1, 1], [], []>, transpose_lhs_hint = false} : vector<128x29xf32>, vector<29x256xf32>, vector<128x256xf32> -> vector<128x256xf32>
    %max3A_2762 = arith.maximumf %max3A_2748, %dot_general3A_2761 : vector<128x256xf32>
    %get3A_2763 = arith.constant 0 : index
    %get3A_2764 = arith.constant 0 : index
    %get3A_2765 = vector.load %arg6[%get3A_2763, %get3A_2764] : memref<128x1xf32, #tpu.memory_space<vmem>>, vector<128x1xf32>
    %add3A_2766 = vector.broadcast %get3A_2765 : vector<128x1xf32> to vector<128x256xf32>
    %add3A_2767 = arith.addf %max3A_2762, %add3A_2766 : vector<128x256xf32>
    %max3A_2768 = arith.constant 0.000000e+00 : f32
    %max3A_2769 = vector.broadcast %max3A_2768 : f32 to vector<128x256xf32>
    %max3A_2770 = arith.maximumf %add3A_2767, %max3A_2769 : vector<128x256xf32>
    %swap3A_2771 = arith.constant 0 : index
    %swap3A_2772 = arith.constant 0 : index
    %swap3A_2773 = arith.constant 3584 : index
    %swap3A_2774 = vector.load %arg7[%swap3A_2771, %swap3A_2772, %swap3A_2773] : memref<1x128x4096xf32, #tpu.memory_space<vmem>>, vector<1x128x256xf32>
    %swap3A_2775 = vector.shape_cast %swap3A_2774 : vector<1x128x256xf32> to vector<128x256xf32>
    %swap3A_2776 = vector.shape_cast %max3A_2770 : vector<128x256xf32> to vector<1x128x256xf32>
    tpu.vector_store %arg7[%swap3A_2771, %swap3A_2772, %swap3A_2773], %swap3A_2776 {strides = array<i32>} : memref<1x128x4096xf32, #tpu.memory_space<vmem>>, vector<1x128x256xf32>,
    %get3A_2777 = arith.constant 0 : index
    %get3A_2778 = arith.index_cast %arg1 : i32 to index
    %get3A_2779 = arith.constant 3840 : index
    %get3A_2780 = vector.load %arg2[%get3A_2777, %get3A_2778, %get3A_2779] : memref<12x8x4096xi32, #tpu.memory_space<vmem>>, vector<12x1x256xi32>
    %get3A_2781 = arith.constant 0 : index
    %get3A_2782 = arith.constant 3840 : index
    %get3A_2783 = vector.load %arg3[%get3A_2781, %get3A_2782] : memref<132x4096xf32, #tpu.memory_space<vmem>>, vector<11x256xf32>
    %slice3A_2784 = vector.extract_strided_slice %get3A_2780 {offsets = [0, 0, 0], sizes = [1, 1, 256], strides = [1, 1, 1]} : vector<12x1x256xi32> to vector<1x1x256xi32>
    %squeeze3A_2785 = vector.shape_cast %slice3A_2784 : vector<1x1x256xi32> to vector<1x256xi32>
    %eq3A_2786 = vector.broadcast %squeeze3A_2785 : vector<1x256xi32> to vector<18x256xi32>
    %eq3A_2787 = vector.broadcast %iota3A : vector<18x1xi32> to vector<18x256xi32>
    %eq3A_2788 = arith.cmpi eq, %eq3A_2786, %eq3A_2787 : vector<18x256xi32>
    %convert_element_type3A_2789 = arith.extui %eq3A_2788 : vector<18x256xi1> to vector<18x256xi32>
    %convert_element_type3A_2790 = arith.sitofp %convert_element_type3A_2789 : vector<18x256xi32> to vector<18x256xf32>
    %concatenate3A_2791 = tpu.concatenate %get3A_2783, %convert_element_type3A_2790 in 0 : vector<11x256xf32>, vector<18x256xf32> -> vector<29x256xf32>
    %dot_general3A_2792 = arith.constant dense<0.000000e+00> : vector<128x256xf32>
    %dot_general3A_2793 = tpu.matmul %transpose3A, %concatenate3A_2791, %dot_general3A_2792 {dimension_numbers = #tpu.dot_dimension_numbers<[1], [0], [0], [1], [0, 0, 1, 1], [], []>, transpose_lhs_hint = false} : vector<128x29xf32>, vector<29x256xf32>, vector<128x256xf32> -> vector<128x256xf32>
    %get3A_2794 = arith.constant 11 : index
    %get3A_2795 = arith.constant 3840 : index
    %get3A_2796 = vector.load %arg3[%get3A_2794, %get3A_2795] : memref<132x4096xf32, #tpu.memory_space<vmem>>, vector<11x256xf32>
    %slice3A_2797 = vector.extract_strided_slice %get3A_2780 {offsets = [1, 0, 0], sizes = [1, 1, 256], strides = [1, 1, 1]} : vector<12x1x256xi32> to vector<1x1x256xi32>
    %squeeze3A_2798 = vector.shape_cast %slice3A_2797 : vector<1x1x256xi32> to vector<1x256xi32>
    %eq3A_2799 = vector.broadcast %squeeze3A_2798 : vector<1x256xi32> to vector<18x256xi32>
    %eq3A_2800 = vector.broadcast %iota3A : vector<18x1xi32> to vector<18x256xi32>
    %eq3A_2801 = arith.cmpi eq, %eq3A_2799, %eq3A_2800 : vector<18x256xi32>
    %convert_element_type3A_2802 = arith.extui %eq3A_2801 : vector<18x256xi1> to vector<18x256xi32>
    %convert_element_type3A_2803 = arith.sitofp %convert_element_type3A_2802 : vector<18x256xi32> to vector<18x256xf32>
    %concatenate3A_2804 = tpu.concatenate %get3A_2796, %convert_element_type3A_2803 in 0 : vector<11x256xf32>, vector<18x256xf32> -> vector<29x256xf32>
    %dot_general3A_2805 = arith.constant dense<0.000000e+00> : vector<128x256xf32>
    %dot_general3A_2806 = tpu.matmul %transpose3A, %concatenate3A_2804, %dot_general3A_2805 {dimension_numbers = #tpu.dot_dimension_numbers<[1], [0], [0], [1], [0, 0, 1, 1], [], []>, transpose_lhs_hint = false} : vector<128x29xf32>, vector<29x256xf32>, vector<128x256xf32> -> vector<128x256xf32>
    %max3A_2807 = arith.maximumf %dot_general3A_2793, %dot_general3A_2806 : vector<128x256xf32>
    %get3A_2808 = arith.constant 22 : index
    %get3A_2809 = arith.constant 3840 : index
    %get3A_2810 = vector.load %arg3[%get3A_2808, %get3A_2809] : memref<132x4096xf32, #tpu.memory_space<vmem>>, vector<11x256xf32>
    %slice3A_2811 = vector.extract_strided_slice %get3A_2780 {offsets = [2, 0, 0], sizes = [1, 1, 256], strides = [1, 1, 1]} : vector<12x1x256xi32> to vector<1x1x256xi32>
    %squeeze3A_2812 = vector.shape_cast %slice3A_2811 : vector<1x1x256xi32> to vector<1x256xi32>
    %eq3A_2813 = vector.broadcast %squeeze3A_2812 : vector<1x256xi32> to vector<18x256xi32>
    %eq3A_2814 = vector.broadcast %iota3A : vector<18x1xi32> to vector<18x256xi32>
    %eq3A_2815 = arith.cmpi eq, %eq3A_2813, %eq3A_2814 : vector<18x256xi32>
    %convert_element_type3A_2816 = arith.extui %eq3A_2815 : vector<18x256xi1> to vector<18x256xi32>
    %convert_element_type3A_2817 = arith.sitofp %convert_element_type3A_2816 : vector<18x256xi32> to vector<18x256xf32>
    %concatenate3A_2818 = tpu.concatenate %get3A_2810, %convert_element_type3A_2817 in 0 : vector<11x256xf32>, vector<18x256xf32> -> vector<29x256xf32>
    %dot_general3A_2819 = arith.constant dense<0.000000e+00> : vector<128x256xf32>
    %dot_general3A_2820 = tpu.matmul %transpose3A, %concatenate3A_2818, %dot_general3A_2819 {dimension_numbers = #tpu.dot_dimension_numbers<[1], [0], [0], [1], [0, 0, 1, 1], [], []>, transpose_lhs_hint = false} : vector<128x29xf32>, vector<29x256xf32>, vector<128x256xf32> -> vector<128x256xf32>
    %max3A_2821 = arith.maximumf %max3A_2807, %dot_general3A_2820 : vector<128x256xf32>
    %get3A_2822 = arith.constant 33 : index
    %get3A_2823 = arith.constant 3840 : index
    %get3A_2824 = vector.load %arg3[%get3A_2822, %get3A_2823] : memref<132x4096xf32, #tpu.memory_space<vmem>>, vector<11x256xf32>
    %slice3A_2825 = vector.extract_strided_slice %get3A_2780 {offsets = [3, 0, 0], sizes = [1, 1, 256], strides = [1, 1, 1]} : vector<12x1x256xi32> to vector<1x1x256xi32>
    %squeeze3A_2826 = vector.shape_cast %slice3A_2825 : vector<1x1x256xi32> to vector<1x256xi32>
    %eq3A_2827 = vector.broadcast %squeeze3A_2826 : vector<1x256xi32> to vector<18x256xi32>
    %eq3A_2828 = vector.broadcast %iota3A : vector<18x1xi32> to vector<18x256xi32>
    %eq3A_2829 = arith.cmpi eq, %eq3A_2827, %eq3A_2828 : vector<18x256xi32>
    %convert_element_type3A_2830 = arith.extui %eq3A_2829 : vector<18x256xi1> to vector<18x256xi32>
    %convert_element_type3A_2831 = arith.sitofp %convert_element_type3A_2830 : vector<18x256xi32> to vector<18x256xf32>
    %concatenate3A_2832 = tpu.concatenate %get3A_2824, %convert_element_type3A_2831 in 0 : vector<11x256xf32>, vector<18x256xf32> -> vector<29x256xf32>
    %dot_general3A_2833 = arith.constant dense<0.000000e+00> : vector<128x256xf32>
    %dot_general3A_2834 = tpu.matmul %transpose3A, %concatenate3A_2832, %dot_general3A_2833 {dimension_numbers = #tpu.dot_dimension_numbers<[1], [0], [0], [1], [0, 0, 1, 1], [], []>, transpose_lhs_hint = false} : vector<128x29xf32>, vector<29x256xf32>, vector<128x256xf32> -> vector<128x256xf32>
    %max3A_2835 = arith.maximumf %max3A_2821, %dot_general3A_2834 : vector<128x256xf32>
    %get3A_2836 = arith.constant 44 : index
    %get3A_2837 = arith.constant 3840 : index
    %get3A_2838 = vector.load %arg3[%get3A_2836, %get3A_2837] : memref<132x4096xf32, #tpu.memory_space<vmem>>, vector<11x256xf32>
    %slice3A_2839 = vector.extract_strided_slice %get3A_2780 {offsets = [4, 0, 0], sizes = [1, 1, 256], strides = [1, 1, 1]} : vector<12x1x256xi32> to vector<1x1x256xi32>
    %squeeze3A_2840 = vector.shape_cast %slice3A_2839 : vector<1x1x256xi32> to vector<1x256xi32>
    %eq3A_2841 = vector.broadcast %squeeze3A_2840 : vector<1x256xi32> to vector<18x256xi32>
    %eq3A_2842 = vector.broadcast %iota3A : vector<18x1xi32> to vector<18x256xi32>
    %eq3A_2843 = arith.cmpi eq, %eq3A_2841, %eq3A_2842 : vector<18x256xi32>
    %convert_element_type3A_2844 = arith.extui %eq3A_2843 : vector<18x256xi1> to vector<18x256xi32>
    %convert_element_type3A_2845 = arith.sitofp %convert_element_type3A_2844 : vector<18x256xi32> to vector<18x256xf32>
    %concatenate3A_2846 = tpu.concatenate %get3A_2838, %convert_element_type3A_2845 in 0 : vector<11x256xf32>, vector<18x256xf32> -> vector<29x256xf32>
    %dot_general3A_2847 = arith.constant dense<0.000000e+00> : vector<128x256xf32>
    %dot_general3A_2848 = tpu.matmul %transpose3A, %concatenate3A_2846, %dot_general3A_2847 {dimension_numbers = #tpu.dot_dimension_numbers<[1], [0], [0], [1], [0, 0, 1, 1], [], []>, transpose_lhs_hint = false} : vector<128x29xf32>, vector<29x256xf32>, vector<128x256xf32> -> vector<128x256xf32>
    %max3A_2849 = arith.maximumf %max3A_2835, %dot_general3A_2848 : vector<128x256xf32>
    %get3A_2850 = arith.constant 55 : index
    %get3A_2851 = arith.constant 3840 : index
    %get3A_2852 = vector.load %arg3[%get3A_2850, %get3A_2851] : memref<132x4096xf32, #tpu.memory_space<vmem>>, vector<11x256xf32>
    %slice3A_2853 = vector.extract_strided_slice %get3A_2780 {offsets = [5, 0, 0], sizes = [1, 1, 256], strides = [1, 1, 1]} : vector<12x1x256xi32> to vector<1x1x256xi32>
    %squeeze3A_2854 = vector.shape_cast %slice3A_2853 : vector<1x1x256xi32> to vector<1x256xi32>
    %eq3A_2855 = vector.broadcast %squeeze3A_2854 : vector<1x256xi32> to vector<18x256xi32>
    %eq3A_2856 = vector.broadcast %iota3A : vector<18x1xi32> to vector<18x256xi32>
    %eq3A_2857 = arith.cmpi eq, %eq3A_2855, %eq3A_2856 : vector<18x256xi32>
    %convert_element_type3A_2858 = arith.extui %eq3A_2857 : vector<18x256xi1> to vector<18x256xi32>
    %convert_element_type3A_2859 = arith.sitofp %convert_element_type3A_2858 : vector<18x256xi32> to vector<18x256xf32>
    %concatenate3A_2860 = tpu.concatenate %get3A_2852, %convert_element_type3A_2859 in 0 : vector<11x256xf32>, vector<18x256xf32> -> vector<29x256xf32>
    %dot_general3A_2861 = arith.constant dense<0.000000e+00> : vector<128x256xf32>
    %dot_general3A_2862 = tpu.matmul %transpose3A, %concatenate3A_2860, %dot_general3A_2861 {dimension_numbers = #tpu.dot_dimension_numbers<[1], [0], [0], [1], [0, 0, 1, 1], [], []>, transpose_lhs_hint = false} : vector<128x29xf32>, vector<29x256xf32>, vector<128x256xf32> -> vector<128x256xf32>
    %max3A_2863 = arith.maximumf %max3A_2849, %dot_general3A_2862 : vector<128x256xf32>
    %get3A_2864 = arith.constant 66 : index
    %get3A_2865 = arith.constant 3840 : index
    %get3A_2866 = vector.load %arg3[%get3A_2864, %get3A_2865] : memref<132x4096xf32, #tpu.memory_space<vmem>>, vector<11x256xf32>
    %slice3A_2867 = vector.extract_strided_slice %get3A_2780 {offsets = [6, 0, 0], sizes = [1, 1, 256], strides = [1, 1, 1]} : vector<12x1x256xi32> to vector<1x1x256xi32>
    %squeeze3A_2868 = vector.shape_cast %slice3A_2867 : vector<1x1x256xi32> to vector<1x256xi32>
    %eq3A_2869 = vector.broadcast %squeeze3A_2868 : vector<1x256xi32> to vector<18x256xi32>
    %eq3A_2870 = vector.broadcast %iota3A : vector<18x1xi32> to vector<18x256xi32>
    %eq3A_2871 = arith.cmpi eq, %eq3A_2869, %eq3A_2870 : vector<18x256xi32>
    %convert_element_type3A_2872 = arith.extui %eq3A_2871 : vector<18x256xi1> to vector<18x256xi32>
    %convert_element_type3A_2873 = arith.sitofp %convert_element_type3A_2872 : vector<18x256xi32> to vector<18x256xf32>
    %concatenate3A_2874 = tpu.concatenate %get3A_2866, %convert_element_type3A_2873 in 0 : vector<11x256xf32>, vector<18x256xf32> -> vector<29x256xf32>
    %dot_general3A_2875 = arith.constant dense<0.000000e+00> : vector<128x256xf32>
    %dot_general3A_2876 = tpu.matmul %transpose3A, %concatenate3A_2874, %dot_general3A_2875 {dimension_numbers = #tpu.dot_dimension_numbers<[1], [0], [0], [1], [0, 0, 1, 1], [], []>, transpose_lhs_hint = false} : vector<128x29xf32>, vector<29x256xf32>, vector<128x256xf32> -> vector<128x256xf32>
    %max3A_2877 = arith.maximumf %max3A_2863, %dot_general3A_2876 : vector<128x256xf32>
    %get3A_2878 = arith.constant 77 : index
    %get3A_2879 = arith.constant 3840 : index
    %get3A_2880 = vector.load %arg3[%get3A_2878, %get3A_2879] : memref<132x4096xf32, #tpu.memory_space<vmem>>, vector<11x256xf32>
    %slice3A_2881 = vector.extract_strided_slice %get3A_2780 {offsets = [7, 0, 0], sizes = [1, 1, 256], strides = [1, 1, 1]} : vector<12x1x256xi32> to vector<1x1x256xi32>
    %squeeze3A_2882 = vector.shape_cast %slice3A_2881 : vector<1x1x256xi32> to vector<1x256xi32>
    %eq3A_2883 = vector.broadcast %squeeze3A_2882 : vector<1x256xi32> to vector<18x256xi32>
    %eq3A_2884 = vector.broadcast %iota3A : vector<18x1xi32> to vector<18x256xi32>
    %eq3A_2885 = arith.cmpi eq, %eq3A_2883, %eq3A_2884 : vector<18x256xi32>
    %convert_element_type3A_2886 = arith.extui %eq3A_2885 : vector<18x256xi1> to vector<18x256xi32>
    %convert_element_type3A_2887 = arith.sitofp %convert_element_type3A_2886 : vector<18x256xi32> to vector<18x256xf32>
    %concatenate3A_2888 = tpu.concatenate %get3A_2880, %convert_element_type3A_2887 in 0 : vector<11x256xf32>, vector<18x256xf32> -> vector<29x256xf32>
    %dot_general3A_2889 = arith.constant dense<0.000000e+00> : vector<128x256xf32>
    %dot_general3A_2890 = tpu.matmul %transpose3A, %concatenate3A_2888, %dot_general3A_2889 {dimension_numbers = #tpu.dot_dimension_numbers<[1], [0], [0], [1], [0, 0, 1, 1], [], []>, transpose_lhs_hint = false} : vector<128x29xf32>, vector<29x256xf32>, vector<128x256xf32> -> vector<128x256xf32>
    %max3A_2891 = arith.maximumf %max3A_2877, %dot_general3A_2890 : vector<128x256xf32>
    %get3A_2892 = arith.constant 88 : index
    %get3A_2893 = arith.constant 3840 : index
    %get3A_2894 = vector.load %arg3[%get3A_2892, %get3A_2893] : memref<132x4096xf32, #tpu.memory_space<vmem>>, vector<11x256xf32>
    %slice3A_2895 = vector.extract_strided_slice %get3A_2780 {offsets = [8, 0, 0], sizes = [1, 1, 256], strides = [1, 1, 1]} : vector<12x1x256xi32> to vector<1x1x256xi32>
    %squeeze3A_2896 = vector.shape_cast %slice3A_2895 : vector<1x1x256xi32> to vector<1x256xi32>
    %eq3A_2897 = vector.broadcast %squeeze3A_2896 : vector<1x256xi32> to vector<18x256xi32>
    %eq3A_2898 = vector.broadcast %iota3A : vector<18x1xi32> to vector<18x256xi32>
    %eq3A_2899 = arith.cmpi eq, %eq3A_2897, %eq3A_2898 : vector<18x256xi32>
    %convert_element_type3A_2900 = arith.extui %eq3A_2899 : vector<18x256xi1> to vector<18x256xi32>
    %convert_element_type3A_2901 = arith.sitofp %convert_element_type3A_2900 : vector<18x256xi32> to vector<18x256xf32>
    %concatenate3A_2902 = tpu.concatenate %get3A_2894, %convert_element_type3A_2901 in 0 : vector<11x256xf32>, vector<18x256xf32> -> vector<29x256xf32>
    %dot_general3A_2903 = arith.constant dense<0.000000e+00> : vector<128x256xf32>
    %dot_general3A_2904 = tpu.matmul %transpose3A, %concatenate3A_2902, %dot_general3A_2903 {dimension_numbers = #tpu.dot_dimension_numbers<[1], [0], [0], [1], [0, 0, 1, 1], [], []>, transpose_lhs_hint = false} : vector<128x29xf32>, vector<29x256xf32>, vector<128x256xf32> -> vector<128x256xf32>
    %max3A_2905 = arith.maximumf %max3A_2891, %dot_general3A_2904 : vector<128x256xf32>
    %get3A_2906 = arith.constant 99 : index
    %get3A_2907 = arith.constant 3840 : index
    %get3A_2908 = vector.load %arg3[%get3A_2906, %get3A_2907] : memref<132x4096xf32, #tpu.memory_space<vmem>>, vector<11x256xf32>
    %slice3A_2909 = vector.extract_strided_slice %get3A_2780 {offsets = [9, 0, 0], sizes = [1, 1, 256], strides = [1, 1, 1]} : vector<12x1x256xi32> to vector<1x1x256xi32>
    %squeeze3A_2910 = vector.shape_cast %slice3A_2909 : vector<1x1x256xi32> to vector<1x256xi32>
    %eq3A_2911 = vector.broadcast %squeeze3A_2910 : vector<1x256xi32> to vector<18x256xi32>
    %eq3A_2912 = vector.broadcast %iota3A : vector<18x1xi32> to vector<18x256xi32>
    %eq3A_2913 = arith.cmpi eq, %eq3A_2911, %eq3A_2912 : vector<18x256xi32>
    %convert_element_type3A_2914 = arith.extui %eq3A_2913 : vector<18x256xi1> to vector<18x256xi32>
    %convert_element_type3A_2915 = arith.sitofp %convert_element_type3A_2914 : vector<18x256xi32> to vector<18x256xf32>
    %concatenate3A_2916 = tpu.concatenate %get3A_2908, %convert_element_type3A_2915 in 0 : vector<11x256xf32>, vector<18x256xf32> -> vector<29x256xf32>
    %dot_general3A_2917 = arith.constant dense<0.000000e+00> : vector<128x256xf32>
    %dot_general3A_2918 = tpu.matmul %transpose3A, %concatenate3A_2916, %dot_general3A_2917 {dimension_numbers = #tpu.dot_dimension_numbers<[1], [0], [0], [1], [0, 0, 1, 1], [], []>, transpose_lhs_hint = false} : vector<128x29xf32>, vector<29x256xf32>, vector<128x256xf32> -> vector<128x256xf32>
    %max3A_2919 = arith.maximumf %max3A_2905, %dot_general3A_2918 : vector<128x256xf32>
    %get3A_2920 = arith.constant 110 : index
    %get3A_2921 = arith.constant 3840 : index
    %get3A_2922 = vector.load %arg3[%get3A_2920, %get3A_2921] : memref<132x4096xf32, #tpu.memory_space<vmem>>, vector<11x256xf32>
    %slice3A_2923 = vector.extract_strided_slice %get3A_2780 {offsets = [10, 0, 0], sizes = [1, 1, 256], strides = [1, 1, 1]} : vector<12x1x256xi32> to vector<1x1x256xi32>
    %squeeze3A_2924 = vector.shape_cast %slice3A_2923 : vector<1x1x256xi32> to vector<1x256xi32>
    %eq3A_2925 = vector.broadcast %squeeze3A_2924 : vector<1x256xi32> to vector<18x256xi32>
    %eq3A_2926 = vector.broadcast %iota3A : vector<18x1xi32> to vector<18x256xi32>
    %eq3A_2927 = arith.cmpi eq, %eq3A_2925, %eq3A_2926 : vector<18x256xi32>
    %convert_element_type3A_2928 = arith.extui %eq3A_2927 : vector<18x256xi1> to vector<18x256xi32>
    %convert_element_type3A_2929 = arith.sitofp %convert_element_type3A_2928 : vector<18x256xi32> to vector<18x256xf32>
    %concatenate3A_2930 = tpu.concatenate %get3A_2922, %convert_element_type3A_2929 in 0 : vector<11x256xf32>, vector<18x256xf32> -> vector<29x256xf32>
    %dot_general3A_2931 = arith.constant dense<0.000000e+00> : vector<128x256xf32>
    %dot_general3A_2932 = tpu.matmul %transpose3A, %concatenate3A_2930, %dot_general3A_2931 {dimension_numbers = #tpu.dot_dimension_numbers<[1], [0], [0], [1], [0, 0, 1, 1], [], []>, transpose_lhs_hint = false} : vector<128x29xf32>, vector<29x256xf32>, vector<128x256xf32> -> vector<128x256xf32>
    %max3A_2933 = arith.maximumf %max3A_2919, %dot_general3A_2932 : vector<128x256xf32>
    %get3A_2934 = arith.constant 121 : index
    %get3A_2935 = arith.constant 3840 : index
    %get3A_2936 = vector.load %arg3[%get3A_2934, %get3A_2935] : memref<132x4096xf32, #tpu.memory_space<vmem>>, vector<11x256xf32>
    %slice3A_2937 = vector.extract_strided_slice %get3A_2780 {offsets = [11, 0, 0], sizes = [1, 1, 256], strides = [1, 1, 1]} : vector<12x1x256xi32> to vector<1x1x256xi32>
    %squeeze3A_2938 = vector.shape_cast %slice3A_2937 : vector<1x1x256xi32> to vector<1x256xi32>
    %eq3A_2939 = vector.broadcast %squeeze3A_2938 : vector<1x256xi32> to vector<18x256xi32>
    %eq3A_2940 = vector.broadcast %iota3A : vector<18x1xi32> to vector<18x256xi32>
    %eq3A_2941 = arith.cmpi eq, %eq3A_2939, %eq3A_2940 : vector<18x256xi32>
    %convert_element_type3A_2942 = arith.extui %eq3A_2941 : vector<18x256xi1> to vector<18x256xi32>
    %convert_element_type3A_2943 = arith.sitofp %convert_element_type3A_2942 : vector<18x256xi32> to vector<18x256xf32>
    %concatenate3A_2944 = tpu.concatenate %get3A_2936, %convert_element_type3A_2943 in 0 : vector<11x256xf32>, vector<18x256xf32> -> vector<29x256xf32>
    %dot_general3A_2945 = arith.constant dense<0.000000e+00> : vector<128x256xf32>
    %dot_general3A_2946 = tpu.matmul %transpose3A, %concatenate3A_2944, %dot_general3A_2945 {dimension_numbers = #tpu.dot_dimension_numbers<[1], [0], [0], [1], [0, 0, 1, 1], [], []>, transpose_lhs_hint = false} : vector<128x29xf32>, vector<29x256xf32>, vector<128x256xf32> -> vector<128x256xf32>
    %max3A_2947 = arith.maximumf %max3A_2933, %dot_general3A_2946 : vector<128x256xf32>
    %get3A_2948 = arith.constant 0 : index
    %get3A_2949 = arith.constant 0 : index
    %get3A_2950 = vector.load %arg6[%get3A_2948, %get3A_2949] : memref<128x1xf32, #tpu.memory_space<vmem>>, vector<128x1xf32>
    %add3A_2951 = vector.broadcast %get3A_2950 : vector<128x1xf32> to vector<128x256xf32>
    %add3A_2952 = arith.addf %max3A_2947, %add3A_2951 : vector<128x256xf32>
    %max3A_2953 = arith.constant 0.000000e+00 : f32
    %max3A_2954 = vector.broadcast %max3A_2953 : f32 to vector<128x256xf32>
    %max3A_2955 = arith.maximumf %add3A_2952, %max3A_2954 : vector<128x256xf32>
    %swap3A_2956 = arith.constant 0 : index
    %swap3A_2957 = arith.constant 0 : index
    %swap3A_2958 = arith.constant 3840 : index
    %swap3A_2959 = vector.load %arg7[%swap3A_2956, %swap3A_2957, %swap3A_2958] : memref<1x128x4096xf32, #tpu.memory_space<vmem>>, vector<1x128x256xf32>
    %swap3A_2960 = vector.shape_cast %swap3A_2959 : vector<1x128x256xf32> to vector<128x256xf32>
    %swap3A_2961 = vector.shape_cast %max3A_2955 : vector<128x256xf32> to vector<1x128x256xf32>
    tpu.vector_store %arg7[%swap3A_2956, %swap3A_2957, %swap3A_2958], %swap3A_2961 {strides = array<i32>} : memref<1x128x4096xf32, #tpu.memory_space<vmem>>, vector<1x128x256xf32>,
    return
  }
  func.func @transform_0(%arg0: i32, %arg1: i32) -> (i32, i32, i32) {
    %c0_i32 = arith.constant 0 : i32
    %c0_i32_0 = arith.constant 0 : i32
    %c0_i32_1 = arith.constant 0 : i32
    return %c0_i32, %c0_i32_0, %arg0 : i32, i32, i32
  }
  func.func @transform_1(%arg0: i32, %arg1: i32) -> (i32, i32) {
    %mul3A = arith.constant 4 : i32
    %mul3A_0 = arith.muli %arg1, %mul3A : i32
    %add3A = arith.addi %mul3A_0, %arg0 : i32
    %c0_i32 = arith.constant 0 : i32
    %c0_i32_1 = arith.constant 0 : i32
    return %c0_i32, %add3A : i32, i32
  }
  func.func @transform_2(%arg0: i32, %arg1: i32) -> (i32, i32) {
    %c0_i32 = arith.constant 0 : i32
    %c0_i32_0 = arith.constant 0 : i32
    %c0_i32_1 = arith.constant 0 : i32
    return %c0_i32, %c0_i32_0 : i32, i32
  }
  func.func @transform_3(%arg0: i32, %arg1: i32) -> (i32, i32) {
    %c0_i32 = arith.constant 0 : i32
    %c0_i32_0 = arith.constant 0 : i32
    %c0_i32_1 = arith.constant 0 : i32
    return %c0_i32, %c0_i32_0 : i32, i32
  }
  func.func @transform_4(%arg0: i32, %arg1: i32) -> (i32, i32) {
    %c0_i32 = arith.constant 0 : i32
    %c0_i32_0 = arith.constant 0 : i32
    %c0_i32_1 = arith.constant 0 : i32
    return %c0_i32, %c0_i32_0 : i32, i32
  }
  func.func @transform_5(%arg0: i32, %arg1: i32) -> (i32, i32, i32) {
    %c0_i32 = arith.constant 0 : i32
    %c0_i32_0 = arith.constant 0 : i32
    return %arg1, %c0_i32, %arg0 : i32, i32, i32
  }
}

</mosaic_0001>

<sc_bundles>
// kernel: sparse-core-data-format-call.1.cloned.1.call-start
scs
called_computation.1_lowered:
.L_overlay_start_0:
0x0: {  	s1 =	sld [smem:$0x3FD9]  }
0x1: {  	s2 =	sld [smem:$0x3FFE];
	_ =	sdelay $0x1  }
0x2: {  	s3 =	srdreg.scid  }
0x3: {  	s0 =	sand.u32 $0x1, s3  }
0x4: {  	s17 =	sshll.u32 s0, $0xA;
	s1 =	sadd.s32 s2, s1  }
0x5: {  	s1 =	sadd.s32 s1, s17  }
0x6: {  	[smem:$0x3FC3] =	sst s1  }
0x7: {  	_ = 	snop  }
0x8: {  	(tm) =	ssettm $0x1  }
0x9: {  	s18 =	sld [smem:$0x3FFB];
	_ =	sdelay $0x3  }
0xa: {  	_ =	strace s18  }
0xb: {  	s1 =	sld [smem:$0x3FFC];
	_ =	sdelay $0x3  }
0xc: {  	_ =	strace s1  }
0xd: {  	s1 =	sld [smem:$0x3FFD];
	_ =	sdelay $0x3  }
0xe: {  	_ =	strace s1  }
0xf: {  	_ =	strace $0x8FFFFFFF  }
0x10: {  	s19 =	sld [smem:$0x3FDB];
	_ =	sdelay $0x1  }
0x11: {  	s20 =	simm.s32 $_scs_section_size  }
0x12: {  	s4 =	simm.s32 $_size__tile_overlayer_lowered;
	s5 =	simm.s32 $_tile_overlayer_lowered  }
0x13: {  	s23 =	simm.s32 $0x1BFF;
	s22 =	sshll.u32 s5, $0x1;
	s1 =	sadd.s32 s20, s19  }
0x14: {  	s6 =	simm.s32 $0x0;
	s21 =	sshll.u32 s4, $0x1;
	s4 =	sadd.s32 s22, s1  }
0x15: {  	[timem:s6], [sflag:s23] =	dma.local [hbm:s4], s21  }
0x16: {  	_ =	swait.ge [sflag:s23], s21  }
0x17: {  	s2 =	ssub.s32 $0x0, s21;
	[sflag:s23] =	ssyncset.done $0x0  }
0x18: {  	[sflag:s23] =	ssyncadd.s32 s2;
	_ =	sdelay $0x1  }
0x19: {  	s24 =	simm.s32 $0x1B8B  }
0x1a: {  	_ =	swait.ge [sflag:s24], $0x1  }
0x1b: {  	[sflag:s24] =	ssyncset.done $0x0  }
0x1c: {  	s26 =	simm.s32 $0x1B8E;
	s25 =	sld [smem:$0x3FFE];
	[sflag:s24] =	ssyncadd.s32 $0xFFFFFFFF  }
0x1d: {  	s27 =	simm.s32 $execute0_lowered;
	[smem:$0x3FD2] =	sst s26  }
0x1e: {  	s4 =	sshll.u32 s27, $0x1;
	_ =	strace $0x80000046;
	[dreg:$0x1] =	wrdreg $0xFFFFFFFF  }
0x1f: {  	s28 =	simm.s32 $_size_execute0_lowered;
	s1 =	sadd.s32 s1, s4;
	[dreg:$0x0] =	wrdreg $0x0  }
0x20: {  	s4 =	sshll.u32 s28, $0x1;
	[dreg:$0x2] =	wrdreg s1  }
0x21: {  	[dreg:$0x3] =	wrdreg s4  }
0x22: {  	[dreg:$0x4] =	wrdreg $0xC0  }
0x23: {  	_ =	task [dreg:s6], $0x5FFFF  }
0x24: {  	[dreg:$0x1] =	wrdreg $0xFFFFFFFF  }
0x25: {  	[dreg:$0x0] =	wrdreg $0x60  }
0x26: {  	[dreg:$0x2] =	wrdreg s25  }
0x27: {  	[dreg:$0x3] =	wrdreg $0x9  }
0x28: {  	_ =	task.clear_ibuf [dreg:s6], $0x4FFFF;
	_ =	strace $0x90000046  }
0x29: {  	s29 =	simm.s32 $0x9;
	_ =	strace $0x80000048  }
0x2a: {  	_ =	swait.ge [sflag:s29], $0x1  }
0x2b: {  	[sflag:s29] =	ssyncadd.s32 $0xFFFFFFFF  }
0x2c: {  	_ =	strace $0x90000048  }
0x2d: {  	_ =	sfence  }
0x2e: {  	s30 =	sld [smem:$0x0];
	_ =	sdelay $0x2  }
0x2f: {  	s31 =	sshll.u32 s3, $0xD;
	s3 =	sshrl.u32 s3, $0x2  }
0x30: {  	s2 =	sand.u32 $0x4000, s31;
	s1 =	sadd.s32 s3, s30  }
0x31: {  	s0 =	sor.u32 s2, s0;
	s1 =	sshll.u32 s1, $0x11  }
0x32: {  	s0 =	sor.u32 s1, s0  }
0x33: {  	s0 =	sadd.s32 $0x8F2B, s0  }
0x34: {  	[sflag:s0] =	ssyncadd.remote.s32 $0x1  }
0x35: {  	_ =	sfence.sel $0xFFFF  }
0x36: {  	[dreg:$0x0] =	wrdreg $0xFFFFFFFF;
	(pc) =	sbr.abs _section_cstart, $3  }
0x37: {  	[dreg:$0x1] =	wrdreg $0xFFFFFFFF  }
0x38: {  	_ =	task.clear_ibuf [dreg:s6], $0x2FFFF;
	_ =	strace $0x9FFFFFFF  }
0x39: {  	(tm) =	ssettm $0x7FFFFFFF  }
tec
execute0_lowered:
.L_overlay_start_1:
0x0: {  	(tag) =	ssettag $0x1  }
0x1: {  	s0 =	srdreg.scid  }
0x2: {  	s6 =	rddreg [dreg:$0x0];
	s1 =	sshll.u32 s0, $0x4  }
0x3: {  	_ =	strace $0x80000047;
	s0 =	stileid.u32;
	s1 =	sand.u32 $0x10, s1  }
0x4: {  	s4 =	simm.s32 $0x1;
	s31 =	simm.s32 $0x2;
	s1 =	sor.u32 s0, s1  }
0x5: {  	s15 =	simm.s32 $0x0;
	s8 =	simm.s32 $0x20000;
	s2 =	sshll.u32 s1, $0x8  }
0x6: {  	s9 =	simm.s32 $0x0;
	s16 =	simm.s32 $0x0;
	s1 =	ssub.s32 $0x4000, s2  }
0x7: {  	s18 =	simm.s32 $0x0;
	s17 =	simm.s32 $0x0;
	s3 =	sand.u32 $0x1F00, s1  }
0x8: {  	s10 =	simm.s32 $0x0;
	p0 =	sne.s32 s3, $0x0;
	s3 =	simm.s32 $0x1  }
.Ltmp0:
0x9: {  	s1 =	sshrl.u32 s1, $0xD;
	s3 =	simm.s32 @!p0 $0x0;
	(pc) =	sbr.rel .LBB1_1-.Ltmp0, $4  }
0xa: {  	s12 =	simm.s32 $0x0;
	s13 =	simm.s32 $0x0;
	s1 =	sadd.s32 s3, s1  }
0xb: {  	s14 =	simm.s32 $0x0;
	[sflag:s4] =	ssyncpa.u1 $0x0;
	s5 =	smul.u32 $0x11, s1  }
0xc: {  	s24 =	simm.s32 $0x0;
	[sflag:s31] =	ssyncpa.u1 $0x0;
	s11 =	smov.u32 s2  }
0xd: {  	s3 =	sadd.s32 $0x1000, s6;
	s6 =	sadd.s32 $0x221000, s6;
	s7 =	sadd.s32 $0x1, s5  }
.LBB1_7:
0xe: {  	s1 =	sadd.s32 $0x2000, s11  }
0xf: {  	s15 =	sadd.s32 $0x8, s10;
	s19 =	smov.u32 s10;
	p1 =	sgt.s32 s1, $0x3FFF  }
0x10: {  	s19 =	smov.u32 @p1 s15  }
0x11: {  	s20 =	smov.u32 s12;
	s15 =	sadd.s32 $0x8, s12;
	p2 =	sgt.s32 s19, $0x7  }
0x12: {  	s20 =	smov.u32 @p2 s15  }
0x13: {  	s15 =	simm.s32 $0x1;
	p3 =	sgt.s32 s20, $0x7  }
0x14: {  	s15 =	simm.s32 @!p3 $0x0  }
0x15: {  	p0 =	slt.u32 s14, $0x2;
	s22 =	sadd.s32 s15, s13  }
0x16: {  	s16 =	smov.u32 s10;
	s1 =	smov.u32 @p1 s2;
	p1 =	sgt.s32 s22, $0x10  }
0x17: {  	s21 =	simm.s32 @!p0 $0x2;
	s22 =	simm.s32 @p1 $0x0;
	p1 =	sne.s32 s14, s7  }
.Ltmp1:
0x18: {  	s18 =	smov.u32 s12;
	_ =	swait.ge @!p0 [sflag:s21], $0x4000;
	(pc) =	sbr.rel @!p1 .LBB1_8-.Ltmp1, $4  }
0x19: {  	s17 =	smov.u32 s13;
	[sflag:s21] =	ssyncset.done @!p0 $0x0;
	s19 =	simm.s32 @p2 $0x0  }
0x1a: {  	s9 =	sadd.s32 $0x4000, s9;
	[sflag:s21] =	ssyncadd.s32 @!p0 $0xFFFFC000;
	s10 =	smov.u32 s19  }
0x1b: {  	s20 =	simm.s32 @p3 $0x0;
	s15 =	smov.u32 s11;
	s11 =	smov.u32 s1  }
0x1c: {  	s12 =	smov.u32 s20;
	s14 =	sadd.s32 $0x1, s14;
	s13 =	smov.u32 s22  }
.LBB1_1:
0x1d: {  	p0 =	sge.u32 s14, s5  }
0x1e: {  	s31 =	sadd.s32 $0xFFFFFFFF, s14;
	s1 =	sxor.u32 @!p0 $0xFFFFFFFF, s14  }
0x1f: {  	s19 =	sshll.u32 @!p0 s10, $0x7;
	s20 =	sand.u32 @!p0 $0x78, s11;
	s21 =	sshll.u32 @!p0 s11, $0x3  }
0x20: {  	s22 =	sand.u32 @!p0 $0x3800, s11;
	s1 =	sshll.u32 @!p0 s1, $0xE;
	s19 =	sand.u32 @!p0 $0x380, s19  }
0x21: {  	s21 =	sand.u32 @!p0 $0x3C00, s21;
	s19 =	sor.u32 @!p0 s19, s20;
	s20 =	sshll.u32 @!p0 s13, $0x11  }
0x22: {  	s19 =	sor.u32 @!p0 s21, s19;
	s21 =	sshll.u32 @!p0 s12, $0xE;
	s20 =	sadd.s32 @!p0 s3, s20  }
0x23: {  	s1 =	sand.u32 @!p0 $0x4000, s1;
	s20 =	sadd.s32 @!p0 s21, s20;
	s21 =	sand.u32 @!p0 $0x7, s11  }
0x24: {  	s19 =	sshrl.u32 @!p0 s19, $0x3;
	s20 =	sadd.s32 @!p0 s22, s20;
	s21 =	sshll.u32 @!p0 s21, $0x12  }
0x25: {  	s19 =	sadd.s32 @!p0 s19, s20;
	s20 =	sor.u32 @!p0 $0x800, s21;
	s21 =	simm.s32 @!p0 $0x20000  }
0x26: {  	[tilespmem:s1], [sflag:$0x1] =	stream.strided.gather @!p0 [hbm4b:s19+s20], $0x4000, s21, s20, $0x38;
	[tilespmem:$0x10000] =	vst v63  }
0x27: {  	p0 =	sge.u32 s31, s5  }
.Ltmp2:
0x28: {  	_ = 	snop;
	(pc) =	sbr.rel @p0 .LBB1_7-.Ltmp2, $1  }
0x29: {  	_ =	sdelay $0x3  }
0x2a: {  	s1 =	sshll.u32 s9, $0x2;
	_ =	swait.ge [sflag:s4], $0x4000;
	s19 =	sshll.u32 s14, $0xE  }
0x2b: {  	p0 =	por $0x0, $0x0;
	s25 =	simm.s32 $0x0;
	s26 =	simm.s32 $0x0  }
0x2c: {  	s1 =	sand.u32 $0x10000, s1;
	[sflag:s4] =	ssyncset.done $0x0;
	s22 =	sand.u32 $0x4000, s19  }
0x2d: {  	s1 =	sshrl.u32 s1, $0x2;
	[sflag:s4] =	ssyncadd.s32 $0xFFFFC000;
	s19 =	sor.u32 $0x8000, s22  }
0x2e: {  	s20 =	sor.u32 $0x40, s1;
	s21 =	sor.u32 $0x8410, s1;
	s23 =	sadd.s32 $0x8400, s1  }
.LBB1_3:
0x2f: {  	v1 =	vld [tilespmem:s20+$0xFFFFFFD0]  }
0x30: {  	v2 =	vld [tilespmem:s20+$0x430]  }
0x31: {  	s1 =	sshll.u32 s26, $0xB;
	v4 =	vld [tilespmem:s20+$0xFFFFFFE0]  }
0x32: {  	v7 =	vld [tilespmem:s20+$0xFFFFFFF0];
	v0 =	vmov s1  }
0x33: {  	v8 =	vld [tilespmem:s20+$0x0]  }
0x34: {  	v9 =	vld [tilespmem:s20+$0x10];
	s1 =	sand.u32 $0x300, s24  }
0x35: {  	s27 =	sand.u32 $0x80, s24;
	v10 =	vld [tilespmem:s20+$0x20];
	s1 =	sadd.s32 s1, s22  }
0x36: {  	v11 =	vld [tilespmem:s20+$0x30];
	s1 =	sadd.s32 s27, s1;
	s27 =	simm.s32 $0x1;
	[tilespmem:s21+$0x60] =	vst v2  }
0x37: {  	s27 =	simm.s32 @!p0 $0x0;
	[tilespmem:s21+$0xFFFFFC00] =	vst v1;
	v3 =	vld.idx.msk [tilespmem:v0+s1+$0x400 ss:$0x1], $0xffff;
	s1 =	sshll.u32 s25, $0x2  }
0x38: {  	v6 =	vld [tilespmem:s20+$0x3D0];
	s27 =	sshll.u32 s27, $0x9;
	[tilespmem:s21+$0xFFFFFC10] =	vst v4;
	s1 =	sand.u32 $0xFFFFFC00, s1  }
0x39: {  	v5 =	vld [tilespmem:s20+$0x3E0];
	[tilespmem:s21+$0xFFFFFC20] =	vst v7;
	s1 =	sor.u32 s27, s1  }
0x3a: {  	[tilespmem:s21+$0xFFFFFC30] =	vst v8;
	v4 =	vld [tilespmem:s20+$0x400];
	s1 =	sshrl.u32 s1, $0x2  }
0x3b: {  	[tilespmem:s21+$0xFFFFFC40] =	vst v9;
	v1 =	vld [tilespmem:s20+$0x410];
	s27 =	sadd.s32 s1, s23  }
0x3c: {  	[tilespmem:s27+$0x0] =	vst v3;
	v3 =	vld [tilespmem:s20+$0x3F0]  }
0x3d: {  	s31 =	simm.s32 $0x80;
	s30 =	simm.s32 $0x100;
	[tilespmem:s21+$0xFFFFFC50] =	vst v10;
	v2 =	vld [tilespmem:s20+$0x420]  }
0x3e: {  	s28 =	sadd.s32 $0x80, s20;
	s29 =	smov.u32 s21;
	v7 =	vld [tilespmem:s20+$0xFFFFFFC0];
	[tilespmem:s21+$0xFFFFFC60] =	vst v11;
	s1 =	sand.u32 $0x300, s31  }
.LBB1_4:
0x3f: {  	p1 =	sne.s32 s30, $0x380;
	v8 =	vld [tilespmem:s28+$0xFFFFFFD0];
	s31 =	sand.u32 $0x80, s31;
	s1 =	sadd.s32 s1, s22;
	[tilespmem:s29+$0x0] =	vst v6  }
0x40: {  	s1 =	sadd.s32 s31, s1;
	v6 =	vld [tilespmem:s28+$0x430];
	[tilespmem:s29+$0x10] =	vst v5;
	s31 =	smov.u32 s30  }
0x41: {  	v5 =	vld.idx.msk [tilespmem:v0+s1+$0x400 ss:$0x1], $0xffff;
	[tilespmem:s29+$0x20] =	vst v3  }
0x42: {  	v3 =	vld [tilespmem:s28+$0xFFFFFFE0];
	[tilespmem:s29+$0x30] =	vst v4  }
0x43: {  	v4 =	vld [tilespmem:s28+$0xFFFFFFF0];
	[tilespmem:s29+$0xFFFFFBF0] =	vst v7  }
0x44: {  	v7 =	vld [tilespmem:s28+$0x0];
	[tilespmem:s29+$0x40] =	vst v1  }
0x45: {  	v1 =	vld [tilespmem:s28+$0x10];
	[tilespmem:s29+$0x50] =	vst v2;
	s29 =	sadd.s32 $0x800, s29  }
0x46: {  	s27 =	sadd.s32 $0x800, s27;
	v2 =	vld [tilespmem:s28+$0x20];
	[tilespmem:s29+$0x60] =	vst v6  }
0x47: {  	v9 =	vld [tilespmem:s28+$0x30];
	[tilespmem:s27+$0x0] =	vst v5  }
0x48: {  	[tilespmem:s29+$0xFFFFFC00] =	vst v8;
	v6 =	vld [tilespmem:s28+$0x3D0]  }
0x49: {  	[tilespmem:s29+$0xFFFFFC10] =	vst v3;
	v5 =	vld [tilespmem:s28+$0x3E0]  }
.Ltmp3:
0x4a: {  	[tilespmem:s29+$0xFFFFFC20] =	vst v4;
	v3 =	vld [tilespmem:s28+$0x3F0];
	(pc) =	sbr.rel @p1 .LBB1_4-.Ltmp3, $4  }
0x4b: {  	[tilespmem:s29+$0xFFFFFC30] =	vst v7;
	v4 =	vld [tilespmem:s28+$0x400]  }
0x4c: {  	[tilespmem:s29+$0xFFFFFC40] =	vst v1;
	v1 =	vld [tilespmem:s28+$0x410]  }
0x4d: {  	[tilespmem:s29+$0xFFFFFC50] =	vst v2;
	v2 =	vld [tilespmem:s28+$0x420]  }
0x4e: {  	s30 =	sadd.s32 $0x80, s30;
	s1 =	sand.u32 $0x300, s31;
	v7 =	vld [tilespmem:s28+$0xFFFFFFC0];
	[tilespmem:s29+$0xFFFFFC60] =	vst v9;
	s28 =	sadd.s32 $0x80, s28  }
0x4f: {  	[tilespmem:s29+$0x0] =	vst v6  }
0x50: {  	[tilespmem:s29+$0x10] =	vst v5  }
0x51: {  	v49 =	vld [tilespmem:s28+$0x430];
	[tilespmem:s29+$0x20] =	vst v3  }
0x52: {  	v50 =	vld [tilespmem:s28+$0xFFFFFFD0];
	[tilespmem:s29+$0x30] =	vst v4  }
0x53: {  	v51 =	vld [tilespmem:s28+$0xFFFFFFE0];
	[tilespmem:s29+$0x40] =	vst v1  }
0x54: {  	v52 =	vld [tilespmem:s28+$0xFFFFFFF0];
	[tilespmem:s29+$0x50] =	vst v2  }
0x55: {  	s30 =	sand.u32 $0x80, s31;
	s31 =	sadd.s32 $0x800, s29;
	v53 =	vld [tilespmem:s28+$0x0];
	[tilespmem:s29+$0xFFFFFBF0] =	vst v7  }
0x56: {  	v54 =	vld [tilespmem:s28+$0x10];
	[tilespmem:s31+$0x60] =	vst v49  }
0x57: {  	v55 =	vld [tilespmem:s28+$0x20];
	[tilespmem:s31+$0xFFFFFC00] =	vst v50  }
0x58: {  	v56 =	vld [tilespmem:s28+$0x30];
	[tilespmem:s31+$0xFFFFFC10] =	vst v51  }
0x59: {  	v57 =	vld [tilespmem:s28+$0x3D0];
	[tilespmem:s31+$0xFFFFFC20] =	vst v52  }
0x5a: {  	v58 =	vld [tilespmem:s28+$0x3E0];
	[tilespmem:s31+$0xFFFFFC30] =	vst v53  }
0x5b: {  	v59 =	vld [tilespmem:s28+$0x3F0];
	[tilespmem:s31+$0xFFFFFC40] =	vst v54  }
0x5c: {  	v60 =	vld [tilespmem:s28+$0x400];
	[tilespmem:s31+$0xFFFFFC50] =	vst v55  }
0x5d: {  	v61 =	vld [tilespmem:s28+$0xFFFFFFC0];
	[tilespmem:s31+$0xFFFFFC60] =	vst v56  }
0x5e: {  	s1 =	sadd.s32 s1, s22;
	v62 =	vld [tilespmem:s28+$0x410];
	[tilespmem:s31+$0x0] =	vst v57  }
0x5f: {  	v63 =	vld [tilespmem:s28+$0x420];
	s26 =	sadd.s32 $0x1, s26;
	s1 =	sadd.s32 s30, s1;
	[tilespmem:s31+$0x10] =	vst v58  }
0x60: {  	p1 =	sne.s32 s26, $0x8;
	v0 =	vld.idx.msk [tilespmem:v0+s1+$0x400 ss:$0x1], $0xffff;
	[tilespmem:s31+$0x20] =	vst v59  }
.Ltmp4:
0x61: {  	[tilespmem:s31+$0x30] =	vst v60;
	(pc) =	sbr.rel @p1 .LBB1_3-.Ltmp4, $4  }
0x62: {  	[tilespmem:s31+$0xFFFFFBF0] =	vst v61  }
0x63: {  	[tilespmem:s31+$0x40] =	vst v62  }
0x64: {  	s27 =	sadd.s32 $0x800, s27;
	s20 =	sadd.s32 $0x800, s20;
	[tilespmem:s31+$0x50] =	vst v63  }
0x65: {  	s25 =	sadd.s32 $0x80, s25;
	p0 =	por !p0, !p0;
	s21 =	sadd.s32 $0x80, s21;
	[tilespmem:s27+$0x0] =	vst v0  }
0x66: {  	s1 =	sshll.u32 s18, $0x7;
	s29 =	sand.u32 $0x78, s15  }
0x67: {  	s20 =	sshll.u32 s15, $0x3;
	s17 =	sshll.u32 s17, $0x11;
	s16 =	sshll.u32 s16, $0xE  }
0x68: {  	s30 =	sand.u32 $0x3800, s15;
	s1 =	sand.u32 $0x380, s1;
	s20 =	sand.u32 $0x3C00, s20  }
.Ltmp5:
0x69: {  	s17 =	sadd.s32 s6, s17;
	s1 =	sor.u32 s1, s29;
	(pc) =	sbr.rel .LBB1_7-.Ltmp5, $4  }
0x6a: {  	s31 =	sand.u32 $0x7, s15;
	s16 =	sadd.s32 s16, s17;
	s1 =	sor.u32 s20, s1  }
0x6b: {  	s15 =	sshll.u32 s31, $0x12;
	s16 =	sadd.s32 s30, s16;
	s1 =	sshrl.u32 s1, $0x3  }
0x6c: {  	s15 =	sor.u32 $0x800, s15;
	s1 =	sadd.s32 s1, s16  }
0x6d: {  	[hbm4b:s1+s15] =	stream.strided.scatter [tilespmem:s19], [sflag:$0x2], $0x4000, s8, s15, $0x38;
	[tilespmem:$0x10000] =	vst v63  }
.LBB1_8:
0x6e: {  	_ =	sfence.sel $0x180000  }
0x6f: {  	s1 =	simm.s32 $0x1;
	[bflag:$0x0] =	sbarrier.arrive $0xFFFF  }
0x70: {  	s31 =	simm.s32 $0x2;
	[sflag:s1] =	ssyncpa.u1 $0x1  }
0x71: {  	[sflag:s31] =	ssyncpa.u1 $0x1  }
0x72: {  	_ =	strace $0x90000047  }
0x73: {  	[bflag:$0x2] =	sbarrier.arrive $0xFFFF  }
0x74: {  	p0 =	sne.s32 s0, $0x0;
	s0 =	rddreg [dreg:$0x1]  }
0x75: {  	s0 =	sadd.s32 @!p0 $0x100000, s0  }
0x76: {  	[sflag:s0] =	ssyncadd.tile.s32 @!p0 $0x1;
	_ =	shalt  }
.Lfunc_end1:
_tile_overlayer_lowered:
.L_overlay_start_2:
0x77: {  	(tag) =	ssettag $0x2  }
0x78: {  	s0 =	rddreg [dreg:$0x0];
	s2 =	stileid.u32  }
0x79: {  	s1 =	rddreg [dreg:$0x1];
	p0 =	sne.s32 s2, $0x0  }
0x7a: {  	s3 =	rddreg [dreg:$0x2];
	[bflag:$0x3] =	sbarrier.arrive $0xFFFF;
	s2 =	simm.s32 @!p0 $0x1C01  }
0x7b: {  	[timem:s3], [sflag:s2] =	dma.local @!p0 [hbm:s0], s1  }
0x7c: {  	s0 =	simm.s32 @!p0 $0x1  }
0x7d: {  	_ =	swait.ge @!p0 [sflag:s0], s1  }
0x7e: {  	s1 =	ssub.s32 @!p0 $0x0, s1;
	[sflag:s0] =	ssyncset.done @!p0 $0x0  }
0x7f: {  	[sflag:s0] =	ssyncadd.s32 @!p0 s1  }
0x80: {  	[bflag:$0x3] =	sbarrier.arrive $0xFFFF  }
0x81: {  	_ =	shalt  }

// kernel: sparse-core-data-format-call.cloned.1.call-start
scs
called_computation_lowered:
.L_overlay_start_0:
0x0: {  	s2 =	sld [smem:$0x3FD9]  }
0x1: {  	s3 =	sld [smem:$0x3FFE];
	_ =	sdelay $0x1  }
0x2: {  	s1 =	srdreg.scid  }
0x3: {  	s0 =	sand.u32 $0x1, s1  }
0x4: {  	s18 =	sshll.u32 s0, $0xA;
	s2 =	sadd.s32 s3, s2  }
0x5: {  	s2 =	sadd.s32 s2, s18  }
0x6: {  	[smem:$0x3FC3] =	sst s2  }
0x7: {  	_ = 	snop  }
0x8: {  	s2 =	sld [smem:$0x3FD0];
	(tm) =	ssettm $0x1  }
0x9: {  	s19 =	sld [smem:$0x3FFB];
	_ =	sdelay $0x3  }
0xa: {  	_ =	strace s19  }
0xb: {  	s3 =	sld [smem:$0x3FFC];
	_ =	sdelay $0x3  }
0xc: {  	_ =	strace s3  }
0xd: {  	s3 =	sld [smem:$0x3FFD];
	_ =	sdelay $0x3  }
0xe: {  	_ =	strace s3  }
0xf: {  	_ =	strace $0x8FFFFFFF  }
0x10: {  	s20 =	sld [smem:$0x3FDB];
	_ =	sdelay $0x1  }
0x11: {  	s4 =	simm.s32 $_scs_section_size  }
0x12: {  	s5 =	simm.s32 $_size__tile_overlayer_lowered;
	s6 =	simm.s32 $_tile_overlayer_lowered  }
0x13: {  	s23 =	simm.s32 $0x1BFF;
	s22 =	sshll.u32 s6, $0x1;
	s3 =	sadd.s32 s4, s20  }
0x14: {  	s7 =	simm.s32 $0x0;
	s21 =	sshll.u32 s5, $0x1;
	s5 =	sadd.s32 s22, s3  }
0x15: {  	[timem:s7], [sflag:s23] =	dma.local [hbm:s5], s21  }
0x16: {  	_ =	swait.ge [sflag:s23], s21  }
0x17: {  	s4 =	ssub.s32 $0x0, s21;
	[sflag:s23] =	ssyncset.done $0x0  }
0x18: {  	[sflag:s23] =	ssyncadd.s32 s4;
	_ =	sdelay $0x1  }
0x19: {  	s24 =	simm.s32 $0x1B8B  }
0x1a: {  	_ =	swait.ge [sflag:s24], $0x1  }
0x1b: {  	[sflag:s24] =	ssyncset.done $0x0  }
0x1c: {  	s26 =	simm.s32 $0x1B8E;
	s25 =	sld [smem:$0x3FFE];
	[sflag:s24] =	ssyncadd.s32 $0xFFFFFFFF  }
0x1d: {  	s27 =	simm.s32 $execute0_lowered;
	[smem:$0x3FD2] =	sst s26  }
0x1e: {  	s5 =	sshll.u32 s27, $0x1;
	_ =	strace $0x80000049;
	[dreg:$0x1] =	wrdreg $0xFFFFFFFF  }
0x1f: {  	s28 =	simm.s32 $_size_execute0_lowered;
	s3 =	sadd.s32 s3, s5;
	[dreg:$0x0] =	wrdreg $0x0  }
0x20: {  	s5 =	sshll.u32 s28, $0x1;
	[dreg:$0x2] =	wrdreg s3  }
0x21: {  	[dreg:$0x3] =	wrdreg s5  }
0x22: {  	[dreg:$0x4] =	wrdreg $0xC0  }
0x23: {  	_ =	task [dreg:s7], $0x5FFFF  }
0x24: {  	[dreg:$0x1] =	wrdreg $0xFFFFFFFF  }
0x25: {  	[dreg:$0x0] =	wrdreg $0x60  }
0x26: {  	[dreg:$0x2] =	wrdreg s25  }
0x27: {  	[dreg:$0x3] =	wrdreg s2  }
0x28: {  	[dreg:$0x4] =	wrdreg $0x9  }
0x29: {  	_ =	task.clear_ibuf [dreg:s7], $0x5FFFF;
	_ =	strace $0x90000049  }
0x2a: {  	s29 =	simm.s32 $0x9;
	_ =	strace $0x8000004B  }
0x2b: {  	_ =	swait.ge [sflag:s29], $0x1  }
0x2c: {  	[sflag:s29] =	ssyncadd.s32 $0xFFFFFFFF  }
0x2d: {  	_ =	strace $0x9000004B  }
0x2e: {  	_ =	sfence  }
0x2f: {  	s30 =	sld [smem:$0x0];
	_ =	sdelay $0x2  }
0x30: {  	s31 =	sshll.u32 s1, $0xD;
	s1 =	sshrl.u32 s1, $0x2  }
0x31: {  	s3 =	sand.u32 $0x4000, s31;
	s1 =	sadd.s32 s1, s30  }
0x32: {  	s0 =	sor.u32 s3, s0;
	s1 =	sshll.u32 s1, $0x11  }
0x33: {  	s0 =	sor.u32 s1, s0  }
0x34: {  	s0 =	sadd.s32 $0x8F2B, s0  }
0x35: {  	[sflag:s0] =	ssyncadd.remote.s32 $0x1  }
0x36: {  	_ =	sfence.sel $0xFFFF  }
0x37: {  	[dreg:$0x0] =	wrdreg $0xFFFFFFFF;
	(pc) =	sbr.abs _section_cstart, $3  }
0x38: {  	[dreg:$0x1] =	wrdreg $0xFFFFFFFF  }
0x39: {  	_ =	task.clear_ibuf [dreg:s7], $0x2FFFF;
	_ =	strace $0x9FFFFFFF  }
0x3a: {  	(tm) =	ssettm $0x7FFFFFFF  }
0x3b: {  	_ =	shalt  }
tec
execute0_lowered:
.L_overlay_start_1:
0x0: {  	(tag) =	ssettag $0x1  }
0x1: {  	s0 =	stileid.u32  }
0x2: {  	s1 =	srdreg.scid;
	s4 =	rddreg [dreg:$0x0];
	s8 =	simm.s32 $0x1  }
0x3: {  	s9 =	simm.s32 $0x2;
	s15 =	simm.s32 $0x0;
	s14 =	simm.s32 $0x0  }
0x4: {  	s16 =	simm.s32 $0x0;
	s2 =	sshll.u32 s0, $0x4;
	s1 =	sshll.u32 s1, $0x8  }
0x5: {  	s11 =	simm.s32 $0x0;
	s13 =	simm.s32 $0x0;
	s1 =	sor.u32 s2, s1  }
0x6: {  	s4 =	sadd.s32 $0x1000, s4;
	s5 =	sand.u32 $0x7, s0;
	s3 =	sand.u32 $0x180, s1  }
0x7: {  	s2 =	rddreg [dreg:$0x1];
	s12 =	smov.u32 s5;
	s7 =	ssub.s32 $0x4000, s3  }
.Ltmp0:
0x8: {  	s1 =	rddreg [dreg:$0x2];
	s6 =	sand.u32 $0x180, s7;
	(pc) =	sbr.rel .LBB1_1-.Ltmp0, $4  }
0x9: {  	_ =	strace $0x8000004A;
	s10 =	smov.u32 s3;
	p0 =	sne.s32 s6, $0x0  }
0xa: {  	s7 =	sshrl.u32 s7, $0x9;
	s6 =	simm.s32 $0x1;
	s8 =	simm.s32 @!p0 $0x0  }
0xb: {  	[sflag:s6] =	ssyncpa.u1 $0x0;
	p0 =	por $0x0, $0x0;
	s7 =	sadd.s32 s8, s7  }
0xc: {  	[sflag:s9] =	ssyncpa.u1 $0x0;
	s9 =	simm.s32 $0x400;
	s8 =	sadd.s32 $0x1, s7  }
.LBB1_4:
0xd: {  	v5 =	vld [tilespmem:s20+$0xFFFFFFD0];
	[tilespmem:s19+$0x2040 ss:$0x81] =	vst.msk $0xffff, v1  }
0xe: {  	v58 =	vld [tilespmem:s20+$0xFFFFFFE0];
	[tilespmem:s19+$0x2850 ss:$0x81] =	vst.msk $0xffff, v2  }
0xf: {  	s21 =	sshra.s32 s21, $0x2;
	v59 =	vld [tilespmem:s20+$0xFFFFFFF0];
	[tilespmem:s19+$0x3060 ss:$0x81] =	vst.msk $0xffff, v3  }
0x10: {  	v60 =	vld [tilespmem:s20+$0x0];
	[tilespmem:s19+$0x0 ss:$0x81] =	vst.msk $0xffff, v0;
	s18 =	sadd.s32 s21, s18  }
0x11: {  	v61 =	vld [tilespmem:s20+$0x10];
	[tilespmem:s18+$0x3870 ss:$0x81] =	vst.msk $0xffff, v4  }
0x12: {  	v62 =	vld [tilespmem:s20+$0x20];
	[tilespmem:s18+$0x810 ss:$0x81] =	vst.msk $0xffff, v5  }
0x13: {  	v63 =	vld [tilespmem:s20+$0xFFFFFFC0];
	[tilespmem:s18+$0x1020 ss:$0x81] =	vst.msk $0xffff, v58  }
0x14: {  	s16 =	sshll.u32 s16, $0x4;
	[tilespmem:s18+$0x1830 ss:$0x81] =	vst.msk $0xffff, v59  }
0x15: {  	s15 =	sshll.u32 s15, $0x7;
	s16 =	sand.u32 $0x70, s16;
	[tilespmem:s18+$0x2040 ss:$0x81] =	vst.msk $0xffff, v60  }
0x16: {  	s30 =	sshrl.u32 s14, $0x3;
	s31 =	sand.u32 $0x7, s14;
	s16 =	sadd.s32 s2, s16;
	[tilespmem:s18+$0x2850 ss:$0x81] =	vst.msk $0xffff, v61  }
0x17: {  	s19 =	sand.u32 $0xF, s30;
	s14 =	sshll.u32 s31, $0x12;
	s15 =	sadd.s32 s15, s16;
	[tilespmem:s18+$0x3060 ss:$0x81] =	vst.msk $0xffff, v62  }
0x18: {  	s14 =	sor.u32 $0x80, s14;
	s15 =	sadd.s32 s19, s15;
	[tilespmem:s18+$0x0 ss:$0x81] =	vst.msk $0xffff, v63  }
0x19: {  	[hbm4b:s15+s14] =	stream.strided.scatter [tilespmem:s17], [sflag:$0x2], $0x4000, s9, s14, $0x20;
	[tilespmem:$0x10100] =	vst v63  }
.LBB1_5:
0x1a: {  	s17 =	sadd.s32 $0x200, s10  }
0x1b: {  	s14 =	sadd.s32 $0x80, s11;
	s18 =	smov.u32 s11;
	p2 =	sgt.s32 s17, $0x3FFF  }
0x1c: {  	s18 =	smov.u32 @p2 s14  }
0x1d: {  	s20 =	smov.u32 s12;
	s14 =	sadd.s32 $0x8, s12;
	p3 =	sgt.s32 s18, $0x7F  }
0x1e: {  	s20 =	smov.u32 @p3 s14  }
0x1f: {  	s17 =	smov.u32 @p2 s3;
	p2 =	sgt.s32 s20, $0x7  }
0x20: {  	p1 =	slt.u32 s13, $0x2;
	s20 =	smov.u32 @p2 s5;
	p2 =	sne.s32 s13, s8  }
.Ltmp1:
0x21: {  	s19 =	simm.s32 @!p1 $0x2;
	(pc) =	sbr.rel @!p2 .LBB1_6-.Ltmp1, $4  }
0x22: {  	s15 =	smov.u32 s10;
	s16 =	smov.u32 s12;
	_ =	swait.ge @!p1 [sflag:s19], $0x4000  }
0x23: {  	p0 =	por !p0, !p0;
	[sflag:s19] =	ssyncset.done @!p1 $0x0;
	s10 =	smov.u32 s17  }
0x24: {  	s18 =	simm.s32 @p3 $0x0;
	s14 =	smov.u32 s11;
	[sflag:s19] =	ssyncadd.s32 @!p1 $0xFFFFC000  }
0x25: {  	s11 =	smov.u32 s18;
	s13 =	sadd.s32 $0x1, s13;
	s12 =	smov.u32 s20  }
.LBB1_1:
0x26: {  	p1 =	sge.u32 s13, s7;
	s31 =	sadd.s32 $0xFFFFFFFF, s13  }
0x27: {  	s17 =	sxor.u32 @!p1 $0xFFFFFFFF, s13;
	s18 =	sand.u32 @!p1 $0x78, s10;
	s19 =	sshll.u32 @!p1 s11, $0xE  }
0x28: {  	s20 =	sshll.u32 @!p1 s11, $0x7;
	s21 =	sshll.u32 @!p1 s10, $0x3;
	s17 =	sshll.u32 @!p1 s17, $0xE  }
0x29: {  	s19 =	sand.u32 @!p1 $0x1E0000, s19;
	s20 =	sand.u32 @!p1 $0x380, s20;
	s17 =	sand.u32 @!p1 $0x4000, s17  }
0x2a: {  	s19 =	sadd.s32 @!p1 s19, s21;
	s21 =	sand.u32 @!p1 $0x3C00, s21;
	s18 =	sor.u32 @!p1 s20, s18  }
0x2b: {  	s20 =	sshll.u32 @!p1 s12, $0x12;
	s18 =	sor.u32 @!p1 s21, s18;
	s19 =	sshrl.u32 @!p1 s19, $0x3  }
0x2c: {  	s20 =	sadd.s32 @!p1 s4, s20;
	s21 =	sand.u32 @!p1 $0x7, s10;
	s19 =	sand.u32 @!p1 $0x3F800, s19  }
0x2d: {  	s18 =	sshrl.u32 @!p1 s18, $0x3;
	s19 =	sadd.s32 @!p1 s19, s20;
	s20 =	sshll.u32 @!p1 s21, $0x12  }
0x2e: {  	s18 =	sadd.s32 @!p1 s18, s19;
	s19 =	sor.u32 @!p1 $0x400, s20;
	s20 =	simm.s32 @!p1 $0x20000  }
0x2f: {  	[tilespmem:s17], [sflag:$0x1] =	stream.strided.gather @!p1 [hbm4b:s18+s19], $0x4000, s20, s19, $0x38;
	[tilespmem:$0x10100] =	vst v63  }
0x30: {  	p1 =	sge.u32 s31, s7  }
.Ltmp2:
0x31: {  	_ = 	snop;
	(pc) =	sbr.rel @p1 .LBB1_5-.Ltmp2, $1  }
0x32: {  	_ =	sdelay $0x3  }
0x33: {  	s17 =	simm.s32 $0x1  }
0x34: {  	_ =	swait.ge [sflag:s6], $0x4000;
	s17 =	simm.s32 @!p0 $0x0  }
0x35: {  	[sflag:s6] =	ssyncset.done $0x0;
	s18 =	sshll.u32 s17, $0xE  }
0x36: {  	[sflag:s6] =	ssyncadd.s32 $0xFFFFC000;
	s20 =	sor.u32 $0x40, s18  }
0x37: {  	s17 =	smul.u32 $0x10200, s17;
	v0 =	vld [tilespmem:s20+$0x30]  }
0x38: {  	v3 =	vld [tilespmem:s20+$0xFFFFFFD0]  }
0x39: {  	s17 =	sshrl.u32 s17, $0x2;
	v4 =	vld [tilespmem:s20+$0xFFFFFFE0]  }
0x3a: {  	v5 =	vld [tilespmem:s20+$0xFFFFFFF0];
	s18 =	sor.u32 $0x8000, s17  }
0x3b: {  	s31 =	sand.u32 $0x1, s13;
	v1 =	vld [tilespmem:s20+$0x0];
	s19 =	sadd.s32 $0x0, s18  }
0x3c: {  	v2 =	vld [tilespmem:s20+$0x10];
	s17 =	smul.u32 $0x10200, s31;
	[tilespmem:s19+$0x3870 ss:$0x81] =	vst.msk $0xffff, v0  }
0x3d: {  	[tilespmem:s19+$0x810 ss:$0x81] =	vst.msk $0xffff, v3;
	v3 =	vld [tilespmem:s20+$0x20]  }
0x3e: {  	s17 =	sshrl.u32 s17, $0x2;
	v0 =	vld [tilespmem:s20+$0xFFFFFFC0];
	[tilespmem:s19+$0x1020 ss:$0x81] =	vst.msk $0xffff, v4;
	s20 =	sadd.s32 $0x80, s20  }
0x3f: {  	s21 =	simm.s32 $0x4;
	s22 =	simm.s32 $0x8;
	s17 =	sor.u32 $0x8000, s17;
	[tilespmem:s19+$0x1830 ss:$0x81] =	vst.msk $0xffff, v5;
	v4 =	vld [tilespmem:s20+$0x30]  }
.LBB1_3:
0x40: {  	p1 =	sne.s32 s22, $0x1FC;
	v5 =	vld [tilespmem:s20+$0xFFFFFFD0];
	[tilespmem:s19+$0x2040 ss:$0x81] =	vst.msk $0xffff, v1  }
0x41: {  	v6 =	vld [tilespmem:s20+$0xFFFFFFE0];
	[tilespmem:s19+$0x2850 ss:$0x81] =	vst.msk $0xffff, v2  }
0x42: {  	s23 =	sshra.s32 s21, $0x2;
	s21 =	smov.u32 s22;
	v7 =	vld [tilespmem:s20+$0xFFFFFFF0];
	[tilespmem:s19+$0x3060 ss:$0x81] =	vst.msk $0xffff, v3  }
.Ltmp3:
0x43: {  	v1 =	vld [tilespmem:s20+$0x0];
	[tilespmem:s19+$0x0 ss:$0x81] =	vst.msk $0xffff, v0;
	s19 =	sadd.s32 s23, s18;
	(pc) =	sbr.rel @p1 .LBB1_3-.Ltmp3, $4  }
0x44: {  	v2 =	vld [tilespmem:s20+$0x10];
	[tilespmem:s19+$0x3870 ss:$0x81] =	vst.msk $0xffff, v4  }
0x45: {  	[tilespmem:s19+$0x810 ss:$0x81] =	vst.msk $0xffff, v5;
	v3 =	vld [tilespmem:s20+$0x20]  }
0x46: {  	v0 =	vld [tilespmem:s20+$0xFFFFFFC0];
	[tilespmem:s19+$0x1020 ss:$0x81] =	vst.msk $0xffff, v6;
	s20 =	sadd.s32 $0x80, s20  }
0x47: {  	s22 =	sadd.s32 $0x4, s22;
	v4 =	vld [tilespmem:s20+$0x30];
	[tilespmem:s19+$0x1830 ss:$0x81] =	vst.msk $0xffff, v7  }
.Ltmp4:
0x48: {  	_ = 	snop;
	(pc) =	sbr.rel .LBB1_4-.Ltmp4, $1  }
0x49: {  	_ =	sdelay $0x3  }
.LBB1_6:
0x4a: {  	_ =	sfence.sel $0x180000  }
0x4b: {  	s2 =	simm.s32 $0x1;
	[bflag:$0x0] =	sbarrier.arrive $0xFFFF  }
0x4c: {  	s31 =	simm.s32 $0x2;
	[sflag:s2] =	ssyncpa.u1 $0x1  }
0x4d: {  	[sflag:s31] =	ssyncpa.u1 $0x1  }
0x4e: {  	p0 =	sne.s32 s0, $0x0;
	_ =	strace $0x9000004A  }
0x4f: {  	s0 =	sadd.s32 @!p0 $0x100000, s1;
	[bflag:$0x2] =	sbarrier.arrive $0xFFFF  }
0x50: {  	[sflag:s0] =	ssyncadd.tile.s32 @!p0 $0x1;
	_ =	shalt  }
.Lfunc_end1:
_tile_overlayer_lowered:
.L_overlay_start_2:
0x51: {  	(tag) =	ssettag $0x2  }
0x52: {  	s0 =	rddreg [dreg:$0x0];
	s2 =	stileid.u32  }
0x53: {  	s1 =	rddreg [dreg:$0x1];
	p0 =	sne.s32 s2, $0x0  }
0x54: {  	s3 =	rddreg [dreg:$0x2];
	[bflag:$0x3] =	sbarrier.arrive $0xFFFF;
	s2 =	simm.s32 @!p0 $0x1C01  }
0x55: {  	[timem:s3], [sflag:s2] =	dma.local @!p0 [hbm:s0], s1  }
0x56: {  	s0 =	simm.s32 @!p0 $0x1  }
0x57: {  	_ =	swait.ge @!p0 [sflag:s0], s1  }
0x58: {  	s1 =	ssub.s32 @!p0 $0x0, s1;
	[sflag:s0] =	ssyncset.done @!p0 $0x0  }
0x59: {  	[sflag:s0] =	ssyncadd.s32 @!p0 s1  }
0x5a: {  	[bflag:$0x3] =	sbarrier.arrive $0xFFFF  }
0x5b: {  	_ =	shalt  }

</sc_bundles>
